<compile_context>
chip_gen: v7x
topology: tpu7x:2x2x1
jax: 0.10.2.dev20260603
libtpu: 0.0.44.dev20260713+nightly
codegen_flags: <defaults>
</compile_context>

<pallas_src>
import jax
import jax.numpy as jnp
from jax import lax
from jax.experimental import pallas as pl
from jax.experimental.pallas import tpu as pltpu
from jax.experimental.pallas import tpu_sc as plsc

_HIDDEN = 768
_INTER = 1536
_E = 64
_N_TOK = 2048
_TB = 256
_TM = 64
_NPAD = _N_TOK + 7 * _E + _TM


def _router_body(x_ref, wr_ref, idx_ref, aux_ref, tile_ref, cnt_ref, prb_ref):
    i = pl.program_id(0)
    xb = x_ref[...]
    wr = wr_ref[...]
    logits = jax.lax.dot_general(xb, wr, (((1,), (1,)), ((), ())),
                                 preferred_element_type=jnp.float32)
    m = jnp.max(logits, axis=1, keepdims=True)
    iota = jax.lax.broadcasted_iota(jnp.int32, (_TB, _E), 1)
    eidx = jnp.min(jnp.where(logits == m, iota, _E), axis=1).astype(jnp.int32)
    p = jnp.exp(logits - m)
    p = p / jnp.sum(p, axis=1, keepdims=True)
    onehot = (iota == eidx[:, None]).astype(jnp.float32)

    idx_ref[pl.ds(i * _TB, _TB)] = eidx

    half = _TB // 2
    c0 = jnp.sum(onehot[:half], axis=0)
    c1 = jnp.sum(onehot[half:], axis=0)
    tile_ref[...] = jnp.stack([c0, c1]).astype(jnp.int32).reshape(1, 2, _E)

    @pl.when(i == 0)
    def _():
        cnt_ref[...] = jnp.zeros_like(cnt_ref)
        prb_ref[...] = jnp.zeros_like(prb_ref)

    cnt_ref[...] = cnt_ref[...] + jnp.sum(onehot, axis=0).reshape(1, _E)
    prb_ref[...] = prb_ref[...] + jnp.sum(p, axis=0).reshape(1, _E)

    @pl.when(i == pl.num_programs(0) - 1)
    def _():
        aux = jnp.sum(cnt_ref[...] * prb_ref[...])
        aux_ref[0, 0] = aux * (_E / (_N_TOK * _N_TOK))


def _router(x, wr):
    eidx, aux, tiles = pl.pallas_call(
        _router_body,
        grid=(_N_TOK // _TB,),
        in_specs=[
            pl.BlockSpec((_TB, _HIDDEN), lambda i: (i, 0)),
            pl.BlockSpec((_E, _HIDDEN), lambda i: (0, 0)),
        ],
        out_specs=[
            pl.BlockSpec((_N_TOK,), lambda i: (0,)),
            pl.BlockSpec(memory_space=pltpu.SMEM),
            pl.BlockSpec((1, 2, _E), lambda i: (i, 0, 0)),
        ],
        out_shape=[
            jax.ShapeDtypeStruct((_N_TOK,), jnp.int32),
            jax.ShapeDtypeStruct((1, 1), jnp.float32),
            jax.ShapeDtypeStruct((_N_TOK // _TB, 2, _E), jnp.int32),
        ],
        scratch_shapes=[
            pltpu.VMEM((1, _E), jnp.float32),
            pltpu.VMEM((1, _E), jnp.float32),
        ],
    )(x, wr)
    return eidx, aux, tiles.reshape(_N_TOK // 128, _E)


_EPB = 2


def _ffn_body(off_ref, xs_ref, w1_ref, w2_ref, out_ref):
    g = pl.program_id(0)
    for sub in range(_EPB):
        e = g * _EPB + sub
        start = pl.multiple_of(off_ref[e], 8)
        end = off_ref[e + 1]
        nch = (end - start + _TM - 1) // _TM
        w1 = w1_ref[sub]
        w2 = w2_ref[sub]

        def body(k, carry, w1=w1, w2=w2, start=start):
            base = pl.multiple_of(start + k * _TM, 8)
            rows = xs_ref[pl.ds(base, _TM), :]
            h = jax.lax.dot_general(rows, w1, (((1,), (1,)), ((), ())),
                                    preferred_element_type=jnp.float32)
            h = h * jax.nn.sigmoid(h)
            o = jax.lax.dot_general(h, w2, (((1,), (1,)), ((), ())),
                                    preferred_element_type=jnp.float32)
            out_ref[pl.ds(base, _TM), :] = o
            return carry

        jax.lax.fori_loop(0, nch, body, 0)


def _grouped_ffn(off, xs, w1, w2):
    grid_spec = pltpu.PrefetchScalarGridSpec(
        num_scalar_prefetch=1,
        grid=(_E // _EPB,),
        in_specs=[
            pl.BlockSpec((_NPAD, _HIDDEN), lambda g, off: (0, 0)),
            pl.BlockSpec((_EPB, _INTER, _HIDDEN), lambda g, off: (g, 0, 0)),
            pl.BlockSpec((_EPB, _HIDDEN, _INTER), lambda g, off: (g, 0, 0)),
        ],
        out_specs=pl.BlockSpec((_NPAD, _HIDDEN), lambda g, off: (0, 0)),
    )
    return pl.pallas_call(
        _ffn_body,
        grid_spec=grid_spec,
        out_shape=jax.ShapeDtypeStruct((_NPAD, _HIDDEN), jnp.float32),
        compiler_params=pltpu.CompilerParams(
            vmem_limit_bytes=100 * 1024 * 1024),
    )(off, xs, w1, w2)


_NC = 2
_NS = 16
_L = 16
_TPT = _N_TOK // _NS
_HALF = _TPT // _NC


def _bin_body(idx_hbm, cnt_hbm, x_hbm, xs_hbm, off_hbm, pos_hbm,
              idx_v, rank_v, run_v, allc_v, base_v, posh_v,
              poff_v, xrow_v, sem):
    c = lax.axis_index("c")
    s = lax.axis_index("s")
    zero16 = jnp.zeros((_L,), jnp.int32)
    iota16 = lax.iota(jnp.int32, _L)

    pltpu.sync_copy(idx_hbm.at[pl.ds(s * _TPT, _TPT)], idx_v)
    pltpu.sync_copy(cnt_hbm, allc_v)
    for g in range(_E // _L):
        run_v[pl.ds(g * _L, _L)] = zero16

    for tv in range(_TPT // _L):
        idx16 = idx_v[pl.ds(tv * _L, _L)]
        rank16 = zero16
        cnt16 = zero16
        for j in range(_L):
            xj = jnp.take(idx16, jnp.full((_L,), j, jnp.int32))
            one = (idx16 == xj).astype(jnp.int32)
            rank16 = rank16 + jnp.where(iota16 > j, one, zero16)
            cnt16 = cnt16 + one
        base16 = plsc.load_gather(run_v, [idx16])
        rank_v[pl.ds(tv * _L, _L)] = base16 + rank16
        plsc.store_scatter(run_v, [idx16], base16 + cnt16,
                           mask=rank16 == cnt16 - 1)

    carry = jnp.int32(0)
    for g in range(_E // _L):
        tot = zero16
        pre = zero16
        for w in range(_NS):
            row = allc_v[w, pl.ds(g * _L, _L)]
            tot = tot + row
            wvec = jnp.full((_L,), w, jnp.int32)
            pre = pre + jnp.where(wvec < s, row, zero16)
        cpad = jnp.bitwise_and(tot + 7, -8)
        incl = plsc.cumsum(cpad)
        excl = incl - cpad + carry
        poff_v[pl.ds(g * _L, _L)] = excl
        base_v[pl.ds(g * _L, _L)] = excl + pre
        carry = carry + jnp.sum(cpad, axis=0)
    poff_v[pl.ds(_E, _L)] = jnp.where(iota16 == 0, carry, 0)

    for tv in range(_TPT // _L):
        idx16 = idx_v[pl.ds(tv * _L, _L)]
        b16 = plsc.load_gather(base_v, [idx16])
        rank_v[pl.ds(tv * _L, _L)] = b16 + rank_v[pl.ds(tv * _L, _L)]
    for hv in range(_HALF // _L):
        posh_v[pl.ds(hv * _L, _L)] = rank_v[pl.ds(c * _HALF + hv * _L, _L)]
    pltpu.sync_copy(posh_v, pos_hbm.at[pl.ds(s * _TPT + c * _HALF, _HALF)])

    pltpu.sync_copy(x_hbm.at[pl.ds(s * _TPT + c * _HALF, _HALF)], xrow_v)
    pltpu.async_copy(xrow_v, xs_hbm.at[posh_v], sem).wait()

    @pl.when(jnp.logical_and(c == 0, s == 0))
    def _():
        pltpu.sync_copy(poff_v, off_hbm)


def _sc_bin(eidx, cnt_tile, x):
    mesh = plsc.VectorSubcoreMesh(core_axis_name="c", subcore_axis_name="s",
                                  num_cores=_NC, num_subcores=_NS)
    f = pl.kernel(
        _bin_body,
        out_type=[
            jax.ShapeDtypeStruct((_NPAD, _HIDDEN), jnp.float32),
            jax.ShapeDtypeStruct((80,), jnp.int32),
            jax.ShapeDtypeStruct((_N_TOK,), jnp.int32),
        ],
        mesh=mesh,
        compiler_params=pltpu.CompilerParams(needs_layout_passes=False),
        scratch_types=[
            pltpu.VMEM((_TPT,), jnp.int32),
            pltpu.VMEM((_TPT,), jnp.int32),
            pltpu.VMEM((_E,), jnp.int32),
            pltpu.VMEM((_NS, _E), jnp.int32),
            pltpu.VMEM((_E,), jnp.int32),
            pltpu.VMEM((_HALF,), jnp.int32),
            pltpu.VMEM((80,), jnp.int32),
            pltpu.VMEM((_HALF, _HIDDEN), jnp.float32),
            pltpu.SemaphoreType.DMA,
        ],
    )
    return f(eidx, cnt_tile, x)


def _unsort_body(o_hbm, pos_hbm, out_hbm, posd_v, rows_v, sem):
    c = lax.axis_index("c")
    s = lax.axis_index("s")
    wid = s * _NC + c
    pltpu.sync_copy(pos_hbm.at[pl.ds(wid * _HALF, _HALF)], posd_v)
    pltpu.async_copy(o_hbm.at[posd_v], rows_v, sem).wait()
    pltpu.sync_copy(rows_v, out_hbm.at[pl.ds(wid * _HALF, _HALF)])


def _sc_unsort(o_sorted, pos):
    mesh = plsc.VectorSubcoreMesh(core_axis_name="c", subcore_axis_name="s",
                                  num_cores=_NC, num_subcores=_NS)
    f = pl.kernel(
        _unsort_body,
        out_type=jax.ShapeDtypeStruct((_N_TOK, _HIDDEN), jnp.float32),
        mesh=mesh,
        scratch_types=[
            pltpu.VMEM((_HALF,), jnp.int32),
            pltpu.VMEM((_HALF, _HIDDEN), jnp.float32),
            pltpu.SemaphoreType.DMA,
        ],
    )
    return f(o_sorted, pos)


def kernel(x, Wr, W1, W2):
    eidx, aux, tiles = _router(x, Wr)
    xs, off, pos = _sc_bin(eidx, tiles, x)
    o_sorted = _grouped_ffn(off, xs, W1, W2)
    out = _sc_unsort(o_sorted, pos)
    return (out, aux[0, 0])

# --- scband reference (transcript-rebuilt; emitter-appended) ---
"""Pipeline reference for scband-standard-mo-e-1408749273828 (READ-ONLY COPY).

The authoritative reference and input builder live on the scoring server;
editing this copy changes nothing except your own understanding.
"""

import jax, jax.numpy as jnp
import numpy as np

HIDDEN = 768
INTER = 1536
E = 64
TOPK = 1
N_TOK = 2048


def silu(v):
    return v * jax.nn.sigmoid(v)


def setup_inputs(seed: int = 0) -> dict:
    key = jax.random.key(seed)
    k1, k2, k3, k4 = jax.random.split(key, 4)
    x = jax.random.normal(k1, (N_TOK, HIDDEN), dtype=jnp.float32)
    # router: nn.Linear(hidden, E, bias=False) -> weight [E, HIDDEN]
    Wr = jax.random.normal(k2, (E, HIDDEN), dtype=jnp.float32) * 0.02
    # expert first linear: weight [E, INTER, HIDDEN]; second: [E, HIDDEN, INTER]
    W1 = jax.random.normal(k3, (E, INTER, HIDDEN), dtype=jnp.float32) * 0.02
    W2 = jax.random.normal(k4, (E, HIDDEN, INTER), dtype=jnp.float32) * 0.02
    return {"x": x, "Wr": Wr, "W1": W1, "W2": W2}


def reference(x, Wr, W1, W2):
    # router logits: x @ Wr.T  (torch Linear semantics)
    router_logits = x @ Wr.T
    routing_weights = jax.nn.softmax(router_logits, axis=-1)
    topw, expert_indices = jax.lax.top_k(routing_weights, TOPK)
    topw = topw / jnp.sum(topw, axis=-1, keepdims=True)
    output = jnp.zeros_like(x)
    # faithful per-expert dispatch; masked dense form (same math as torch gather loop)
    for e in range(E):
        expert_out = silu(x @ W1[e].T) @ W2[e].T
        for k in range(TOPK):
            mask = (expert_indices[:, k] == e).astype(x.dtype)
            output = output + expert_out * (mask * topw[:, k])[:, None]
    num_tokens = x.shape[0]
    expert_mask = jax.nn.one_hot(expert_indices[:, 0], E, dtype=jnp.float32)
    tokens_per_expert = expert_mask.sum(axis=0)
    router_prob = jax.nn.softmax(router_logits, axis=-1).mean(axis=0)
    aux_loss = jnp.sum(tokens_per_expert / num_tokens * router_prob) * E
    return (output, aux_loss)

if __name__ == "__main__":
    import jax
    _d = setup_inputs()
    print(jax.jit(kernel)(*tuple(_d.values())))

</pallas_src>

<mosaic_0001>
#map = affine_map<(d0, d1) -> (0)>
#map1 = affine_map<(d0, d1) -> (0, 0)>
module attributes {stable_mosaic.version = 14 : i64} {
  func.func @_bin_body(%arg0: i32, %arg1: i32, %arg2: memref<2048xi32, #tpu.memory_space<hbm>>, %arg3: memref<16x64xi32, #tpu.memory_space<hbm>>, %arg4: memref<2048x768xf32, #tpu.memory_space<hbm>>, %arg5: memref<2560x768xf32, #tpu.memory_space<hbm>>, %arg6: memref<80xi32, #tpu.memory_space<hbm>>, %arg7: memref<2048xi32, #tpu.memory_space<hbm>>, %arg8: memref<128xi32, #tpu.memory_space<vmem>>, %arg9: memref<128xi32, #tpu.memory_space<vmem>>, %arg10: memref<64xi32, #tpu.memory_space<vmem>>, %arg11: memref<16x64xi32, #tpu.memory_space<vmem>>, %arg12: memref<64xi32, #tpu.memory_space<vmem>>, %arg13: memref<64xi32, #tpu.memory_space<vmem>>, %arg14: memref<80xi32, #tpu.memory_space<vmem>>, %arg15: memref<64x768xf32, #tpu.memory_space<vmem>>, %arg16: memref<!tpu.dma_semaphore, #tpu.memory_space<semaphore_mem>>) attributes {dimension_semantics = [#tpu.dimension_semantics<core_parallel>, #tpu.dimension_semantics<subcore_parallel>], iteration_bounds = array<i64: 2, 16>, scalar_prefetch = 0 : i64, scratch_operands = 9 : i64, tpu.core_type = #tpu.core_type<sc_vector_subcore>, window_params = [{transform_indices = #map}, {transform_indices = #map1}, {transform_indices = #map1}, {transform_indices = #map1}, {transform_indices = #map}, {transform_indices = #map}]} {
    %broadcast_in_dim3A = arith.constant 0 : i32
    %broadcast_in_dim3A_0 = vector.broadcast %broadcast_in_dim3A : i32 to vector<16xi32>
    %iota3A = tpu.iota {dimensions = array<i32: 0>} : vector<16xi32>
    %mul3A = arith.constant 128 : i32
    %mul3A_1 = arith.muli %arg1, %mul3A : i32
    "tpu.region"() ({
      %run_scoped3A = tpu.sem_alloc : memref<!tpu.dma_semaphore, #tpu.memory_space<semaphore_mem>>
      %dma_start3A_3564 = tpu.memref_slice %arg2[%mul3A_1] : memref<2048xi32, #tpu.memory_space<hbm>> -> memref<128xi32, #tpu.memory_space<hbm>>
      %dma_start3A_3565 = tpu.memref_slice %arg2[%mul3A_1] : memref<2048xi32, #tpu.memory_space<hbm>> -> memref<128xi32, #tpu.memory_space<hbm>>
      tpu.enqueue_dma source(%dma_start3A_3565 : memref<128xi32, #tpu.memory_space<hbm>>) target(%arg8 : memref<128xi32, #tpu.memory_space<vmem>>) target_semaphore(%run_scoped3A : memref<!tpu.dma_semaphore, #tpu.memory_space<semaphore_mem>>)
      %dma_wait3A_3566 = tpu.memref_slice %arg2[%mul3A_1] : memref<2048xi32, #tpu.memory_space<hbm>> -> memref<128xi32, #tpu.memory_space<hbm>>
      %dma_wait3A_3567 = tpu.memref_slice %arg2[%mul3A_1] : memref<2048xi32, #tpu.memory_space<hbm>> -> memref<128xi32, #tpu.memory_space<hbm>>
      tpu.wait_dma2 semaphore(%run_scoped3A : memref<!tpu.dma_semaphore, #tpu.memory_space<semaphore_mem>>) src(%dma_wait3A_3567 : memref<128xi32, #tpu.memory_space<hbm>>) dst(%arg8 : memref<128xi32, #tpu.memory_space<vmem>>)
      tpu.yield
    }) : () -> ()
    "tpu.region"() ({
      %run_scoped3A = tpu.sem_alloc : memref<!tpu.dma_semaphore, #tpu.memory_space<semaphore_mem>>
      tpu.enqueue_dma source(%arg3 : memref<16x64xi32, #tpu.memory_space<hbm>>) target(%arg11 : memref<16x64xi32, #tpu.memory_space<vmem>>) target_semaphore(%run_scoped3A : memref<!tpu.dma_semaphore, #tpu.memory_space<semaphore_mem>>)
      tpu.wait_dma2 semaphore(%run_scoped3A : memref<!tpu.dma_semaphore, #tpu.memory_space<semaphore_mem>>) src(%arg3 : memref<16x64xi32, #tpu.memory_space<hbm>>) dst(%arg11 : memref<16x64xi32, #tpu.memory_space<vmem>>)
      tpu.yield
    }) : () -> ()
    %swap3A = arith.constant 0 : index
    %swap3A_2 = tpu.vector_load %arg10[%swap3A] {strides = array<i32>} : memref<64xi32, #tpu.memory_space<vmem>>, vector<16xi32>,
    tpu.vector_store %arg10[%swap3A], %broadcast_in_dim3A_0 {strides = array<i32>} : memref<64xi32, #tpu.memory_space<vmem>>, vector<16xi32>,
    %swap3A_3 = arith.constant 16 : index
    %swap3A_4 = tpu.vector_load %arg10[%swap3A_3] {strides = array<i32>} : memref<64xi32, #tpu.memory_space<vmem>>, vector<16xi32>,
    tpu.vector_store %arg10[%swap3A_3], %broadcast_in_dim3A_0 {strides = array<i32>} : memref<64xi32, #tpu.memory_space<vmem>>, vector<16xi32>,
    %swap3A_5 = arith.constant 32 : index
    %swap3A_6 = tpu.vector_load %arg10[%swap3A_5] {strides = array<i32>} : memref<64xi32, #tpu.memory_space<vmem>>, vector<16xi32>,
    tpu.vector_store %arg10[%swap3A_5], %broadcast_in_dim3A_0 {strides = array<i32>} : memref<64xi32, #tpu.memory_space<vmem>>, vector<16xi32>,
    %swap3A_7 = arith.constant 48 : index
    %swap3A_8 = tpu.vector_load %arg10[%swap3A_7] {strides = array<i32>} : memref<64xi32, #tpu.memory_space<vmem>>, vector<16xi32>,
    tpu.vector_store %arg10[%swap3A_7], %broadcast_in_dim3A_0 {strides = array<i32>} : memref<64xi32, #tpu.memory_space<vmem>>, vector<16xi32>,
    %get3A = arith.constant 0 : index
    %get3A_9 = tpu.vector_load %arg8[%get3A] {strides = array<i32>} : memref<128xi32, #tpu.memory_space<vmem>>, vector<16xi32>,
    %broadcast_in_dim3A_10 = arith.constant 0 : i32
    %broadcast_in_dim3A_11 = vector.broadcast %broadcast_in_dim3A_10 : i32 to vector<16xi32>
    %lt3A = arith.constant 0 : i32
    %lt3A_12 = vector.broadcast %lt3A : i32 to vector<16xi32>
    %lt3A_13 = arith.cmpi slt, %broadcast_in_dim3A_11, %lt3A_12 : vector<16xi32>
    %add3A = arith.constant 16 : i32
    %add3A_14 = vector.broadcast %add3A : i32 to vector<16xi32>
    %add3A_15 = arith.addi %broadcast_in_dim3A_11, %add3A_14 : vector<16xi32>
    %select_n3A = arith.select %lt3A_13, %add3A_15, %broadcast_in_dim3A_11 : vector<16xi1>, vector<16xi32>
    %broadcast_in_dim3A_16 = vector.shape_cast %select_n3A : vector<16xi32> to vector<16x1xi32>
    %gather3A = vector.shape_cast %broadcast_in_dim3A_16 : vector<16x1xi32> to vector<16xi32>
    %gather3A_17 = tpu.dynamic_gather %get3A_9[%gather3A] in [0] : vector<16xi32>, vector<16xi32> -> vector<16xi32>
    %eq3A = arith.cmpi eq, %get3A_9, %gather3A_17 : vector<16xi32>
    %convert_element_type3A = arith.extui %eq3A : vector<16xi1> to vector<16xi32>
    %gt3A = arith.constant 0 : i32
    %gt3A_18 = vector.broadcast %gt3A : i32 to vector<16xi32>
    %gt3A_19 = arith.cmpi sgt, %iota3A, %gt3A_18 : vector<16xi32>
    %select_n3A_20 = arith.select %gt3A_19, %convert_element_type3A, %broadcast_in_dim3A_0 : vector<16xi1>, vector<16xi32>
    %add3A_21 = arith.addi %broadcast_in_dim3A_0, %select_n3A_20 : vector<16xi32>
    %add3A_22 = arith.addi %broadcast_in_dim3A_0, %convert_element_type3A : vector<16xi32>
    %broadcast_in_dim3A_23 = arith.constant 1 : i32
    %broadcast_in_dim3A_24 = vector.broadcast %broadcast_in_dim3A_23 : i32 to vector<16xi32>
    %lt3A_25 = arith.constant 0 : i32
    %lt3A_26 = vector.broadcast %lt3A_25 : i32 to vector<16xi32>
    %lt3A_27 = arith.cmpi slt, %broadcast_in_dim3A_24, %lt3A_26 : vector<16xi32>
    %add3A_28 = arith.constant 16 : i32
    %add3A_29 = vector.broadcast %add3A_28 : i32 to vector<16xi32>
    %add3A_30 = arith.addi %broadcast_in_dim3A_24, %add3A_29 : vector<16xi32>
    %select_n3A_31 = arith.select %lt3A_27, %add3A_30, %broadcast_in_dim3A_24 : vector<16xi1>, vector<16xi32>
    %broadcast_in_dim3A_32 = vector.shape_cast %select_n3A_31 : vector<16xi32> to vector<16x1xi32>
    %gather3A_33 = vector.shape_cast %broadcast_in_dim3A_32 : vector<16x1xi32> to vector<16xi32>
    %gather3A_34 = tpu.dynamic_gather %get3A_9[%gather3A_33] in [0] : vector<16xi32>, vector<16xi32> -> vector<16xi32>
    %eq3A_35 = arith.cmpi eq, %get3A_9, %gather3A_34 : vector<16xi32>
    %convert_element_type3A_36 = arith.extui %eq3A_35 : vector<16xi1> to vector<16xi32>
    %gt3A_37 = arith.constant 1 : i32
    %gt3A_38 = vector.broadcast %gt3A_37 : i32 to vector<16xi32>
    %gt3A_39 = arith.cmpi sgt, %iota3A, %gt3A_38 : vector<16xi32>
    %select_n3A_40 = arith.select %gt3A_39, %convert_element_type3A_36, %broadcast_in_dim3A_0 : vector<16xi1>, vector<16xi32>
    %add3A_41 = arith.addi %add3A_21, %select_n3A_40 : vector<16xi32>
    %add3A_42 = arith.addi %add3A_22, %convert_element_type3A_36 : vector<16xi32>
    %broadcast_in_dim3A_43 = arith.constant 2 : i32
    %broadcast_in_dim3A_44 = vector.broadcast %broadcast_in_dim3A_43 : i32 to vector<16xi32>
    %lt3A_45 = arith.constant 0 : i32
    %lt3A_46 = vector.broadcast %lt3A_45 : i32 to vector<16xi32>
    %lt3A_47 = arith.cmpi slt, %broadcast_in_dim3A_44, %lt3A_46 : vector<16xi32>
    %add3A_48 = arith.constant 16 : i32
    %add3A_49 = vector.broadcast %add3A_48 : i32 to vector<16xi32>
    %add3A_50 = arith.addi %broadcast_in_dim3A_44, %add3A_49 : vector<16xi32>
    %select_n3A_51 = arith.select %lt3A_47, %add3A_50, %broadcast_in_dim3A_44 : vector<16xi1>, vector<16xi32>
    %broadcast_in_dim3A_52 = vector.shape_cast %select_n3A_51 : vector<16xi32> to vector<16x1xi32>
    %gather3A_53 = vector.shape_cast %broadcast_in_dim3A_52 : vector<16x1xi32> to vector<16xi32>
    %gather3A_54 = tpu.dynamic_gather %get3A_9[%gather3A_53] in [0] : vector<16xi32>, vector<16xi32> -> vector<16xi32>
    %eq3A_55 = arith.cmpi eq, %get3A_9, %gather3A_54 : vector<16xi32>
    %convert_element_type3A_56 = arith.extui %eq3A_55 : vector<16xi1> to vector<16xi32>
    %gt3A_57 = arith.constant 2 : i32
    %gt3A_58 = vector.broadcast %gt3A_57 : i32 to vector<16xi32>
    %gt3A_59 = arith.cmpi sgt, %iota3A, %gt3A_58 : vector<16xi32>
    %select_n3A_60 = arith.select %gt3A_59, %convert_element_type3A_56, %broadcast_in_dim3A_0 : vector<16xi1>, vector<16xi32>
    %add3A_61 = arith.addi %add3A_41, %select_n3A_60 : vector<16xi32>
    %add3A_62 = arith.addi %add3A_42, %convert_element_type3A_56 : vector<16xi32>
    %broadcast_in_dim3A_63 = arith.constant 3 : i32
    %broadcast_in_dim3A_64 = vector.broadcast %broadcast_in_dim3A_63 : i32 to vector<16xi32>
    %lt3A_65 = arith.constant 0 : i32
    %lt3A_66 = vector.broadcast %lt3A_65 : i32 to vector<16xi32>
    %lt3A_67 = arith.cmpi slt, %broadcast_in_dim3A_64, %lt3A_66 : vector<16xi32>
    %add3A_68 = arith.constant 16 : i32
    %add3A_69 = vector.broadcast %add3A_68 : i32 to vector<16xi32>
    %add3A_70 = arith.addi %broadcast_in_dim3A_64, %add3A_69 : vector<16xi32>
    %select_n3A_71 = arith.select %lt3A_67, %add3A_70, %broadcast_in_dim3A_64 : vector<16xi1>, vector<16xi32>
    %broadcast_in_dim3A_72 = vector.shape_cast %select_n3A_71 : vector<16xi32> to vector<16x1xi32>
    %gather3A_73 = vector.shape_cast %broadcast_in_dim3A_72 : vector<16x1xi32> to vector<16xi32>
    %gather3A_74 = tpu.dynamic_gather %get3A_9[%gather3A_73] in [0] : vector<16xi32>, vector<16xi32> -> vector<16xi32>
    %eq3A_75 = arith.cmpi eq, %get3A_9, %gather3A_74 : vector<16xi32>
    %convert_element_type3A_76 = arith.extui %eq3A_75 : vector<16xi1> to vector<16xi32>
    %gt3A_77 = arith.constant 3 : i32
    %gt3A_78 = vector.broadcast %gt3A_77 : i32 to vector<16xi32>
    %gt3A_79 = arith.cmpi sgt, %iota3A, %gt3A_78 : vector<16xi32>
    %select_n3A_80 = arith.select %gt3A_79, %convert_element_type3A_76, %broadcast_in_dim3A_0 : vector<16xi1>, vector<16xi32>
    %add3A_81 = arith.addi %add3A_61, %select_n3A_80 : vector<16xi32>
    %add3A_82 = arith.addi %add3A_62, %convert_element_type3A_76 : vector<16xi32>
    %broadcast_in_dim3A_83 = arith.constant 4 : i32
    %broadcast_in_dim3A_84 = vector.broadcast %broadcast_in_dim3A_83 : i32 to vector<16xi32>
    %lt3A_85 = arith.constant 0 : i32
    %lt3A_86 = vector.broadcast %lt3A_85 : i32 to vector<16xi32>
    %lt3A_87 = arith.cmpi slt, %broadcast_in_dim3A_84, %lt3A_86 : vector<16xi32>
    %add3A_88 = arith.constant 16 : i32
    %add3A_89 = vector.broadcast %add3A_88 : i32 to vector<16xi32>
    %add3A_90 = arith.addi %broadcast_in_dim3A_84, %add3A_89 : vector<16xi32>
    %select_n3A_91 = arith.select %lt3A_87, %add3A_90, %broadcast_in_dim3A_84 : vector<16xi1>, vector<16xi32>
    %broadcast_in_dim3A_92 = vector.shape_cast %select_n3A_91 : vector<16xi32> to vector<16x1xi32>
    %gather3A_93 = vector.shape_cast %broadcast_in_dim3A_92 : vector<16x1xi32> to vector<16xi32>
    %gather3A_94 = tpu.dynamic_gather %get3A_9[%gather3A_93] in [0] : vector<16xi32>, vector<16xi32> -> vector<16xi32>
    %eq3A_95 = arith.cmpi eq, %get3A_9, %gather3A_94 : vector<16xi32>
    %convert_element_type3A_96 = arith.extui %eq3A_95 : vector<16xi1> to vector<16xi32>
    %gt3A_97 = arith.constant 4 : i32
    %gt3A_98 = vector.broadcast %gt3A_97 : i32 to vector<16xi32>
    %gt3A_99 = arith.cmpi sgt, %iota3A, %gt3A_98 : vector<16xi32>
    %select_n3A_100 = arith.select %gt3A_99, %convert_element_type3A_96, %broadcast_in_dim3A_0 : vector<16xi1>, vector<16xi32>
    %add3A_101 = arith.addi %add3A_81, %select_n3A_100 : vector<16xi32>
    %add3A_102 = arith.addi %add3A_82, %convert_element_type3A_96 : vector<16xi32>
    %broadcast_in_dim3A_103 = arith.constant 5 : i32
    %broadcast_in_dim3A_104 = vector.broadcast %broadcast_in_dim3A_103 : i32 to vector<16xi32>
    %lt3A_105 = arith.constant 0 : i32
    %lt3A_106 = vector.broadcast %lt3A_105 : i32 to vector<16xi32>
    %lt3A_107 = arith.cmpi slt, %broadcast_in_dim3A_104, %lt3A_106 : vector<16xi32>
    %add3A_108 = arith.constant 16 : i32
    %add3A_109 = vector.broadcast %add3A_108 : i32 to vector<16xi32>
    %add3A_110 = arith.addi %broadcast_in_dim3A_104, %add3A_109 : vector<16xi32>
    %select_n3A_111 = arith.select %lt3A_107, %add3A_110, %broadcast_in_dim3A_104 : vector<16xi1>, vector<16xi32>
    %broadcast_in_dim3A_112 = vector.shape_cast %select_n3A_111 : vector<16xi32> to vector<16x1xi32>
    %gather3A_113 = vector.shape_cast %broadcast_in_dim3A_112 : vector<16x1xi32> to vector<16xi32>
    %gather3A_114 = tpu.dynamic_gather %get3A_9[%gather3A_113] in [0] : vector<16xi32>, vector<16xi32> -> vector<16xi32>
    %eq3A_115 = arith.cmpi eq, %get3A_9, %gather3A_114 : vector<16xi32>
    %convert_element_type3A_116 = arith.extui %eq3A_115 : vector<16xi1> to vector<16xi32>
    %gt3A_117 = arith.constant 5 : i32
    %gt3A_118 = vector.broadcast %gt3A_117 : i32 to vector<16xi32>
    %gt3A_119 = arith.cmpi sgt, %iota3A, %gt3A_118 : vector<16xi32>
    %select_n3A_120 = arith.select %gt3A_119, %convert_element_type3A_116, %broadcast_in_dim3A_0 : vector<16xi1>, vector<16xi32>
    %add3A_121 = arith.addi %add3A_101, %select_n3A_120 : vector<16xi32>
    %add3A_122 = arith.addi %add3A_102, %convert_element_type3A_116 : vector<16xi32>
    %broadcast_in_dim3A_123 = arith.constant 6 : i32
    %broadcast_in_dim3A_124 = vector.broadcast %broadcast_in_dim3A_123 : i32 to vector<16xi32>
    %lt3A_125 = arith.constant 0 : i32
    %lt3A_126 = vector.broadcast %lt3A_125 : i32 to vector<16xi32>
    %lt3A_127 = arith.cmpi slt, %broadcast_in_dim3A_124, %lt3A_126 : vector<16xi32>
    %add3A_128 = arith.constant 16 : i32
    %add3A_129 = vector.broadcast %add3A_128 : i32 to vector<16xi32>
    %add3A_130 = arith.addi %broadcast_in_dim3A_124, %add3A_129 : vector<16xi32>
    %select_n3A_131 = arith.select %lt3A_127, %add3A_130, %broadcast_in_dim3A_124 : vector<16xi1>, vector<16xi32>
    %broadcast_in_dim3A_132 = vector.shape_cast %select_n3A_131 : vector<16xi32> to vector<16x1xi32>
    %gather3A_133 = vector.shape_cast %broadcast_in_dim3A_132 : vector<16x1xi32> to vector<16xi32>
    %gather3A_134 = tpu.dynamic_gather %get3A_9[%gather3A_133] in [0] : vector<16xi32>, vector<16xi32> -> vector<16xi32>
    %eq3A_135 = arith.cmpi eq, %get3A_9, %gather3A_134 : vector<16xi32>
    %convert_element_type3A_136 = arith.extui %eq3A_135 : vector<16xi1> to vector<16xi32>
    %gt3A_137 = arith.constant 6 : i32
    %gt3A_138 = vector.broadcast %gt3A_137 : i32 to vector<16xi32>
    %gt3A_139 = arith.cmpi sgt, %iota3A, %gt3A_138 : vector<16xi32>
    %select_n3A_140 = arith.select %gt3A_139, %convert_element_type3A_136, %broadcast_in_dim3A_0 : vector<16xi1>, vector<16xi32>
    %add3A_141 = arith.addi %add3A_121, %select_n3A_140 : vector<16xi32>
    %add3A_142 = arith.addi %add3A_122, %convert_element_type3A_136 : vector<16xi32>
    %broadcast_in_dim3A_143 = arith.constant 7 : i32
    %broadcast_in_dim3A_144 = vector.broadcast %broadcast_in_dim3A_143 : i32 to vector<16xi32>
    %lt3A_145 = arith.constant 0 : i32
    %lt3A_146 = vector.broadcast %lt3A_145 : i32 to vector<16xi32>
    %lt3A_147 = arith.cmpi slt, %broadcast_in_dim3A_144, %lt3A_146 : vector<16xi32>
    %add3A_148 = arith.constant 16 : i32
    %add3A_149 = vector.broadcast %add3A_148 : i32 to vector<16xi32>
    %add3A_150 = arith.addi %broadcast_in_dim3A_144, %add3A_149 : vector<16xi32>
    %select_n3A_151 = arith.select %lt3A_147, %add3A_150, %broadcast_in_dim3A_144 : vector<16xi1>, vector<16xi32>
    %broadcast_in_dim3A_152 = vector.shape_cast %select_n3A_151 : vector<16xi32> to vector<16x1xi32>
    %gather3A_153 = vector.shape_cast %broadcast_in_dim3A_152 : vector<16x1xi32> to vector<16xi32>
    %gather3A_154 = tpu.dynamic_gather %get3A_9[%gather3A_153] in [0] : vector<16xi32>, vector<16xi32> -> vector<16xi32>
    %eq3A_155 = arith.cmpi eq, %get3A_9, %gather3A_154 : vector<16xi32>
    %convert_element_type3A_156 = arith.extui %eq3A_155 : vector<16xi1> to vector<16xi32>
    %gt3A_157 = arith.constant 7 : i32
    %gt3A_158 = vector.broadcast %gt3A_157 : i32 to vector<16xi32>
    %gt3A_159 = arith.cmpi sgt, %iota3A, %gt3A_158 : vector<16xi32>
    %select_n3A_160 = arith.select %gt3A_159, %convert_element_type3A_156, %broadcast_in_dim3A_0 : vector<16xi1>, vector<16xi32>
    %add3A_161 = arith.addi %add3A_141, %select_n3A_160 : vector<16xi32>
    %add3A_162 = arith.addi %add3A_142, %convert_element_type3A_156 : vector<16xi32>
    %broadcast_in_dim3A_163 = arith.constant 8 : i32
    %broadcast_in_dim3A_164 = vector.broadcast %broadcast_in_dim3A_163 : i32 to vector<16xi32>
    %lt3A_165 = arith.constant 0 : i32
    %lt3A_166 = vector.broadcast %lt3A_165 : i32 to vector<16xi32>
    %lt3A_167 = arith.cmpi slt, %broadcast_in_dim3A_164, %lt3A_166 : vector<16xi32>
    %add3A_168 = arith.constant 16 : i32
    %add3A_169 = vector.broadcast %add3A_168 : i32 to vector<16xi32>
    %add3A_170 = arith.addi %broadcast_in_dim3A_164, %add3A_169 : vector<16xi32>
    %select_n3A_171 = arith.select %lt3A_167, %add3A_170, %broadcast_in_dim3A_164 : vector<16xi1>, vector<16xi32>
    %broadcast_in_dim3A_172 = vector.shape_cast %select_n3A_171 : vector<16xi32> to vector<16x1xi32>
    %gather3A_173 = vector.shape_cast %broadcast_in_dim3A_172 : vector<16x1xi32> to vector<16xi32>
    %gather3A_174 = tpu.dynamic_gather %get3A_9[%gather3A_173] in [0] : vector<16xi32>, vector<16xi32> -> vector<16xi32>
    %eq3A_175 = arith.cmpi eq, %get3A_9, %gather3A_174 : vector<16xi32>
    %convert_element_type3A_176 = arith.extui %eq3A_175 : vector<16xi1> to vector<16xi32>
    %gt3A_177 = arith.constant 8 : i32
    %gt3A_178 = vector.broadcast %gt3A_177 : i32 to vector<16xi32>
    %gt3A_179 = arith.cmpi sgt, %iota3A, %gt3A_178 : vector<16xi32>
    %select_n3A_180 = arith.select %gt3A_179, %convert_element_type3A_176, %broadcast_in_dim3A_0 : vector<16xi1>, vector<16xi32>
    %add3A_181 = arith.addi %add3A_161, %select_n3A_180 : vector<16xi32>
    %add3A_182 = arith.addi %add3A_162, %convert_element_type3A_176 : vector<16xi32>
    %broadcast_in_dim3A_183 = arith.constant 9 : i32
    %broadcast_in_dim3A_184 = vector.broadcast %broadcast_in_dim3A_183 : i32 to vector<16xi32>
    %lt3A_185 = arith.constant 0 : i32
    %lt3A_186 = vector.broadcast %lt3A_185 : i32 to vector<16xi32>
    %lt3A_187 = arith.cmpi slt, %broadcast_in_dim3A_184, %lt3A_186 : vector<16xi32>
    %add3A_188 = arith.constant 16 : i32
    %add3A_189 = vector.broadcast %add3A_188 : i32 to vector<16xi32>
    %add3A_190 = arith.addi %broadcast_in_dim3A_184, %add3A_189 : vector<16xi32>
    %select_n3A_191 = arith.select %lt3A_187, %add3A_190, %broadcast_in_dim3A_184 : vector<16xi1>, vector<16xi32>
    %broadcast_in_dim3A_192 = vector.shape_cast %select_n3A_191 : vector<16xi32> to vector<16x1xi32>
    %gather3A_193 = vector.shape_cast %broadcast_in_dim3A_192 : vector<16x1xi32> to vector<16xi32>
    %gather3A_194 = tpu.dynamic_gather %get3A_9[%gather3A_193] in [0] : vector<16xi32>, vector<16xi32> -> vector<16xi32>
    %eq3A_195 = arith.cmpi eq, %get3A_9, %gather3A_194 : vector<16xi32>
    %convert_element_type3A_196 = arith.extui %eq3A_195 : vector<16xi1> to vector<16xi32>
    %gt3A_197 = arith.constant 9 : i32
    %gt3A_198 = vector.broadcast %gt3A_197 : i32 to vector<16xi32>
    %gt3A_199 = arith.cmpi sgt, %iota3A, %gt3A_198 : vector<16xi32>
    %select_n3A_200 = arith.select %gt3A_199, %convert_element_type3A_196, %broadcast_in_dim3A_0 : vector<16xi1>, vector<16xi32>
    %add3A_201 = arith.addi %add3A_181, %select_n3A_200 : vector<16xi32>
    %add3A_202 = arith.addi %add3A_182, %convert_element_type3A_196 : vector<16xi32>
    %broadcast_in_dim3A_203 = arith.constant 10 : i32
    %broadcast_in_dim3A_204 = vector.broadcast %broadcast_in_dim3A_203 : i32 to vector<16xi32>
    %lt3A_205 = arith.constant 0 : i32
    %lt3A_206 = vector.broadcast %lt3A_205 : i32 to vector<16xi32>
    %lt3A_207 = arith.cmpi slt, %broadcast_in_dim3A_204, %lt3A_206 : vector<16xi32>
    %add3A_208 = arith.constant 16 : i32
    %add3A_209 = vector.broadcast %add3A_208 : i32 to vector<16xi32>
    %add3A_210 = arith.addi %broadcast_in_dim3A_204, %add3A_209 : vector<16xi32>
    %select_n3A_211 = arith.select %lt3A_207, %add3A_210, %broadcast_in_dim3A_204 : vector<16xi1>, vector<16xi32>
    %broadcast_in_dim3A_212 = vector.shape_cast %select_n3A_211 : vector<16xi32> to vector<16x1xi32>
    %gather3A_213 = vector.shape_cast %broadcast_in_dim3A_212 : vector<16x1xi32> to vector<16xi32>
    %gather3A_214 = tpu.dynamic_gather %get3A_9[%gather3A_213] in [0] : vector<16xi32>, vector<16xi32> -> vector<16xi32>
    %eq3A_215 = arith.cmpi eq, %get3A_9, %gather3A_214 : vector<16xi32>
    %convert_element_type3A_216 = arith.extui %eq3A_215 : vector<16xi1> to vector<16xi32>
    %gt3A_217 = arith.constant 10 : i32
    %gt3A_218 = vector.broadcast %gt3A_217 : i32 to vector<16xi32>
    %gt3A_219 = arith.cmpi sgt, %iota3A, %gt3A_218 : vector<16xi32>
    %select_n3A_220 = arith.select %gt3A_219, %convert_element_type3A_216, %broadcast_in_dim3A_0 : vector<16xi1>, vector<16xi32>
    %add3A_221 = arith.addi %add3A_201, %select_n3A_220 : vector<16xi32>
    %add3A_222 = arith.addi %add3A_202, %convert_element_type3A_216 : vector<16xi32>
    %broadcast_in_dim3A_223 = arith.constant 11 : i32
    %broadcast_in_dim3A_224 = vector.broadcast %broadcast_in_dim3A_223 : i32 to vector<16xi32>
    %lt3A_225 = arith.constant 0 : i32
    %lt3A_226 = vector.broadcast %lt3A_225 : i32 to vector<16xi32>
    %lt3A_227 = arith.cmpi slt, %broadcast_in_dim3A_224, %lt3A_226 : vector<16xi32>
    %add3A_228 = arith.constant 16 : i32
    %add3A_229 = vector.broadcast %add3A_228 : i32 to vector<16xi32>
    %add3A_230 = arith.addi %broadcast_in_dim3A_224, %add3A_229 : vector<16xi32>
    %select_n3A_231 = arith.select %lt3A_227, %add3A_230, %broadcast_in_dim3A_224 : vector<16xi1>, vector<16xi32>
    %broadcast_in_dim3A_232 = vector.shape_cast %select_n3A_231 : vector<16xi32> to vector<16x1xi32>
    %gather3A_233 = vector.shape_cast %broadcast_in_dim3A_232 : vector<16x1xi32> to vector<16xi32>
    %gather3A_234 = tpu.dynamic_gather %get3A_9[%gather3A_233] in [0] : vector<16xi32>, vector<16xi32> -> vector<16xi32>
    %eq3A_235 = arith.cmpi eq, %get3A_9, %gather3A_234 : vector<16xi32>
    %convert_element_type3A_236 = arith.extui %eq3A_235 : vector<16xi1> to vector<16xi32>
    %gt3A_237 = arith.constant 11 : i32
    %gt3A_238 = vector.broadcast %gt3A_237 : i32 to vector<16xi32>
    %gt3A_239 = arith.cmpi sgt, %iota3A, %gt3A_238 : vector<16xi32>
    %select_n3A_240 = arith.select %gt3A_239, %convert_element_type3A_236, %broadcast_in_dim3A_0 : vector<16xi1>, vector<16xi32>
    %add3A_241 = arith.addi %add3A_221, %select_n3A_240 : vector<16xi32>
    %add3A_242 = arith.addi %add3A_222, %convert_element_type3A_236 : vector<16xi32>
    %broadcast_in_dim3A_243 = arith.constant 12 : i32
    %broadcast_in_dim3A_244 = vector.broadcast %broadcast_in_dim3A_243 : i32 to vector<16xi32>
    %lt3A_245 = arith.constant 0 : i32
    %lt3A_246 = vector.broadcast %lt3A_245 : i32 to vector<16xi32>
    %lt3A_247 = arith.cmpi slt, %broadcast_in_dim3A_244, %lt3A_246 : vector<16xi32>
    %add3A_248 = arith.constant 16 : i32
    %add3A_249 = vector.broadcast %add3A_248 : i32 to vector<16xi32>
    %add3A_250 = arith.addi %broadcast_in_dim3A_244, %add3A_249 : vector<16xi32>
    %select_n3A_251 = arith.select %lt3A_247, %add3A_250, %broadcast_in_dim3A_244 : vector<16xi1>, vector<16xi32>
    %broadcast_in_dim3A_252 = vector.shape_cast %select_n3A_251 : vector<16xi32> to vector<16x1xi32>
    %gather3A_253 = vector.shape_cast %broadcast_in_dim3A_252 : vector<16x1xi32> to vector<16xi32>
    %gather3A_254 = tpu.dynamic_gather %get3A_9[%gather3A_253] in [0] : vector<16xi32>, vector<16xi32> -> vector<16xi32>
    %eq3A_255 = arith.cmpi eq, %get3A_9, %gather3A_254 : vector<16xi32>
    %convert_element_type3A_256 = arith.extui %eq3A_255 : vector<16xi1> to vector<16xi32>
    %gt3A_257 = arith.constant 12 : i32
    %gt3A_258 = vector.broadcast %gt3A_257 : i32 to vector<16xi32>
    %gt3A_259 = arith.cmpi sgt, %iota3A, %gt3A_258 : vector<16xi32>
    %select_n3A_260 = arith.select %gt3A_259, %convert_element_type3A_256, %broadcast_in_dim3A_0 : vector<16xi1>, vector<16xi32>
    %add3A_261 = arith.addi %add3A_241, %select_n3A_260 : vector<16xi32>
    %add3A_262 = arith.addi %add3A_242, %convert_element_type3A_256 : vector<16xi32>
    %broadcast_in_dim3A_263 = arith.constant 13 : i32
    %broadcast_in_dim3A_264 = vector.broadcast %broadcast_in_dim3A_263 : i32 to vector<16xi32>
    %lt3A_265 = arith.constant 0 : i32
    %lt3A_266 = vector.broadcast %lt3A_265 : i32 to vector<16xi32>
    %lt3A_267 = arith.cmpi slt, %broadcast_in_dim3A_264, %lt3A_266 : vector<16xi32>
    %add3A_268 = arith.constant 16 : i32
    %add3A_269 = vector.broadcast %add3A_268 : i32 to vector<16xi32>
    %add3A_270 = arith.addi %broadcast_in_dim3A_264, %add3A_269 : vector<16xi32>
    %select_n3A_271 = arith.select %lt3A_267, %add3A_270, %broadcast_in_dim3A_264 : vector<16xi1>, vector<16xi32>
    %broadcast_in_dim3A_272 = vector.shape_cast %select_n3A_271 : vector<16xi32> to vector<16x1xi32>
    %gather3A_273 = vector.shape_cast %broadcast_in_dim3A_272 : vector<16x1xi32> to vector<16xi32>
    %gather3A_274 = tpu.dynamic_gather %get3A_9[%gather3A_273] in [0] : vector<16xi32>, vector<16xi32> -> vector<16xi32>
    %eq3A_275 = arith.cmpi eq, %get3A_9, %gather3A_274 : vector<16xi32>
    %convert_element_type3A_276 = arith.extui %eq3A_275 : vector<16xi1> to vector<16xi32>
    %gt3A_277 = arith.constant 13 : i32
    %gt3A_278 = vector.broadcast %gt3A_277 : i32 to vector<16xi32>
    %gt3A_279 = arith.cmpi sgt, %iota3A, %gt3A_278 : vector<16xi32>
    %select_n3A_280 = arith.select %gt3A_279, %convert_element_type3A_276, %broadcast_in_dim3A_0 : vector<16xi1>, vector<16xi32>
    %add3A_281 = arith.addi %add3A_261, %select_n3A_280 : vector<16xi32>
    %add3A_282 = arith.addi %add3A_262, %convert_element_type3A_276 : vector<16xi32>
    %broadcast_in_dim3A_283 = arith.constant 14 : i32
    %broadcast_in_dim3A_284 = vector.broadcast %broadcast_in_dim3A_283 : i32 to vector<16xi32>
    %lt3A_285 = arith.constant 0 : i32
    %lt3A_286 = vector.broadcast %lt3A_285 : i32 to vector<16xi32>
    %lt3A_287 = arith.cmpi slt, %broadcast_in_dim3A_284, %lt3A_286 : vector<16xi32>
    %add3A_288 = arith.constant 16 : i32
    %add3A_289 = vector.broadcast %add3A_288 : i32 to vector<16xi32>
    %add3A_290 = arith.addi %broadcast_in_dim3A_284, %add3A_289 : vector<16xi32>
    %select_n3A_291 = arith.select %lt3A_287, %add3A_290, %broadcast_in_dim3A_284 : vector<16xi1>, vector<16xi32>
    %broadcast_in_dim3A_292 = vector.shape_cast %select_n3A_291 : vector<16xi32> to vector<16x1xi32>
    %gather3A_293 = vector.shape_cast %broadcast_in_dim3A_292 : vector<16x1xi32> to vector<16xi32>
    %gather3A_294 = tpu.dynamic_gather %get3A_9[%gather3A_293] in [0] : vector<16xi32>, vector<16xi32> -> vector<16xi32>
    %eq3A_295 = arith.cmpi eq, %get3A_9, %gather3A_294 : vector<16xi32>
    %convert_element_type3A_296 = arith.extui %eq3A_295 : vector<16xi1> to vector<16xi32>
    %gt3A_297 = arith.constant 14 : i32
    %gt3A_298 = vector.broadcast %gt3A_297 : i32 to vector<16xi32>
    %gt3A_299 = arith.cmpi sgt, %iota3A, %gt3A_298 : vector<16xi32>
    %select_n3A_300 = arith.select %gt3A_299, %convert_element_type3A_296, %broadcast_in_dim3A_0 : vector<16xi1>, vector<16xi32>
    %add3A_301 = arith.addi %add3A_281, %select_n3A_300 : vector<16xi32>
    %add3A_302 = arith.addi %add3A_282, %convert_element_type3A_296 : vector<16xi32>
    %broadcast_in_dim3A_303 = arith.constant 15 : i32
    %broadcast_in_dim3A_304 = vector.broadcast %broadcast_in_dim3A_303 : i32 to vector<16xi32>
    %lt3A_305 = arith.constant 0 : i32
    %lt3A_306 = vector.broadcast %lt3A_305 : i32 to vector<16xi32>
    %lt3A_307 = arith.cmpi slt, %broadcast_in_dim3A_304, %lt3A_306 : vector<16xi32>
    %add3A_308 = arith.constant 16 : i32
    %add3A_309 = vector.broadcast %add3A_308 : i32 to vector<16xi32>
    %add3A_310 = arith.addi %broadcast_in_dim3A_304, %add3A_309 : vector<16xi32>
    %select_n3A_311 = arith.select %lt3A_307, %add3A_310, %broadcast_in_dim3A_304 : vector<16xi1>, vector<16xi32>
    %broadcast_in_dim3A_312 = vector.shape_cast %select_n3A_311 : vector<16xi32> to vector<16x1xi32>
    %gather3A_313 = vector.shape_cast %broadcast_in_dim3A_312 : vector<16x1xi32> to vector<16xi32>
    %gather3A_314 = tpu.dynamic_gather %get3A_9[%gather3A_313] in [0] : vector<16xi32>, vector<16xi32> -> vector<16xi32>
    %eq3A_315 = arith.cmpi eq, %get3A_9, %gather3A_314 : vector<16xi32>
    %convert_element_type3A_316 = arith.extui %eq3A_315 : vector<16xi1> to vector<16xi32>
    %gt3A_317 = arith.constant 15 : i32
    %gt3A_318 = vector.broadcast %gt3A_317 : i32 to vector<16xi32>
    %gt3A_319 = arith.cmpi sgt, %iota3A, %gt3A_318 : vector<16xi32>
    %select_n3A_320 = arith.select %gt3A_319, %convert_element_type3A_316, %broadcast_in_dim3A_0 : vector<16xi1>, vector<16xi32>
    %add3A_321 = arith.addi %add3A_301, %select_n3A_320 : vector<16xi32>
    %add3A_322 = arith.addi %add3A_302, %convert_element_type3A_316 : vector<16xi32>
    %gather3A_323 = tpu.vector_load_idx %arg10[%get3A_9] : memref<64xi32, #tpu.memory_space<vmem>>[vector<16xi32>], vector<16xi32>,
    %add3A_324 = arith.addi %gather3A_323, %add3A_321 : vector<16xi32>
    %swap3A_325 = arith.constant 0 : index
    %swap3A_326 = tpu.vector_load %arg9[%swap3A_325] {strides = array<i32>} : memref<128xi32, #tpu.memory_space<vmem>>, vector<16xi32>,
    tpu.vector_store %arg9[%swap3A_325], %add3A_324 {strides = array<i32>} : memref<128xi32, #tpu.memory_space<vmem>>, vector<16xi32>,
    %add3A_327 = arith.addi %gather3A_323, %add3A_322 : vector<16xi32>
    %sub3A = arith.constant 1 : i32
    %sub3A_328 = vector.broadcast %sub3A : i32 to vector<16xi32>
    %sub3A_329 = arith.subi %add3A_322, %sub3A_328 : vector<16xi32>
    %eq3A_330 = arith.cmpi eq, %add3A_321, %sub3A_329 : vector<16xi32>
    tpu.vector_store_idx %arg10[%get3A_9], %add3A_327 masked %eq3A_330 : memref<64xi32, #tpu.memory_space<vmem>>[vector<16xi32>], vector<16xi32>, vector<16xi1>
    %get3A_331 = arith.constant 16 : index
    %get3A_332 = tpu.vector_load %arg8[%get3A_331] {strides = array<i32>} : memref<128xi32, #tpu.memory_space<vmem>>, vector<16xi32>,
    %broadcast_in_dim3A_333 = arith.constant 0 : i32
    %broadcast_in_dim3A_334 = vector.broadcast %broadcast_in_dim3A_333 : i32 to vector<16xi32>
    %lt3A_335 = arith.constant 0 : i32
    %lt3A_336 = vector.broadcast %lt3A_335 : i32 to vector<16xi32>
    %lt3A_337 = arith.cmpi slt, %broadcast_in_dim3A_334, %lt3A_336 : vector<16xi32>
    %add3A_338 = arith.constant 16 : i32
    %add3A_339 = vector.broadcast %add3A_338 : i32 to vector<16xi32>
    %add3A_340 = arith.addi %broadcast_in_dim3A_334, %add3A_339 : vector<16xi32>
    %select_n3A_341 = arith.select %lt3A_337, %add3A_340, %broadcast_in_dim3A_334 : vector<16xi1>, vector<16xi32>
    %broadcast_in_dim3A_342 = vector.shape_cast %select_n3A_341 : vector<16xi32> to vector<16x1xi32>
    %gather3A_343 = vector.shape_cast %broadcast_in_dim3A_342 : vector<16x1xi32> to vector<16xi32>
    %gather3A_344 = tpu.dynamic_gather %get3A_332[%gather3A_343] in [0] : vector<16xi32>, vector<16xi32> -> vector<16xi32>
    %eq3A_345 = arith.cmpi eq, %get3A_332, %gather3A_344 : vector<16xi32>
    %convert_element_type3A_346 = arith.extui %eq3A_345 : vector<16xi1> to vector<16xi32>
    %gt3A_347 = arith.constant 0 : i32
    %gt3A_348 = vector.broadcast %gt3A_347 : i32 to vector<16xi32>
    %gt3A_349 = arith.cmpi sgt, %iota3A, %gt3A_348 : vector<16xi32>
    %select_n3A_350 = arith.select %gt3A_349, %convert_element_type3A_346, %broadcast_in_dim3A_0 : vector<16xi1>, vector<16xi32>
    %add3A_351 = arith.addi %broadcast_in_dim3A_0, %select_n3A_350 : vector<16xi32>
    %add3A_352 = arith.addi %broadcast_in_dim3A_0, %convert_element_type3A_346 : vector<16xi32>
    %broadcast_in_dim3A_353 = arith.constant 1 : i32
    %broadcast_in_dim3A_354 = vector.broadcast %broadcast_in_dim3A_353 : i32 to vector<16xi32>
    %lt3A_355 = arith.constant 0 : i32
    %lt3A_356 = vector.broadcast %lt3A_355 : i32 to vector<16xi32>
    %lt3A_357 = arith.cmpi slt, %broadcast_in_dim3A_354, %lt3A_356 : vector<16xi32>
    %add3A_358 = arith.constant 16 : i32
    %add3A_359 = vector.broadcast %add3A_358 : i32 to vector<16xi32>
    %add3A_360 = arith.addi %broadcast_in_dim3A_354, %add3A_359 : vector<16xi32>
    %select_n3A_361 = arith.select %lt3A_357, %add3A_360, %broadcast_in_dim3A_354 : vector<16xi1>, vector<16xi32>
    %broadcast_in_dim3A_362 = vector.shape_cast %select_n3A_361 : vector<16xi32> to vector<16x1xi32>
    %gather3A_363 = vector.shape_cast %broadcast_in_dim3A_362 : vector<16x1xi32> to vector<16xi32>
    %gather3A_364 = tpu.dynamic_gather %get3A_332[%gather3A_363] in [0] : vector<16xi32>, vector<16xi32> -> vector<16xi32>
    %eq3A_365 = arith.cmpi eq, %get3A_332, %gather3A_364 : vector<16xi32>
    %convert_element_type3A_366 = arith.extui %eq3A_365 : vector<16xi1> to vector<16xi32>
    %gt3A_367 = arith.constant 1 : i32
    %gt3A_368 = vector.broadcast %gt3A_367 : i32 to vector<16xi32>
    %gt3A_369 = arith.cmpi sgt, %iota3A, %gt3A_368 : vector<16xi32>
    %select_n3A_370 = arith.select %gt3A_369, %convert_element_type3A_366, %broadcast_in_dim3A_0 : vector<16xi1>, vector<16xi32>
    %add3A_371 = arith.addi %add3A_351, %select_n3A_370 : vector<16xi32>
    %add3A_372 = arith.addi %add3A_352, %convert_element_type3A_366 : vector<16xi32>
    %broadcast_in_dim3A_373 = arith.constant 2 : i32
    %broadcast_in_dim3A_374 = vector.broadcast %broadcast_in_dim3A_373 : i32 to vector<16xi32>
    %lt3A_375 = arith.constant 0 : i32
    %lt3A_376 = vector.broadcast %lt3A_375 : i32 to vector<16xi32>
    %lt3A_377 = arith.cmpi slt, %broadcast_in_dim3A_374, %lt3A_376 : vector<16xi32>
    %add3A_378 = arith.constant 16 : i32
    %add3A_379 = vector.broadcast %add3A_378 : i32 to vector<16xi32>
    %add3A_380 = arith.addi %broadcast_in_dim3A_374, %add3A_379 : vector<16xi32>
    %select_n3A_381 = arith.select %lt3A_377, %add3A_380, %broadcast_in_dim3A_374 : vector<16xi1>, vector<16xi32>
    %broadcast_in_dim3A_382 = vector.shape_cast %select_n3A_381 : vector<16xi32> to vector<16x1xi32>
    %gather3A_383 = vector.shape_cast %broadcast_in_dim3A_382 : vector<16x1xi32> to vector<16xi32>
    %gather3A_384 = tpu.dynamic_gather %get3A_332[%gather3A_383] in [0] : vector<16xi32>, vector<16xi32> -> vector<16xi32>
    %eq3A_385 = arith.cmpi eq, %get3A_332, %gather3A_384 : vector<16xi32>
    %convert_element_type3A_386 = arith.extui %eq3A_385 : vector<16xi1> to vector<16xi32>
    %gt3A_387 = arith.constant 2 : i32
    %gt3A_388 = vector.broadcast %gt3A_387 : i32 to vector<16xi32>
    %gt3A_389 = arith.cmpi sgt, %iota3A, %gt3A_388 : vector<16xi32>
    %select_n3A_390 = arith.select %gt3A_389, %convert_element_type3A_386, %broadcast_in_dim3A_0 : vector<16xi1>, vector<16xi32>
    %add3A_391 = arith.addi %add3A_371, %select_n3A_390 : vector<16xi32>
    %add3A_392 = arith.addi %add3A_372, %convert_element_type3A_386 : vector<16xi32>
    %broadcast_in_dim3A_393 = arith.constant 3 : i32
    %broadcast_in_dim3A_394 = vector.broadcast %broadcast_in_dim3A_393 : i32 to vector<16xi32>
    %lt3A_395 = arith.constant 0 : i32
    %lt3A_396 = vector.broadcast %lt3A_395 : i32 to vector<16xi32>
    %lt3A_397 = arith.cmpi slt, %broadcast_in_dim3A_394, %lt3A_396 : vector<16xi32>
    %add3A_398 = arith.constant 16 : i32
    %add3A_399 = vector.broadcast %add3A_398 : i32 to vector<16xi32>
    %add3A_400 = arith.addi %broadcast_in_dim3A_394, %add3A_399 : vector<16xi32>
    %select_n3A_401 = arith.select %lt3A_397, %add3A_400, %broadcast_in_dim3A_394 : vector<16xi1>, vector<16xi32>
    %broadcast_in_dim3A_402 = vector.shape_cast %select_n3A_401 : vector<16xi32> to vector<16x1xi32>
    %gather3A_403 = vector.shape_cast %broadcast_in_dim3A_402 : vector<16x1xi32> to vector<16xi32>
    %gather3A_404 = tpu.dynamic_gather %get3A_332[%gather3A_403] in [0] : vector<16xi32>, vector<16xi32> -> vector<16xi32>
    %eq3A_405 = arith.cmpi eq, %get3A_332, %gather3A_404 : vector<16xi32>
    %convert_element_type3A_406 = arith.extui %eq3A_405 : vector<16xi1> to vector<16xi32>
    %gt3A_407 = arith.constant 3 : i32
    %gt3A_408 = vector.broadcast %gt3A_407 : i32 to vector<16xi32>
    %gt3A_409 = arith.cmpi sgt, %iota3A, %gt3A_408 : vector<16xi32>
    %select_n3A_410 = arith.select %gt3A_409, %convert_element_type3A_406, %broadcast_in_dim3A_0 : vector<16xi1>, vector<16xi32>
    %add3A_411 = arith.addi %add3A_391, %select_n3A_410 : vector<16xi32>
    %add3A_412 = arith.addi %add3A_392, %convert_element_type3A_406 : vector<16xi32>
    %broadcast_in_dim3A_413 = arith.constant 4 : i32
    %broadcast_in_dim3A_414 = vector.broadcast %broadcast_in_dim3A_413 : i32 to vector<16xi32>
    %lt3A_415 = arith.constant 0 : i32
    %lt3A_416 = vector.broadcast %lt3A_415 : i32 to vector<16xi32>
    %lt3A_417 = arith.cmpi slt, %broadcast_in_dim3A_414, %lt3A_416 : vector<16xi32>
    %add3A_418 = arith.constant 16 : i32
    %add3A_419 = vector.broadcast %add3A_418 : i32 to vector<16xi32>
    %add3A_420 = arith.addi %broadcast_in_dim3A_414, %add3A_419 : vector<16xi32>
    %select_n3A_421 = arith.select %lt3A_417, %add3A_420, %broadcast_in_dim3A_414 : vector<16xi1>, vector<16xi32>
    %broadcast_in_dim3A_422 = vector.shape_cast %select_n3A_421 : vector<16xi32> to vector<16x1xi32>
    %gather3A_423 = vector.shape_cast %broadcast_in_dim3A_422 : vector<16x1xi32> to vector<16xi32>
    %gather3A_424 = tpu.dynamic_gather %get3A_332[%gather3A_423] in [0] : vector<16xi32>, vector<16xi32> -> vector<16xi32>
    %eq3A_425 = arith.cmpi eq, %get3A_332, %gather3A_424 : vector<16xi32>
    %convert_element_type3A_426 = arith.extui %eq3A_425 : vector<16xi1> to vector<16xi32>
    %gt3A_427 = arith.constant 4 : i32
    %gt3A_428 = vector.broadcast %gt3A_427 : i32 to vector<16xi32>
    %gt3A_429 = arith.cmpi sgt, %iota3A, %gt3A_428 : vector<16xi32>
    %select_n3A_430 = arith.select %gt3A_429, %convert_element_type3A_426, %broadcast_in_dim3A_0 : vector<16xi1>, vector<16xi32>
    %add3A_431 = arith.addi %add3A_411, %select_n3A_430 : vector<16xi32>
    %add3A_432 = arith.addi %add3A_412, %convert_element_type3A_426 : vector<16xi32>
    %broadcast_in_dim3A_433 = arith.constant 5 : i32
    %broadcast_in_dim3A_434 = vector.broadcast %broadcast_in_dim3A_433 : i32 to vector<16xi32>
    %lt3A_435 = arith.constant 0 : i32
    %lt3A_436 = vector.broadcast %lt3A_435 : i32 to vector<16xi32>
    %lt3A_437 = arith.cmpi slt, %broadcast_in_dim3A_434, %lt3A_436 : vector<16xi32>
    %add3A_438 = arith.constant 16 : i32
    %add3A_439 = vector.broadcast %add3A_438 : i32 to vector<16xi32>
    %add3A_440 = arith.addi %broadcast_in_dim3A_434, %add3A_439 : vector<16xi32>
    %select_n3A_441 = arith.select %lt3A_437, %add3A_440, %broadcast_in_dim3A_434 : vector<16xi1>, vector<16xi32>
    %broadcast_in_dim3A_442 = vector.shape_cast %select_n3A_441 : vector<16xi32> to vector<16x1xi32>
    %gather3A_443 = vector.shape_cast %broadcast_in_dim3A_442 : vector<16x1xi32> to vector<16xi32>
    %gather3A_444 = tpu.dynamic_gather %get3A_332[%gather3A_443] in [0] : vector<16xi32>, vector<16xi32> -> vector<16xi32>
    %eq3A_445 = arith.cmpi eq, %get3A_332, %gather3A_444 : vector<16xi32>
    %convert_element_type3A_446 = arith.extui %eq3A_445 : vector<16xi1> to vector<16xi32>
    %gt3A_447 = arith.constant 5 : i32
    %gt3A_448 = vector.broadcast %gt3A_447 : i32 to vector<16xi32>
    %gt3A_449 = arith.cmpi sgt, %iota3A, %gt3A_448 : vector<16xi32>
    %select_n3A_450 = arith.select %gt3A_449, %convert_element_type3A_446, %broadcast_in_dim3A_0 : vector<16xi1>, vector<16xi32>
    %add3A_451 = arith.addi %add3A_431, %select_n3A_450 : vector<16xi32>
    %add3A_452 = arith.addi %add3A_432, %convert_element_type3A_446 : vector<16xi32>
    %broadcast_in_dim3A_453 = arith.constant 6 : i32
    %broadcast_in_dim3A_454 = vector.broadcast %broadcast_in_dim3A_453 : i32 to vector<16xi32>
    %lt3A_455 = arith.constant 0 : i32
    %lt3A_456 = vector.broadcast %lt3A_455 : i32 to vector<16xi32>
    %lt3A_457 = arith.cmpi slt, %broadcast_in_dim3A_454, %lt3A_456 : vector<16xi32>
    %add3A_458 = arith.constant 16 : i32
    %add3A_459 = vector.broadcast %add3A_458 : i32 to vector<16xi32>
    %add3A_460 = arith.addi %broadcast_in_dim3A_454, %add3A_459 : vector<16xi32>
    %select_n3A_461 = arith.select %lt3A_457, %add3A_460, %broadcast_in_dim3A_454 : vector<16xi1>, vector<16xi32>
    %broadcast_in_dim3A_462 = vector.shape_cast %select_n3A_461 : vector<16xi32> to vector<16x1xi32>
    %gather3A_463 = vector.shape_cast %broadcast_in_dim3A_462 : vector<16x1xi32> to vector<16xi32>
    %gather3A_464 = tpu.dynamic_gather %get3A_332[%gather3A_463] in [0] : vector<16xi32>, vector<16xi32> -> vector<16xi32>
    %eq3A_465 = arith.cmpi eq, %get3A_332, %gather3A_464 : vector<16xi32>
    %convert_element_type3A_466 = arith.extui %eq3A_465 : vector<16xi1> to vector<16xi32>
    %gt3A_467 = arith.constant 6 : i32
    %gt3A_468 = vector.broadcast %gt3A_467 : i32 to vector<16xi32>
    %gt3A_469 = arith.cmpi sgt, %iota3A, %gt3A_468 : vector<16xi32>
    %select_n3A_470 = arith.select %gt3A_469, %convert_element_type3A_466, %broadcast_in_dim3A_0 : vector<16xi1>, vector<16xi32>
    %add3A_471 = arith.addi %add3A_451, %select_n3A_470 : vector<16xi32>
    %add3A_472 = arith.addi %add3A_452, %convert_element_type3A_466 : vector<16xi32>
    %broadcast_in_dim3A_473 = arith.constant 7 : i32
    %broadcast_in_dim3A_474 = vector.broadcast %broadcast_in_dim3A_473 : i32 to vector<16xi32>
    %lt3A_475 = arith.constant 0 : i32
    %lt3A_476 = vector.broadcast %lt3A_475 : i32 to vector<16xi32>
    %lt3A_477 = arith.cmpi slt, %broadcast_in_dim3A_474, %lt3A_476 : vector<16xi32>
    %add3A_478 = arith.constant 16 : i32
    %add3A_479 = vector.broadcast %add3A_478 : i32 to vector<16xi32>
    %add3A_480 = arith.addi %broadcast_in_dim3A_474, %add3A_479 : vector<16xi32>
    %select_n3A_481 = arith.select %lt3A_477, %add3A_480, %broadcast_in_dim3A_474 : vector<16xi1>, vector<16xi32>
    %broadcast_in_dim3A_482 = vector.shape_cast %select_n3A_481 : vector<16xi32> to vector<16x1xi32>
    %gather3A_483 = vector.shape_cast %broadcast_in_dim3A_482 : vector<16x1xi32> to vector<16xi32>
    %gather3A_484 = tpu.dynamic_gather %get3A_332[%gather3A_483] in [0] : vector<16xi32>, vector<16xi32> -> vector<16xi32>
    %eq3A_485 = arith.cmpi eq, %get3A_332, %gather3A_484 : vector<16xi32>
    %convert_element_type3A_486 = arith.extui %eq3A_485 : vector<16xi1> to vector<16xi32>
    %gt3A_487 = arith.constant 7 : i32
    %gt3A_488 = vector.broadcast %gt3A_487 : i32 to vector<16xi32>
    %gt3A_489 = arith.cmpi sgt, %iota3A, %gt3A_488 : vector<16xi32>
    %select_n3A_490 = arith.select %gt3A_489, %convert_element_type3A_486, %broadcast_in_dim3A_0 : vector<16xi1>, vector<16xi32>
    %add3A_491 = arith.addi %add3A_471, %select_n3A_490 : vector<16xi32>
    %add3A_492 = arith.addi %add3A_472, %convert_element_type3A_486 : vector<16xi32>
    %broadcast_in_dim3A_493 = arith.constant 8 : i32
    %broadcast_in_dim3A_494 = vector.broadcast %broadcast_in_dim3A_493 : i32 to vector<16xi32>
    %lt3A_495 = arith.constant 0 : i32
    %lt3A_496 = vector.broadcast %lt3A_495 : i32 to vector<16xi32>
    %lt3A_497 = arith.cmpi slt, %broadcast_in_dim3A_494, %lt3A_496 : vector<16xi32>
    %add3A_498 = arith.constant 16 : i32
    %add3A_499 = vector.broadcast %add3A_498 : i32 to vector<16xi32>
    %add3A_500 = arith.addi %broadcast_in_dim3A_494, %add3A_499 : vector<16xi32>
    %select_n3A_501 = arith.select %lt3A_497, %add3A_500, %broadcast_in_dim3A_494 : vector<16xi1>, vector<16xi32>
    %broadcast_in_dim3A_502 = vector.shape_cast %select_n3A_501 : vector<16xi32> to vector<16x1xi32>
    %gather3A_503 = vector.shape_cast %broadcast_in_dim3A_502 : vector<16x1xi32> to vector<16xi32>
    %gather3A_504 = tpu.dynamic_gather %get3A_332[%gather3A_503] in [0] : vector<16xi32>, vector<16xi32> -> vector<16xi32>
    %eq3A_505 = arith.cmpi eq, %get3A_332, %gather3A_504 : vector<16xi32>
    %convert_element_type3A_506 = arith.extui %eq3A_505 : vector<16xi1> to vector<16xi32>
    %gt3A_507 = arith.constant 8 : i32
    %gt3A_508 = vector.broadcast %gt3A_507 : i32 to vector<16xi32>
    %gt3A_509 = arith.cmpi sgt, %iota3A, %gt3A_508 : vector<16xi32>
    %select_n3A_510 = arith.select %gt3A_509, %convert_element_type3A_506, %broadcast_in_dim3A_0 : vector<16xi1>, vector<16xi32>
    %add3A_511 = arith.addi %add3A_491, %select_n3A_510 : vector<16xi32>
    %add3A_512 = arith.addi %add3A_492, %convert_element_type3A_506 : vector<16xi32>
    %broadcast_in_dim3A_513 = arith.constant 9 : i32
    %broadcast_in_dim3A_514 = vector.broadcast %broadcast_in_dim3A_513 : i32 to vector<16xi32>
    %lt3A_515 = arith.constant 0 : i32
    %lt3A_516 = vector.broadcast %lt3A_515 : i32 to vector<16xi32>
    %lt3A_517 = arith.cmpi slt, %broadcast_in_dim3A_514, %lt3A_516 : vector<16xi32>
    %add3A_518 = arith.constant 16 : i32
    %add3A_519 = vector.broadcast %add3A_518 : i32 to vector<16xi32>
    %add3A_520 = arith.addi %broadcast_in_dim3A_514, %add3A_519 : vector<16xi32>
    %select_n3A_521 = arith.select %lt3A_517, %add3A_520, %broadcast_in_dim3A_514 : vector<16xi1>, vector<16xi32>
    %broadcast_in_dim3A_522 = vector.shape_cast %select_n3A_521 : vector<16xi32> to vector<16x1xi32>
    %gather3A_523 = vector.shape_cast %broadcast_in_dim3A_522 : vector<16x1xi32> to vector<16xi32>
    %gather3A_524 = tpu.dynamic_gather %get3A_332[%gather3A_523] in [0] : vector<16xi32>, vector<16xi32> -> vector<16xi32>
    %eq3A_525 = arith.cmpi eq, %get3A_332, %gather3A_524 : vector<16xi32>
    %convert_element_type3A_526 = arith.extui %eq3A_525 : vector<16xi1> to vector<16xi32>
    %gt3A_527 = arith.constant 9 : i32
    %gt3A_528 = vector.broadcast %gt3A_527 : i32 to vector<16xi32>
    %gt3A_529 = arith.cmpi sgt, %iota3A, %gt3A_528 : vector<16xi32>
    %select_n3A_530 = arith.select %gt3A_529, %convert_element_type3A_526, %broadcast_in_dim3A_0 : vector<16xi1>, vector<16xi32>
    %add3A_531 = arith.addi %add3A_511, %select_n3A_530 : vector<16xi32>
    %add3A_532 = arith.addi %add3A_512, %convert_element_type3A_526 : vector<16xi32>
    %broadcast_in_dim3A_533 = arith.constant 10 : i32
    %broadcast_in_dim3A_534 = vector.broadcast %broadcast_in_dim3A_533 : i32 to vector<16xi32>
    %lt3A_535 = arith.constant 0 : i32
    %lt3A_536 = vector.broadcast %lt3A_535 : i32 to vector<16xi32>
    %lt3A_537 = arith.cmpi slt, %broadcast_in_dim3A_534, %lt3A_536 : vector<16xi32>
    %add3A_538 = arith.constant 16 : i32
    %add3A_539 = vector.broadcast %add3A_538 : i32 to vector<16xi32>
    %add3A_540 = arith.addi %broadcast_in_dim3A_534, %add3A_539 : vector<16xi32>
    %select_n3A_541 = arith.select %lt3A_537, %add3A_540, %broadcast_in_dim3A_534 : vector<16xi1>, vector<16xi32>
    %broadcast_in_dim3A_542 = vector.shape_cast %select_n3A_541 : vector<16xi32> to vector<16x1xi32>
    %gather3A_543 = vector.shape_cast %broadcast_in_dim3A_542 : vector<16x1xi32> to vector<16xi32>
    %gather3A_544 = tpu.dynamic_gather %get3A_332[%gather3A_543] in [0] : vector<16xi32>, vector<16xi32> -> vector<16xi32>
    %eq3A_545 = arith.cmpi eq, %get3A_332, %gather3A_544 : vector<16xi32>
    %convert_element_type3A_546 = arith.extui %eq3A_545 : vector<16xi1> to vector<16xi32>
    %gt3A_547 = arith.constant 10 : i32
    %gt3A_548 = vector.broadcast %gt3A_547 : i32 to vector<16xi32>
    %gt3A_549 = arith.cmpi sgt, %iota3A, %gt3A_548 : vector<16xi32>
    %select_n3A_550 = arith.select %gt3A_549, %convert_element_type3A_546, %broadcast_in_dim3A_0 : vector<16xi1>, vector<16xi32>
    %add3A_551 = arith.addi %add3A_531, %select_n3A_550 : vector<16xi32>
    %add3A_552 = arith.addi %add3A_532, %convert_element_type3A_546 : vector<16xi32>
    %broadcast_in_dim3A_553 = arith.constant 11 : i32
    %broadcast_in_dim3A_554 = vector.broadcast %broadcast_in_dim3A_553 : i32 to vector<16xi32>
    %lt3A_555 = arith.constant 0 : i32
    %lt3A_556 = vector.broadcast %lt3A_555 : i32 to vector<16xi32>
    %lt3A_557 = arith.cmpi slt, %broadcast_in_dim3A_554, %lt3A_556 : vector<16xi32>
    %add3A_558 = arith.constant 16 : i32
    %add3A_559 = vector.broadcast %add3A_558 : i32 to vector<16xi32>
    %add3A_560 = arith.addi %broadcast_in_dim3A_554, %add3A_559 : vector<16xi32>
    %select_n3A_561 = arith.select %lt3A_557, %add3A_560, %broadcast_in_dim3A_554 : vector<16xi1>, vector<16xi32>
    %broadcast_in_dim3A_562 = vector.shape_cast %select_n3A_561 : vector<16xi32> to vector<16x1xi32>
    %gather3A_563 = vector.shape_cast %broadcast_in_dim3A_562 : vector<16x1xi32> to vector<16xi32>
    %gather3A_564 = tpu.dynamic_gather %get3A_332[%gather3A_563] in [0] : vector<16xi32>, vector<16xi32> -> vector<16xi32>
    %eq3A_565 = arith.cmpi eq, %get3A_332, %gather3A_564 : vector<16xi32>
    %convert_element_type3A_566 = arith.extui %eq3A_565 : vector<16xi1> to vector<16xi32>
    %gt3A_567 = arith.constant 11 : i32
    %gt3A_568 = vector.broadcast %gt3A_567 : i32 to vector<16xi32>
    %gt3A_569 = arith.cmpi sgt, %iota3A, %gt3A_568 : vector<16xi32>
    %select_n3A_570 = arith.select %gt3A_569, %convert_element_type3A_566, %broadcast_in_dim3A_0 : vector<16xi1>, vector<16xi32>
    %add3A_571 = arith.addi %add3A_551, %select_n3A_570 : vector<16xi32>
    %add3A_572 = arith.addi %add3A_552, %convert_element_type3A_566 : vector<16xi32>
    %broadcast_in_dim3A_573 = arith.constant 12 : i32
    %broadcast_in_dim3A_574 = vector.broadcast %broadcast_in_dim3A_573 : i32 to vector<16xi32>
    %lt3A_575 = arith.constant 0 : i32
    %lt3A_576 = vector.broadcast %lt3A_575 : i32 to vector<16xi32>
    %lt3A_577 = arith.cmpi slt, %broadcast_in_dim3A_574, %lt3A_576 : vector<16xi32>
    %add3A_578 = arith.constant 16 : i32
    %add3A_579 = vector.broadcast %add3A_578 : i32 to vector<16xi32>
    %add3A_580 = arith.addi %broadcast_in_dim3A_574, %add3A_579 : vector<16xi32>
    %select_n3A_581 = arith.select %lt3A_577, %add3A_580, %broadcast_in_dim3A_574 : vector<16xi1>, vector<16xi32>
    %broadcast_in_dim3A_582 = vector.shape_cast %select_n3A_581 : vector<16xi32> to vector<16x1xi32>
    %gather3A_583 = vector.shape_cast %broadcast_in_dim3A_582 : vector<16x1xi32> to vector<16xi32>
    %gather3A_584 = tpu.dynamic_gather %get3A_332[%gather3A_583] in [0] : vector<16xi32>, vector<16xi32> -> vector<16xi32>
    %eq3A_585 = arith.cmpi eq, %get3A_332, %gather3A_584 : vector<16xi32>
    %convert_element_type3A_586 = arith.extui %eq3A_585 : vector<16xi1> to vector<16xi32>
    %gt3A_587 = arith.constant 12 : i32
    %gt3A_588 = vector.broadcast %gt3A_587 : i32 to vector<16xi32>
    %gt3A_589 = arith.cmpi sgt, %iota3A, %gt3A_588 : vector<16xi32>
    %select_n3A_590 = arith.select %gt3A_589, %convert_element_type3A_586, %broadcast_in_dim3A_0 : vector<16xi1>, vector<16xi32>
    %add3A_591 = arith.addi %add3A_571, %select_n3A_590 : vector<16xi32>
    %add3A_592 = arith.addi %add3A_572, %convert_element_type3A_586 : vector<16xi32>
    %broadcast_in_dim3A_593 = arith.constant 13 : i32
    %broadcast_in_dim3A_594 = vector.broadcast %broadcast_in_dim3A_593 : i32 to vector<16xi32>
    %lt3A_595 = arith.constant 0 : i32
    %lt3A_596 = vector.broadcast %lt3A_595 : i32 to vector<16xi32>
    %lt3A_597 = arith.cmpi slt, %broadcast_in_dim3A_594, %lt3A_596 : vector<16xi32>
    %add3A_598 = arith.constant 16 : i32
    %add3A_599 = vector.broadcast %add3A_598 : i32 to vector<16xi32>
    %add3A_600 = arith.addi %broadcast_in_dim3A_594, %add3A_599 : vector<16xi32>
    %select_n3A_601 = arith.select %lt3A_597, %add3A_600, %broadcast_in_dim3A_594 : vector<16xi1>, vector<16xi32>
    %broadcast_in_dim3A_602 = vector.shape_cast %select_n3A_601 : vector<16xi32> to vector<16x1xi32>
    %gather3A_603 = vector.shape_cast %broadcast_in_dim3A_602 : vector<16x1xi32> to vector<16xi32>
    %gather3A_604 = tpu.dynamic_gather %get3A_332[%gather3A_603] in [0] : vector<16xi32>, vector<16xi32> -> vector<16xi32>
    %eq3A_605 = arith.cmpi eq, %get3A_332, %gather3A_604 : vector<16xi32>
    %convert_element_type3A_606 = arith.extui %eq3A_605 : vector<16xi1> to vector<16xi32>
    %gt3A_607 = arith.constant 13 : i32
    %gt3A_608 = vector.broadcast %gt3A_607 : i32 to vector<16xi32>
    %gt3A_609 = arith.cmpi sgt, %iota3A, %gt3A_608 : vector<16xi32>
    %select_n3A_610 = arith.select %gt3A_609, %convert_element_type3A_606, %broadcast_in_dim3A_0 : vector<16xi1>, vector<16xi32>
    %add3A_611 = arith.addi %add3A_591, %select_n3A_610 : vector<16xi32>
    %add3A_612 = arith.addi %add3A_592, %convert_element_type3A_606 : vector<16xi32>
    %broadcast_in_dim3A_613 = arith.constant 14 : i32
    %broadcast_in_dim3A_614 = vector.broadcast %broadcast_in_dim3A_613 : i32 to vector<16xi32>
    %lt3A_615 = arith.constant 0 : i32
    %lt3A_616 = vector.broadcast %lt3A_615 : i32 to vector<16xi32>
    %lt3A_617 = arith.cmpi slt, %broadcast_in_dim3A_614, %lt3A_616 : vector<16xi32>
    %add3A_618 = arith.constant 16 : i32
    %add3A_619 = vector.broadcast %add3A_618 : i32 to vector<16xi32>
    %add3A_620 = arith.addi %broadcast_in_dim3A_614, %add3A_619 : vector<16xi32>
    %select_n3A_621 = arith.select %lt3A_617, %add3A_620, %broadcast_in_dim3A_614 : vector<16xi1>, vector<16xi32>
    %broadcast_in_dim3A_622 = vector.shape_cast %select_n3A_621 : vector<16xi32> to vector<16x1xi32>
    %gather3A_623 = vector.shape_cast %broadcast_in_dim3A_622 : vector<16x1xi32> to vector<16xi32>
    %gather3A_624 = tpu.dynamic_gather %get3A_332[%gather3A_623] in [0] : vector<16xi32>, vector<16xi32> -> vector<16xi32>
    %eq3A_625 = arith.cmpi eq, %get3A_332, %gather3A_624 : vector<16xi32>
    %convert_element_type3A_626 = arith.extui %eq3A_625 : vector<16xi1> to vector<16xi32>
    %gt3A_627 = arith.constant 14 : i32
    %gt3A_628 = vector.broadcast %gt3A_627 : i32 to vector<16xi32>
    %gt3A_629 = arith.cmpi sgt, %iota3A, %gt3A_628 : vector<16xi32>
    %select_n3A_630 = arith.select %gt3A_629, %convert_element_type3A_626, %broadcast_in_dim3A_0 : vector<16xi1>, vector<16xi32>
    %add3A_631 = arith.addi %add3A_611, %select_n3A_630 : vector<16xi32>
    %add3A_632 = arith.addi %add3A_612, %convert_element_type3A_626 : vector<16xi32>
    %broadcast_in_dim3A_633 = arith.constant 15 : i32
    %broadcast_in_dim3A_634 = vector.broadcast %broadcast_in_dim3A_633 : i32 to vector<16xi32>
    %lt3A_635 = arith.constant 0 : i32
    %lt3A_636 = vector.broadcast %lt3A_635 : i32 to vector<16xi32>
    %lt3A_637 = arith.cmpi slt, %broadcast_in_dim3A_634, %lt3A_636 : vector<16xi32>
    %add3A_638 = arith.constant 16 : i32
    %add3A_639 = vector.broadcast %add3A_638 : i32 to vector<16xi32>
    %add3A_640 = arith.addi %broadcast_in_dim3A_634, %add3A_639 : vector<16xi32>
    %select_n3A_641 = arith.select %lt3A_637, %add3A_640, %broadcast_in_dim3A_634 : vector<16xi1>, vector<16xi32>
    %broadcast_in_dim3A_642 = vector.shape_cast %select_n3A_641 : vector<16xi32> to vector<16x1xi32>
    %gather3A_643 = vector.shape_cast %broadcast_in_dim3A_642 : vector<16x1xi32> to vector<16xi32>
    %gather3A_644 = tpu.dynamic_gather %get3A_332[%gather3A_643] in [0] : vector<16xi32>, vector<16xi32> -> vector<16xi32>
    %eq3A_645 = arith.cmpi eq, %get3A_332, %gather3A_644 : vector<16xi32>
    %convert_element_type3A_646 = arith.extui %eq3A_645 : vector<16xi1> to vector<16xi32>
    %gt3A_647 = arith.constant 15 : i32
    %gt3A_648 = vector.broadcast %gt3A_647 : i32 to vector<16xi32>
    %gt3A_649 = arith.cmpi sgt, %iota3A, %gt3A_648 : vector<16xi32>
    %select_n3A_650 = arith.select %gt3A_649, %convert_element_type3A_646, %broadcast_in_dim3A_0 : vector<16xi1>, vector<16xi32>
    %add3A_651 = arith.addi %add3A_631, %select_n3A_650 : vector<16xi32>
    %add3A_652 = arith.addi %add3A_632, %convert_element_type3A_646 : vector<16xi32>
    %gather3A_653 = tpu.vector_load_idx %arg10[%get3A_332] : memref<64xi32, #tpu.memory_space<vmem>>[vector<16xi32>], vector<16xi32>,
    %add3A_654 = arith.addi %gather3A_653, %add3A_651 : vector<16xi32>
    %swap3A_655 = arith.constant 16 : index
    %swap3A_656 = tpu.vector_load %arg9[%swap3A_655] {strides = array<i32>} : memref<128xi32, #tpu.memory_space<vmem>>, vector<16xi32>,
    tpu.vector_store %arg9[%swap3A_655], %add3A_654 {strides = array<i32>} : memref<128xi32, #tpu.memory_space<vmem>>, vector<16xi32>,
    %add3A_657 = arith.addi %gather3A_653, %add3A_652 : vector<16xi32>
    %sub3A_658 = arith.constant 1 : i32
    %sub3A_659 = vector.broadcast %sub3A_658 : i32 to vector<16xi32>
    %sub3A_660 = arith.subi %add3A_652, %sub3A_659 : vector<16xi32>
    %eq3A_661 = arith.cmpi eq, %add3A_651, %sub3A_660 : vector<16xi32>
    tpu.vector_store_idx %arg10[%get3A_332], %add3A_657 masked %eq3A_661 : memref<64xi32, #tpu.memory_space<vmem>>[vector<16xi32>], vector<16xi32>, vector<16xi1>
    %get3A_662 = arith.constant 32 : index
    %get3A_663 = tpu.vector_load %arg8[%get3A_662] {strides = array<i32>} : memref<128xi32, #tpu.memory_space<vmem>>, vector<16xi32>,
    %broadcast_in_dim3A_664 = arith.constant 0 : i32
    %broadcast_in_dim3A_665 = vector.broadcast %broadcast_in_dim3A_664 : i32 to vector<16xi32>
    %lt3A_666 = arith.constant 0 : i32
    %lt3A_667 = vector.broadcast %lt3A_666 : i32 to vector<16xi32>
    %lt3A_668 = arith.cmpi slt, %broadcast_in_dim3A_665, %lt3A_667 : vector<16xi32>
    %add3A_669 = arith.constant 16 : i32
    %add3A_670 = vector.broadcast %add3A_669 : i32 to vector<16xi32>
    %add3A_671 = arith.addi %broadcast_in_dim3A_665, %add3A_670 : vector<16xi32>
    %select_n3A_672 = arith.select %lt3A_668, %add3A_671, %broadcast_in_dim3A_665 : vector<16xi1>, vector<16xi32>
    %broadcast_in_dim3A_673 = vector.shape_cast %select_n3A_672 : vector<16xi32> to vector<16x1xi32>
    %gather3A_674 = vector.shape_cast %broadcast_in_dim3A_673 : vector<16x1xi32> to vector<16xi32>
    %gather3A_675 = tpu.dynamic_gather %get3A_663[%gather3A_674] in [0] : vector<16xi32>, vector<16xi32> -> vector<16xi32>
    %eq3A_676 = arith.cmpi eq, %get3A_663, %gather3A_675 : vector<16xi32>
    %convert_element_type3A_677 = arith.extui %eq3A_676 : vector<16xi1> to vector<16xi32>
    %gt3A_678 = arith.constant 0 : i32
    %gt3A_679 = vector.broadcast %gt3A_678 : i32 to vector<16xi32>
    %gt3A_680 = arith.cmpi sgt, %iota3A, %gt3A_679 : vector<16xi32>
    %select_n3A_681 = arith.select %gt3A_680, %convert_element_type3A_677, %broadcast_in_dim3A_0 : vector<16xi1>, vector<16xi32>
    %add3A_682 = arith.addi %broadcast_in_dim3A_0, %select_n3A_681 : vector<16xi32>
    %add3A_683 = arith.addi %broadcast_in_dim3A_0, %convert_element_type3A_677 : vector<16xi32>
    %broadcast_in_dim3A_684 = arith.constant 1 : i32
    %broadcast_in_dim3A_685 = vector.broadcast %broadcast_in_dim3A_684 : i32 to vector<16xi32>
    %lt3A_686 = arith.constant 0 : i32
    %lt3A_687 = vector.broadcast %lt3A_686 : i32 to vector<16xi32>
    %lt3A_688 = arith.cmpi slt, %broadcast_in_dim3A_685, %lt3A_687 : vector<16xi32>
    %add3A_689 = arith.constant 16 : i32
    %add3A_690 = vector.broadcast %add3A_689 : i32 to vector<16xi32>
    %add3A_691 = arith.addi %broadcast_in_dim3A_685, %add3A_690 : vector<16xi32>
    %select_n3A_692 = arith.select %lt3A_688, %add3A_691, %broadcast_in_dim3A_685 : vector<16xi1>, vector<16xi32>
    %broadcast_in_dim3A_693 = vector.shape_cast %select_n3A_692 : vector<16xi32> to vector<16x1xi32>
    %gather3A_694 = vector.shape_cast %broadcast_in_dim3A_693 : vector<16x1xi32> to vector<16xi32>
    %gather3A_695 = tpu.dynamic_gather %get3A_663[%gather3A_694] in [0] : vector<16xi32>, vector<16xi32> -> vector<16xi32>
    %eq3A_696 = arith.cmpi eq, %get3A_663, %gather3A_695 : vector<16xi32>
    %convert_element_type3A_697 = arith.extui %eq3A_696 : vector<16xi1> to vector<16xi32>
    %gt3A_698 = arith.constant 1 : i32
    %gt3A_699 = vector.broadcast %gt3A_698 : i32 to vector<16xi32>
    %gt3A_700 = arith.cmpi sgt, %iota3A, %gt3A_699 : vector<16xi32>
    %select_n3A_701 = arith.select %gt3A_700, %convert_element_type3A_697, %broadcast_in_dim3A_0 : vector<16xi1>, vector<16xi32>
    %add3A_702 = arith.addi %add3A_682, %select_n3A_701 : vector<16xi32>
    %add3A_703 = arith.addi %add3A_683, %convert_element_type3A_697 : vector<16xi32>
    %broadcast_in_dim3A_704 = arith.constant 2 : i32
    %broadcast_in_dim3A_705 = vector.broadcast %broadcast_in_dim3A_704 : i32 to vector<16xi32>
    %lt3A_706 = arith.constant 0 : i32
    %lt3A_707 = vector.broadcast %lt3A_706 : i32 to vector<16xi32>
    %lt3A_708 = arith.cmpi slt, %broadcast_in_dim3A_705, %lt3A_707 : vector<16xi32>
    %add3A_709 = arith.constant 16 : i32
    %add3A_710 = vector.broadcast %add3A_709 : i32 to vector<16xi32>
    %add3A_711 = arith.addi %broadcast_in_dim3A_705, %add3A_710 : vector<16xi32>
    %select_n3A_712 = arith.select %lt3A_708, %add3A_711, %broadcast_in_dim3A_705 : vector<16xi1>, vector<16xi32>
    %broadcast_in_dim3A_713 = vector.shape_cast %select_n3A_712 : vector<16xi32> to vector<16x1xi32>
    %gather3A_714 = vector.shape_cast %broadcast_in_dim3A_713 : vector<16x1xi32> to vector<16xi32>
    %gather3A_715 = tpu.dynamic_gather %get3A_663[%gather3A_714] in [0] : vector<16xi32>, vector<16xi32> -> vector<16xi32>
    %eq3A_716 = arith.cmpi eq, %get3A_663, %gather3A_715 : vector<16xi32>
    %convert_element_type3A_717 = arith.extui %eq3A_716 : vector<16xi1> to vector<16xi32>
    %gt3A_718 = arith.constant 2 : i32
    %gt3A_719 = vector.broadcast %gt3A_718 : i32 to vector<16xi32>
    %gt3A_720 = arith.cmpi sgt, %iota3A, %gt3A_719 : vector<16xi32>
    %select_n3A_721 = arith.select %gt3A_720, %convert_element_type3A_717, %broadcast_in_dim3A_0 : vector<16xi1>, vector<16xi32>
    %add3A_722 = arith.addi %add3A_702, %select_n3A_721 : vector<16xi32>
    %add3A_723 = arith.addi %add3A_703, %convert_element_type3A_717 : vector<16xi32>
    %broadcast_in_dim3A_724 = arith.constant 3 : i32
    %broadcast_in_dim3A_725 = vector.broadcast %broadcast_in_dim3A_724 : i32 to vector<16xi32>
    %lt3A_726 = arith.constant 0 : i32
    %lt3A_727 = vector.broadcast %lt3A_726 : i32 to vector<16xi32>
    %lt3A_728 = arith.cmpi slt, %broadcast_in_dim3A_725, %lt3A_727 : vector<16xi32>
    %add3A_729 = arith.constant 16 : i32
    %add3A_730 = vector.broadcast %add3A_729 : i32 to vector<16xi32>
    %add3A_731 = arith.addi %broadcast_in_dim3A_725, %add3A_730 : vector<16xi32>
    %select_n3A_732 = arith.select %lt3A_728, %add3A_731, %broadcast_in_dim3A_725 : vector<16xi1>, vector<16xi32>
    %broadcast_in_dim3A_733 = vector.shape_cast %select_n3A_732 : vector<16xi32> to vector<16x1xi32>
    %gather3A_734 = vector.shape_cast %broadcast_in_dim3A_733 : vector<16x1xi32> to vector<16xi32>
    %gather3A_735 = tpu.dynamic_gather %get3A_663[%gather3A_734] in [0] : vector<16xi32>, vector<16xi32> -> vector<16xi32>
    %eq3A_736 = arith.cmpi eq, %get3A_663, %gather3A_735 : vector<16xi32>
    %convert_element_type3A_737 = arith.extui %eq3A_736 : vector<16xi1> to vector<16xi32>
    %gt3A_738 = arith.constant 3 : i32
    %gt3A_739 = vector.broadcast %gt3A_738 : i32 to vector<16xi32>
    %gt3A_740 = arith.cmpi sgt, %iota3A, %gt3A_739 : vector<16xi32>
    %select_n3A_741 = arith.select %gt3A_740, %convert_element_type3A_737, %broadcast_in_dim3A_0 : vector<16xi1>, vector<16xi32>
    %add3A_742 = arith.addi %add3A_722, %select_n3A_741 : vector<16xi32>
    %add3A_743 = arith.addi %add3A_723, %convert_element_type3A_737 : vector<16xi32>
    %broadcast_in_dim3A_744 = arith.constant 4 : i32
    %broadcast_in_dim3A_745 = vector.broadcast %broadcast_in_dim3A_744 : i32 to vector<16xi32>
    %lt3A_746 = arith.constant 0 : i32
    %lt3A_747 = vector.broadcast %lt3A_746 : i32 to vector<16xi32>
    %lt3A_748 = arith.cmpi slt, %broadcast_in_dim3A_745, %lt3A_747 : vector<16xi32>
    %add3A_749 = arith.constant 16 : i32
    %add3A_750 = vector.broadcast %add3A_749 : i32 to vector<16xi32>
    %add3A_751 = arith.addi %broadcast_in_dim3A_745, %add3A_750 : vector<16xi32>
    %select_n3A_752 = arith.select %lt3A_748, %add3A_751, %broadcast_in_dim3A_745 : vector<16xi1>, vector<16xi32>
    %broadcast_in_dim3A_753 = vector.shape_cast %select_n3A_752 : vector<16xi32> to vector<16x1xi32>
    %gather3A_754 = vector.shape_cast %broadcast_in_dim3A_753 : vector<16x1xi32> to vector<16xi32>
    %gather3A_755 = tpu.dynamic_gather %get3A_663[%gather3A_754] in [0] : vector<16xi32>, vector<16xi32> -> vector<16xi32>
    %eq3A_756 = arith.cmpi eq, %get3A_663, %gather3A_755 : vector<16xi32>
    %convert_element_type3A_757 = arith.extui %eq3A_756 : vector<16xi1> to vector<16xi32>
    %gt3A_758 = arith.constant 4 : i32
    %gt3A_759 = vector.broadcast %gt3A_758 : i32 to vector<16xi32>
    %gt3A_760 = arith.cmpi sgt, %iota3A, %gt3A_759 : vector<16xi32>
    %select_n3A_761 = arith.select %gt3A_760, %convert_element_type3A_757, %broadcast_in_dim3A_0 : vector<16xi1>, vector<16xi32>
    %add3A_762 = arith.addi %add3A_742, %select_n3A_761 : vector<16xi32>
    %add3A_763 = arith.addi %add3A_743, %convert_element_type3A_757 : vector<16xi32>
    %broadcast_in_dim3A_764 = arith.constant 5 : i32
    %broadcast_in_dim3A_765 = vector.broadcast %broadcast_in_dim3A_764 : i32 to vector<16xi32>
    %lt3A_766 = arith.constant 0 : i32
    %lt3A_767 = vector.broadcast %lt3A_766 : i32 to vector<16xi32>
    %lt3A_768 = arith.cmpi slt, %broadcast_in_dim3A_765, %lt3A_767 : vector<16xi32>
    %add3A_769 = arith.constant 16 : i32
    %add3A_770 = vector.broadcast %add3A_769 : i32 to vector<16xi32>
    %add3A_771 = arith.addi %broadcast_in_dim3A_765, %add3A_770 : vector<16xi32>
    %select_n3A_772 = arith.select %lt3A_768, %add3A_771, %broadcast_in_dim3A_765 : vector<16xi1>, vector<16xi32>
    %broadcast_in_dim3A_773 = vector.shape_cast %select_n3A_772 : vector<16xi32> to vector<16x1xi32>
    %gather3A_774 = vector.shape_cast %broadcast_in_dim3A_773 : vector<16x1xi32> to vector<16xi32>
    %gather3A_775 = tpu.dynamic_gather %get3A_663[%gather3A_774] in [0] : vector<16xi32>, vector<16xi32> -> vector<16xi32>
    %eq3A_776 = arith.cmpi eq, %get3A_663, %gather3A_775 : vector<16xi32>
    %convert_element_type3A_777 = arith.extui %eq3A_776 : vector<16xi1> to vector<16xi32>
    %gt3A_778 = arith.constant 5 : i32
    %gt3A_779 = vector.broadcast %gt3A_778 : i32 to vector<16xi32>
    %gt3A_780 = arith.cmpi sgt, %iota3A, %gt3A_779 : vector<16xi32>
    %select_n3A_781 = arith.select %gt3A_780, %convert_element_type3A_777, %broadcast_in_dim3A_0 : vector<16xi1>, vector<16xi32>
    %add3A_782 = arith.addi %add3A_762, %select_n3A_781 : vector<16xi32>
    %add3A_783 = arith.addi %add3A_763, %convert_element_type3A_777 : vector<16xi32>
    %broadcast_in_dim3A_784 = arith.constant 6 : i32
    %broadcast_in_dim3A_785 = vector.broadcast %broadcast_in_dim3A_784 : i32 to vector<16xi32>
    %lt3A_786 = arith.constant 0 : i32
    %lt3A_787 = vector.broadcast %lt3A_786 : i32 to vector<16xi32>
    %lt3A_788 = arith.cmpi slt, %broadcast_in_dim3A_785, %lt3A_787 : vector<16xi32>
    %add3A_789 = arith.constant 16 : i32
    %add3A_790 = vector.broadcast %add3A_789 : i32 to vector<16xi32>
    %add3A_791 = arith.addi %broadcast_in_dim3A_785, %add3A_790 : vector<16xi32>
    %select_n3A_792 = arith.select %lt3A_788, %add3A_791, %broadcast_in_dim3A_785 : vector<16xi1>, vector<16xi32>
    %broadcast_in_dim3A_793 = vector.shape_cast %select_n3A_792 : vector<16xi32> to vector<16x1xi32>
    %gather3A_794 = vector.shape_cast %broadcast_in_dim3A_793 : vector<16x1xi32> to vector<16xi32>
    %gather3A_795 = tpu.dynamic_gather %get3A_663[%gather3A_794] in [0] : vector<16xi32>, vector<16xi32> -> vector<16xi32>
    %eq3A_796 = arith.cmpi eq, %get3A_663, %gather3A_795 : vector<16xi32>
    %convert_element_type3A_797 = arith.extui %eq3A_796 : vector<16xi1> to vector<16xi32>
    %gt3A_798 = arith.constant 6 : i32
    %gt3A_799 = vector.broadcast %gt3A_798 : i32 to vector<16xi32>
    %gt3A_800 = arith.cmpi sgt, %iota3A, %gt3A_799 : vector<16xi32>
    %select_n3A_801 = arith.select %gt3A_800, %convert_element_type3A_797, %broadcast_in_dim3A_0 : vector<16xi1>, vector<16xi32>
    %add3A_802 = arith.addi %add3A_782, %select_n3A_801 : vector<16xi32>
    %add3A_803 = arith.addi %add3A_783, %convert_element_type3A_797 : vector<16xi32>
    %broadcast_in_dim3A_804 = arith.constant 7 : i32
    %broadcast_in_dim3A_805 = vector.broadcast %broadcast_in_dim3A_804 : i32 to vector<16xi32>
    %lt3A_806 = arith.constant 0 : i32
    %lt3A_807 = vector.broadcast %lt3A_806 : i32 to vector<16xi32>
    %lt3A_808 = arith.cmpi slt, %broadcast_in_dim3A_805, %lt3A_807 : vector<16xi32>
    %add3A_809 = arith.constant 16 : i32
    %add3A_810 = vector.broadcast %add3A_809 : i32 to vector<16xi32>
    %add3A_811 = arith.addi %broadcast_in_dim3A_805, %add3A_810 : vector<16xi32>
    %select_n3A_812 = arith.select %lt3A_808, %add3A_811, %broadcast_in_dim3A_805 : vector<16xi1>, vector<16xi32>
    %broadcast_in_dim3A_813 = vector.shape_cast %select_n3A_812 : vector<16xi32> to vector<16x1xi32>
    %gather3A_814 = vector.shape_cast %broadcast_in_dim3A_813 : vector<16x1xi32> to vector<16xi32>
    %gather3A_815 = tpu.dynamic_gather %get3A_663[%gather3A_814] in [0] : vector<16xi32>, vector<16xi32> -> vector<16xi32>
    %eq3A_816 = arith.cmpi eq, %get3A_663, %gather3A_815 : vector<16xi32>
    %convert_element_type3A_817 = arith.extui %eq3A_816 : vector<16xi1> to vector<16xi32>
    %gt3A_818 = arith.constant 7 : i32
    %gt3A_819 = vector.broadcast %gt3A_818 : i32 to vector<16xi32>
    %gt3A_820 = arith.cmpi sgt, %iota3A, %gt3A_819 : vector<16xi32>
    %select_n3A_821 = arith.select %gt3A_820, %convert_element_type3A_817, %broadcast_in_dim3A_0 : vector<16xi1>, vector<16xi32>
    %add3A_822 = arith.addi %add3A_802, %select_n3A_821 : vector<16xi32>
    %add3A_823 = arith.addi %add3A_803, %convert_element_type3A_817 : vector<16xi32>
    %broadcast_in_dim3A_824 = arith.constant 8 : i32
    %broadcast_in_dim3A_825 = vector.broadcast %broadcast_in_dim3A_824 : i32 to vector<16xi32>
    %lt3A_826 = arith.constant 0 : i32
    %lt3A_827 = vector.broadcast %lt3A_826 : i32 to vector<16xi32>
    %lt3A_828 = arith.cmpi slt, %broadcast_in_dim3A_825, %lt3A_827 : vector<16xi32>
    %add3A_829 = arith.constant 16 : i32
    %add3A_830 = vector.broadcast %add3A_829 : i32 to vector<16xi32>
    %add3A_831 = arith.addi %broadcast_in_dim3A_825, %add3A_830 : vector<16xi32>
    %select_n3A_832 = arith.select %lt3A_828, %add3A_831, %broadcast_in_dim3A_825 : vector<16xi1>, vector<16xi32>
    %broadcast_in_dim3A_833 = vector.shape_cast %select_n3A_832 : vector<16xi32> to vector<16x1xi32>
    %gather3A_834 = vector.shape_cast %broadcast_in_dim3A_833 : vector<16x1xi32> to vector<16xi32>
    %gather3A_835 = tpu.dynamic_gather %get3A_663[%gather3A_834] in [0] : vector<16xi32>, vector<16xi32> -> vector<16xi32>
    %eq3A_836 = arith.cmpi eq, %get3A_663, %gather3A_835 : vector<16xi32>
    %convert_element_type3A_837 = arith.extui %eq3A_836 : vector<16xi1> to vector<16xi32>
    %gt3A_838 = arith.constant 8 : i32
    %gt3A_839 = vector.broadcast %gt3A_838 : i32 to vector<16xi32>
    %gt3A_840 = arith.cmpi sgt, %iota3A, %gt3A_839 : vector<16xi32>
    %select_n3A_841 = arith.select %gt3A_840, %convert_element_type3A_837, %broadcast_in_dim3A_0 : vector<16xi1>, vector<16xi32>
    %add3A_842 = arith.addi %add3A_822, %select_n3A_841 : vector<16xi32>
    %add3A_843 = arith.addi %add3A_823, %convert_element_type3A_837 : vector<16xi32>
    %broadcast_in_dim3A_844 = arith.constant 9 : i32
    %broadcast_in_dim3A_845 = vector.broadcast %broadcast_in_dim3A_844 : i32 to vector<16xi32>
    %lt3A_846 = arith.constant 0 : i32
    %lt3A_847 = vector.broadcast %lt3A_846 : i32 to vector<16xi32>
    %lt3A_848 = arith.cmpi slt, %broadcast_in_dim3A_845, %lt3A_847 : vector<16xi32>
    %add3A_849 = arith.constant 16 : i32
    %add3A_850 = vector.broadcast %add3A_849 : i32 to vector<16xi32>
    %add3A_851 = arith.addi %broadcast_in_dim3A_845, %add3A_850 : vector<16xi32>
    %select_n3A_852 = arith.select %lt3A_848, %add3A_851, %broadcast_in_dim3A_845 : vector<16xi1>, vector<16xi32>
    %broadcast_in_dim3A_853 = vector.shape_cast %select_n3A_852 : vector<16xi32> to vector<16x1xi32>
    %gather3A_854 = vector.shape_cast %broadcast_in_dim3A_853 : vector<16x1xi32> to vector<16xi32>
    %gather3A_855 = tpu.dynamic_gather %get3A_663[%gather3A_854] in [0] : vector<16xi32>, vector<16xi32> -> vector<16xi32>
    %eq3A_856 = arith.cmpi eq, %get3A_663, %gather3A_855 : vector<16xi32>
    %convert_element_type3A_857 = arith.extui %eq3A_856 : vector<16xi1> to vector<16xi32>
    %gt3A_858 = arith.constant 9 : i32
    %gt3A_859 = vector.broadcast %gt3A_858 : i32 to vector<16xi32>
    %gt3A_860 = arith.cmpi sgt, %iota3A, %gt3A_859 : vector<16xi32>
    %select_n3A_861 = arith.select %gt3A_860, %convert_element_type3A_857, %broadcast_in_dim3A_0 : vector<16xi1>, vector<16xi32>
    %add3A_862 = arith.addi %add3A_842, %select_n3A_861 : vector<16xi32>
    %add3A_863 = arith.addi %add3A_843, %convert_element_type3A_857 : vector<16xi32>
    %broadcast_in_dim3A_864 = arith.constant 10 : i32
    %broadcast_in_dim3A_865 = vector.broadcast %broadcast_in_dim3A_864 : i32 to vector<16xi32>
    %lt3A_866 = arith.constant 0 : i32
    %lt3A_867 = vector.broadcast %lt3A_866 : i32 to vector<16xi32>
    %lt3A_868 = arith.cmpi slt, %broadcast_in_dim3A_865, %lt3A_867 : vector<16xi32>
    %add3A_869 = arith.constant 16 : i32
    %add3A_870 = vector.broadcast %add3A_869 : i32 to vector<16xi32>
    %add3A_871 = arith.addi %broadcast_in_dim3A_865, %add3A_870 : vector<16xi32>
    %select_n3A_872 = arith.select %lt3A_868, %add3A_871, %broadcast_in_dim3A_865 : vector<16xi1>, vector<16xi32>
    %broadcast_in_dim3A_873 = vector.shape_cast %select_n3A_872 : vector<16xi32> to vector<16x1xi32>
    %gather3A_874 = vector.shape_cast %broadcast_in_dim3A_873 : vector<16x1xi32> to vector<16xi32>
    %gather3A_875 = tpu.dynamic_gather %get3A_663[%gather3A_874] in [0] : vector<16xi32>, vector<16xi32> -> vector<16xi32>
    %eq3A_876 = arith.cmpi eq, %get3A_663, %gather3A_875 : vector<16xi32>
    %convert_element_type3A_877 = arith.extui %eq3A_876 : vector<16xi1> to vector<16xi32>
    %gt3A_878 = arith.constant 10 : i32
    %gt3A_879 = vector.broadcast %gt3A_878 : i32 to vector<16xi32>
    %gt3A_880 = arith.cmpi sgt, %iota3A, %gt3A_879 : vector<16xi32>
    %select_n3A_881 = arith.select %gt3A_880, %convert_element_type3A_877, %broadcast_in_dim3A_0 : vector<16xi1>, vector<16xi32>
    %add3A_882 = arith.addi %add3A_862, %select_n3A_881 : vector<16xi32>
    %add3A_883 = arith.addi %add3A_863, %convert_element_type3A_877 : vector<16xi32>
    %broadcast_in_dim3A_884 = arith.constant 11 : i32
    %broadcast_in_dim3A_885 = vector.broadcast %broadcast_in_dim3A_884 : i32 to vector<16xi32>
    %lt3A_886 = arith.constant 0 : i32
    %lt3A_887 = vector.broadcast %lt3A_886 : i32 to vector<16xi32>
    %lt3A_888 = arith.cmpi slt, %broadcast_in_dim3A_885, %lt3A_887 : vector<16xi32>
    %add3A_889 = arith.constant 16 : i32
    %add3A_890 = vector.broadcast %add3A_889 : i32 to vector<16xi32>
    %add3A_891 = arith.addi %broadcast_in_dim3A_885, %add3A_890 : vector<16xi32>
    %select_n3A_892 = arith.select %lt3A_888, %add3A_891, %broadcast_in_dim3A_885 : vector<16xi1>, vector<16xi32>
    %broadcast_in_dim3A_893 = vector.shape_cast %select_n3A_892 : vector<16xi32> to vector<16x1xi32>
    %gather3A_894 = vector.shape_cast %broadcast_in_dim3A_893 : vector<16x1xi32> to vector<16xi32>
    %gather3A_895 = tpu.dynamic_gather %get3A_663[%gather3A_894] in [0] : vector<16xi32>, vector<16xi32> -> vector<16xi32>
    %eq3A_896 = arith.cmpi eq, %get3A_663, %gather3A_895 : vector<16xi32>
    %convert_element_type3A_897 = arith.extui %eq3A_896 : vector<16xi1> to vector<16xi32>
    %gt3A_898 = arith.constant 11 : i32
    %gt3A_899 = vector.broadcast %gt3A_898 : i32 to vector<16xi32>
    %gt3A_900 = arith.cmpi sgt, %iota3A, %gt3A_899 : vector<16xi32>
    %select_n3A_901 = arith.select %gt3A_900, %convert_element_type3A_897, %broadcast_in_dim3A_0 : vector<16xi1>, vector<16xi32>
    %add3A_902 = arith.addi %add3A_882, %select_n3A_901 : vector<16xi32>
    %add3A_903 = arith.addi %add3A_883, %convert_element_type3A_897 : vector<16xi32>
    %broadcast_in_dim3A_904 = arith.constant 12 : i32
    %broadcast_in_dim3A_905 = vector.broadcast %broadcast_in_dim3A_904 : i32 to vector<16xi32>
    %lt3A_906 = arith.constant 0 : i32
    %lt3A_907 = vector.broadcast %lt3A_906 : i32 to vector<16xi32>
    %lt3A_908 = arith.cmpi slt, %broadcast_in_dim3A_905, %lt3A_907 : vector<16xi32>
    %add3A_909 = arith.constant 16 : i32
    %add3A_910 = vector.broadcast %add3A_909 : i32 to vector<16xi32>
    %add3A_911 = arith.addi %broadcast_in_dim3A_905, %add3A_910 : vector<16xi32>
    %select_n3A_912 = arith.select %lt3A_908, %add3A_911, %broadcast_in_dim3A_905 : vector<16xi1>, vector<16xi32>
    %broadcast_in_dim3A_913 = vector.shape_cast %select_n3A_912 : vector<16xi32> to vector<16x1xi32>
    %gather3A_914 = vector.shape_cast %broadcast_in_dim3A_913 : vector<16x1xi32> to vector<16xi32>
    %gather3A_915 = tpu.dynamic_gather %get3A_663[%gather3A_914] in [0] : vector<16xi32>, vector<16xi32> -> vector<16xi32>
    %eq3A_916 = arith.cmpi eq, %get3A_663, %gather3A_915 : vector<16xi32>
    %convert_element_type3A_917 = arith.extui %eq3A_916 : vector<16xi1> to vector<16xi32>
    %gt3A_918 = arith.constant 12 : i32
    %gt3A_919 = vector.broadcast %gt3A_918 : i32 to vector<16xi32>
    %gt3A_920 = arith.cmpi sgt, %iota3A, %gt3A_919 : vector<16xi32>
    %select_n3A_921 = arith.select %gt3A_920, %convert_element_type3A_917, %broadcast_in_dim3A_0 : vector<16xi1>, vector<16xi32>
    %add3A_922 = arith.addi %add3A_902, %select_n3A_921 : vector<16xi32>
    %add3A_923 = arith.addi %add3A_903, %convert_element_type3A_917 : vector<16xi32>
    %broadcast_in_dim3A_924 = arith.constant 13 : i32
    %broadcast_in_dim3A_925 = vector.broadcast %broadcast_in_dim3A_924 : i32 to vector<16xi32>
    %lt3A_926 = arith.constant 0 : i32
    %lt3A_927 = vector.broadcast %lt3A_926 : i32 to vector<16xi32>
    %lt3A_928 = arith.cmpi slt, %broadcast_in_dim3A_925, %lt3A_927 : vector<16xi32>
    %add3A_929 = arith.constant 16 : i32
    %add3A_930 = vector.broadcast %add3A_929 : i32 to vector<16xi32>
    %add3A_931 = arith.addi %broadcast_in_dim3A_925, %add3A_930 : vector<16xi32>
    %select_n3A_932 = arith.select %lt3A_928, %add3A_931, %broadcast_in_dim3A_925 : vector<16xi1>, vector<16xi32>
    %broadcast_in_dim3A_933 = vector.shape_cast %select_n3A_932 : vector<16xi32> to vector<16x1xi32>
    %gather3A_934 = vector.shape_cast %broadcast_in_dim3A_933 : vector<16x1xi32> to vector<16xi32>
    %gather3A_935 = tpu.dynamic_gather %get3A_663[%gather3A_934] in [0] : vector<16xi32>, vector<16xi32> -> vector<16xi32>
    %eq3A_936 = arith.cmpi eq, %get3A_663, %gather3A_935 : vector<16xi32>
    %convert_element_type3A_937 = arith.extui %eq3A_936 : vector<16xi1> to vector<16xi32>
    %gt3A_938 = arith.constant 13 : i32
    %gt3A_939 = vector.broadcast %gt3A_938 : i32 to vector<16xi32>
    %gt3A_940 = arith.cmpi sgt, %iota3A, %gt3A_939 : vector<16xi32>
    %select_n3A_941 = arith.select %gt3A_940, %convert_element_type3A_937, %broadcast_in_dim3A_0 : vector<16xi1>, vector<16xi32>
    %add3A_942 = arith.addi %add3A_922, %select_n3A_941 : vector<16xi32>
    %add3A_943 = arith.addi %add3A_923, %convert_element_type3A_937 : vector<16xi32>
    %broadcast_in_dim3A_944 = arith.constant 14 : i32
    %broadcast_in_dim3A_945 = vector.broadcast %broadcast_in_dim3A_944 : i32 to vector<16xi32>
    %lt3A_946 = arith.constant 0 : i32
    %lt3A_947 = vector.broadcast %lt3A_946 : i32 to vector<16xi32>
    %lt3A_948 = arith.cmpi slt, %broadcast_in_dim3A_945, %lt3A_947 : vector<16xi32>
    %add3A_949 = arith.constant 16 : i32
    %add3A_950 = vector.broadcast %add3A_949 : i32 to vector<16xi32>
    %add3A_951 = arith.addi %broadcast_in_dim3A_945, %add3A_950 : vector<16xi32>
    %select_n3A_952 = arith.select %lt3A_948, %add3A_951, %broadcast_in_dim3A_945 : vector<16xi1>, vector<16xi32>
    %broadcast_in_dim3A_953 = vector.shape_cast %select_n3A_952 : vector<16xi32> to vector<16x1xi32>
    %gather3A_954 = vector.shape_cast %broadcast_in_dim3A_953 : vector<16x1xi32> to vector<16xi32>
    %gather3A_955 = tpu.dynamic_gather %get3A_663[%gather3A_954] in [0] : vector<16xi32>, vector<16xi32> -> vector<16xi32>
    %eq3A_956 = arith.cmpi eq, %get3A_663, %gather3A_955 : vector<16xi32>
    %convert_element_type3A_957 = arith.extui %eq3A_956 : vector<16xi1> to vector<16xi32>
    %gt3A_958 = arith.constant 14 : i32
    %gt3A_959 = vector.broadcast %gt3A_958 : i32 to vector<16xi32>
    %gt3A_960 = arith.cmpi sgt, %iota3A, %gt3A_959 : vector<16xi32>
    %select_n3A_961 = arith.select %gt3A_960, %convert_element_type3A_957, %broadcast_in_dim3A_0 : vector<16xi1>, vector<16xi32>
    %add3A_962 = arith.addi %add3A_942, %select_n3A_961 : vector<16xi32>
    %add3A_963 = arith.addi %add3A_943, %convert_element_type3A_957 : vector<16xi32>
    %broadcast_in_dim3A_964 = arith.constant 15 : i32
    %broadcast_in_dim3A_965 = vector.broadcast %broadcast_in_dim3A_964 : i32 to vector<16xi32>
    %lt3A_966 = arith.constant 0 : i32
    %lt3A_967 = vector.broadcast %lt3A_966 : i32 to vector<16xi32>
    %lt3A_968 = arith.cmpi slt, %broadcast_in_dim3A_965, %lt3A_967 : vector<16xi32>
    %add3A_969 = arith.constant 16 : i32
    %add3A_970 = vector.broadcast %add3A_969 : i32 to vector<16xi32>
    %add3A_971 = arith.addi %broadcast_in_dim3A_965, %add3A_970 : vector<16xi32>
    %select_n3A_972 = arith.select %lt3A_968, %add3A_971, %broadcast_in_dim3A_965 : vector<16xi1>, vector<16xi32>
    %broadcast_in_dim3A_973 = vector.shape_cast %select_n3A_972 : vector<16xi32> to vector<16x1xi32>
    %gather3A_974 = vector.shape_cast %broadcast_in_dim3A_973 : vector<16x1xi32> to vector<16xi32>
    %gather3A_975 = tpu.dynamic_gather %get3A_663[%gather3A_974] in [0] : vector<16xi32>, vector<16xi32> -> vector<16xi32>
    %eq3A_976 = arith.cmpi eq, %get3A_663, %gather3A_975 : vector<16xi32>
    %convert_element_type3A_977 = arith.extui %eq3A_976 : vector<16xi1> to vector<16xi32>
    %gt3A_978 = arith.constant 15 : i32
    %gt3A_979 = vector.broadcast %gt3A_978 : i32 to vector<16xi32>
    %gt3A_980 = arith.cmpi sgt, %iota3A, %gt3A_979 : vector<16xi32>
    %select_n3A_981 = arith.select %gt3A_980, %convert_element_type3A_977, %broadcast_in_dim3A_0 : vector<16xi1>, vector<16xi32>
    %add3A_982 = arith.addi %add3A_962, %select_n3A_981 : vector<16xi32>
    %add3A_983 = arith.addi %add3A_963, %convert_element_type3A_977 : vector<16xi32>
    %gather3A_984 = tpu.vector_load_idx %arg10[%get3A_663] : memref<64xi32, #tpu.memory_space<vmem>>[vector<16xi32>], vector<16xi32>,
    %add3A_985 = arith.addi %gather3A_984, %add3A_982 : vector<16xi32>
    %swap3A_986 = arith.constant 32 : index
    %swap3A_987 = tpu.vector_load %arg9[%swap3A_986] {strides = array<i32>} : memref<128xi32, #tpu.memory_space<vmem>>, vector<16xi32>,
    tpu.vector_store %arg9[%swap3A_986], %add3A_985 {strides = array<i32>} : memref<128xi32, #tpu.memory_space<vmem>>, vector<16xi32>,
    %add3A_988 = arith.addi %gather3A_984, %add3A_983 : vector<16xi32>
    %sub3A_989 = arith.constant 1 : i32
    %sub3A_990 = vector.broadcast %sub3A_989 : i32 to vector<16xi32>
    %sub3A_991 = arith.subi %add3A_983, %sub3A_990 : vector<16xi32>
    %eq3A_992 = arith.cmpi eq, %add3A_982, %sub3A_991 : vector<16xi32>
    tpu.vector_store_idx %arg10[%get3A_663], %add3A_988 masked %eq3A_992 : memref<64xi32, #tpu.memory_space<vmem>>[vector<16xi32>], vector<16xi32>, vector<16xi1>
    %get3A_993 = arith.constant 48 : index
    %get3A_994 = tpu.vector_load %arg8[%get3A_993] {strides = array<i32>} : memref<128xi32, #tpu.memory_space<vmem>>, vector<16xi32>,
    %broadcast_in_dim3A_995 = arith.constant 0 : i32
    %broadcast_in_dim3A_996 = vector.broadcast %broadcast_in_dim3A_995 : i32 to vector<16xi32>
    %lt3A_997 = arith.constant 0 : i32
    %lt3A_998 = vector.broadcast %lt3A_997 : i32 to vector<16xi32>
    %lt3A_999 = arith.cmpi slt, %broadcast_in_dim3A_996, %lt3A_998 : vector<16xi32>
    %add3A_1000 = arith.constant 16 : i32
    %add3A_1001 = vector.broadcast %add3A_1000 : i32 to vector<16xi32>
    %add3A_1002 = arith.addi %broadcast_in_dim3A_996, %add3A_1001 : vector<16xi32>
    %select_n3A_1003 = arith.select %lt3A_999, %add3A_1002, %broadcast_in_dim3A_996 : vector<16xi1>, vector<16xi32>
    %broadcast_in_dim3A_1004 = vector.shape_cast %select_n3A_1003 : vector<16xi32> to vector<16x1xi32>
    %gather3A_1005 = vector.shape_cast %broadcast_in_dim3A_1004 : vector<16x1xi32> to vector<16xi32>
    %gather3A_1006 = tpu.dynamic_gather %get3A_994[%gather3A_1005] in [0] : vector<16xi32>, vector<16xi32> -> vector<16xi32>
    %eq3A_1007 = arith.cmpi eq, %get3A_994, %gather3A_1006 : vector<16xi32>
    %convert_element_type3A_1008 = arith.extui %eq3A_1007 : vector<16xi1> to vector<16xi32>
    %gt3A_1009 = arith.constant 0 : i32
    %gt3A_1010 = vector.broadcast %gt3A_1009 : i32 to vector<16xi32>
    %gt3A_1011 = arith.cmpi sgt, %iota3A, %gt3A_1010 : vector<16xi32>
    %select_n3A_1012 = arith.select %gt3A_1011, %convert_element_type3A_1008, %broadcast_in_dim3A_0 : vector<16xi1>, vector<16xi32>
    %add3A_1013 = arith.addi %broadcast_in_dim3A_0, %select_n3A_1012 : vector<16xi32>
    %add3A_1014 = arith.addi %broadcast_in_dim3A_0, %convert_element_type3A_1008 : vector<16xi32>
    %broadcast_in_dim3A_1015 = arith.constant 1 : i32
    %broadcast_in_dim3A_1016 = vector.broadcast %broadcast_in_dim3A_1015 : i32 to vector<16xi32>
    %lt3A_1017 = arith.constant 0 : i32
    %lt3A_1018 = vector.broadcast %lt3A_1017 : i32 to vector<16xi32>
    %lt3A_1019 = arith.cmpi slt, %broadcast_in_dim3A_1016, %lt3A_1018 : vector<16xi32>
    %add3A_1020 = arith.constant 16 : i32
    %add3A_1021 = vector.broadcast %add3A_1020 : i32 to vector<16xi32>
    %add3A_1022 = arith.addi %broadcast_in_dim3A_1016, %add3A_1021 : vector<16xi32>
    %select_n3A_1023 = arith.select %lt3A_1019, %add3A_1022, %broadcast_in_dim3A_1016 : vector<16xi1>, vector<16xi32>
    %broadcast_in_dim3A_1024 = vector.shape_cast %select_n3A_1023 : vector<16xi32> to vector<16x1xi32>
    %gather3A_1025 = vector.shape_cast %broadcast_in_dim3A_1024 : vector<16x1xi32> to vector<16xi32>
    %gather3A_1026 = tpu.dynamic_gather %get3A_994[%gather3A_1025] in [0] : vector<16xi32>, vector<16xi32> -> vector<16xi32>
    %eq3A_1027 = arith.cmpi eq, %get3A_994, %gather3A_1026 : vector<16xi32>
    %convert_element_type3A_1028 = arith.extui %eq3A_1027 : vector<16xi1> to vector<16xi32>
    %gt3A_1029 = arith.constant 1 : i32
    %gt3A_1030 = vector.broadcast %gt3A_1029 : i32 to vector<16xi32>
    %gt3A_1031 = arith.cmpi sgt, %iota3A, %gt3A_1030 : vector<16xi32>
    %select_n3A_1032 = arith.select %gt3A_1031, %convert_element_type3A_1028, %broadcast_in_dim3A_0 : vector<16xi1>, vector<16xi32>
    %add3A_1033 = arith.addi %add3A_1013, %select_n3A_1032 : vector<16xi32>
    %add3A_1034 = arith.addi %add3A_1014, %convert_element_type3A_1028 : vector<16xi32>
    %broadcast_in_dim3A_1035 = arith.constant 2 : i32
    %broadcast_in_dim3A_1036 = vector.broadcast %broadcast_in_dim3A_1035 : i32 to vector<16xi32>
    %lt3A_1037 = arith.constant 0 : i32
    %lt3A_1038 = vector.broadcast %lt3A_1037 : i32 to vector<16xi32>
    %lt3A_1039 = arith.cmpi slt, %broadcast_in_dim3A_1036, %lt3A_1038 : vector<16xi32>
    %add3A_1040 = arith.constant 16 : i32
    %add3A_1041 = vector.broadcast %add3A_1040 : i32 to vector<16xi32>
    %add3A_1042 = arith.addi %broadcast_in_dim3A_1036, %add3A_1041 : vector<16xi32>
    %select_n3A_1043 = arith.select %lt3A_1039, %add3A_1042, %broadcast_in_dim3A_1036 : vector<16xi1>, vector<16xi32>
    %broadcast_in_dim3A_1044 = vector.shape_cast %select_n3A_1043 : vector<16xi32> to vector<16x1xi32>
    %gather3A_1045 = vector.shape_cast %broadcast_in_dim3A_1044 : vector<16x1xi32> to vector<16xi32>
    %gather3A_1046 = tpu.dynamic_gather %get3A_994[%gather3A_1045] in [0] : vector<16xi32>, vector<16xi32> -> vector<16xi32>
    %eq3A_1047 = arith.cmpi eq, %get3A_994, %gather3A_1046 : vector<16xi32>
    %convert_element_type3A_1048 = arith.extui %eq3A_1047 : vector<16xi1> to vector<16xi32>
    %gt3A_1049 = arith.constant 2 : i32
    %gt3A_1050 = vector.broadcast %gt3A_1049 : i32 to vector<16xi32>
    %gt3A_1051 = arith.cmpi sgt, %iota3A, %gt3A_1050 : vector<16xi32>
    %select_n3A_1052 = arith.select %gt3A_1051, %convert_element_type3A_1048, %broadcast_in_dim3A_0 : vector<16xi1>, vector<16xi32>
    %add3A_1053 = arith.addi %add3A_1033, %select_n3A_1052 : vector<16xi32>
    %add3A_1054 = arith.addi %add3A_1034, %convert_element_type3A_1048 : vector<16xi32>
    %broadcast_in_dim3A_1055 = arith.constant 3 : i32
    %broadcast_in_dim3A_1056 = vector.broadcast %broadcast_in_dim3A_1055 : i32 to vector<16xi32>
    %lt3A_1057 = arith.constant 0 : i32
    %lt3A_1058 = vector.broadcast %lt3A_1057 : i32 to vector<16xi32>
    %lt3A_1059 = arith.cmpi slt, %broadcast_in_dim3A_1056, %lt3A_1058 : vector<16xi32>
    %add3A_1060 = arith.constant 16 : i32
    %add3A_1061 = vector.broadcast %add3A_1060 : i32 to vector<16xi32>
    %add3A_1062 = arith.addi %broadcast_in_dim3A_1056, %add3A_1061 : vector<16xi32>
    %select_n3A_1063 = arith.select %lt3A_1059, %add3A_1062, %broadcast_in_dim3A_1056 : vector<16xi1>, vector<16xi32>
    %broadcast_in_dim3A_1064 = vector.shape_cast %select_n3A_1063 : vector<16xi32> to vector<16x1xi32>
    %gather3A_1065 = vector.shape_cast %broadcast_in_dim3A_1064 : vector<16x1xi32> to vector<16xi32>
    %gather3A_1066 = tpu.dynamic_gather %get3A_994[%gather3A_1065] in [0] : vector<16xi32>, vector<16xi32> -> vector<16xi32>
    %eq3A_1067 = arith.cmpi eq, %get3A_994, %gather3A_1066 : vector<16xi32>
    %convert_element_type3A_1068 = arith.extui %eq3A_1067 : vector<16xi1> to vector<16xi32>
    %gt3A_1069 = arith.constant 3 : i32
    %gt3A_1070 = vector.broadcast %gt3A_1069 : i32 to vector<16xi32>
    %gt3A_1071 = arith.cmpi sgt, %iota3A, %gt3A_1070 : vector<16xi32>
    %select_n3A_1072 = arith.select %gt3A_1071, %convert_element_type3A_1068, %broadcast_in_dim3A_0 : vector<16xi1>, vector<16xi32>
    %add3A_1073 = arith.addi %add3A_1053, %select_n3A_1072 : vector<16xi32>
    %add3A_1074 = arith.addi %add3A_1054, %convert_element_type3A_1068 : vector<16xi32>
    %broadcast_in_dim3A_1075 = arith.constant 4 : i32
    %broadcast_in_dim3A_1076 = vector.broadcast %broadcast_in_dim3A_1075 : i32 to vector<16xi32>
    %lt3A_1077 = arith.constant 0 : i32
    %lt3A_1078 = vector.broadcast %lt3A_1077 : i32 to vector<16xi32>
    %lt3A_1079 = arith.cmpi slt, %broadcast_in_dim3A_1076, %lt3A_1078 : vector<16xi32>
    %add3A_1080 = arith.constant 16 : i32
    %add3A_1081 = vector.broadcast %add3A_1080 : i32 to vector<16xi32>
    %add3A_1082 = arith.addi %broadcast_in_dim3A_1076, %add3A_1081 : vector<16xi32>
    %select_n3A_1083 = arith.select %lt3A_1079, %add3A_1082, %broadcast_in_dim3A_1076 : vector<16xi1>, vector<16xi32>
    %broadcast_in_dim3A_1084 = vector.shape_cast %select_n3A_1083 : vector<16xi32> to vector<16x1xi32>
    %gather3A_1085 = vector.shape_cast %broadcast_in_dim3A_1084 : vector<16x1xi32> to vector<16xi32>
    %gather3A_1086 = tpu.dynamic_gather %get3A_994[%gather3A_1085] in [0] : vector<16xi32>, vector<16xi32> -> vector<16xi32>
    %eq3A_1087 = arith.cmpi eq, %get3A_994, %gather3A_1086 : vector<16xi32>
    %convert_element_type3A_1088 = arith.extui %eq3A_1087 : vector<16xi1> to vector<16xi32>
    %gt3A_1089 = arith.constant 4 : i32
    %gt3A_1090 = vector.broadcast %gt3A_1089 : i32 to vector<16xi32>
    %gt3A_1091 = arith.cmpi sgt, %iota3A, %gt3A_1090 : vector<16xi32>
    %select_n3A_1092 = arith.select %gt3A_1091, %convert_element_type3A_1088, %broadcast_in_dim3A_0 : vector<16xi1>, vector<16xi32>
    %add3A_1093 = arith.addi %add3A_1073, %select_n3A_1092 : vector<16xi32>
    %add3A_1094 = arith.addi %add3A_1074, %convert_element_type3A_1088 : vector<16xi32>
    %broadcast_in_dim3A_1095 = arith.constant 5 : i32
    %broadcast_in_dim3A_1096 = vector.broadcast %broadcast_in_dim3A_1095 : i32 to vector<16xi32>
    %lt3A_1097 = arith.constant 0 : i32
    %lt3A_1098 = vector.broadcast %lt3A_1097 : i32 to vector<16xi32>
    %lt3A_1099 = arith.cmpi slt, %broadcast_in_dim3A_1096, %lt3A_1098 : vector<16xi32>
    %add3A_1100 = arith.constant 16 : i32
    %add3A_1101 = vector.broadcast %add3A_1100 : i32 to vector<16xi32>
    %add3A_1102 = arith.addi %broadcast_in_dim3A_1096, %add3A_1101 : vector<16xi32>
    %select_n3A_1103 = arith.select %lt3A_1099, %add3A_1102, %broadcast_in_dim3A_1096 : vector<16xi1>, vector<16xi32>
    %broadcast_in_dim3A_1104 = vector.shape_cast %select_n3A_1103 : vector<16xi32> to vector<16x1xi32>
    %gather3A_1105 = vector.shape_cast %broadcast_in_dim3A_1104 : vector<16x1xi32> to vector<16xi32>
    %gather3A_1106 = tpu.dynamic_gather %get3A_994[%gather3A_1105] in [0] : vector<16xi32>, vector<16xi32> -> vector<16xi32>
    %eq3A_1107 = arith.cmpi eq, %get3A_994, %gather3A_1106 : vector<16xi32>
    %convert_element_type3A_1108 = arith.extui %eq3A_1107 : vector<16xi1> to vector<16xi32>
    %gt3A_1109 = arith.constant 5 : i32
    %gt3A_1110 = vector.broadcast %gt3A_1109 : i32 to vector<16xi32>
    %gt3A_1111 = arith.cmpi sgt, %iota3A, %gt3A_1110 : vector<16xi32>
    %select_n3A_1112 = arith.select %gt3A_1111, %convert_element_type3A_1108, %broadcast_in_dim3A_0 : vector<16xi1>, vector<16xi32>
    %add3A_1113 = arith.addi %add3A_1093, %select_n3A_1112 : vector<16xi32>
    %add3A_1114 = arith.addi %add3A_1094, %convert_element_type3A_1108 : vector<16xi32>
    %broadcast_in_dim3A_1115 = arith.constant 6 : i32
    %broadcast_in_dim3A_1116 = vector.broadcast %broadcast_in_dim3A_1115 : i32 to vector<16xi32>
    %lt3A_1117 = arith.constant 0 : i32
    %lt3A_1118 = vector.broadcast %lt3A_1117 : i32 to vector<16xi32>
    %lt3A_1119 = arith.cmpi slt, %broadcast_in_dim3A_1116, %lt3A_1118 : vector<16xi32>
    %add3A_1120 = arith.constant 16 : i32
    %add3A_1121 = vector.broadcast %add3A_1120 : i32 to vector<16xi32>
    %add3A_1122 = arith.addi %broadcast_in_dim3A_1116, %add3A_1121 : vector<16xi32>
    %select_n3A_1123 = arith.select %lt3A_1119, %add3A_1122, %broadcast_in_dim3A_1116 : vector<16xi1>, vector<16xi32>
    %broadcast_in_dim3A_1124 = vector.shape_cast %select_n3A_1123 : vector<16xi32> to vector<16x1xi32>
    %gather3A_1125 = vector.shape_cast %broadcast_in_dim3A_1124 : vector<16x1xi32> to vector<16xi32>
    %gather3A_1126 = tpu.dynamic_gather %get3A_994[%gather3A_1125] in [0] : vector<16xi32>, vector<16xi32> -> vector<16xi32>
    %eq3A_1127 = arith.cmpi eq, %get3A_994, %gather3A_1126 : vector<16xi32>
    %convert_element_type3A_1128 = arith.extui %eq3A_1127 : vector<16xi1> to vector<16xi32>
    %gt3A_1129 = arith.constant 6 : i32
    %gt3A_1130 = vector.broadcast %gt3A_1129 : i32 to vector<16xi32>
    %gt3A_1131 = arith.cmpi sgt, %iota3A, %gt3A_1130 : vector<16xi32>
    %select_n3A_1132 = arith.select %gt3A_1131, %convert_element_type3A_1128, %broadcast_in_dim3A_0 : vector<16xi1>, vector<16xi32>
    %add3A_1133 = arith.addi %add3A_1113, %select_n3A_1132 : vector<16xi32>
    %add3A_1134 = arith.addi %add3A_1114, %convert_element_type3A_1128 : vector<16xi32>
    %broadcast_in_dim3A_1135 = arith.constant 7 : i32
    %broadcast_in_dim3A_1136 = vector.broadcast %broadcast_in_dim3A_1135 : i32 to vector<16xi32>
    %lt3A_1137 = arith.constant 0 : i32
    %lt3A_1138 = vector.broadcast %lt3A_1137 : i32 to vector<16xi32>
    %lt3A_1139 = arith.cmpi slt, %broadcast_in_dim3A_1136, %lt3A_1138 : vector<16xi32>
    %add3A_1140 = arith.constant 16 : i32
    %add3A_1141 = vector.broadcast %add3A_1140 : i32 to vector<16xi32>
    %add3A_1142 = arith.addi %broadcast_in_dim3A_1136, %add3A_1141 : vector<16xi32>
    %select_n3A_1143 = arith.select %lt3A_1139, %add3A_1142, %broadcast_in_dim3A_1136 : vector<16xi1>, vector<16xi32>
    %broadcast_in_dim3A_1144 = vector.shape_cast %select_n3A_1143 : vector<16xi32> to vector<16x1xi32>
    %gather3A_1145 = vector.shape_cast %broadcast_in_dim3A_1144 : vector<16x1xi32> to vector<16xi32>
    %gather3A_1146 = tpu.dynamic_gather %get3A_994[%gather3A_1145] in [0] : vector<16xi32>, vector<16xi32> -> vector<16xi32>
    %eq3A_1147 = arith.cmpi eq, %get3A_994, %gather3A_1146 : vector<16xi32>
    %convert_element_type3A_1148 = arith.extui %eq3A_1147 : vector<16xi1> to vector<16xi32>
    %gt3A_1149 = arith.constant 7 : i32
    %gt3A_1150 = vector.broadcast %gt3A_1149 : i32 to vector<16xi32>
    %gt3A_1151 = arith.cmpi sgt, %iota3A, %gt3A_1150 : vector<16xi32>
    %select_n3A_1152 = arith.select %gt3A_1151, %convert_element_type3A_1148, %broadcast_in_dim3A_0 : vector<16xi1>, vector<16xi32>
    %add3A_1153 = arith.addi %add3A_1133, %select_n3A_1152 : vector<16xi32>
    %add3A_1154 = arith.addi %add3A_1134, %convert_element_type3A_1148 : vector<16xi32>
    %broadcast_in_dim3A_1155 = arith.constant 8 : i32
    %broadcast_in_dim3A_1156 = vector.broadcast %broadcast_in_dim3A_1155 : i32 to vector<16xi32>
    %lt3A_1157 = arith.constant 0 : i32
    %lt3A_1158 = vector.broadcast %lt3A_1157 : i32 to vector<16xi32>
    %lt3A_1159 = arith.cmpi slt, %broadcast_in_dim3A_1156, %lt3A_1158 : vector<16xi32>
    %add3A_1160 = arith.constant 16 : i32
    %add3A_1161 = vector.broadcast %add3A_1160 : i32 to vector<16xi32>
    %add3A_1162 = arith.addi %broadcast_in_dim3A_1156, %add3A_1161 : vector<16xi32>
    %select_n3A_1163 = arith.select %lt3A_1159, %add3A_1162, %broadcast_in_dim3A_1156 : vector<16xi1>, vector<16xi32>
    %broadcast_in_dim3A_1164 = vector.shape_cast %select_n3A_1163 : vector<16xi32> to vector<16x1xi32>
    %gather3A_1165 = vector.shape_cast %broadcast_in_dim3A_1164 : vector<16x1xi32> to vector<16xi32>
    %gather3A_1166 = tpu.dynamic_gather %get3A_994[%gather3A_1165] in [0] : vector<16xi32>, vector<16xi32> -> vector<16xi32>
    %eq3A_1167 = arith.cmpi eq, %get3A_994, %gather3A_1166 : vector<16xi32>
    %convert_element_type3A_1168 = arith.extui %eq3A_1167 : vector<16xi1> to vector<16xi32>
    %gt3A_1169 = arith.constant 8 : i32
    %gt3A_1170 = vector.broadcast %gt3A_1169 : i32 to vector<16xi32>
    %gt3A_1171 = arith.cmpi sgt, %iota3A, %gt3A_1170 : vector<16xi32>
    %select_n3A_1172 = arith.select %gt3A_1171, %convert_element_type3A_1168, %broadcast_in_dim3A_0 : vector<16xi1>, vector<16xi32>
    %add3A_1173 = arith.addi %add3A_1153, %select_n3A_1172 : vector<16xi32>
    %add3A_1174 = arith.addi %add3A_1154, %convert_element_type3A_1168 : vector<16xi32>
    %broadcast_in_dim3A_1175 = arith.constant 9 : i32
    %broadcast_in_dim3A_1176 = vector.broadcast %broadcast_in_dim3A_1175 : i32 to vector<16xi32>
    %lt3A_1177 = arith.constant 0 : i32
    %lt3A_1178 = vector.broadcast %lt3A_1177 : i32 to vector<16xi32>
    %lt3A_1179 = arith.cmpi slt, %broadcast_in_dim3A_1176, %lt3A_1178 : vector<16xi32>
    %add3A_1180 = arith.constant 16 : i32
    %add3A_1181 = vector.broadcast %add3A_1180 : i32 to vector<16xi32>
    %add3A_1182 = arith.addi %broadcast_in_dim3A_1176, %add3A_1181 : vector<16xi32>
    %select_n3A_1183 = arith.select %lt3A_1179, %add3A_1182, %broadcast_in_dim3A_1176 : vector<16xi1>, vector<16xi32>
    %broadcast_in_dim3A_1184 = vector.shape_cast %select_n3A_1183 : vector<16xi32> to vector<16x1xi32>
    %gather3A_1185 = vector.shape_cast %broadcast_in_dim3A_1184 : vector<16x1xi32> to vector<16xi32>
    %gather3A_1186 = tpu.dynamic_gather %get3A_994[%gather3A_1185] in [0] : vector<16xi32>, vector<16xi32> -> vector<16xi32>
    %eq3A_1187 = arith.cmpi eq, %get3A_994, %gather3A_1186 : vector<16xi32>
    %convert_element_type3A_1188 = arith.extui %eq3A_1187 : vector<16xi1> to vector<16xi32>
    %gt3A_1189 = arith.constant 9 : i32
    %gt3A_1190 = vector.broadcast %gt3A_1189 : i32 to vector<16xi32>
    %gt3A_1191 = arith.cmpi sgt, %iota3A, %gt3A_1190 : vector<16xi32>
    %select_n3A_1192 = arith.select %gt3A_1191, %convert_element_type3A_1188, %broadcast_in_dim3A_0 : vector<16xi1>, vector<16xi32>
    %add3A_1193 = arith.addi %add3A_1173, %select_n3A_1192 : vector<16xi32>
    %add3A_1194 = arith.addi %add3A_1174, %convert_element_type3A_1188 : vector<16xi32>
    %broadcast_in_dim3A_1195 = arith.constant 10 : i32
    %broadcast_in_dim3A_1196 = vector.broadcast %broadcast_in_dim3A_1195 : i32 to vector<16xi32>
    %lt3A_1197 = arith.constant 0 : i32
    %lt3A_1198 = vector.broadcast %lt3A_1197 : i32 to vector<16xi32>
    %lt3A_1199 = arith.cmpi slt, %broadcast_in_dim3A_1196, %lt3A_1198 : vector<16xi32>
    %add3A_1200 = arith.constant 16 : i32
    %add3A_1201 = vector.broadcast %add3A_1200 : i32 to vector<16xi32>
    %add3A_1202 = arith.addi %broadcast_in_dim3A_1196, %add3A_1201 : vector<16xi32>
    %select_n3A_1203 = arith.select %lt3A_1199, %add3A_1202, %broadcast_in_dim3A_1196 : vector<16xi1>, vector<16xi32>
    %broadcast_in_dim3A_1204 = vector.shape_cast %select_n3A_1203 : vector<16xi32> to vector<16x1xi32>
    %gather3A_1205 = vector.shape_cast %broadcast_in_dim3A_1204 : vector<16x1xi32> to vector<16xi32>
    %gather3A_1206 = tpu.dynamic_gather %get3A_994[%gather3A_1205] in [0] : vector<16xi32>, vector<16xi32> -> vector<16xi32>
    %eq3A_1207 = arith.cmpi eq, %get3A_994, %gather3A_1206 : vector<16xi32>
    %convert_element_type3A_1208 = arith.extui %eq3A_1207 : vector<16xi1> to vector<16xi32>
    %gt3A_1209 = arith.constant 10 : i32
    %gt3A_1210 = vector.broadcast %gt3A_1209 : i32 to vector<16xi32>
    %gt3A_1211 = arith.cmpi sgt, %iota3A, %gt3A_1210 : vector<16xi32>
    %select_n3A_1212 = arith.select %gt3A_1211, %convert_element_type3A_1208, %broadcast_in_dim3A_0 : vector<16xi1>, vector<16xi32>
    %add3A_1213 = arith.addi %add3A_1193, %select_n3A_1212 : vector<16xi32>
    %add3A_1214 = arith.addi %add3A_1194, %convert_element_type3A_1208 : vector<16xi32>
    %broadcast_in_dim3A_1215 = arith.constant 11 : i32
    %broadcast_in_dim3A_1216 = vector.broadcast %broadcast_in_dim3A_1215 : i32 to vector<16xi32>
    %lt3A_1217 = arith.constant 0 : i32
    %lt3A_1218 = vector.broadcast %lt3A_1217 : i32 to vector<16xi32>
    %lt3A_1219 = arith.cmpi slt, %broadcast_in_dim3A_1216, %lt3A_1218 : vector<16xi32>
    %add3A_1220 = arith.constant 16 : i32
    %add3A_1221 = vector.broadcast %add3A_1220 : i32 to vector<16xi32>
    %add3A_1222 = arith.addi %broadcast_in_dim3A_1216, %add3A_1221 : vector<16xi32>
    %select_n3A_1223 = arith.select %lt3A_1219, %add3A_1222, %broadcast_in_dim3A_1216 : vector<16xi1>, vector<16xi32>
    %broadcast_in_dim3A_1224 = vector.shape_cast %select_n3A_1223 : vector<16xi32> to vector<16x1xi32>
    %gather3A_1225 = vector.shape_cast %broadcast_in_dim3A_1224 : vector<16x1xi32> to vector<16xi32>
    %gather3A_1226 = tpu.dynamic_gather %get3A_994[%gather3A_1225] in [0] : vector<16xi32>, vector<16xi32> -> vector<16xi32>
    %eq3A_1227 = arith.cmpi eq, %get3A_994, %gather3A_1226 : vector<16xi32>
    %convert_element_type3A_1228 = arith.extui %eq3A_1227 : vector<16xi1> to vector<16xi32>
    %gt3A_1229 = arith.constant 11 : i32
    %gt3A_1230 = vector.broadcast %gt3A_1229 : i32 to vector<16xi32>
    %gt3A_1231 = arith.cmpi sgt, %iota3A, %gt3A_1230 : vector<16xi32>
    %select_n3A_1232 = arith.select %gt3A_1231, %convert_element_type3A_1228, %broadcast_in_dim3A_0 : vector<16xi1>, vector<16xi32>
    %add3A_1233 = arith.addi %add3A_1213, %select_n3A_1232 : vector<16xi32>
    %add3A_1234 = arith.addi %add3A_1214, %convert_element_type3A_1228 : vector<16xi32>
    %broadcast_in_dim3A_1235 = arith.constant 12 : i32
    %broadcast_in_dim3A_1236 = vector.broadcast %broadcast_in_dim3A_1235 : i32 to vector<16xi32>
    %lt3A_1237 = arith.constant 0 : i32
    %lt3A_1238 = vector.broadcast %lt3A_1237 : i32 to vector<16xi32>
    %lt3A_1239 = arith.cmpi slt, %broadcast_in_dim3A_1236, %lt3A_1238 : vector<16xi32>
    %add3A_1240 = arith.constant 16 : i32
    %add3A_1241 = vector.broadcast %add3A_1240 : i32 to vector<16xi32>
    %add3A_1242 = arith.addi %broadcast_in_dim3A_1236, %add3A_1241 : vector<16xi32>
    %select_n3A_1243 = arith.select %lt3A_1239, %add3A_1242, %broadcast_in_dim3A_1236 : vector<16xi1>, vector<16xi32>
    %broadcast_in_dim3A_1244 = vector.shape_cast %select_n3A_1243 : vector<16xi32> to vector<16x1xi32>
    %gather3A_1245 = vector.shape_cast %broadcast_in_dim3A_1244 : vector<16x1xi32> to vector<16xi32>
    %gather3A_1246 = tpu.dynamic_gather %get3A_994[%gather3A_1245] in [0] : vector<16xi32>, vector<16xi32> -> vector<16xi32>
    %eq3A_1247 = arith.cmpi eq, %get3A_994, %gather3A_1246 : vector<16xi32>
    %convert_element_type3A_1248 = arith.extui %eq3A_1247 : vector<16xi1> to vector<16xi32>
    %gt3A_1249 = arith.constant 12 : i32
    %gt3A_1250 = vector.broadcast %gt3A_1249 : i32 to vector<16xi32>
    %gt3A_1251 = arith.cmpi sgt, %iota3A, %gt3A_1250 : vector<16xi32>
    %select_n3A_1252 = arith.select %gt3A_1251, %convert_element_type3A_1248, %broadcast_in_dim3A_0 : vector<16xi1>, vector<16xi32>
    %add3A_1253 = arith.addi %add3A_1233, %select_n3A_1252 : vector<16xi32>
    %add3A_1254 = arith.addi %add3A_1234, %convert_element_type3A_1248 : vector<16xi32>
    %broadcast_in_dim3A_1255 = arith.constant 13 : i32
    %broadcast_in_dim3A_1256 = vector.broadcast %broadcast_in_dim3A_1255 : i32 to vector<16xi32>
    %lt3A_1257 = arith.constant 0 : i32
    %lt3A_1258 = vector.broadcast %lt3A_1257 : i32 to vector<16xi32>
    %lt3A_1259 = arith.cmpi slt, %broadcast_in_dim3A_1256, %lt3A_1258 : vector<16xi32>
    %add3A_1260 = arith.constant 16 : i32
    %add3A_1261 = vector.broadcast %add3A_1260 : i32 to vector<16xi32>
    %add3A_1262 = arith.addi %broadcast_in_dim3A_1256, %add3A_1261 : vector<16xi32>
    %select_n3A_1263 = arith.select %lt3A_1259, %add3A_1262, %broadcast_in_dim3A_1256 : vector<16xi1>, vector<16xi32>
    %broadcast_in_dim3A_1264 = vector.shape_cast %select_n3A_1263 : vector<16xi32> to vector<16x1xi32>
    %gather3A_1265 = vector.shape_cast %broadcast_in_dim3A_1264 : vector<16x1xi32> to vector<16xi32>
    %gather3A_1266 = tpu.dynamic_gather %get3A_994[%gather3A_1265] in [0] : vector<16xi32>, vector<16xi32> -> vector<16xi32>
    %eq3A_1267 = arith.cmpi eq, %get3A_994, %gather3A_1266 : vector<16xi32>
    %convert_element_type3A_1268 = arith.extui %eq3A_1267 : vector<16xi1> to vector<16xi32>
    %gt3A_1269 = arith.constant 13 : i32
    %gt3A_1270 = vector.broadcast %gt3A_1269 : i32 to vector<16xi32>
    %gt3A_1271 = arith.cmpi sgt, %iota3A, %gt3A_1270 : vector<16xi32>
    %select_n3A_1272 = arith.select %gt3A_1271, %convert_element_type3A_1268, %broadcast_in_dim3A_0 : vector<16xi1>, vector<16xi32>
    %add3A_1273 = arith.addi %add3A_1253, %select_n3A_1272 : vector<16xi32>
    %add3A_1274 = arith.addi %add3A_1254, %convert_element_type3A_1268 : vector<16xi32>
    %broadcast_in_dim3A_1275 = arith.constant 14 : i32
    %broadcast_in_dim3A_1276 = vector.broadcast %broadcast_in_dim3A_1275 : i32 to vector<16xi32>
    %lt3A_1277 = arith.constant 0 : i32
    %lt3A_1278 = vector.broadcast %lt3A_1277 : i32 to vector<16xi32>
    %lt3A_1279 = arith.cmpi slt, %broadcast_in_dim3A_1276, %lt3A_1278 : vector<16xi32>
    %add3A_1280 = arith.constant 16 : i32
    %add3A_1281 = vector.broadcast %add3A_1280 : i32 to vector<16xi32>
    %add3A_1282 = arith.addi %broadcast_in_dim3A_1276, %add3A_1281 : vector<16xi32>
    %select_n3A_1283 = arith.select %lt3A_1279, %add3A_1282, %broadcast_in_dim3A_1276 : vector<16xi1>, vector<16xi32>
    %broadcast_in_dim3A_1284 = vector.shape_cast %select_n3A_1283 : vector<16xi32> to vector<16x1xi32>
    %gather3A_1285 = vector.shape_cast %broadcast_in_dim3A_1284 : vector<16x1xi32> to vector<16xi32>
    %gather3A_1286 = tpu.dynamic_gather %get3A_994[%gather3A_1285] in [0] : vector<16xi32>, vector<16xi32> -> vector<16xi32>
    %eq3A_1287 = arith.cmpi eq, %get3A_994, %gather3A_1286 : vector<16xi32>
    %convert_element_type3A_1288 = arith.extui %eq3A_1287 : vector<16xi1> to vector<16xi32>
    %gt3A_1289 = arith.constant 14 : i32
    %gt3A_1290 = vector.broadcast %gt3A_1289 : i32 to vector<16xi32>
    %gt3A_1291 = arith.cmpi sgt, %iota3A, %gt3A_1290 : vector<16xi32>
    %select_n3A_1292 = arith.select %gt3A_1291, %convert_element_type3A_1288, %broadcast_in_dim3A_0 : vector<16xi1>, vector<16xi32>
    %add3A_1293 = arith.addi %add3A_1273, %select_n3A_1292 : vector<16xi32>
    %add3A_1294 = arith.addi %add3A_1274, %convert_element_type3A_1288 : vector<16xi32>
    %broadcast_in_dim3A_1295 = arith.constant 15 : i32
    %broadcast_in_dim3A_1296 = vector.broadcast %broadcast_in_dim3A_1295 : i32 to vector<16xi32>
    %lt3A_1297 = arith.constant 0 : i32
    %lt3A_1298 = vector.broadcast %lt3A_1297 : i32 to vector<16xi32>
    %lt3A_1299 = arith.cmpi slt, %broadcast_in_dim3A_1296, %lt3A_1298 : vector<16xi32>
    %add3A_1300 = arith.constant 16 : i32
    %add3A_1301 = vector.broadcast %add3A_1300 : i32 to vector<16xi32>
    %add3A_1302 = arith.addi %broadcast_in_dim3A_1296, %add3A_1301 : vector<16xi32>
    %select_n3A_1303 = arith.select %lt3A_1299, %add3A_1302, %broadcast_in_dim3A_1296 : vector<16xi1>, vector<16xi32>
    %broadcast_in_dim3A_1304 = vector.shape_cast %select_n3A_1303 : vector<16xi32> to vector<16x1xi32>
    %gather3A_1305 = vector.shape_cast %broadcast_in_dim3A_1304 : vector<16x1xi32> to vector<16xi32>
    %gather3A_1306 = tpu.dynamic_gather %get3A_994[%gather3A_1305] in [0] : vector<16xi32>, vector<16xi32> -> vector<16xi32>
    %eq3A_1307 = arith.cmpi eq, %get3A_994, %gather3A_1306 : vector<16xi32>
    %convert_element_type3A_1308 = arith.extui %eq3A_1307 : vector<16xi1> to vector<16xi32>
    %gt3A_1309 = arith.constant 15 : i32
    %gt3A_1310 = vector.broadcast %gt3A_1309 : i32 to vector<16xi32>
    %gt3A_1311 = arith.cmpi sgt, %iota3A, %gt3A_1310 : vector<16xi32>
    %select_n3A_1312 = arith.select %gt3A_1311, %convert_element_type3A_1308, %broadcast_in_dim3A_0 : vector<16xi1>, vector<16xi32>
    %add3A_1313 = arith.addi %add3A_1293, %select_n3A_1312 : vector<16xi32>
    %add3A_1314 = arith.addi %add3A_1294, %convert_element_type3A_1308 : vector<16xi32>
    %gather3A_1315 = tpu.vector_load_idx %arg10[%get3A_994] : memref<64xi32, #tpu.memory_space<vmem>>[vector<16xi32>], vector<16xi32>,
    %add3A_1316 = arith.addi %gather3A_1315, %add3A_1313 : vector<16xi32>
    %swap3A_1317 = arith.constant 48 : index
    %swap3A_1318 = tpu.vector_load %arg9[%swap3A_1317] {strides = array<i32>} : memref<128xi32, #tpu.memory_space<vmem>>, vector<16xi32>,
    tpu.vector_store %arg9[%swap3A_1317], %add3A_1316 {strides = array<i32>} : memref<128xi32, #tpu.memory_space<vmem>>, vector<16xi32>,
    %add3A_1319 = arith.addi %gather3A_1315, %add3A_1314 : vector<16xi32>
    %sub3A_1320 = arith.constant 1 : i32
    %sub3A_1321 = vector.broadcast %sub3A_1320 : i32 to vector<16xi32>
    %sub3A_1322 = arith.subi %add3A_1314, %sub3A_1321 : vector<16xi32>
    %eq3A_1323 = arith.cmpi eq, %add3A_1313, %sub3A_1322 : vector<16xi32>
    tpu.vector_store_idx %arg10[%get3A_994], %add3A_1319 masked %eq3A_1323 : memref<64xi32, #tpu.memory_space<vmem>>[vector<16xi32>], vector<16xi32>, vector<16xi1>
    %get3A_1324 = arith.constant 64 : index
    %get3A_1325 = tpu.vector_load %arg8[%get3A_1324] {strides = array<i32>} : memref<128xi32, #tpu.memory_space<vmem>>, vector<16xi32>,
    %broadcast_in_dim3A_1326 = arith.constant 0 : i32
    %broadcast_in_dim3A_1327 = vector.broadcast %broadcast_in_dim3A_1326 : i32 to vector<16xi32>
    %lt3A_1328 = arith.constant 0 : i32
    %lt3A_1329 = vector.broadcast %lt3A_1328 : i32 to vector<16xi32>
    %lt3A_1330 = arith.cmpi slt, %broadcast_in_dim3A_1327, %lt3A_1329 : vector<16xi32>
    %add3A_1331 = arith.constant 16 : i32
    %add3A_1332 = vector.broadcast %add3A_1331 : i32 to vector<16xi32>
    %add3A_1333 = arith.addi %broadcast_in_dim3A_1327, %add3A_1332 : vector<16xi32>
    %select_n3A_1334 = arith.select %lt3A_1330, %add3A_1333, %broadcast_in_dim3A_1327 : vector<16xi1>, vector<16xi32>
    %broadcast_in_dim3A_1335 = vector.shape_cast %select_n3A_1334 : vector<16xi32> to vector<16x1xi32>
    %gather3A_1336 = vector.shape_cast %broadcast_in_dim3A_1335 : vector<16x1xi32> to vector<16xi32>
    %gather3A_1337 = tpu.dynamic_gather %get3A_1325[%gather3A_1336] in [0] : vector<16xi32>, vector<16xi32> -> vector<16xi32>
    %eq3A_1338 = arith.cmpi eq, %get3A_1325, %gather3A_1337 : vector<16xi32>
    %convert_element_type3A_1339 = arith.extui %eq3A_1338 : vector<16xi1> to vector<16xi32>
    %gt3A_1340 = arith.constant 0 : i32
    %gt3A_1341 = vector.broadcast %gt3A_1340 : i32 to vector<16xi32>
    %gt3A_1342 = arith.cmpi sgt, %iota3A, %gt3A_1341 : vector<16xi32>
    %select_n3A_1343 = arith.select %gt3A_1342, %convert_element_type3A_1339, %broadcast_in_dim3A_0 : vector<16xi1>, vector<16xi32>
    %add3A_1344 = arith.addi %broadcast_in_dim3A_0, %select_n3A_1343 : vector<16xi32>
    %add3A_1345 = arith.addi %broadcast_in_dim3A_0, %convert_element_type3A_1339 : vector<16xi32>
    %broadcast_in_dim3A_1346 = arith.constant 1 : i32
    %broadcast_in_dim3A_1347 = vector.broadcast %broadcast_in_dim3A_1346 : i32 to vector<16xi32>
    %lt3A_1348 = arith.constant 0 : i32
    %lt3A_1349 = vector.broadcast %lt3A_1348 : i32 to vector<16xi32>
    %lt3A_1350 = arith.cmpi slt, %broadcast_in_dim3A_1347, %lt3A_1349 : vector<16xi32>
    %add3A_1351 = arith.constant 16 : i32
    %add3A_1352 = vector.broadcast %add3A_1351 : i32 to vector<16xi32>
    %add3A_1353 = arith.addi %broadcast_in_dim3A_1347, %add3A_1352 : vector<16xi32>
    %select_n3A_1354 = arith.select %lt3A_1350, %add3A_1353, %broadcast_in_dim3A_1347 : vector<16xi1>, vector<16xi32>
    %broadcast_in_dim3A_1355 = vector.shape_cast %select_n3A_1354 : vector<16xi32> to vector<16x1xi32>
    %gather3A_1356 = vector.shape_cast %broadcast_in_dim3A_1355 : vector<16x1xi32> to vector<16xi32>
    %gather3A_1357 = tpu.dynamic_gather %get3A_1325[%gather3A_1356] in [0] : vector<16xi32>, vector<16xi32> -> vector<16xi32>
    %eq3A_1358 = arith.cmpi eq, %get3A_1325, %gather3A_1357 : vector<16xi32>
    %convert_element_type3A_1359 = arith.extui %eq3A_1358 : vector<16xi1> to vector<16xi32>
    %gt3A_1360 = arith.constant 1 : i32
    %gt3A_1361 = vector.broadcast %gt3A_1360 : i32 to vector<16xi32>
    %gt3A_1362 = arith.cmpi sgt, %iota3A, %gt3A_1361 : vector<16xi32>
    %select_n3A_1363 = arith.select %gt3A_1362, %convert_element_type3A_1359, %broadcast_in_dim3A_0 : vector<16xi1>, vector<16xi32>
    %add3A_1364 = arith.addi %add3A_1344, %select_n3A_1363 : vector<16xi32>
    %add3A_1365 = arith.addi %add3A_1345, %convert_element_type3A_1359 : vector<16xi32>
    %broadcast_in_dim3A_1366 = arith.constant 2 : i32
    %broadcast_in_dim3A_1367 = vector.broadcast %broadcast_in_dim3A_1366 : i32 to vector<16xi32>
    %lt3A_1368 = arith.constant 0 : i32
    %lt3A_1369 = vector.broadcast %lt3A_1368 : i32 to vector<16xi32>
    %lt3A_1370 = arith.cmpi slt, %broadcast_in_dim3A_1367, %lt3A_1369 : vector<16xi32>
    %add3A_1371 = arith.constant 16 : i32
    %add3A_1372 = vector.broadcast %add3A_1371 : i32 to vector<16xi32>
    %add3A_1373 = arith.addi %broadcast_in_dim3A_1367, %add3A_1372 : vector<16xi32>
    %select_n3A_1374 = arith.select %lt3A_1370, %add3A_1373, %broadcast_in_dim3A_1367 : vector<16xi1>, vector<16xi32>
    %broadcast_in_dim3A_1375 = vector.shape_cast %select_n3A_1374 : vector<16xi32> to vector<16x1xi32>
    %gather3A_1376 = vector.shape_cast %broadcast_in_dim3A_1375 : vector<16x1xi32> to vector<16xi32>
    %gather3A_1377 = tpu.dynamic_gather %get3A_1325[%gather3A_1376] in [0] : vector<16xi32>, vector<16xi32> -> vector<16xi32>
    %eq3A_1378 = arith.cmpi eq, %get3A_1325, %gather3A_1377 : vector<16xi32>
    %convert_element_type3A_1379 = arith.extui %eq3A_1378 : vector<16xi1> to vector<16xi32>
    %gt3A_1380 = arith.constant 2 : i32
    %gt3A_1381 = vector.broadcast %gt3A_1380 : i32 to vector<16xi32>
    %gt3A_1382 = arith.cmpi sgt, %iota3A, %gt3A_1381 : vector<16xi32>
    %select_n3A_1383 = arith.select %gt3A_1382, %convert_element_type3A_1379, %broadcast_in_dim3A_0 : vector<16xi1>, vector<16xi32>
    %add3A_1384 = arith.addi %add3A_1364, %select_n3A_1383 : vector<16xi32>
    %add3A_1385 = arith.addi %add3A_1365, %convert_element_type3A_1379 : vector<16xi32>
    %broadcast_in_dim3A_1386 = arith.constant 3 : i32
    %broadcast_in_dim3A_1387 = vector.broadcast %broadcast_in_dim3A_1386 : i32 to vector<16xi32>
    %lt3A_1388 = arith.constant 0 : i32
    %lt3A_1389 = vector.broadcast %lt3A_1388 : i32 to vector<16xi32>
    %lt3A_1390 = arith.cmpi slt, %broadcast_in_dim3A_1387, %lt3A_1389 : vector<16xi32>
    %add3A_1391 = arith.constant 16 : i32
    %add3A_1392 = vector.broadcast %add3A_1391 : i32 to vector<16xi32>
    %add3A_1393 = arith.addi %broadcast_in_dim3A_1387, %add3A_1392 : vector<16xi32>
    %select_n3A_1394 = arith.select %lt3A_1390, %add3A_1393, %broadcast_in_dim3A_1387 : vector<16xi1>, vector<16xi32>
    %broadcast_in_dim3A_1395 = vector.shape_cast %select_n3A_1394 : vector<16xi32> to vector<16x1xi32>
    %gather3A_1396 = vector.shape_cast %broadcast_in_dim3A_1395 : vector<16x1xi32> to vector<16xi32>
    %gather3A_1397 = tpu.dynamic_gather %get3A_1325[%gather3A_1396] in [0] : vector<16xi32>, vector<16xi32> -> vector<16xi32>
    %eq3A_1398 = arith.cmpi eq, %get3A_1325, %gather3A_1397 : vector<16xi32>
    %convert_element_type3A_1399 = arith.extui %eq3A_1398 : vector<16xi1> to vector<16xi32>
    %gt3A_1400 = arith.constant 3 : i32
    %gt3A_1401 = vector.broadcast %gt3A_1400 : i32 to vector<16xi32>
    %gt3A_1402 = arith.cmpi sgt, %iota3A, %gt3A_1401 : vector<16xi32>
    %select_n3A_1403 = arith.select %gt3A_1402, %convert_element_type3A_1399, %broadcast_in_dim3A_0 : vector<16xi1>, vector<16xi32>
    %add3A_1404 = arith.addi %add3A_1384, %select_n3A_1403 : vector<16xi32>
    %add3A_1405 = arith.addi %add3A_1385, %convert_element_type3A_1399 : vector<16xi32>
    %broadcast_in_dim3A_1406 = arith.constant 4 : i32
    %broadcast_in_dim3A_1407 = vector.broadcast %broadcast_in_dim3A_1406 : i32 to vector<16xi32>
    %lt3A_1408 = arith.constant 0 : i32
    %lt3A_1409 = vector.broadcast %lt3A_1408 : i32 to vector<16xi32>
    %lt3A_1410 = arith.cmpi slt, %broadcast_in_dim3A_1407, %lt3A_1409 : vector<16xi32>
    %add3A_1411 = arith.constant 16 : i32
    %add3A_1412 = vector.broadcast %add3A_1411 : i32 to vector<16xi32>
    %add3A_1413 = arith.addi %broadcast_in_dim3A_1407, %add3A_1412 : vector<16xi32>
    %select_n3A_1414 = arith.select %lt3A_1410, %add3A_1413, %broadcast_in_dim3A_1407 : vector<16xi1>, vector<16xi32>
    %broadcast_in_dim3A_1415 = vector.shape_cast %select_n3A_1414 : vector<16xi32> to vector<16x1xi32>
    %gather3A_1416 = vector.shape_cast %broadcast_in_dim3A_1415 : vector<16x1xi32> to vector<16xi32>
    %gather3A_1417 = tpu.dynamic_gather %get3A_1325[%gather3A_1416] in [0] : vector<16xi32>, vector<16xi32> -> vector<16xi32>
    %eq3A_1418 = arith.cmpi eq, %get3A_1325, %gather3A_1417 : vector<16xi32>
    %convert_element_type3A_1419 = arith.extui %eq3A_1418 : vector<16xi1> to vector<16xi32>
    %gt3A_1420 = arith.constant 4 : i32
    %gt3A_1421 = vector.broadcast %gt3A_1420 : i32 to vector<16xi32>
    %gt3A_1422 = arith.cmpi sgt, %iota3A, %gt3A_1421 : vector<16xi32>
    %select_n3A_1423 = arith.select %gt3A_1422, %convert_element_type3A_1419, %broadcast_in_dim3A_0 : vector<16xi1>, vector<16xi32>
    %add3A_1424 = arith.addi %add3A_1404, %select_n3A_1423 : vector<16xi32>
    %add3A_1425 = arith.addi %add3A_1405, %convert_element_type3A_1419 : vector<16xi32>
    %broadcast_in_dim3A_1426 = arith.constant 5 : i32
    %broadcast_in_dim3A_1427 = vector.broadcast %broadcast_in_dim3A_1426 : i32 to vector<16xi32>
    %lt3A_1428 = arith.constant 0 : i32
    %lt3A_1429 = vector.broadcast %lt3A_1428 : i32 to vector<16xi32>
    %lt3A_1430 = arith.cmpi slt, %broadcast_in_dim3A_1427, %lt3A_1429 : vector<16xi32>
    %add3A_1431 = arith.constant 16 : i32
    %add3A_1432 = vector.broadcast %add3A_1431 : i32 to vector<16xi32>
    %add3A_1433 = arith.addi %broadcast_in_dim3A_1427, %add3A_1432 : vector<16xi32>
    %select_n3A_1434 = arith.select %lt3A_1430, %add3A_1433, %broadcast_in_dim3A_1427 : vector<16xi1>, vector<16xi32>
    %broadcast_in_dim3A_1435 = vector.shape_cast %select_n3A_1434 : vector<16xi32> to vector<16x1xi32>
    %gather3A_1436 = vector.shape_cast %broadcast_in_dim3A_1435 : vector<16x1xi32> to vector<16xi32>
    %gather3A_1437 = tpu.dynamic_gather %get3A_1325[%gather3A_1436] in [0] : vector<16xi32>, vector<16xi32> -> vector<16xi32>
    %eq3A_1438 = arith.cmpi eq, %get3A_1325, %gather3A_1437 : vector<16xi32>
    %convert_element_type3A_1439 = arith.extui %eq3A_1438 : vector<16xi1> to vector<16xi32>
    %gt3A_1440 = arith.constant 5 : i32
    %gt3A_1441 = vector.broadcast %gt3A_1440 : i32 to vector<16xi32>
    %gt3A_1442 = arith.cmpi sgt, %iota3A, %gt3A_1441 : vector<16xi32>
    %select_n3A_1443 = arith.select %gt3A_1442, %convert_element_type3A_1439, %broadcast_in_dim3A_0 : vector<16xi1>, vector<16xi32>
    %add3A_1444 = arith.addi %add3A_1424, %select_n3A_1443 : vector<16xi32>
    %add3A_1445 = arith.addi %add3A_1425, %convert_element_type3A_1439 : vector<16xi32>
    %broadcast_in_dim3A_1446 = arith.constant 6 : i32
    %broadcast_in_dim3A_1447 = vector.broadcast %broadcast_in_dim3A_1446 : i32 to vector<16xi32>
    %lt3A_1448 = arith.constant 0 : i32
    %lt3A_1449 = vector.broadcast %lt3A_1448 : i32 to vector<16xi32>
    %lt3A_1450 = arith.cmpi slt, %broadcast_in_dim3A_1447, %lt3A_1449 : vector<16xi32>
    %add3A_1451 = arith.constant 16 : i32
    %add3A_1452 = vector.broadcast %add3A_1451 : i32 to vector<16xi32>
    %add3A_1453 = arith.addi %broadcast_in_dim3A_1447, %add3A_1452 : vector<16xi32>
    %select_n3A_1454 = arith.select %lt3A_1450, %add3A_1453, %broadcast_in_dim3A_1447 : vector<16xi1>, vector<16xi32>
    %broadcast_in_dim3A_1455 = vector.shape_cast %select_n3A_1454 : vector<16xi32> to vector<16x1xi32>
    %gather3A_1456 = vector.shape_cast %broadcast_in_dim3A_1455 : vector<16x1xi32> to vector<16xi32>
    %gather3A_1457 = tpu.dynamic_gather %get3A_1325[%gather3A_1456] in [0] : vector<16xi32>, vector<16xi32> -> vector<16xi32>
    %eq3A_1458 = arith.cmpi eq, %get3A_1325, %gather3A_1457 : vector<16xi32>
    %convert_element_type3A_1459 = arith.extui %eq3A_1458 : vector<16xi1> to vector<16xi32>
    %gt3A_1460 = arith.constant 6 : i32
    %gt3A_1461 = vector.broadcast %gt3A_1460 : i32 to vector<16xi32>
    %gt3A_1462 = arith.cmpi sgt, %iota3A, %gt3A_1461 : vector<16xi32>
    %select_n3A_1463 = arith.select %gt3A_1462, %convert_element_type3A_1459, %broadcast_in_dim3A_0 : vector<16xi1>, vector<16xi32>
    %add3A_1464 = arith.addi %add3A_1444, %select_n3A_1463 : vector<16xi32>
    %add3A_1465 = arith.addi %add3A_1445, %convert_element_type3A_1459 : vector<16xi32>
    %broadcast_in_dim3A_1466 = arith.constant 7 : i32
    %broadcast_in_dim3A_1467 = vector.broadcast %broadcast_in_dim3A_1466 : i32 to vector<16xi32>
    %lt3A_1468 = arith.constant 0 : i32
    %lt3A_1469 = vector.broadcast %lt3A_1468 : i32 to vector<16xi32>
    %lt3A_1470 = arith.cmpi slt, %broadcast_in_dim3A_1467, %lt3A_1469 : vector<16xi32>
    %add3A_1471 = arith.constant 16 : i32
    %add3A_1472 = vector.broadcast %add3A_1471 : i32 to vector<16xi32>
    %add3A_1473 = arith.addi %broadcast_in_dim3A_1467, %add3A_1472 : vector<16xi32>
    %select_n3A_1474 = arith.select %lt3A_1470, %add3A_1473, %broadcast_in_dim3A_1467 : vector<16xi1>, vector<16xi32>
    %broadcast_in_dim3A_1475 = vector.shape_cast %select_n3A_1474 : vector<16xi32> to vector<16x1xi32>
    %gather3A_1476 = vector.shape_cast %broadcast_in_dim3A_1475 : vector<16x1xi32> to vector<16xi32>
    %gather3A_1477 = tpu.dynamic_gather %get3A_1325[%gather3A_1476] in [0] : vector<16xi32>, vector<16xi32> -> vector<16xi32>
    %eq3A_1478 = arith.cmpi eq, %get3A_1325, %gather3A_1477 : vector<16xi32>
    %convert_element_type3A_1479 = arith.extui %eq3A_1478 : vector<16xi1> to vector<16xi32>
    %gt3A_1480 = arith.constant 7 : i32
    %gt3A_1481 = vector.broadcast %gt3A_1480 : i32 to vector<16xi32>
    %gt3A_1482 = arith.cmpi sgt, %iota3A, %gt3A_1481 : vector<16xi32>
    %select_n3A_1483 = arith.select %gt3A_1482, %convert_element_type3A_1479, %broadcast_in_dim3A_0 : vector<16xi1>, vector<16xi32>
    %add3A_1484 = arith.addi %add3A_1464, %select_n3A_1483 : vector<16xi32>
    %add3A_1485 = arith.addi %add3A_1465, %convert_element_type3A_1479 : vector<16xi32>
    %broadcast_in_dim3A_1486 = arith.constant 8 : i32
    %broadcast_in_dim3A_1487 = vector.broadcast %broadcast_in_dim3A_1486 : i32 to vector<16xi32>
    %lt3A_1488 = arith.constant 0 : i32
    %lt3A_1489 = vector.broadcast %lt3A_1488 : i32 to vector<16xi32>
    %lt3A_1490 = arith.cmpi slt, %broadcast_in_dim3A_1487, %lt3A_1489 : vector<16xi32>
    %add3A_1491 = arith.constant 16 : i32
    %add3A_1492 = vector.broadcast %add3A_1491 : i32 to vector<16xi32>
    %add3A_1493 = arith.addi %broadcast_in_dim3A_1487, %add3A_1492 : vector<16xi32>
    %select_n3A_1494 = arith.select %lt3A_1490, %add3A_1493, %broadcast_in_dim3A_1487 : vector<16xi1>, vector<16xi32>
    %broadcast_in_dim3A_1495 = vector.shape_cast %select_n3A_1494 : vector<16xi32> to vector<16x1xi32>
    %gather3A_1496 = vector.shape_cast %broadcast_in_dim3A_1495 : vector<16x1xi32> to vector<16xi32>
    %gather3A_1497 = tpu.dynamic_gather %get3A_1325[%gather3A_1496] in [0] : vector<16xi32>, vector<16xi32> -> vector<16xi32>
    %eq3A_1498 = arith.cmpi eq, %get3A_1325, %gather3A_1497 : vector<16xi32>
    %convert_element_type3A_1499 = arith.extui %eq3A_1498 : vector<16xi1> to vector<16xi32>
    %gt3A_1500 = arith.constant 8 : i32
    %gt3A_1501 = vector.broadcast %gt3A_1500 : i32 to vector<16xi32>
    %gt3A_1502 = arith.cmpi sgt, %iota3A, %gt3A_1501 : vector<16xi32>
    %select_n3A_1503 = arith.select %gt3A_1502, %convert_element_type3A_1499, %broadcast_in_dim3A_0 : vector<16xi1>, vector<16xi32>
    %add3A_1504 = arith.addi %add3A_1484, %select_n3A_1503 : vector<16xi32>
    %add3A_1505 = arith.addi %add3A_1485, %convert_element_type3A_1499 : vector<16xi32>
    %broadcast_in_dim3A_1506 = arith.constant 9 : i32
    %broadcast_in_dim3A_1507 = vector.broadcast %broadcast_in_dim3A_1506 : i32 to vector<16xi32>
    %lt3A_1508 = arith.constant 0 : i32
    %lt3A_1509 = vector.broadcast %lt3A_1508 : i32 to vector<16xi32>
    %lt3A_1510 = arith.cmpi slt, %broadcast_in_dim3A_1507, %lt3A_1509 : vector<16xi32>
    %add3A_1511 = arith.constant 16 : i32
    %add3A_1512 = vector.broadcast %add3A_1511 : i32 to vector<16xi32>
    %add3A_1513 = arith.addi %broadcast_in_dim3A_1507, %add3A_1512 : vector<16xi32>
    %select_n3A_1514 = arith.select %lt3A_1510, %add3A_1513, %broadcast_in_dim3A_1507 : vector<16xi1>, vector<16xi32>
    %broadcast_in_dim3A_1515 = vector.shape_cast %select_n3A_1514 : vector<16xi32> to vector<16x1xi32>
    %gather3A_1516 = vector.shape_cast %broadcast_in_dim3A_1515 : vector<16x1xi32> to vector<16xi32>
    %gather3A_1517 = tpu.dynamic_gather %get3A_1325[%gather3A_1516] in [0] : vector<16xi32>, vector<16xi32> -> vector<16xi32>
    %eq3A_1518 = arith.cmpi eq, %get3A_1325, %gather3A_1517 : vector<16xi32>
    %convert_element_type3A_1519 = arith.extui %eq3A_1518 : vector<16xi1> to vector<16xi32>
    %gt3A_1520 = arith.constant 9 : i32
    %gt3A_1521 = vector.broadcast %gt3A_1520 : i32 to vector<16xi32>
    %gt3A_1522 = arith.cmpi sgt, %iota3A, %gt3A_1521 : vector<16xi32>
    %select_n3A_1523 = arith.select %gt3A_1522, %convert_element_type3A_1519, %broadcast_in_dim3A_0 : vector<16xi1>, vector<16xi32>
    %add3A_1524 = arith.addi %add3A_1504, %select_n3A_1523 : vector<16xi32>
    %add3A_1525 = arith.addi %add3A_1505, %convert_element_type3A_1519 : vector<16xi32>
    %broadcast_in_dim3A_1526 = arith.constant 10 : i32
    %broadcast_in_dim3A_1527 = vector.broadcast %broadcast_in_dim3A_1526 : i32 to vector<16xi32>
    %lt3A_1528 = arith.constant 0 : i32
    %lt3A_1529 = vector.broadcast %lt3A_1528 : i32 to vector<16xi32>
    %lt3A_1530 = arith.cmpi slt, %broadcast_in_dim3A_1527, %lt3A_1529 : vector<16xi32>
    %add3A_1531 = arith.constant 16 : i32
    %add3A_1532 = vector.broadcast %add3A_1531 : i32 to vector<16xi32>
    %add3A_1533 = arith.addi %broadcast_in_dim3A_1527, %add3A_1532 : vector<16xi32>
    %select_n3A_1534 = arith.select %lt3A_1530, %add3A_1533, %broadcast_in_dim3A_1527 : vector<16xi1>, vector<16xi32>
    %broadcast_in_dim3A_1535 = vector.shape_cast %select_n3A_1534 : vector<16xi32> to vector<16x1xi32>
    %gather3A_1536 = vector.shape_cast %broadcast_in_dim3A_1535 : vector<16x1xi32> to vector<16xi32>
    %gather3A_1537 = tpu.dynamic_gather %get3A_1325[%gather3A_1536] in [0] : vector<16xi32>, vector<16xi32> -> vector<16xi32>
    %eq3A_1538 = arith.cmpi eq, %get3A_1325, %gather3A_1537 : vector<16xi32>
    %convert_element_type3A_1539 = arith.extui %eq3A_1538 : vector<16xi1> to vector<16xi32>
    %gt3A_1540 = arith.constant 10 : i32
    %gt3A_1541 = vector.broadcast %gt3A_1540 : i32 to vector<16xi32>
    %gt3A_1542 = arith.cmpi sgt, %iota3A, %gt3A_1541 : vector<16xi32>
    %select_n3A_1543 = arith.select %gt3A_1542, %convert_element_type3A_1539, %broadcast_in_dim3A_0 : vector<16xi1>, vector<16xi32>
    %add3A_1544 = arith.addi %add3A_1524, %select_n3A_1543 : vector<16xi32>
    %add3A_1545 = arith.addi %add3A_1525, %convert_element_type3A_1539 : vector<16xi32>
    %broadcast_in_dim3A_1546 = arith.constant 11 : i32
    %broadcast_in_dim3A_1547 = vector.broadcast %broadcast_in_dim3A_1546 : i32 to vector<16xi32>
    %lt3A_1548 = arith.constant 0 : i32
    %lt3A_1549 = vector.broadcast %lt3A_1548 : i32 to vector<16xi32>
    %lt3A_1550 = arith.cmpi slt, %broadcast_in_dim3A_1547, %lt3A_1549 : vector<16xi32>
    %add3A_1551 = arith.constant 16 : i32
    %add3A_1552 = vector.broadcast %add3A_1551 : i32 to vector<16xi32>
    %add3A_1553 = arith.addi %broadcast_in_dim3A_1547, %add3A_1552 : vector<16xi32>
    %select_n3A_1554 = arith.select %lt3A_1550, %add3A_1553, %broadcast_in_dim3A_1547 : vector<16xi1>, vector<16xi32>
    %broadcast_in_dim3A_1555 = vector.shape_cast %select_n3A_1554 : vector<16xi32> to vector<16x1xi32>
    %gather3A_1556 = vector.shape_cast %broadcast_in_dim3A_1555 : vector<16x1xi32> to vector<16xi32>
    %gather3A_1557 = tpu.dynamic_gather %get3A_1325[%gather3A_1556] in [0] : vector<16xi32>, vector<16xi32> -> vector<16xi32>
    %eq3A_1558 = arith.cmpi eq, %get3A_1325, %gather3A_1557 : vector<16xi32>
    %convert_element_type3A_1559 = arith.extui %eq3A_1558 : vector<16xi1> to vector<16xi32>
    %gt3A_1560 = arith.constant 11 : i32
    %gt3A_1561 = vector.broadcast %gt3A_1560 : i32 to vector<16xi32>
    %gt3A_1562 = arith.cmpi sgt, %iota3A, %gt3A_1561 : vector<16xi32>
    %select_n3A_1563 = arith.select %gt3A_1562, %convert_element_type3A_1559, %broadcast_in_dim3A_0 : vector<16xi1>, vector<16xi32>
    %add3A_1564 = arith.addi %add3A_1544, %select_n3A_1563 : vector<16xi32>
    %add3A_1565 = arith.addi %add3A_1545, %convert_element_type3A_1559 : vector<16xi32>
    %broadcast_in_dim3A_1566 = arith.constant 12 : i32
    %broadcast_in_dim3A_1567 = vector.broadcast %broadcast_in_dim3A_1566 : i32 to vector<16xi32>
    %lt3A_1568 = arith.constant 0 : i32
    %lt3A_1569 = vector.broadcast %lt3A_1568 : i32 to vector<16xi32>
    %lt3A_1570 = arith.cmpi slt, %broadcast_in_dim3A_1567, %lt3A_1569 : vector<16xi32>
    %add3A_1571 = arith.constant 16 : i32
    %add3A_1572 = vector.broadcast %add3A_1571 : i32 to vector<16xi32>
    %add3A_1573 = arith.addi %broadcast_in_dim3A_1567, %add3A_1572 : vector<16xi32>
    %select_n3A_1574 = arith.select %lt3A_1570, %add3A_1573, %broadcast_in_dim3A_1567 : vector<16xi1>, vector<16xi32>
    %broadcast_in_dim3A_1575 = vector.shape_cast %select_n3A_1574 : vector<16xi32> to vector<16x1xi32>
    %gather3A_1576 = vector.shape_cast %broadcast_in_dim3A_1575 : vector<16x1xi32> to vector<16xi32>
    %gather3A_1577 = tpu.dynamic_gather %get3A_1325[%gather3A_1576] in [0] : vector<16xi32>, vector<16xi32> -> vector<16xi32>
    %eq3A_1578 = arith.cmpi eq, %get3A_1325, %gather3A_1577 : vector<16xi32>
    %convert_element_type3A_1579 = arith.extui %eq3A_1578 : vector<16xi1> to vector<16xi32>
    %gt3A_1580 = arith.constant 12 : i32
    %gt3A_1581 = vector.broadcast %gt3A_1580 : i32 to vector<16xi32>
    %gt3A_1582 = arith.cmpi sgt, %iota3A, %gt3A_1581 : vector<16xi32>
    %select_n3A_1583 = arith.select %gt3A_1582, %convert_element_type3A_1579, %broadcast_in_dim3A_0 : vector<16xi1>, vector<16xi32>
    %add3A_1584 = arith.addi %add3A_1564, %select_n3A_1583 : vector<16xi32>
    %add3A_1585 = arith.addi %add3A_1565, %convert_element_type3A_1579 : vector<16xi32>
    %broadcast_in_dim3A_1586 = arith.constant 13 : i32
    %broadcast_in_dim3A_1587 = vector.broadcast %broadcast_in_dim3A_1586 : i32 to vector<16xi32>
    %lt3A_1588 = arith.constant 0 : i32
    %lt3A_1589 = vector.broadcast %lt3A_1588 : i32 to vector<16xi32>
    %lt3A_1590 = arith.cmpi slt, %broadcast_in_dim3A_1587, %lt3A_1589 : vector<16xi32>
    %add3A_1591 = arith.constant 16 : i32
    %add3A_1592 = vector.broadcast %add3A_1591 : i32 to vector<16xi32>
    %add3A_1593 = arith.addi %broadcast_in_dim3A_1587, %add3A_1592 : vector<16xi32>
    %select_n3A_1594 = arith.select %lt3A_1590, %add3A_1593, %broadcast_in_dim3A_1587 : vector<16xi1>, vector<16xi32>
    %broadcast_in_dim3A_1595 = vector.shape_cast %select_n3A_1594 : vector<16xi32> to vector<16x1xi32>
    %gather3A_1596 = vector.shape_cast %broadcast_in_dim3A_1595 : vector<16x1xi32> to vector<16xi32>
    %gather3A_1597 = tpu.dynamic_gather %get3A_1325[%gather3A_1596] in [0] : vector<16xi32>, vector<16xi32> -> vector<16xi32>
    %eq3A_1598 = arith.cmpi eq, %get3A_1325, %gather3A_1597 : vector<16xi32>
    %convert_element_type3A_1599 = arith.extui %eq3A_1598 : vector<16xi1> to vector<16xi32>
    %gt3A_1600 = arith.constant 13 : i32
    %gt3A_1601 = vector.broadcast %gt3A_1600 : i32 to vector<16xi32>
    %gt3A_1602 = arith.cmpi sgt, %iota3A, %gt3A_1601 : vector<16xi32>
    %select_n3A_1603 = arith.select %gt3A_1602, %convert_element_type3A_1599, %broadcast_in_dim3A_0 : vector<16xi1>, vector<16xi32>
    %add3A_1604 = arith.addi %add3A_1584, %select_n3A_1603 : vector<16xi32>
    %add3A_1605 = arith.addi %add3A_1585, %convert_element_type3A_1599 : vector<16xi32>
    %broadcast_in_dim3A_1606 = arith.constant 14 : i32
    %broadcast_in_dim3A_1607 = vector.broadcast %broadcast_in_dim3A_1606 : i32 to vector<16xi32>
    %lt3A_1608 = arith.constant 0 : i32
    %lt3A_1609 = vector.broadcast %lt3A_1608 : i32 to vector<16xi32>
    %lt3A_1610 = arith.cmpi slt, %broadcast_in_dim3A_1607, %lt3A_1609 : vector<16xi32>
    %add3A_1611 = arith.constant 16 : i32
    %add3A_1612 = vector.broadcast %add3A_1611 : i32 to vector<16xi32>
    %add3A_1613 = arith.addi %broadcast_in_dim3A_1607, %add3A_1612 : vector<16xi32>
    %select_n3A_1614 = arith.select %lt3A_1610, %add3A_1613, %broadcast_in_dim3A_1607 : vector<16xi1>, vector<16xi32>
    %broadcast_in_dim3A_1615 = vector.shape_cast %select_n3A_1614 : vector<16xi32> to vector<16x1xi32>
    %gather3A_1616 = vector.shape_cast %broadcast_in_dim3A_1615 : vector<16x1xi32> to vector<16xi32>
    %gather3A_1617 = tpu.dynamic_gather %get3A_1325[%gather3A_1616] in [0] : vector<16xi32>, vector<16xi32> -> vector<16xi32>
    %eq3A_1618 = arith.cmpi eq, %get3A_1325, %gather3A_1617 : vector<16xi32>
    %convert_element_type3A_1619 = arith.extui %eq3A_1618 : vector<16xi1> to vector<16xi32>
    %gt3A_1620 = arith.constant 14 : i32
    %gt3A_1621 = vector.broadcast %gt3A_1620 : i32 to vector<16xi32>
    %gt3A_1622 = arith.cmpi sgt, %iota3A, %gt3A_1621 : vector<16xi32>
    %select_n3A_1623 = arith.select %gt3A_1622, %convert_element_type3A_1619, %broadcast_in_dim3A_0 : vector<16xi1>, vector<16xi32>
    %add3A_1624 = arith.addi %add3A_1604, %select_n3A_1623 : vector<16xi32>
    %add3A_1625 = arith.addi %add3A_1605, %convert_element_type3A_1619 : vector<16xi32>
    %broadcast_in_dim3A_1626 = arith.constant 15 : i32
    %broadcast_in_dim3A_1627 = vector.broadcast %broadcast_in_dim3A_1626 : i32 to vector<16xi32>
    %lt3A_1628 = arith.constant 0 : i32
    %lt3A_1629 = vector.broadcast %lt3A_1628 : i32 to vector<16xi32>
    %lt3A_1630 = arith.cmpi slt, %broadcast_in_dim3A_1627, %lt3A_1629 : vector<16xi32>
    %add3A_1631 = arith.constant 16 : i32
    %add3A_1632 = vector.broadcast %add3A_1631 : i32 to vector<16xi32>
    %add3A_1633 = arith.addi %broadcast_in_dim3A_1627, %add3A_1632 : vector<16xi32>
    %select_n3A_1634 = arith.select %lt3A_1630, %add3A_1633, %broadcast_in_dim3A_1627 : vector<16xi1>, vector<16xi32>
    %broadcast_in_dim3A_1635 = vector.shape_cast %select_n3A_1634 : vector<16xi32> to vector<16x1xi32>
    %gather3A_1636 = vector.shape_cast %broadcast_in_dim3A_1635 : vector<16x1xi32> to vector<16xi32>
    %gather3A_1637 = tpu.dynamic_gather %get3A_1325[%gather3A_1636] in [0] : vector<16xi32>, vector<16xi32> -> vector<16xi32>
    %eq3A_1638 = arith.cmpi eq, %get3A_1325, %gather3A_1637 : vector<16xi32>
    %convert_element_type3A_1639 = arith.extui %eq3A_1638 : vector<16xi1> to vector<16xi32>
    %gt3A_1640 = arith.constant 15 : i32
    %gt3A_1641 = vector.broadcast %gt3A_1640 : i32 to vector<16xi32>
    %gt3A_1642 = arith.cmpi sgt, %iota3A, %gt3A_1641 : vector<16xi32>
    %select_n3A_1643 = arith.select %gt3A_1642, %convert_element_type3A_1639, %broadcast_in_dim3A_0 : vector<16xi1>, vector<16xi32>
    %add3A_1644 = arith.addi %add3A_1624, %select_n3A_1643 : vector<16xi32>
    %add3A_1645 = arith.addi %add3A_1625, %convert_element_type3A_1639 : vector<16xi32>
    %gather3A_1646 = tpu.vector_load_idx %arg10[%get3A_1325] : memref<64xi32, #tpu.memory_space<vmem>>[vector<16xi32>], vector<16xi32>,
    %add3A_1647 = arith.addi %gather3A_1646, %add3A_1644 : vector<16xi32>
    %swap3A_1648 = arith.constant 64 : index
    %swap3A_1649 = tpu.vector_load %arg9[%swap3A_1648] {strides = array<i32>} : memref<128xi32, #tpu.memory_space<vmem>>, vector<16xi32>,
    tpu.vector_store %arg9[%swap3A_1648], %add3A_1647 {strides = array<i32>} : memref<128xi32, #tpu.memory_space<vmem>>, vector<16xi32>,
    %add3A_1650 = arith.addi %gather3A_1646, %add3A_1645 : vector<16xi32>
    %sub3A_1651 = arith.constant 1 : i32
    %sub3A_1652 = vector.broadcast %sub3A_1651 : i32 to vector<16xi32>
    %sub3A_1653 = arith.subi %add3A_1645, %sub3A_1652 : vector<16xi32>
    %eq3A_1654 = arith.cmpi eq, %add3A_1644, %sub3A_1653 : vector<16xi32>
    tpu.vector_store_idx %arg10[%get3A_1325], %add3A_1650 masked %eq3A_1654 : memref<64xi32, #tpu.memory_space<vmem>>[vector<16xi32>], vector<16xi32>, vector<16xi1>
    %get3A_1655 = arith.constant 80 : index
    %get3A_1656 = tpu.vector_load %arg8[%get3A_1655] {strides = array<i32>} : memref<128xi32, #tpu.memory_space<vmem>>, vector<16xi32>,
    %broadcast_in_dim3A_1657 = arith.constant 0 : i32
    %broadcast_in_dim3A_1658 = vector.broadcast %broadcast_in_dim3A_1657 : i32 to vector<16xi32>
    %lt3A_1659 = arith.constant 0 : i32
    %lt3A_1660 = vector.broadcast %lt3A_1659 : i32 to vector<16xi32>
    %lt3A_1661 = arith.cmpi slt, %broadcast_in_dim3A_1658, %lt3A_1660 : vector<16xi32>
    %add3A_1662 = arith.constant 16 : i32
    %add3A_1663 = vector.broadcast %add3A_1662 : i32 to vector<16xi32>
    %add3A_1664 = arith.addi %broadcast_in_dim3A_1658, %add3A_1663 : vector<16xi32>
    %select_n3A_1665 = arith.select %lt3A_1661, %add3A_1664, %broadcast_in_dim3A_1658 : vector<16xi1>, vector<16xi32>
    %broadcast_in_dim3A_1666 = vector.shape_cast %select_n3A_1665 : vector<16xi32> to vector<16x1xi32>
    %gather3A_1667 = vector.shape_cast %broadcast_in_dim3A_1666 : vector<16x1xi32> to vector<16xi32>
    %gather3A_1668 = tpu.dynamic_gather %get3A_1656[%gather3A_1667] in [0] : vector<16xi32>, vector<16xi32> -> vector<16xi32>
    %eq3A_1669 = arith.cmpi eq, %get3A_1656, %gather3A_1668 : vector<16xi32>
    %convert_element_type3A_1670 = arith.extui %eq3A_1669 : vector<16xi1> to vector<16xi32>
    %gt3A_1671 = arith.constant 0 : i32
    %gt3A_1672 = vector.broadcast %gt3A_1671 : i32 to vector<16xi32>
    %gt3A_1673 = arith.cmpi sgt, %iota3A, %gt3A_1672 : vector<16xi32>
    %select_n3A_1674 = arith.select %gt3A_1673, %convert_element_type3A_1670, %broadcast_in_dim3A_0 : vector<16xi1>, vector<16xi32>
    %add3A_1675 = arith.addi %broadcast_in_dim3A_0, %select_n3A_1674 : vector<16xi32>
    %add3A_1676 = arith.addi %broadcast_in_dim3A_0, %convert_element_type3A_1670 : vector<16xi32>
    %broadcast_in_dim3A_1677 = arith.constant 1 : i32
    %broadcast_in_dim3A_1678 = vector.broadcast %broadcast_in_dim3A_1677 : i32 to vector<16xi32>
    %lt3A_1679 = arith.constant 0 : i32
    %lt3A_1680 = vector.broadcast %lt3A_1679 : i32 to vector<16xi32>
    %lt3A_1681 = arith.cmpi slt, %broadcast_in_dim3A_1678, %lt3A_1680 : vector<16xi32>
    %add3A_1682 = arith.constant 16 : i32
    %add3A_1683 = vector.broadcast %add3A_1682 : i32 to vector<16xi32>
    %add3A_1684 = arith.addi %broadcast_in_dim3A_1678, %add3A_1683 : vector<16xi32>
    %select_n3A_1685 = arith.select %lt3A_1681, %add3A_1684, %broadcast_in_dim3A_1678 : vector<16xi1>, vector<16xi32>
    %broadcast_in_dim3A_1686 = vector.shape_cast %select_n3A_1685 : vector<16xi32> to vector<16x1xi32>
    %gather3A_1687 = vector.shape_cast %broadcast_in_dim3A_1686 : vector<16x1xi32> to vector<16xi32>
    %gather3A_1688 = tpu.dynamic_gather %get3A_1656[%gather3A_1687] in [0] : vector<16xi32>, vector<16xi32> -> vector<16xi32>
    %eq3A_1689 = arith.cmpi eq, %get3A_1656, %gather3A_1688 : vector<16xi32>
    %convert_element_type3A_1690 = arith.extui %eq3A_1689 : vector<16xi1> to vector<16xi32>
    %gt3A_1691 = arith.constant 1 : i32
    %gt3A_1692 = vector.broadcast %gt3A_1691 : i32 to vector<16xi32>
    %gt3A_1693 = arith.cmpi sgt, %iota3A, %gt3A_1692 : vector<16xi32>
    %select_n3A_1694 = arith.select %gt3A_1693, %convert_element_type3A_1690, %broadcast_in_dim3A_0 : vector<16xi1>, vector<16xi32>
    %add3A_1695 = arith.addi %add3A_1675, %select_n3A_1694 : vector<16xi32>
    %add3A_1696 = arith.addi %add3A_1676, %convert_element_type3A_1690 : vector<16xi32>
    %broadcast_in_dim3A_1697 = arith.constant 2 : i32
    %broadcast_in_dim3A_1698 = vector.broadcast %broadcast_in_dim3A_1697 : i32 to vector<16xi32>
    %lt3A_1699 = arith.constant 0 : i32
    %lt3A_1700 = vector.broadcast %lt3A_1699 : i32 to vector<16xi32>
    %lt3A_1701 = arith.cmpi slt, %broadcast_in_dim3A_1698, %lt3A_1700 : vector<16xi32>
    %add3A_1702 = arith.constant 16 : i32
    %add3A_1703 = vector.broadcast %add3A_1702 : i32 to vector<16xi32>
    %add3A_1704 = arith.addi %broadcast_in_dim3A_1698, %add3A_1703 : vector<16xi32>
    %select_n3A_1705 = arith.select %lt3A_1701, %add3A_1704, %broadcast_in_dim3A_1698 : vector<16xi1>, vector<16xi32>
    %broadcast_in_dim3A_1706 = vector.shape_cast %select_n3A_1705 : vector<16xi32> to vector<16x1xi32>
    %gather3A_1707 = vector.shape_cast %broadcast_in_dim3A_1706 : vector<16x1xi32> to vector<16xi32>
    %gather3A_1708 = tpu.dynamic_gather %get3A_1656[%gather3A_1707] in [0] : vector<16xi32>, vector<16xi32> -> vector<16xi32>
    %eq3A_1709 = arith.cmpi eq, %get3A_1656, %gather3A_1708 : vector<16xi32>
    %convert_element_type3A_1710 = arith.extui %eq3A_1709 : vector<16xi1> to vector<16xi32>
    %gt3A_1711 = arith.constant 2 : i32
    %gt3A_1712 = vector.broadcast %gt3A_1711 : i32 to vector<16xi32>
    %gt3A_1713 = arith.cmpi sgt, %iota3A, %gt3A_1712 : vector<16xi32>
    %select_n3A_1714 = arith.select %gt3A_1713, %convert_element_type3A_1710, %broadcast_in_dim3A_0 : vector<16xi1>, vector<16xi32>
    %add3A_1715 = arith.addi %add3A_1695, %select_n3A_1714 : vector<16xi32>
    %add3A_1716 = arith.addi %add3A_1696, %convert_element_type3A_1710 : vector<16xi32>
    %broadcast_in_dim3A_1717 = arith.constant 3 : i32
    %broadcast_in_dim3A_1718 = vector.broadcast %broadcast_in_dim3A_1717 : i32 to vector<16xi32>
    %lt3A_1719 = arith.constant 0 : i32
    %lt3A_1720 = vector.broadcast %lt3A_1719 : i32 to vector<16xi32>
    %lt3A_1721 = arith.cmpi slt, %broadcast_in_dim3A_1718, %lt3A_1720 : vector<16xi32>
    %add3A_1722 = arith.constant 16 : i32
    %add3A_1723 = vector.broadcast %add3A_1722 : i32 to vector<16xi32>
    %add3A_1724 = arith.addi %broadcast_in_dim3A_1718, %add3A_1723 : vector<16xi32>
    %select_n3A_1725 = arith.select %lt3A_1721, %add3A_1724, %broadcast_in_dim3A_1718 : vector<16xi1>, vector<16xi32>
    %broadcast_in_dim3A_1726 = vector.shape_cast %select_n3A_1725 : vector<16xi32> to vector<16x1xi32>
    %gather3A_1727 = vector.shape_cast %broadcast_in_dim3A_1726 : vector<16x1xi32> to vector<16xi32>
    %gather3A_1728 = tpu.dynamic_gather %get3A_1656[%gather3A_1727] in [0] : vector<16xi32>, vector<16xi32> -> vector<16xi32>
    %eq3A_1729 = arith.cmpi eq, %get3A_1656, %gather3A_1728 : vector<16xi32>
    %convert_element_type3A_1730 = arith.extui %eq3A_1729 : vector<16xi1> to vector<16xi32>
    %gt3A_1731 = arith.constant 3 : i32
    %gt3A_1732 = vector.broadcast %gt3A_1731 : i32 to vector<16xi32>
    %gt3A_1733 = arith.cmpi sgt, %iota3A, %gt3A_1732 : vector<16xi32>
    %select_n3A_1734 = arith.select %gt3A_1733, %convert_element_type3A_1730, %broadcast_in_dim3A_0 : vector<16xi1>, vector<16xi32>
    %add3A_1735 = arith.addi %add3A_1715, %select_n3A_1734 : vector<16xi32>
    %add3A_1736 = arith.addi %add3A_1716, %convert_element_type3A_1730 : vector<16xi32>
    %broadcast_in_dim3A_1737 = arith.constant 4 : i32
    %broadcast_in_dim3A_1738 = vector.broadcast %broadcast_in_dim3A_1737 : i32 to vector<16xi32>
    %lt3A_1739 = arith.constant 0 : i32
    %lt3A_1740 = vector.broadcast %lt3A_1739 : i32 to vector<16xi32>
    %lt3A_1741 = arith.cmpi slt, %broadcast_in_dim3A_1738, %lt3A_1740 : vector<16xi32>
    %add3A_1742 = arith.constant 16 : i32
    %add3A_1743 = vector.broadcast %add3A_1742 : i32 to vector<16xi32>
    %add3A_1744 = arith.addi %broadcast_in_dim3A_1738, %add3A_1743 : vector<16xi32>
    %select_n3A_1745 = arith.select %lt3A_1741, %add3A_1744, %broadcast_in_dim3A_1738 : vector<16xi1>, vector<16xi32>
    %broadcast_in_dim3A_1746 = vector.shape_cast %select_n3A_1745 : vector<16xi32> to vector<16x1xi32>
    %gather3A_1747 = vector.shape_cast %broadcast_in_dim3A_1746 : vector<16x1xi32> to vector<16xi32>
    %gather3A_1748 = tpu.dynamic_gather %get3A_1656[%gather3A_1747] in [0] : vector<16xi32>, vector<16xi32> -> vector<16xi32>
    %eq3A_1749 = arith.cmpi eq, %get3A_1656, %gather3A_1748 : vector<16xi32>
    %convert_element_type3A_1750 = arith.extui %eq3A_1749 : vector<16xi1> to vector<16xi32>
    %gt3A_1751 = arith.constant 4 : i32
    %gt3A_1752 = vector.broadcast %gt3A_1751 : i32 to vector<16xi32>
    %gt3A_1753 = arith.cmpi sgt, %iota3A, %gt3A_1752 : vector<16xi32>
    %select_n3A_1754 = arith.select %gt3A_1753, %convert_element_type3A_1750, %broadcast_in_dim3A_0 : vector<16xi1>, vector<16xi32>
    %add3A_1755 = arith.addi %add3A_1735, %select_n3A_1754 : vector<16xi32>
    %add3A_1756 = arith.addi %add3A_1736, %convert_element_type3A_1750 : vector<16xi32>
    %broadcast_in_dim3A_1757 = arith.constant 5 : i32
    %broadcast_in_dim3A_1758 = vector.broadcast %broadcast_in_dim3A_1757 : i32 to vector<16xi32>
    %lt3A_1759 = arith.constant 0 : i32
    %lt3A_1760 = vector.broadcast %lt3A_1759 : i32 to vector<16xi32>
    %lt3A_1761 = arith.cmpi slt, %broadcast_in_dim3A_1758, %lt3A_1760 : vector<16xi32>
    %add3A_1762 = arith.constant 16 : i32
    %add3A_1763 = vector.broadcast %add3A_1762 : i32 to vector<16xi32>
    %add3A_1764 = arith.addi %broadcast_in_dim3A_1758, %add3A_1763 : vector<16xi32>
    %select_n3A_1765 = arith.select %lt3A_1761, %add3A_1764, %broadcast_in_dim3A_1758 : vector<16xi1>, vector<16xi32>
    %broadcast_in_dim3A_1766 = vector.shape_cast %select_n3A_1765 : vector<16xi32> to vector<16x1xi32>
    %gather3A_1767 = vector.shape_cast %broadcast_in_dim3A_1766 : vector<16x1xi32> to vector<16xi32>
    %gather3A_1768 = tpu.dynamic_gather %get3A_1656[%gather3A_1767] in [0] : vector<16xi32>, vector<16xi32> -> vector<16xi32>
    %eq3A_1769 = arith.cmpi eq, %get3A_1656, %gather3A_1768 : vector<16xi32>
    %convert_element_type3A_1770 = arith.extui %eq3A_1769 : vector<16xi1> to vector<16xi32>
    %gt3A_1771 = arith.constant 5 : i32
    %gt3A_1772 = vector.broadcast %gt3A_1771 : i32 to vector<16xi32>
    %gt3A_1773 = arith.cmpi sgt, %iota3A, %gt3A_1772 : vector<16xi32>
    %select_n3A_1774 = arith.select %gt3A_1773, %convert_element_type3A_1770, %broadcast_in_dim3A_0 : vector<16xi1>, vector<16xi32>
    %add3A_1775 = arith.addi %add3A_1755, %select_n3A_1774 : vector<16xi32>
    %add3A_1776 = arith.addi %add3A_1756, %convert_element_type3A_1770 : vector<16xi32>
    %broadcast_in_dim3A_1777 = arith.constant 6 : i32
    %broadcast_in_dim3A_1778 = vector.broadcast %broadcast_in_dim3A_1777 : i32 to vector<16xi32>
    %lt3A_1779 = arith.constant 0 : i32
    %lt3A_1780 = vector.broadcast %lt3A_1779 : i32 to vector<16xi32>
    %lt3A_1781 = arith.cmpi slt, %broadcast_in_dim3A_1778, %lt3A_1780 : vector<16xi32>
    %add3A_1782 = arith.constant 16 : i32
    %add3A_1783 = vector.broadcast %add3A_1782 : i32 to vector<16xi32>
    %add3A_1784 = arith.addi %broadcast_in_dim3A_1778, %add3A_1783 : vector<16xi32>
    %select_n3A_1785 = arith.select %lt3A_1781, %add3A_1784, %broadcast_in_dim3A_1778 : vector<16xi1>, vector<16xi32>
    %broadcast_in_dim3A_1786 = vector.shape_cast %select_n3A_1785 : vector<16xi32> to vector<16x1xi32>
    %gather3A_1787 = vector.shape_cast %broadcast_in_dim3A_1786 : vector<16x1xi32> to vector<16xi32>
    %gather3A_1788 = tpu.dynamic_gather %get3A_1656[%gather3A_1787] in [0] : vector<16xi32>, vector<16xi32> -> vector<16xi32>
    %eq3A_1789 = arith.cmpi eq, %get3A_1656, %gather3A_1788 : vector<16xi32>
    %convert_element_type3A_1790 = arith.extui %eq3A_1789 : vector<16xi1> to vector<16xi32>
    %gt3A_1791 = arith.constant 6 : i32
    %gt3A_1792 = vector.broadcast %gt3A_1791 : i32 to vector<16xi32>
    %gt3A_1793 = arith.cmpi sgt, %iota3A, %gt3A_1792 : vector<16xi32>
    %select_n3A_1794 = arith.select %gt3A_1793, %convert_element_type3A_1790, %broadcast_in_dim3A_0 : vector<16xi1>, vector<16xi32>
    %add3A_1795 = arith.addi %add3A_1775, %select_n3A_1794 : vector<16xi32>
    %add3A_1796 = arith.addi %add3A_1776, %convert_element_type3A_1790 : vector<16xi32>
    %broadcast_in_dim3A_1797 = arith.constant 7 : i32
    %broadcast_in_dim3A_1798 = vector.broadcast %broadcast_in_dim3A_1797 : i32 to vector<16xi32>
    %lt3A_1799 = arith.constant 0 : i32
    %lt3A_1800 = vector.broadcast %lt3A_1799 : i32 to vector<16xi32>
    %lt3A_1801 = arith.cmpi slt, %broadcast_in_dim3A_1798, %lt3A_1800 : vector<16xi32>
    %add3A_1802 = arith.constant 16 : i32
    %add3A_1803 = vector.broadcast %add3A_1802 : i32 to vector<16xi32>
    %add3A_1804 = arith.addi %broadcast_in_dim3A_1798, %add3A_1803 : vector<16xi32>
    %select_n3A_1805 = arith.select %lt3A_1801, %add3A_1804, %broadcast_in_dim3A_1798 : vector<16xi1>, vector<16xi32>
    %broadcast_in_dim3A_1806 = vector.shape_cast %select_n3A_1805 : vector<16xi32> to vector<16x1xi32>
    %gather3A_1807 = vector.shape_cast %broadcast_in_dim3A_1806 : vector<16x1xi32> to vector<16xi32>
    %gather3A_1808 = tpu.dynamic_gather %get3A_1656[%gather3A_1807] in [0] : vector<16xi32>, vector<16xi32> -> vector<16xi32>
    %eq3A_1809 = arith.cmpi eq, %get3A_1656, %gather3A_1808 : vector<16xi32>
    %convert_element_type3A_1810 = arith.extui %eq3A_1809 : vector<16xi1> to vector<16xi32>
    %gt3A_1811 = arith.constant 7 : i32
    %gt3A_1812 = vector.broadcast %gt3A_1811 : i32 to vector<16xi32>
    %gt3A_1813 = arith.cmpi sgt, %iota3A, %gt3A_1812 : vector<16xi32>
    %select_n3A_1814 = arith.select %gt3A_1813, %convert_element_type3A_1810, %broadcast_in_dim3A_0 : vector<16xi1>, vector<16xi32>
    %add3A_1815 = arith.addi %add3A_1795, %select_n3A_1814 : vector<16xi32>
    %add3A_1816 = arith.addi %add3A_1796, %convert_element_type3A_1810 : vector<16xi32>
    %broadcast_in_dim3A_1817 = arith.constant 8 : i32
    %broadcast_in_dim3A_1818 = vector.broadcast %broadcast_in_dim3A_1817 : i32 to vector<16xi32>
    %lt3A_1819 = arith.constant 0 : i32
    %lt3A_1820 = vector.broadcast %lt3A_1819 : i32 to vector<16xi32>
    %lt3A_1821 = arith.cmpi slt, %broadcast_in_dim3A_1818, %lt3A_1820 : vector<16xi32>
    %add3A_1822 = arith.constant 16 : i32
    %add3A_1823 = vector.broadcast %add3A_1822 : i32 to vector<16xi32>
    %add3A_1824 = arith.addi %broadcast_in_dim3A_1818, %add3A_1823 : vector<16xi32>
    %select_n3A_1825 = arith.select %lt3A_1821, %add3A_1824, %broadcast_in_dim3A_1818 : vector<16xi1>, vector<16xi32>
    %broadcast_in_dim3A_1826 = vector.shape_cast %select_n3A_1825 : vector<16xi32> to vector<16x1xi32>
    %gather3A_1827 = vector.shape_cast %broadcast_in_dim3A_1826 : vector<16x1xi32> to vector<16xi32>
    %gather3A_1828 = tpu.dynamic_gather %get3A_1656[%gather3A_1827] in [0] : vector<16xi32>, vector<16xi32> -> vector<16xi32>
    %eq3A_1829 = arith.cmpi eq, %get3A_1656, %gather3A_1828 : vector<16xi32>
    %convert_element_type3A_1830 = arith.extui %eq3A_1829 : vector<16xi1> to vector<16xi32>
    %gt3A_1831 = arith.constant 8 : i32
    %gt3A_1832 = vector.broadcast %gt3A_1831 : i32 to vector<16xi32>
    %gt3A_1833 = arith.cmpi sgt, %iota3A, %gt3A_1832 : vector<16xi32>
    %select_n3A_1834 = arith.select %gt3A_1833, %convert_element_type3A_1830, %broadcast_in_dim3A_0 : vector<16xi1>, vector<16xi32>
    %add3A_1835 = arith.addi %add3A_1815, %select_n3A_1834 : vector<16xi32>
    %add3A_1836 = arith.addi %add3A_1816, %convert_element_type3A_1830 : vector<16xi32>
    %broadcast_in_dim3A_1837 = arith.constant 9 : i32
    %broadcast_in_dim3A_1838 = vector.broadcast %broadcast_in_dim3A_1837 : i32 to vector<16xi32>
    %lt3A_1839 = arith.constant 0 : i32
    %lt3A_1840 = vector.broadcast %lt3A_1839 : i32 to vector<16xi32>
    %lt3A_1841 = arith.cmpi slt, %broadcast_in_dim3A_1838, %lt3A_1840 : vector<16xi32>
    %add3A_1842 = arith.constant 16 : i32
    %add3A_1843 = vector.broadcast %add3A_1842 : i32 to vector<16xi32>
    %add3A_1844 = arith.addi %broadcast_in_dim3A_1838, %add3A_1843 : vector<16xi32>
    %select_n3A_1845 = arith.select %lt3A_1841, %add3A_1844, %broadcast_in_dim3A_1838 : vector<16xi1>, vector<16xi32>
    %broadcast_in_dim3A_1846 = vector.shape_cast %select_n3A_1845 : vector<16xi32> to vector<16x1xi32>
    %gather3A_1847 = vector.shape_cast %broadcast_in_dim3A_1846 : vector<16x1xi32> to vector<16xi32>
    %gather3A_1848 = tpu.dynamic_gather %get3A_1656[%gather3A_1847] in [0] : vector<16xi32>, vector<16xi32> -> vector<16xi32>
    %eq3A_1849 = arith.cmpi eq, %get3A_1656, %gather3A_1848 : vector<16xi32>
    %convert_element_type3A_1850 = arith.extui %eq3A_1849 : vector<16xi1> to vector<16xi32>
    %gt3A_1851 = arith.constant 9 : i32
    %gt3A_1852 = vector.broadcast %gt3A_1851 : i32 to vector<16xi32>
    %gt3A_1853 = arith.cmpi sgt, %iota3A, %gt3A_1852 : vector<16xi32>
    %select_n3A_1854 = arith.select %gt3A_1853, %convert_element_type3A_1850, %broadcast_in_dim3A_0 : vector<16xi1>, vector<16xi32>
    %add3A_1855 = arith.addi %add3A_1835, %select_n3A_1854 : vector<16xi32>
    %add3A_1856 = arith.addi %add3A_1836, %convert_element_type3A_1850 : vector<16xi32>
    %broadcast_in_dim3A_1857 = arith.constant 10 : i32
    %broadcast_in_dim3A_1858 = vector.broadcast %broadcast_in_dim3A_1857 : i32 to vector<16xi32>
    %lt3A_1859 = arith.constant 0 : i32
    %lt3A_1860 = vector.broadcast %lt3A_1859 : i32 to vector<16xi32>
    %lt3A_1861 = arith.cmpi slt, %broadcast_in_dim3A_1858, %lt3A_1860 : vector<16xi32>
    %add3A_1862 = arith.constant 16 : i32
    %add3A_1863 = vector.broadcast %add3A_1862 : i32 to vector<16xi32>
    %add3A_1864 = arith.addi %broadcast_in_dim3A_1858, %add3A_1863 : vector<16xi32>
    %select_n3A_1865 = arith.select %lt3A_1861, %add3A_1864, %broadcast_in_dim3A_1858 : vector<16xi1>, vector<16xi32>
    %broadcast_in_dim3A_1866 = vector.shape_cast %select_n3A_1865 : vector<16xi32> to vector<16x1xi32>
    %gather3A_1867 = vector.shape_cast %broadcast_in_dim3A_1866 : vector<16x1xi32> to vector<16xi32>
    %gather3A_1868 = tpu.dynamic_gather %get3A_1656[%gather3A_1867] in [0] : vector<16xi32>, vector<16xi32> -> vector<16xi32>
    %eq3A_1869 = arith.cmpi eq, %get3A_1656, %gather3A_1868 : vector<16xi32>
    %convert_element_type3A_1870 = arith.extui %eq3A_1869 : vector<16xi1> to vector<16xi32>
    %gt3A_1871 = arith.constant 10 : i32
    %gt3A_1872 = vector.broadcast %gt3A_1871 : i32 to vector<16xi32>
    %gt3A_1873 = arith.cmpi sgt, %iota3A, %gt3A_1872 : vector<16xi32>
    %select_n3A_1874 = arith.select %gt3A_1873, %convert_element_type3A_1870, %broadcast_in_dim3A_0 : vector<16xi1>, vector<16xi32>
    %add3A_1875 = arith.addi %add3A_1855, %select_n3A_1874 : vector<16xi32>
    %add3A_1876 = arith.addi %add3A_1856, %convert_element_type3A_1870 : vector<16xi32>
    %broadcast_in_dim3A_1877 = arith.constant 11 : i32
    %broadcast_in_dim3A_1878 = vector.broadcast %broadcast_in_dim3A_1877 : i32 to vector<16xi32>
    %lt3A_1879 = arith.constant 0 : i32
    %lt3A_1880 = vector.broadcast %lt3A_1879 : i32 to vector<16xi32>
    %lt3A_1881 = arith.cmpi slt, %broadcast_in_dim3A_1878, %lt3A_1880 : vector<16xi32>
    %add3A_1882 = arith.constant 16 : i32
    %add3A_1883 = vector.broadcast %add3A_1882 : i32 to vector<16xi32>
    %add3A_1884 = arith.addi %broadcast_in_dim3A_1878, %add3A_1883 : vector<16xi32>
    %select_n3A_1885 = arith.select %lt3A_1881, %add3A_1884, %broadcast_in_dim3A_1878 : vector<16xi1>, vector<16xi32>
    %broadcast_in_dim3A_1886 = vector.shape_cast %select_n3A_1885 : vector<16xi32> to vector<16x1xi32>
    %gather3A_1887 = vector.shape_cast %broadcast_in_dim3A_1886 : vector<16x1xi32> to vector<16xi32>
    %gather3A_1888 = tpu.dynamic_gather %get3A_1656[%gather3A_1887] in [0] : vector<16xi32>, vector<16xi32> -> vector<16xi32>
    %eq3A_1889 = arith.cmpi eq, %get3A_1656, %gather3A_1888 : vector<16xi32>
    %convert_element_type3A_1890 = arith.extui %eq3A_1889 : vector<16xi1> to vector<16xi32>
    %gt3A_1891 = arith.constant 11 : i32
    %gt3A_1892 = vector.broadcast %gt3A_1891 : i32 to vector<16xi32>
    %gt3A_1893 = arith.cmpi sgt, %iota3A, %gt3A_1892 : vector<16xi32>
    %select_n3A_1894 = arith.select %gt3A_1893, %convert_element_type3A_1890, %broadcast_in_dim3A_0 : vector<16xi1>, vector<16xi32>
    %add3A_1895 = arith.addi %add3A_1875, %select_n3A_1894 : vector<16xi32>
    %add3A_1896 = arith.addi %add3A_1876, %convert_element_type3A_1890 : vector<16xi32>
    %broadcast_in_dim3A_1897 = arith.constant 12 : i32
    %broadcast_in_dim3A_1898 = vector.broadcast %broadcast_in_dim3A_1897 : i32 to vector<16xi32>
    %lt3A_1899 = arith.constant 0 : i32
    %lt3A_1900 = vector.broadcast %lt3A_1899 : i32 to vector<16xi32>
    %lt3A_1901 = arith.cmpi slt, %broadcast_in_dim3A_1898, %lt3A_1900 : vector<16xi32>
    %add3A_1902 = arith.constant 16 : i32
    %add3A_1903 = vector.broadcast %add3A_1902 : i32 to vector<16xi32>
    %add3A_1904 = arith.addi %broadcast_in_dim3A_1898, %add3A_1903 : vector<16xi32>
    %select_n3A_1905 = arith.select %lt3A_1901, %add3A_1904, %broadcast_in_dim3A_1898 : vector<16xi1>, vector<16xi32>
    %broadcast_in_dim3A_1906 = vector.shape_cast %select_n3A_1905 : vector<16xi32> to vector<16x1xi32>
    %gather3A_1907 = vector.shape_cast %broadcast_in_dim3A_1906 : vector<16x1xi32> to vector<16xi32>
    %gather3A_1908 = tpu.dynamic_gather %get3A_1656[%gather3A_1907] in [0] : vector<16xi32>, vector<16xi32> -> vector<16xi32>
    %eq3A_1909 = arith.cmpi eq, %get3A_1656, %gather3A_1908 : vector<16xi32>
    %convert_element_type3A_1910 = arith.extui %eq3A_1909 : vector<16xi1> to vector<16xi32>
    %gt3A_1911 = arith.constant 12 : i32
    %gt3A_1912 = vector.broadcast %gt3A_1911 : i32 to vector<16xi32>
    %gt3A_1913 = arith.cmpi sgt, %iota3A, %gt3A_1912 : vector<16xi32>
    %select_n3A_1914 = arith.select %gt3A_1913, %convert_element_type3A_1910, %broadcast_in_dim3A_0 : vector<16xi1>, vector<16xi32>
    %add3A_1915 = arith.addi %add3A_1895, %select_n3A_1914 : vector<16xi32>
    %add3A_1916 = arith.addi %add3A_1896, %convert_element_type3A_1910 : vector<16xi32>
    %broadcast_in_dim3A_1917 = arith.constant 13 : i32
    %broadcast_in_dim3A_1918 = vector.broadcast %broadcast_in_dim3A_1917 : i32 to vector<16xi32>
    %lt3A_1919 = arith.constant 0 : i32
    %lt3A_1920 = vector.broadcast %lt3A_1919 : i32 to vector<16xi32>
    %lt3A_1921 = arith.cmpi slt, %broadcast_in_dim3A_1918, %lt3A_1920 : vector<16xi32>
    %add3A_1922 = arith.constant 16 : i32
    %add3A_1923 = vector.broadcast %add3A_1922 : i32 to vector<16xi32>
    %add3A_1924 = arith.addi %broadcast_in_dim3A_1918, %add3A_1923 : vector<16xi32>
    %select_n3A_1925 = arith.select %lt3A_1921, %add3A_1924, %broadcast_in_dim3A_1918 : vector<16xi1>, vector<16xi32>
    %broadcast_in_dim3A_1926 = vector.shape_cast %select_n3A_1925 : vector<16xi32> to vector<16x1xi32>
    %gather3A_1927 = vector.shape_cast %broadcast_in_dim3A_1926 : vector<16x1xi32> to vector<16xi32>
    %gather3A_1928 = tpu.dynamic_gather %get3A_1656[%gather3A_1927] in [0] : vector<16xi32>, vector<16xi32> -> vector<16xi32>
    %eq3A_1929 = arith.cmpi eq, %get3A_1656, %gather3A_1928 : vector<16xi32>
    %convert_element_type3A_1930 = arith.extui %eq3A_1929 : vector<16xi1> to vector<16xi32>
    %gt3A_1931 = arith.constant 13 : i32
    %gt3A_1932 = vector.broadcast %gt3A_1931 : i32 to vector<16xi32>
    %gt3A_1933 = arith.cmpi sgt, %iota3A, %gt3A_1932 : vector<16xi32>
    %select_n3A_1934 = arith.select %gt3A_1933, %convert_element_type3A_1930, %broadcast_in_dim3A_0 : vector<16xi1>, vector<16xi32>
    %add3A_1935 = arith.addi %add3A_1915, %select_n3A_1934 : vector<16xi32>
    %add3A_1936 = arith.addi %add3A_1916, %convert_element_type3A_1930 : vector<16xi32>
    %broadcast_in_dim3A_1937 = arith.constant 14 : i32
    %broadcast_in_dim3A_1938 = vector.broadcast %broadcast_in_dim3A_1937 : i32 to vector<16xi32>
    %lt3A_1939 = arith.constant 0 : i32
    %lt3A_1940 = vector.broadcast %lt3A_1939 : i32 to vector<16xi32>
    %lt3A_1941 = arith.cmpi slt, %broadcast_in_dim3A_1938, %lt3A_1940 : vector<16xi32>
    %add3A_1942 = arith.constant 16 : i32
    %add3A_1943 = vector.broadcast %add3A_1942 : i32 to vector<16xi32>
    %add3A_1944 = arith.addi %broadcast_in_dim3A_1938, %add3A_1943 : vector<16xi32>
    %select_n3A_1945 = arith.select %lt3A_1941, %add3A_1944, %broadcast_in_dim3A_1938 : vector<16xi1>, vector<16xi32>
    %broadcast_in_dim3A_1946 = vector.shape_cast %select_n3A_1945 : vector<16xi32> to vector<16x1xi32>
    %gather3A_1947 = vector.shape_cast %broadcast_in_dim3A_1946 : vector<16x1xi32> to vector<16xi32>
    %gather3A_1948 = tpu.dynamic_gather %get3A_1656[%gather3A_1947] in [0] : vector<16xi32>, vector<16xi32> -> vector<16xi32>
    %eq3A_1949 = arith.cmpi eq, %get3A_1656, %gather3A_1948 : vector<16xi32>
    %convert_element_type3A_1950 = arith.extui %eq3A_1949 : vector<16xi1> to vector<16xi32>
    %gt3A_1951 = arith.constant 14 : i32
    %gt3A_1952 = vector.broadcast %gt3A_1951 : i32 to vector<16xi32>
    %gt3A_1953 = arith.cmpi sgt, %iota3A, %gt3A_1952 : vector<16xi32>
    %select_n3A_1954 = arith.select %gt3A_1953, %convert_element_type3A_1950, %broadcast_in_dim3A_0 : vector<16xi1>, vector<16xi32>
    %add3A_1955 = arith.addi %add3A_1935, %select_n3A_1954 : vector<16xi32>
    %add3A_1956 = arith.addi %add3A_1936, %convert_element_type3A_1950 : vector<16xi32>
    %broadcast_in_dim3A_1957 = arith.constant 15 : i32
    %broadcast_in_dim3A_1958 = vector.broadcast %broadcast_in_dim3A_1957 : i32 to vector<16xi32>
    %lt3A_1959 = arith.constant 0 : i32
    %lt3A_1960 = vector.broadcast %lt3A_1959 : i32 to vector<16xi32>
    %lt3A_1961 = arith.cmpi slt, %broadcast_in_dim3A_1958, %lt3A_1960 : vector<16xi32>
    %add3A_1962 = arith.constant 16 : i32
    %add3A_1963 = vector.broadcast %add3A_1962 : i32 to vector<16xi32>
    %add3A_1964 = arith.addi %broadcast_in_dim3A_1958, %add3A_1963 : vector<16xi32>
    %select_n3A_1965 = arith.select %lt3A_1961, %add3A_1964, %broadcast_in_dim3A_1958 : vector<16xi1>, vector<16xi32>
    %broadcast_in_dim3A_1966 = vector.shape_cast %select_n3A_1965 : vector<16xi32> to vector<16x1xi32>
    %gather3A_1967 = vector.shape_cast %broadcast_in_dim3A_1966 : vector<16x1xi32> to vector<16xi32>
    %gather3A_1968 = tpu.dynamic_gather %get3A_1656[%gather3A_1967] in [0] : vector<16xi32>, vector<16xi32> -> vector<16xi32>
    %eq3A_1969 = arith.cmpi eq, %get3A_1656, %gather3A_1968 : vector<16xi32>
    %convert_element_type3A_1970 = arith.extui %eq3A_1969 : vector<16xi1> to vector<16xi32>
    %gt3A_1971 = arith.constant 15 : i32
    %gt3A_1972 = vector.broadcast %gt3A_1971 : i32 to vector<16xi32>
    %gt3A_1973 = arith.cmpi sgt, %iota3A, %gt3A_1972 : vector<16xi32>
    %select_n3A_1974 = arith.select %gt3A_1973, %convert_element_type3A_1970, %broadcast_in_dim3A_0 : vector<16xi1>, vector<16xi32>
    %add3A_1975 = arith.addi %add3A_1955, %select_n3A_1974 : vector<16xi32>
    %add3A_1976 = arith.addi %add3A_1956, %convert_element_type3A_1970 : vector<16xi32>
    %gather3A_1977 = tpu.vector_load_idx %arg10[%get3A_1656] : memref<64xi32, #tpu.memory_space<vmem>>[vector<16xi32>], vector<16xi32>,
    %add3A_1978 = arith.addi %gather3A_1977, %add3A_1975 : vector<16xi32>
    %swap3A_1979 = arith.constant 80 : index
    %swap3A_1980 = tpu.vector_load %arg9[%swap3A_1979] {strides = array<i32>} : memref<128xi32, #tpu.memory_space<vmem>>, vector<16xi32>,
    tpu.vector_store %arg9[%swap3A_1979], %add3A_1978 {strides = array<i32>} : memref<128xi32, #tpu.memory_space<vmem>>, vector<16xi32>,
    %add3A_1981 = arith.addi %gather3A_1977, %add3A_1976 : vector<16xi32>
    %sub3A_1982 = arith.constant 1 : i32
    %sub3A_1983 = vector.broadcast %sub3A_1982 : i32 to vector<16xi32>
    %sub3A_1984 = arith.subi %add3A_1976, %sub3A_1983 : vector<16xi32>
    %eq3A_1985 = arith.cmpi eq, %add3A_1975, %sub3A_1984 : vector<16xi32>
    tpu.vector_store_idx %arg10[%get3A_1656], %add3A_1981 masked %eq3A_1985 : memref<64xi32, #tpu.memory_space<vmem>>[vector<16xi32>], vector<16xi32>, vector<16xi1>
    %get3A_1986 = arith.constant 96 : index
    %get3A_1987 = tpu.vector_load %arg8[%get3A_1986] {strides = array<i32>} : memref<128xi32, #tpu.memory_space<vmem>>, vector<16xi32>,
    %broadcast_in_dim3A_1988 = arith.constant 0 : i32
    %broadcast_in_dim3A_1989 = vector.broadcast %broadcast_in_dim3A_1988 : i32 to vector<16xi32>
    %lt3A_1990 = arith.constant 0 : i32
    %lt3A_1991 = vector.broadcast %lt3A_1990 : i32 to vector<16xi32>
    %lt3A_1992 = arith.cmpi slt, %broadcast_in_dim3A_1989, %lt3A_1991 : vector<16xi32>
    %add3A_1993 = arith.constant 16 : i32
    %add3A_1994 = vector.broadcast %add3A_1993 : i32 to vector<16xi32>
    %add3A_1995 = arith.addi %broadcast_in_dim3A_1989, %add3A_1994 : vector<16xi32>
    %select_n3A_1996 = arith.select %lt3A_1992, %add3A_1995, %broadcast_in_dim3A_1989 : vector<16xi1>, vector<16xi32>
    %broadcast_in_dim3A_1997 = vector.shape_cast %select_n3A_1996 : vector<16xi32> to vector<16x1xi32>
    %gather3A_1998 = vector.shape_cast %broadcast_in_dim3A_1997 : vector<16x1xi32> to vector<16xi32>
    %gather3A_1999 = tpu.dynamic_gather %get3A_1987[%gather3A_1998] in [0] : vector<16xi32>, vector<16xi32> -> vector<16xi32>
    %eq3A_2000 = arith.cmpi eq, %get3A_1987, %gather3A_1999 : vector<16xi32>
    %convert_element_type3A_2001 = arith.extui %eq3A_2000 : vector<16xi1> to vector<16xi32>
    %gt3A_2002 = arith.constant 0 : i32
    %gt3A_2003 = vector.broadcast %gt3A_2002 : i32 to vector<16xi32>
    %gt3A_2004 = arith.cmpi sgt, %iota3A, %gt3A_2003 : vector<16xi32>
    %select_n3A_2005 = arith.select %gt3A_2004, %convert_element_type3A_2001, %broadcast_in_dim3A_0 : vector<16xi1>, vector<16xi32>
    %add3A_2006 = arith.addi %broadcast_in_dim3A_0, %select_n3A_2005 : vector<16xi32>
    %add3A_2007 = arith.addi %broadcast_in_dim3A_0, %convert_element_type3A_2001 : vector<16xi32>
    %broadcast_in_dim3A_2008 = arith.constant 1 : i32
    %broadcast_in_dim3A_2009 = vector.broadcast %broadcast_in_dim3A_2008 : i32 to vector<16xi32>
    %lt3A_2010 = arith.constant 0 : i32
    %lt3A_2011 = vector.broadcast %lt3A_2010 : i32 to vector<16xi32>
    %lt3A_2012 = arith.cmpi slt, %broadcast_in_dim3A_2009, %lt3A_2011 : vector<16xi32>
    %add3A_2013 = arith.constant 16 : i32
    %add3A_2014 = vector.broadcast %add3A_2013 : i32 to vector<16xi32>
    %add3A_2015 = arith.addi %broadcast_in_dim3A_2009, %add3A_2014 : vector<16xi32>
    %select_n3A_2016 = arith.select %lt3A_2012, %add3A_2015, %broadcast_in_dim3A_2009 : vector<16xi1>, vector<16xi32>
    %broadcast_in_dim3A_2017 = vector.shape_cast %select_n3A_2016 : vector<16xi32> to vector<16x1xi32>
    %gather3A_2018 = vector.shape_cast %broadcast_in_dim3A_2017 : vector<16x1xi32> to vector<16xi32>
    %gather3A_2019 = tpu.dynamic_gather %get3A_1987[%gather3A_2018] in [0] : vector<16xi32>, vector<16xi32> -> vector<16xi32>
    %eq3A_2020 = arith.cmpi eq, %get3A_1987, %gather3A_2019 : vector<16xi32>
    %convert_element_type3A_2021 = arith.extui %eq3A_2020 : vector<16xi1> to vector<16xi32>
    %gt3A_2022 = arith.constant 1 : i32
    %gt3A_2023 = vector.broadcast %gt3A_2022 : i32 to vector<16xi32>
    %gt3A_2024 = arith.cmpi sgt, %iota3A, %gt3A_2023 : vector<16xi32>
    %select_n3A_2025 = arith.select %gt3A_2024, %convert_element_type3A_2021, %broadcast_in_dim3A_0 : vector<16xi1>, vector<16xi32>
    %add3A_2026 = arith.addi %add3A_2006, %select_n3A_2025 : vector<16xi32>
    %add3A_2027 = arith.addi %add3A_2007, %convert_element_type3A_2021 : vector<16xi32>
    %broadcast_in_dim3A_2028 = arith.constant 2 : i32
    %broadcast_in_dim3A_2029 = vector.broadcast %broadcast_in_dim3A_2028 : i32 to vector<16xi32>
    %lt3A_2030 = arith.constant 0 : i32
    %lt3A_2031 = vector.broadcast %lt3A_2030 : i32 to vector<16xi32>
    %lt3A_2032 = arith.cmpi slt, %broadcast_in_dim3A_2029, %lt3A_2031 : vector<16xi32>
    %add3A_2033 = arith.constant 16 : i32
    %add3A_2034 = vector.broadcast %add3A_2033 : i32 to vector<16xi32>
    %add3A_2035 = arith.addi %broadcast_in_dim3A_2029, %add3A_2034 : vector<16xi32>
    %select_n3A_2036 = arith.select %lt3A_2032, %add3A_2035, %broadcast_in_dim3A_2029 : vector<16xi1>, vector<16xi32>
    %broadcast_in_dim3A_2037 = vector.shape_cast %select_n3A_2036 : vector<16xi32> to vector<16x1xi32>
    %gather3A_2038 = vector.shape_cast %broadcast_in_dim3A_2037 : vector<16x1xi32> to vector<16xi32>
    %gather3A_2039 = tpu.dynamic_gather %get3A_1987[%gather3A_2038] in [0] : vector<16xi32>, vector<16xi32> -> vector<16xi32>
    %eq3A_2040 = arith.cmpi eq, %get3A_1987, %gather3A_2039 : vector<16xi32>
    %convert_element_type3A_2041 = arith.extui %eq3A_2040 : vector<16xi1> to vector<16xi32>
    %gt3A_2042 = arith.constant 2 : i32
    %gt3A_2043 = vector.broadcast %gt3A_2042 : i32 to vector<16xi32>
    %gt3A_2044 = arith.cmpi sgt, %iota3A, %gt3A_2043 : vector<16xi32>
    %select_n3A_2045 = arith.select %gt3A_2044, %convert_element_type3A_2041, %broadcast_in_dim3A_0 : vector<16xi1>, vector<16xi32>
    %add3A_2046 = arith.addi %add3A_2026, %select_n3A_2045 : vector<16xi32>
    %add3A_2047 = arith.addi %add3A_2027, %convert_element_type3A_2041 : vector<16xi32>
    %broadcast_in_dim3A_2048 = arith.constant 3 : i32
    %broadcast_in_dim3A_2049 = vector.broadcast %broadcast_in_dim3A_2048 : i32 to vector<16xi32>
    %lt3A_2050 = arith.constant 0 : i32
    %lt3A_2051 = vector.broadcast %lt3A_2050 : i32 to vector<16xi32>
    %lt3A_2052 = arith.cmpi slt, %broadcast_in_dim3A_2049, %lt3A_2051 : vector<16xi32>
    %add3A_2053 = arith.constant 16 : i32
    %add3A_2054 = vector.broadcast %add3A_2053 : i32 to vector<16xi32>
    %add3A_2055 = arith.addi %broadcast_in_dim3A_2049, %add3A_2054 : vector<16xi32>
    %select_n3A_2056 = arith.select %lt3A_2052, %add3A_2055, %broadcast_in_dim3A_2049 : vector<16xi1>, vector<16xi32>
    %broadcast_in_dim3A_2057 = vector.shape_cast %select_n3A_2056 : vector<16xi32> to vector<16x1xi32>
    %gather3A_2058 = vector.shape_cast %broadcast_in_dim3A_2057 : vector<16x1xi32> to vector<16xi32>
    %gather3A_2059 = tpu.dynamic_gather %get3A_1987[%gather3A_2058] in [0] : vector<16xi32>, vector<16xi32> -> vector<16xi32>
    %eq3A_2060 = arith.cmpi eq, %get3A_1987, %gather3A_2059 : vector<16xi32>
    %convert_element_type3A_2061 = arith.extui %eq3A_2060 : vector<16xi1> to vector<16xi32>
    %gt3A_2062 = arith.constant 3 : i32
    %gt3A_2063 = vector.broadcast %gt3A_2062 : i32 to vector<16xi32>
    %gt3A_2064 = arith.cmpi sgt, %iota3A, %gt3A_2063 : vector<16xi32>
    %select_n3A_2065 = arith.select %gt3A_2064, %convert_element_type3A_2061, %broadcast_in_dim3A_0 : vector<16xi1>, vector<16xi32>
    %add3A_2066 = arith.addi %add3A_2046, %select_n3A_2065 : vector<16xi32>
    %add3A_2067 = arith.addi %add3A_2047, %convert_element_type3A_2061 : vector<16xi32>
    %broadcast_in_dim3A_2068 = arith.constant 4 : i32
    %broadcast_in_dim3A_2069 = vector.broadcast %broadcast_in_dim3A_2068 : i32 to vector<16xi32>
    %lt3A_2070 = arith.constant 0 : i32
    %lt3A_2071 = vector.broadcast %lt3A_2070 : i32 to vector<16xi32>
    %lt3A_2072 = arith.cmpi slt, %broadcast_in_dim3A_2069, %lt3A_2071 : vector<16xi32>
    %add3A_2073 = arith.constant 16 : i32
    %add3A_2074 = vector.broadcast %add3A_2073 : i32 to vector<16xi32>
    %add3A_2075 = arith.addi %broadcast_in_dim3A_2069, %add3A_2074 : vector<16xi32>
    %select_n3A_2076 = arith.select %lt3A_2072, %add3A_2075, %broadcast_in_dim3A_2069 : vector<16xi1>, vector<16xi32>
    %broadcast_in_dim3A_2077 = vector.shape_cast %select_n3A_2076 : vector<16xi32> to vector<16x1xi32>
    %gather3A_2078 = vector.shape_cast %broadcast_in_dim3A_2077 : vector<16x1xi32> to vector<16xi32>
    %gather3A_2079 = tpu.dynamic_gather %get3A_1987[%gather3A_2078] in [0] : vector<16xi32>, vector<16xi32> -> vector<16xi32>
    %eq3A_2080 = arith.cmpi eq, %get3A_1987, %gather3A_2079 : vector<16xi32>
    %convert_element_type3A_2081 = arith.extui %eq3A_2080 : vector<16xi1> to vector<16xi32>
    %gt3A_2082 = arith.constant 4 : i32
    %gt3A_2083 = vector.broadcast %gt3A_2082 : i32 to vector<16xi32>
    %gt3A_2084 = arith.cmpi sgt, %iota3A, %gt3A_2083 : vector<16xi32>
    %select_n3A_2085 = arith.select %gt3A_2084, %convert_element_type3A_2081, %broadcast_in_dim3A_0 : vector<16xi1>, vector<16xi32>
    %add3A_2086 = arith.addi %add3A_2066, %select_n3A_2085 : vector<16xi32>
    %add3A_2087 = arith.addi %add3A_2067, %convert_element_type3A_2081 : vector<16xi32>
    %broadcast_in_dim3A_2088 = arith.constant 5 : i32
    %broadcast_in_dim3A_2089 = vector.broadcast %broadcast_in_dim3A_2088 : i32 to vector<16xi32>
    %lt3A_2090 = arith.constant 0 : i32
    %lt3A_2091 = vector.broadcast %lt3A_2090 : i32 to vector<16xi32>
    %lt3A_2092 = arith.cmpi slt, %broadcast_in_dim3A_2089, %lt3A_2091 : vector<16xi32>
    %add3A_2093 = arith.constant 16 : i32
    %add3A_2094 = vector.broadcast %add3A_2093 : i32 to vector<16xi32>
    %add3A_2095 = arith.addi %broadcast_in_dim3A_2089, %add3A_2094 : vector<16xi32>
    %select_n3A_2096 = arith.select %lt3A_2092, %add3A_2095, %broadcast_in_dim3A_2089 : vector<16xi1>, vector<16xi32>
    %broadcast_in_dim3A_2097 = vector.shape_cast %select_n3A_2096 : vector<16xi32> to vector<16x1xi32>
    %gather3A_2098 = vector.shape_cast %broadcast_in_dim3A_2097 : vector<16x1xi32> to vector<16xi32>
    %gather3A_2099 = tpu.dynamic_gather %get3A_1987[%gather3A_2098] in [0] : vector<16xi32>, vector<16xi32> -> vector<16xi32>
    %eq3A_2100 = arith.cmpi eq, %get3A_1987, %gather3A_2099 : vector<16xi32>
    %convert_element_type3A_2101 = arith.extui %eq3A_2100 : vector<16xi1> to vector<16xi32>
    %gt3A_2102 = arith.constant 5 : i32
    %gt3A_2103 = vector.broadcast %gt3A_2102 : i32 to vector<16xi32>
    %gt3A_2104 = arith.cmpi sgt, %iota3A, %gt3A_2103 : vector<16xi32>
    %select_n3A_2105 = arith.select %gt3A_2104, %convert_element_type3A_2101, %broadcast_in_dim3A_0 : vector<16xi1>, vector<16xi32>
    %add3A_2106 = arith.addi %add3A_2086, %select_n3A_2105 : vector<16xi32>
    %add3A_2107 = arith.addi %add3A_2087, %convert_element_type3A_2101 : vector<16xi32>
    %broadcast_in_dim3A_2108 = arith.constant 6 : i32
    %broadcast_in_dim3A_2109 = vector.broadcast %broadcast_in_dim3A_2108 : i32 to vector<16xi32>
    %lt3A_2110 = arith.constant 0 : i32
    %lt3A_2111 = vector.broadcast %lt3A_2110 : i32 to vector<16xi32>
    %lt3A_2112 = arith.cmpi slt, %broadcast_in_dim3A_2109, %lt3A_2111 : vector<16xi32>
    %add3A_2113 = arith.constant 16 : i32
    %add3A_2114 = vector.broadcast %add3A_2113 : i32 to vector<16xi32>
    %add3A_2115 = arith.addi %broadcast_in_dim3A_2109, %add3A_2114 : vector<16xi32>
    %select_n3A_2116 = arith.select %lt3A_2112, %add3A_2115, %broadcast_in_dim3A_2109 : vector<16xi1>, vector<16xi32>
    %broadcast_in_dim3A_2117 = vector.shape_cast %select_n3A_2116 : vector<16xi32> to vector<16x1xi32>
    %gather3A_2118 = vector.shape_cast %broadcast_in_dim3A_2117 : vector<16x1xi32> to vector<16xi32>
    %gather3A_2119 = tpu.dynamic_gather %get3A_1987[%gather3A_2118] in [0] : vector<16xi32>, vector<16xi32> -> vector<16xi32>
    %eq3A_2120 = arith.cmpi eq, %get3A_1987, %gather3A_2119 : vector<16xi32>
    %convert_element_type3A_2121 = arith.extui %eq3A_2120 : vector<16xi1> to vector<16xi32>
    %gt3A_2122 = arith.constant 6 : i32
    %gt3A_2123 = vector.broadcast %gt3A_2122 : i32 to vector<16xi32>
    %gt3A_2124 = arith.cmpi sgt, %iota3A, %gt3A_2123 : vector<16xi32>
    %select_n3A_2125 = arith.select %gt3A_2124, %convert_element_type3A_2121, %broadcast_in_dim3A_0 : vector<16xi1>, vector<16xi32>
    %add3A_2126 = arith.addi %add3A_2106, %select_n3A_2125 : vector<16xi32>
    %add3A_2127 = arith.addi %add3A_2107, %convert_element_type3A_2121 : vector<16xi32>
    %broadcast_in_dim3A_2128 = arith.constant 7 : i32
    %broadcast_in_dim3A_2129 = vector.broadcast %broadcast_in_dim3A_2128 : i32 to vector<16xi32>
    %lt3A_2130 = arith.constant 0 : i32
    %lt3A_2131 = vector.broadcast %lt3A_2130 : i32 to vector<16xi32>
    %lt3A_2132 = arith.cmpi slt, %broadcast_in_dim3A_2129, %lt3A_2131 : vector<16xi32>
    %add3A_2133 = arith.constant 16 : i32
    %add3A_2134 = vector.broadcast %add3A_2133 : i32 to vector<16xi32>
    %add3A_2135 = arith.addi %broadcast_in_dim3A_2129, %add3A_2134 : vector<16xi32>
    %select_n3A_2136 = arith.select %lt3A_2132, %add3A_2135, %broadcast_in_dim3A_2129 : vector<16xi1>, vector<16xi32>
    %broadcast_in_dim3A_2137 = vector.shape_cast %select_n3A_2136 : vector<16xi32> to vector<16x1xi32>
    %gather3A_2138 = vector.shape_cast %broadcast_in_dim3A_2137 : vector<16x1xi32> to vector<16xi32>
    %gather3A_2139 = tpu.dynamic_gather %get3A_1987[%gather3A_2138] in [0] : vector<16xi32>, vector<16xi32> -> vector<16xi32>
    %eq3A_2140 = arith.cmpi eq, %get3A_1987, %gather3A_2139 : vector<16xi32>
    %convert_element_type3A_2141 = arith.extui %eq3A_2140 : vector<16xi1> to vector<16xi32>
    %gt3A_2142 = arith.constant 7 : i32
    %gt3A_2143 = vector.broadcast %gt3A_2142 : i32 to vector<16xi32>
    %gt3A_2144 = arith.cmpi sgt, %iota3A, %gt3A_2143 : vector<16xi32>
    %select_n3A_2145 = arith.select %gt3A_2144, %convert_element_type3A_2141, %broadcast_in_dim3A_0 : vector<16xi1>, vector<16xi32>
    %add3A_2146 = arith.addi %add3A_2126, %select_n3A_2145 : vector<16xi32>
    %add3A_2147 = arith.addi %add3A_2127, %convert_element_type3A_2141 : vector<16xi32>
    %broadcast_in_dim3A_2148 = arith.constant 8 : i32
    %broadcast_in_dim3A_2149 = vector.broadcast %broadcast_in_dim3A_2148 : i32 to vector<16xi32>
    %lt3A_2150 = arith.constant 0 : i32
    %lt3A_2151 = vector.broadcast %lt3A_2150 : i32 to vector<16xi32>
    %lt3A_2152 = arith.cmpi slt, %broadcast_in_dim3A_2149, %lt3A_2151 : vector<16xi32>
    %add3A_2153 = arith.constant 16 : i32
    %add3A_2154 = vector.broadcast %add3A_2153 : i32 to vector<16xi32>
    %add3A_2155 = arith.addi %broadcast_in_dim3A_2149, %add3A_2154 : vector<16xi32>
    %select_n3A_2156 = arith.select %lt3A_2152, %add3A_2155, %broadcast_in_dim3A_2149 : vector<16xi1>, vector<16xi32>
    %broadcast_in_dim3A_2157 = vector.shape_cast %select_n3A_2156 : vector<16xi32> to vector<16x1xi32>
    %gather3A_2158 = vector.shape_cast %broadcast_in_dim3A_2157 : vector<16x1xi32> to vector<16xi32>
    %gather3A_2159 = tpu.dynamic_gather %get3A_1987[%gather3A_2158] in [0] : vector<16xi32>, vector<16xi32> -> vector<16xi32>
    %eq3A_2160 = arith.cmpi eq, %get3A_1987, %gather3A_2159 : vector<16xi32>
    %convert_element_type3A_2161 = arith.extui %eq3A_2160 : vector<16xi1> to vector<16xi32>
    %gt3A_2162 = arith.constant 8 : i32
    %gt3A_2163 = vector.broadcast %gt3A_2162 : i32 to vector<16xi32>
    %gt3A_2164 = arith.cmpi sgt, %iota3A, %gt3A_2163 : vector<16xi32>
    %select_n3A_2165 = arith.select %gt3A_2164, %convert_element_type3A_2161, %broadcast_in_dim3A_0 : vector<16xi1>, vector<16xi32>
    %add3A_2166 = arith.addi %add3A_2146, %select_n3A_2165 : vector<16xi32>
    %add3A_2167 = arith.addi %add3A_2147, %convert_element_type3A_2161 : vector<16xi32>
    %broadcast_in_dim3A_2168 = arith.constant 9 : i32
    %broadcast_in_dim3A_2169 = vector.broadcast %broadcast_in_dim3A_2168 : i32 to vector<16xi32>
    %lt3A_2170 = arith.constant 0 : i32
    %lt3A_2171 = vector.broadcast %lt3A_2170 : i32 to vector<16xi32>
    %lt3A_2172 = arith.cmpi slt, %broadcast_in_dim3A_2169, %lt3A_2171 : vector<16xi32>
    %add3A_2173 = arith.constant 16 : i32
    %add3A_2174 = vector.broadcast %add3A_2173 : i32 to vector<16xi32>
    %add3A_2175 = arith.addi %broadcast_in_dim3A_2169, %add3A_2174 : vector<16xi32>
    %select_n3A_2176 = arith.select %lt3A_2172, %add3A_2175, %broadcast_in_dim3A_2169 : vector<16xi1>, vector<16xi32>
    %broadcast_in_dim3A_2177 = vector.shape_cast %select_n3A_2176 : vector<16xi32> to vector<16x1xi32>
    %gather3A_2178 = vector.shape_cast %broadcast_in_dim3A_2177 : vector<16x1xi32> to vector<16xi32>
    %gather3A_2179 = tpu.dynamic_gather %get3A_1987[%gather3A_2178] in [0] : vector<16xi32>, vector<16xi32> -> vector<16xi32>
    %eq3A_2180 = arith.cmpi eq, %get3A_1987, %gather3A_2179 : vector<16xi32>
    %convert_element_type3A_2181 = arith.extui %eq3A_2180 : vector<16xi1> to vector<16xi32>
    %gt3A_2182 = arith.constant 9 : i32
    %gt3A_2183 = vector.broadcast %gt3A_2182 : i32 to vector<16xi32>
    %gt3A_2184 = arith.cmpi sgt, %iota3A, %gt3A_2183 : vector<16xi32>
    %select_n3A_2185 = arith.select %gt3A_2184, %convert_element_type3A_2181, %broadcast_in_dim3A_0 : vector<16xi1>, vector<16xi32>
    %add3A_2186 = arith.addi %add3A_2166, %select_n3A_2185 : vector<16xi32>
    %add3A_2187 = arith.addi %add3A_2167, %convert_element_type3A_2181 : vector<16xi32>
    %broadcast_in_dim3A_2188 = arith.constant 10 : i32
    %broadcast_in_dim3A_2189 = vector.broadcast %broadcast_in_dim3A_2188 : i32 to vector<16xi32>
    %lt3A_2190 = arith.constant 0 : i32
    %lt3A_2191 = vector.broadcast %lt3A_2190 : i32 to vector<16xi32>
    %lt3A_2192 = arith.cmpi slt, %broadcast_in_dim3A_2189, %lt3A_2191 : vector<16xi32>
    %add3A_2193 = arith.constant 16 : i32
    %add3A_2194 = vector.broadcast %add3A_2193 : i32 to vector<16xi32>
    %add3A_2195 = arith.addi %broadcast_in_dim3A_2189, %add3A_2194 : vector<16xi32>
    %select_n3A_2196 = arith.select %lt3A_2192, %add3A_2195, %broadcast_in_dim3A_2189 : vector<16xi1>, vector<16xi32>
    %broadcast_in_dim3A_2197 = vector.shape_cast %select_n3A_2196 : vector<16xi32> to vector<16x1xi32>
    %gather3A_2198 = vector.shape_cast %broadcast_in_dim3A_2197 : vector<16x1xi32> to vector<16xi32>
    %gather3A_2199 = tpu.dynamic_gather %get3A_1987[%gather3A_2198] in [0] : vector<16xi32>, vector<16xi32> -> vector<16xi32>
    %eq3A_2200 = arith.cmpi eq, %get3A_1987, %gather3A_2199 : vector<16xi32>
    %convert_element_type3A_2201 = arith.extui %eq3A_2200 : vector<16xi1> to vector<16xi32>
    %gt3A_2202 = arith.constant 10 : i32
    %gt3A_2203 = vector.broadcast %gt3A_2202 : i32 to vector<16xi32>
    %gt3A_2204 = arith.cmpi sgt, %iota3A, %gt3A_2203 : vector<16xi32>
    %select_n3A_2205 = arith.select %gt3A_2204, %convert_element_type3A_2201, %broadcast_in_dim3A_0 : vector<16xi1>, vector<16xi32>
    %add3A_2206 = arith.addi %add3A_2186, %select_n3A_2205 : vector<16xi32>
    %add3A_2207 = arith.addi %add3A_2187, %convert_element_type3A_2201 : vector<16xi32>
    %broadcast_in_dim3A_2208 = arith.constant 11 : i32
    %broadcast_in_dim3A_2209 = vector.broadcast %broadcast_in_dim3A_2208 : i32 to vector<16xi32>
    %lt3A_2210 = arith.constant 0 : i32
    %lt3A_2211 = vector.broadcast %lt3A_2210 : i32 to vector<16xi32>
    %lt3A_2212 = arith.cmpi slt, %broadcast_in_dim3A_2209, %lt3A_2211 : vector<16xi32>
    %add3A_2213 = arith.constant 16 : i32
    %add3A_2214 = vector.broadcast %add3A_2213 : i32 to vector<16xi32>
    %add3A_2215 = arith.addi %broadcast_in_dim3A_2209, %add3A_2214 : vector<16xi32>
    %select_n3A_2216 = arith.select %lt3A_2212, %add3A_2215, %broadcast_in_dim3A_2209 : vector<16xi1>, vector<16xi32>
    %broadcast_in_dim3A_2217 = vector.shape_cast %select_n3A_2216 : vector<16xi32> to vector<16x1xi32>
    %gather3A_2218 = vector.shape_cast %broadcast_in_dim3A_2217 : vector<16x1xi32> to vector<16xi32>
    %gather3A_2219 = tpu.dynamic_gather %get3A_1987[%gather3A_2218] in [0] : vector<16xi32>, vector<16xi32> -> vector<16xi32>
    %eq3A_2220 = arith.cmpi eq, %get3A_1987, %gather3A_2219 : vector<16xi32>
    %convert_element_type3A_2221 = arith.extui %eq3A_2220 : vector<16xi1> to vector<16xi32>
    %gt3A_2222 = arith.constant 11 : i32
    %gt3A_2223 = vector.broadcast %gt3A_2222 : i32 to vector<16xi32>
    %gt3A_2224 = arith.cmpi sgt, %iota3A, %gt3A_2223 : vector<16xi32>
    %select_n3A_2225 = arith.select %gt3A_2224, %convert_element_type3A_2221, %broadcast_in_dim3A_0 : vector<16xi1>, vector<16xi32>
    %add3A_2226 = arith.addi %add3A_2206, %select_n3A_2225 : vector<16xi32>
    %add3A_2227 = arith.addi %add3A_2207, %convert_element_type3A_2221 : vector<16xi32>
    %broadcast_in_dim3A_2228 = arith.constant 12 : i32
    %broadcast_in_dim3A_2229 = vector.broadcast %broadcast_in_dim3A_2228 : i32 to vector<16xi32>
    %lt3A_2230 = arith.constant 0 : i32
    %lt3A_2231 = vector.broadcast %lt3A_2230 : i32 to vector<16xi32>
    %lt3A_2232 = arith.cmpi slt, %broadcast_in_dim3A_2229, %lt3A_2231 : vector<16xi32>
    %add3A_2233 = arith.constant 16 : i32
    %add3A_2234 = vector.broadcast %add3A_2233 : i32 to vector<16xi32>
    %add3A_2235 = arith.addi %broadcast_in_dim3A_2229, %add3A_2234 : vector<16xi32>
    %select_n3A_2236 = arith.select %lt3A_2232, %add3A_2235, %broadcast_in_dim3A_2229 : vector<16xi1>, vector<16xi32>
    %broadcast_in_dim3A_2237 = vector.shape_cast %select_n3A_2236 : vector<16xi32> to vector<16x1xi32>
    %gather3A_2238 = vector.shape_cast %broadcast_in_dim3A_2237 : vector<16x1xi32> to vector<16xi32>
    %gather3A_2239 = tpu.dynamic_gather %get3A_1987[%gather3A_2238] in [0] : vector<16xi32>, vector<16xi32> -> vector<16xi32>
    %eq3A_2240 = arith.cmpi eq, %get3A_1987, %gather3A_2239 : vector<16xi32>
    %convert_element_type3A_2241 = arith.extui %eq3A_2240 : vector<16xi1> to vector<16xi32>
    %gt3A_2242 = arith.constant 12 : i32
    %gt3A_2243 = vector.broadcast %gt3A_2242 : i32 to vector<16xi32>
    %gt3A_2244 = arith.cmpi sgt, %iota3A, %gt3A_2243 : vector<16xi32>
    %select_n3A_2245 = arith.select %gt3A_2244, %convert_element_type3A_2241, %broadcast_in_dim3A_0 : vector<16xi1>, vector<16xi32>
    %add3A_2246 = arith.addi %add3A_2226, %select_n3A_2245 : vector<16xi32>
    %add3A_2247 = arith.addi %add3A_2227, %convert_element_type3A_2241 : vector<16xi32>
    %broadcast_in_dim3A_2248 = arith.constant 13 : i32
    %broadcast_in_dim3A_2249 = vector.broadcast %broadcast_in_dim3A_2248 : i32 to vector<16xi32>
    %lt3A_2250 = arith.constant 0 : i32
    %lt3A_2251 = vector.broadcast %lt3A_2250 : i32 to vector<16xi32>
    %lt3A_2252 = arith.cmpi slt, %broadcast_in_dim3A_2249, %lt3A_2251 : vector<16xi32>
    %add3A_2253 = arith.constant 16 : i32
    %add3A_2254 = vector.broadcast %add3A_2253 : i32 to vector<16xi32>
    %add3A_2255 = arith.addi %broadcast_in_dim3A_2249, %add3A_2254 : vector<16xi32>
    %select_n3A_2256 = arith.select %lt3A_2252, %add3A_2255, %broadcast_in_dim3A_2249 : vector<16xi1>, vector<16xi32>
    %broadcast_in_dim3A_2257 = vector.shape_cast %select_n3A_2256 : vector<16xi32> to vector<16x1xi32>
    %gather3A_2258 = vector.shape_cast %broadcast_in_dim3A_2257 : vector<16x1xi32> to vector<16xi32>
    %gather3A_2259 = tpu.dynamic_gather %get3A_1987[%gather3A_2258] in [0] : vector<16xi32>, vector<16xi32> -> vector<16xi32>
    %eq3A_2260 = arith.cmpi eq, %get3A_1987, %gather3A_2259 : vector<16xi32>
    %convert_element_type3A_2261 = arith.extui %eq3A_2260 : vector<16xi1> to vector<16xi32>
    %gt3A_2262 = arith.constant 13 : i32
    %gt3A_2263 = vector.broadcast %gt3A_2262 : i32 to vector<16xi32>
    %gt3A_2264 = arith.cmpi sgt, %iota3A, %gt3A_2263 : vector<16xi32>
    %select_n3A_2265 = arith.select %gt3A_2264, %convert_element_type3A_2261, %broadcast_in_dim3A_0 : vector<16xi1>, vector<16xi32>
    %add3A_2266 = arith.addi %add3A_2246, %select_n3A_2265 : vector<16xi32>
    %add3A_2267 = arith.addi %add3A_2247, %convert_element_type3A_2261 : vector<16xi32>
    %broadcast_in_dim3A_2268 = arith.constant 14 : i32
    %broadcast_in_dim3A_2269 = vector.broadcast %broadcast_in_dim3A_2268 : i32 to vector<16xi32>
    %lt3A_2270 = arith.constant 0 : i32
    %lt3A_2271 = vector.broadcast %lt3A_2270 : i32 to vector<16xi32>
    %lt3A_2272 = arith.cmpi slt, %broadcast_in_dim3A_2269, %lt3A_2271 : vector<16xi32>
    %add3A_2273 = arith.constant 16 : i32
    %add3A_2274 = vector.broadcast %add3A_2273 : i32 to vector<16xi32>
    %add3A_2275 = arith.addi %broadcast_in_dim3A_2269, %add3A_2274 : vector<16xi32>
    %select_n3A_2276 = arith.select %lt3A_2272, %add3A_2275, %broadcast_in_dim3A_2269 : vector<16xi1>, vector<16xi32>
    %broadcast_in_dim3A_2277 = vector.shape_cast %select_n3A_2276 : vector<16xi32> to vector<16x1xi32>
    %gather3A_2278 = vector.shape_cast %broadcast_in_dim3A_2277 : vector<16x1xi32> to vector<16xi32>
    %gather3A_2279 = tpu.dynamic_gather %get3A_1987[%gather3A_2278] in [0] : vector<16xi32>, vector<16xi32> -> vector<16xi32>
    %eq3A_2280 = arith.cmpi eq, %get3A_1987, %gather3A_2279 : vector<16xi32>
    %convert_element_type3A_2281 = arith.extui %eq3A_2280 : vector<16xi1> to vector<16xi32>
    %gt3A_2282 = arith.constant 14 : i32
    %gt3A_2283 = vector.broadcast %gt3A_2282 : i32 to vector<16xi32>
    %gt3A_2284 = arith.cmpi sgt, %iota3A, %gt3A_2283 : vector<16xi32>
    %select_n3A_2285 = arith.select %gt3A_2284, %convert_element_type3A_2281, %broadcast_in_dim3A_0 : vector<16xi1>, vector<16xi32>
    %add3A_2286 = arith.addi %add3A_2266, %select_n3A_2285 : vector<16xi32>
    %add3A_2287 = arith.addi %add3A_2267, %convert_element_type3A_2281 : vector<16xi32>
    %broadcast_in_dim3A_2288 = arith.constant 15 : i32
    %broadcast_in_dim3A_2289 = vector.broadcast %broadcast_in_dim3A_2288 : i32 to vector<16xi32>
    %lt3A_2290 = arith.constant 0 : i32
    %lt3A_2291 = vector.broadcast %lt3A_2290 : i32 to vector<16xi32>
    %lt3A_2292 = arith.cmpi slt, %broadcast_in_dim3A_2289, %lt3A_2291 : vector<16xi32>
    %add3A_2293 = arith.constant 16 : i32
    %add3A_2294 = vector.broadcast %add3A_2293 : i32 to vector<16xi32>
    %add3A_2295 = arith.addi %broadcast_in_dim3A_2289, %add3A_2294 : vector<16xi32>
    %select_n3A_2296 = arith.select %lt3A_2292, %add3A_2295, %broadcast_in_dim3A_2289 : vector<16xi1>, vector<16xi32>
    %broadcast_in_dim3A_2297 = vector.shape_cast %select_n3A_2296 : vector<16xi32> to vector<16x1xi32>
    %gather3A_2298 = vector.shape_cast %broadcast_in_dim3A_2297 : vector<16x1xi32> to vector<16xi32>
    %gather3A_2299 = tpu.dynamic_gather %get3A_1987[%gather3A_2298] in [0] : vector<16xi32>, vector<16xi32> -> vector<16xi32>
    %eq3A_2300 = arith.cmpi eq, %get3A_1987, %gather3A_2299 : vector<16xi32>
    %convert_element_type3A_2301 = arith.extui %eq3A_2300 : vector<16xi1> to vector<16xi32>
    %gt3A_2302 = arith.constant 15 : i32
    %gt3A_2303 = vector.broadcast %gt3A_2302 : i32 to vector<16xi32>
    %gt3A_2304 = arith.cmpi sgt, %iota3A, %gt3A_2303 : vector<16xi32>
    %select_n3A_2305 = arith.select %gt3A_2304, %convert_element_type3A_2301, %broadcast_in_dim3A_0 : vector<16xi1>, vector<16xi32>
    %add3A_2306 = arith.addi %add3A_2286, %select_n3A_2305 : vector<16xi32>
    %add3A_2307 = arith.addi %add3A_2287, %convert_element_type3A_2301 : vector<16xi32>
    %gather3A_2308 = tpu.vector_load_idx %arg10[%get3A_1987] : memref<64xi32, #tpu.memory_space<vmem>>[vector<16xi32>], vector<16xi32>,
    %add3A_2309 = arith.addi %gather3A_2308, %add3A_2306 : vector<16xi32>
    %swap3A_2310 = arith.constant 96 : index
    %swap3A_2311 = tpu.vector_load %arg9[%swap3A_2310] {strides = array<i32>} : memref<128xi32, #tpu.memory_space<vmem>>, vector<16xi32>,
    tpu.vector_store %arg9[%swap3A_2310], %add3A_2309 {strides = array<i32>} : memref<128xi32, #tpu.memory_space<vmem>>, vector<16xi32>,
    %add3A_2312 = arith.addi %gather3A_2308, %add3A_2307 : vector<16xi32>
    %sub3A_2313 = arith.constant 1 : i32
    %sub3A_2314 = vector.broadcast %sub3A_2313 : i32 to vector<16xi32>
    %sub3A_2315 = arith.subi %add3A_2307, %sub3A_2314 : vector<16xi32>
    %eq3A_2316 = arith.cmpi eq, %add3A_2306, %sub3A_2315 : vector<16xi32>
    tpu.vector_store_idx %arg10[%get3A_1987], %add3A_2312 masked %eq3A_2316 : memref<64xi32, #tpu.memory_space<vmem>>[vector<16xi32>], vector<16xi32>, vector<16xi1>
    %get3A_2317 = arith.constant 112 : index
    %get3A_2318 = tpu.vector_load %arg8[%get3A_2317] {strides = array<i32>} : memref<128xi32, #tpu.memory_space<vmem>>, vector<16xi32>,
    %broadcast_in_dim3A_2319 = arith.constant 0 : i32
    %broadcast_in_dim3A_2320 = vector.broadcast %broadcast_in_dim3A_2319 : i32 to vector<16xi32>
    %lt3A_2321 = arith.constant 0 : i32
    %lt3A_2322 = vector.broadcast %lt3A_2321 : i32 to vector<16xi32>
    %lt3A_2323 = arith.cmpi slt, %broadcast_in_dim3A_2320, %lt3A_2322 : vector<16xi32>
    %add3A_2324 = arith.constant 16 : i32
    %add3A_2325 = vector.broadcast %add3A_2324 : i32 to vector<16xi32>
    %add3A_2326 = arith.addi %broadcast_in_dim3A_2320, %add3A_2325 : vector<16xi32>
    %select_n3A_2327 = arith.select %lt3A_2323, %add3A_2326, %broadcast_in_dim3A_2320 : vector<16xi1>, vector<16xi32>
    %broadcast_in_dim3A_2328 = vector.shape_cast %select_n3A_2327 : vector<16xi32> to vector<16x1xi32>
    %gather3A_2329 = vector.shape_cast %broadcast_in_dim3A_2328 : vector<16x1xi32> to vector<16xi32>
    %gather3A_2330 = tpu.dynamic_gather %get3A_2318[%gather3A_2329] in [0] : vector<16xi32>, vector<16xi32> -> vector<16xi32>
    %eq3A_2331 = arith.cmpi eq, %get3A_2318, %gather3A_2330 : vector<16xi32>
    %convert_element_type3A_2332 = arith.extui %eq3A_2331 : vector<16xi1> to vector<16xi32>
    %gt3A_2333 = arith.constant 0 : i32
    %gt3A_2334 = vector.broadcast %gt3A_2333 : i32 to vector<16xi32>
    %gt3A_2335 = arith.cmpi sgt, %iota3A, %gt3A_2334 : vector<16xi32>
    %select_n3A_2336 = arith.select %gt3A_2335, %convert_element_type3A_2332, %broadcast_in_dim3A_0 : vector<16xi1>, vector<16xi32>
    %add3A_2337 = arith.addi %broadcast_in_dim3A_0, %select_n3A_2336 : vector<16xi32>
    %add3A_2338 = arith.addi %broadcast_in_dim3A_0, %convert_element_type3A_2332 : vector<16xi32>
    %broadcast_in_dim3A_2339 = arith.constant 1 : i32
    %broadcast_in_dim3A_2340 = vector.broadcast %broadcast_in_dim3A_2339 : i32 to vector<16xi32>
    %lt3A_2341 = arith.constant 0 : i32
    %lt3A_2342 = vector.broadcast %lt3A_2341 : i32 to vector<16xi32>
    %lt3A_2343 = arith.cmpi slt, %broadcast_in_dim3A_2340, %lt3A_2342 : vector<16xi32>
    %add3A_2344 = arith.constant 16 : i32
    %add3A_2345 = vector.broadcast %add3A_2344 : i32 to vector<16xi32>
    %add3A_2346 = arith.addi %broadcast_in_dim3A_2340, %add3A_2345 : vector<16xi32>
    %select_n3A_2347 = arith.select %lt3A_2343, %add3A_2346, %broadcast_in_dim3A_2340 : vector<16xi1>, vector<16xi32>
    %broadcast_in_dim3A_2348 = vector.shape_cast %select_n3A_2347 : vector<16xi32> to vector<16x1xi32>
    %gather3A_2349 = vector.shape_cast %broadcast_in_dim3A_2348 : vector<16x1xi32> to vector<16xi32>
    %gather3A_2350 = tpu.dynamic_gather %get3A_2318[%gather3A_2349] in [0] : vector<16xi32>, vector<16xi32> -> vector<16xi32>
    %eq3A_2351 = arith.cmpi eq, %get3A_2318, %gather3A_2350 : vector<16xi32>
    %convert_element_type3A_2352 = arith.extui %eq3A_2351 : vector<16xi1> to vector<16xi32>
    %gt3A_2353 = arith.constant 1 : i32
    %gt3A_2354 = vector.broadcast %gt3A_2353 : i32 to vector<16xi32>
    %gt3A_2355 = arith.cmpi sgt, %iota3A, %gt3A_2354 : vector<16xi32>
    %select_n3A_2356 = arith.select %gt3A_2355, %convert_element_type3A_2352, %broadcast_in_dim3A_0 : vector<16xi1>, vector<16xi32>
    %add3A_2357 = arith.addi %add3A_2337, %select_n3A_2356 : vector<16xi32>
    %add3A_2358 = arith.addi %add3A_2338, %convert_element_type3A_2352 : vector<16xi32>
    %broadcast_in_dim3A_2359 = arith.constant 2 : i32
    %broadcast_in_dim3A_2360 = vector.broadcast %broadcast_in_dim3A_2359 : i32 to vector<16xi32>
    %lt3A_2361 = arith.constant 0 : i32
    %lt3A_2362 = vector.broadcast %lt3A_2361 : i32 to vector<16xi32>
    %lt3A_2363 = arith.cmpi slt, %broadcast_in_dim3A_2360, %lt3A_2362 : vector<16xi32>
    %add3A_2364 = arith.constant 16 : i32
    %add3A_2365 = vector.broadcast %add3A_2364 : i32 to vector<16xi32>
    %add3A_2366 = arith.addi %broadcast_in_dim3A_2360, %add3A_2365 : vector<16xi32>
    %select_n3A_2367 = arith.select %lt3A_2363, %add3A_2366, %broadcast_in_dim3A_2360 : vector<16xi1>, vector<16xi32>
    %broadcast_in_dim3A_2368 = vector.shape_cast %select_n3A_2367 : vector<16xi32> to vector<16x1xi32>
    %gather3A_2369 = vector.shape_cast %broadcast_in_dim3A_2368 : vector<16x1xi32> to vector<16xi32>
    %gather3A_2370 = tpu.dynamic_gather %get3A_2318[%gather3A_2369] in [0] : vector<16xi32>, vector<16xi32> -> vector<16xi32>
    %eq3A_2371 = arith.cmpi eq, %get3A_2318, %gather3A_2370 : vector<16xi32>
    %convert_element_type3A_2372 = arith.extui %eq3A_2371 : vector<16xi1> to vector<16xi32>
    %gt3A_2373 = arith.constant 2 : i32
    %gt3A_2374 = vector.broadcast %gt3A_2373 : i32 to vector<16xi32>
    %gt3A_2375 = arith.cmpi sgt, %iota3A, %gt3A_2374 : vector<16xi32>
    %select_n3A_2376 = arith.select %gt3A_2375, %convert_element_type3A_2372, %broadcast_in_dim3A_0 : vector<16xi1>, vector<16xi32>
    %add3A_2377 = arith.addi %add3A_2357, %select_n3A_2376 : vector<16xi32>
    %add3A_2378 = arith.addi %add3A_2358, %convert_element_type3A_2372 : vector<16xi32>
    %broadcast_in_dim3A_2379 = arith.constant 3 : i32
    %broadcast_in_dim3A_2380 = vector.broadcast %broadcast_in_dim3A_2379 : i32 to vector<16xi32>
    %lt3A_2381 = arith.constant 0 : i32
    %lt3A_2382 = vector.broadcast %lt3A_2381 : i32 to vector<16xi32>
    %lt3A_2383 = arith.cmpi slt, %broadcast_in_dim3A_2380, %lt3A_2382 : vector<16xi32>
    %add3A_2384 = arith.constant 16 : i32
    %add3A_2385 = vector.broadcast %add3A_2384 : i32 to vector<16xi32>
    %add3A_2386 = arith.addi %broadcast_in_dim3A_2380, %add3A_2385 : vector<16xi32>
    %select_n3A_2387 = arith.select %lt3A_2383, %add3A_2386, %broadcast_in_dim3A_2380 : vector<16xi1>, vector<16xi32>
    %broadcast_in_dim3A_2388 = vector.shape_cast %select_n3A_2387 : vector<16xi32> to vector<16x1xi32>
    %gather3A_2389 = vector.shape_cast %broadcast_in_dim3A_2388 : vector<16x1xi32> to vector<16xi32>
    %gather3A_2390 = tpu.dynamic_gather %get3A_2318[%gather3A_2389] in [0] : vector<16xi32>, vector<16xi32> -> vector<16xi32>
    %eq3A_2391 = arith.cmpi eq, %get3A_2318, %gather3A_2390 : vector<16xi32>
    %convert_element_type3A_2392 = arith.extui %eq3A_2391 : vector<16xi1> to vector<16xi32>
    %gt3A_2393 = arith.constant 3 : i32
    %gt3A_2394 = vector.broadcast %gt3A_2393 : i32 to vector<16xi32>
    %gt3A_2395 = arith.cmpi sgt, %iota3A, %gt3A_2394 : vector<16xi32>
    %select_n3A_2396 = arith.select %gt3A_2395, %convert_element_type3A_2392, %broadcast_in_dim3A_0 : vector<16xi1>, vector<16xi32>
    %add3A_2397 = arith.addi %add3A_2377, %select_n3A_2396 : vector<16xi32>
    %add3A_2398 = arith.addi %add3A_2378, %convert_element_type3A_2392 : vector<16xi32>
    %broadcast_in_dim3A_2399 = arith.constant 4 : i32
    %broadcast_in_dim3A_2400 = vector.broadcast %broadcast_in_dim3A_2399 : i32 to vector<16xi32>
    %lt3A_2401 = arith.constant 0 : i32
    %lt3A_2402 = vector.broadcast %lt3A_2401 : i32 to vector<16xi32>
    %lt3A_2403 = arith.cmpi slt, %broadcast_in_dim3A_2400, %lt3A_2402 : vector<16xi32>
    %add3A_2404 = arith.constant 16 : i32
    %add3A_2405 = vector.broadcast %add3A_2404 : i32 to vector<16xi32>
    %add3A_2406 = arith.addi %broadcast_in_dim3A_2400, %add3A_2405 : vector<16xi32>
    %select_n3A_2407 = arith.select %lt3A_2403, %add3A_2406, %broadcast_in_dim3A_2400 : vector<16xi1>, vector<16xi32>
    %broadcast_in_dim3A_2408 = vector.shape_cast %select_n3A_2407 : vector<16xi32> to vector<16x1xi32>
    %gather3A_2409 = vector.shape_cast %broadcast_in_dim3A_2408 : vector<16x1xi32> to vector<16xi32>
    %gather3A_2410 = tpu.dynamic_gather %get3A_2318[%gather3A_2409] in [0] : vector<16xi32>, vector<16xi32> -> vector<16xi32>
    %eq3A_2411 = arith.cmpi eq, %get3A_2318, %gather3A_2410 : vector<16xi32>
    %convert_element_type3A_2412 = arith.extui %eq3A_2411 : vector<16xi1> to vector<16xi32>
    %gt3A_2413 = arith.constant 4 : i32
    %gt3A_2414 = vector.broadcast %gt3A_2413 : i32 to vector<16xi32>
    %gt3A_2415 = arith.cmpi sgt, %iota3A, %gt3A_2414 : vector<16xi32>
    %select_n3A_2416 = arith.select %gt3A_2415, %convert_element_type3A_2412, %broadcast_in_dim3A_0 : vector<16xi1>, vector<16xi32>
    %add3A_2417 = arith.addi %add3A_2397, %select_n3A_2416 : vector<16xi32>
    %add3A_2418 = arith.addi %add3A_2398, %convert_element_type3A_2412 : vector<16xi32>
    %broadcast_in_dim3A_2419 = arith.constant 5 : i32
    %broadcast_in_dim3A_2420 = vector.broadcast %broadcast_in_dim3A_2419 : i32 to vector<16xi32>
    %lt3A_2421 = arith.constant 0 : i32
    %lt3A_2422 = vector.broadcast %lt3A_2421 : i32 to vector<16xi32>
    %lt3A_2423 = arith.cmpi slt, %broadcast_in_dim3A_2420, %lt3A_2422 : vector<16xi32>
    %add3A_2424 = arith.constant 16 : i32
    %add3A_2425 = vector.broadcast %add3A_2424 : i32 to vector<16xi32>
    %add3A_2426 = arith.addi %broadcast_in_dim3A_2420, %add3A_2425 : vector<16xi32>
    %select_n3A_2427 = arith.select %lt3A_2423, %add3A_2426, %broadcast_in_dim3A_2420 : vector<16xi1>, vector<16xi32>
    %broadcast_in_dim3A_2428 = vector.shape_cast %select_n3A_2427 : vector<16xi32> to vector<16x1xi32>
    %gather3A_2429 = vector.shape_cast %broadcast_in_dim3A_2428 : vector<16x1xi32> to vector<16xi32>
    %gather3A_2430 = tpu.dynamic_gather %get3A_2318[%gather3A_2429] in [0] : vector<16xi32>, vector<16xi32> -> vector<16xi32>
    %eq3A_2431 = arith.cmpi eq, %get3A_2318, %gather3A_2430 : vector<16xi32>
    %convert_element_type3A_2432 = arith.extui %eq3A_2431 : vector<16xi1> to vector<16xi32>
    %gt3A_2433 = arith.constant 5 : i32
    %gt3A_2434 = vector.broadcast %gt3A_2433 : i32 to vector<16xi32>
    %gt3A_2435 = arith.cmpi sgt, %iota3A, %gt3A_2434 : vector<16xi32>
    %select_n3A_2436 = arith.select %gt3A_2435, %convert_element_type3A_2432, %broadcast_in_dim3A_0 : vector<16xi1>, vector<16xi32>
    %add3A_2437 = arith.addi %add3A_2417, %select_n3A_2436 : vector<16xi32>
    %add3A_2438 = arith.addi %add3A_2418, %convert_element_type3A_2432 : vector<16xi32>
    %broadcast_in_dim3A_2439 = arith.constant 6 : i32
    %broadcast_in_dim3A_2440 = vector.broadcast %broadcast_in_dim3A_2439 : i32 to vector<16xi32>
    %lt3A_2441 = arith.constant 0 : i32
    %lt3A_2442 = vector.broadcast %lt3A_2441 : i32 to vector<16xi32>
    %lt3A_2443 = arith.cmpi slt, %broadcast_in_dim3A_2440, %lt3A_2442 : vector<16xi32>
    %add3A_2444 = arith.constant 16 : i32
    %add3A_2445 = vector.broadcast %add3A_2444 : i32 to vector<16xi32>
    %add3A_2446 = arith.addi %broadcast_in_dim3A_2440, %add3A_2445 : vector<16xi32>
    %select_n3A_2447 = arith.select %lt3A_2443, %add3A_2446, %broadcast_in_dim3A_2440 : vector<16xi1>, vector<16xi32>
    %broadcast_in_dim3A_2448 = vector.shape_cast %select_n3A_2447 : vector<16xi32> to vector<16x1xi32>
    %gather3A_2449 = vector.shape_cast %broadcast_in_dim3A_2448 : vector<16x1xi32> to vector<16xi32>
    %gather3A_2450 = tpu.dynamic_gather %get3A_2318[%gather3A_2449] in [0] : vector<16xi32>, vector<16xi32> -> vector<16xi32>
    %eq3A_2451 = arith.cmpi eq, %get3A_2318, %gather3A_2450 : vector<16xi32>
    %convert_element_type3A_2452 = arith.extui %eq3A_2451 : vector<16xi1> to vector<16xi32>
    %gt3A_2453 = arith.constant 6 : i32
    %gt3A_2454 = vector.broadcast %gt3A_2453 : i32 to vector<16xi32>
    %gt3A_2455 = arith.cmpi sgt, %iota3A, %gt3A_2454 : vector<16xi32>
    %select_n3A_2456 = arith.select %gt3A_2455, %convert_element_type3A_2452, %broadcast_in_dim3A_0 : vector<16xi1>, vector<16xi32>
    %add3A_2457 = arith.addi %add3A_2437, %select_n3A_2456 : vector<16xi32>
    %add3A_2458 = arith.addi %add3A_2438, %convert_element_type3A_2452 : vector<16xi32>
    %broadcast_in_dim3A_2459 = arith.constant 7 : i32
    %broadcast_in_dim3A_2460 = vector.broadcast %broadcast_in_dim3A_2459 : i32 to vector<16xi32>
    %lt3A_2461 = arith.constant 0 : i32
    %lt3A_2462 = vector.broadcast %lt3A_2461 : i32 to vector<16xi32>
    %lt3A_2463 = arith.cmpi slt, %broadcast_in_dim3A_2460, %lt3A_2462 : vector<16xi32>
    %add3A_2464 = arith.constant 16 : i32
    %add3A_2465 = vector.broadcast %add3A_2464 : i32 to vector<16xi32>
    %add3A_2466 = arith.addi %broadcast_in_dim3A_2460, %add3A_2465 : vector<16xi32>
    %select_n3A_2467 = arith.select %lt3A_2463, %add3A_2466, %broadcast_in_dim3A_2460 : vector<16xi1>, vector<16xi32>
    %broadcast_in_dim3A_2468 = vector.shape_cast %select_n3A_2467 : vector<16xi32> to vector<16x1xi32>
    %gather3A_2469 = vector.shape_cast %broadcast_in_dim3A_2468 : vector<16x1xi32> to vector<16xi32>
    %gather3A_2470 = tpu.dynamic_gather %get3A_2318[%gather3A_2469] in [0] : vector<16xi32>, vector<16xi32> -> vector<16xi32>
    %eq3A_2471 = arith.cmpi eq, %get3A_2318, %gather3A_2470 : vector<16xi32>
    %convert_element_type3A_2472 = arith.extui %eq3A_2471 : vector<16xi1> to vector<16xi32>
    %gt3A_2473 = arith.constant 7 : i32
    %gt3A_2474 = vector.broadcast %gt3A_2473 : i32 to vector<16xi32>
    %gt3A_2475 = arith.cmpi sgt, %iota3A, %gt3A_2474 : vector<16xi32>
    %select_n3A_2476 = arith.select %gt3A_2475, %convert_element_type3A_2472, %broadcast_in_dim3A_0 : vector<16xi1>, vector<16xi32>
    %add3A_2477 = arith.addi %add3A_2457, %select_n3A_2476 : vector<16xi32>
    %add3A_2478 = arith.addi %add3A_2458, %convert_element_type3A_2472 : vector<16xi32>
    %broadcast_in_dim3A_2479 = arith.constant 8 : i32
    %broadcast_in_dim3A_2480 = vector.broadcast %broadcast_in_dim3A_2479 : i32 to vector<16xi32>
    %lt3A_2481 = arith.constant 0 : i32
    %lt3A_2482 = vector.broadcast %lt3A_2481 : i32 to vector<16xi32>
    %lt3A_2483 = arith.cmpi slt, %broadcast_in_dim3A_2480, %lt3A_2482 : vector<16xi32>
    %add3A_2484 = arith.constant 16 : i32
    %add3A_2485 = vector.broadcast %add3A_2484 : i32 to vector<16xi32>
    %add3A_2486 = arith.addi %broadcast_in_dim3A_2480, %add3A_2485 : vector<16xi32>
    %select_n3A_2487 = arith.select %lt3A_2483, %add3A_2486, %broadcast_in_dim3A_2480 : vector<16xi1>, vector<16xi32>
    %broadcast_in_dim3A_2488 = vector.shape_cast %select_n3A_2487 : vector<16xi32> to vector<16x1xi32>
    %gather3A_2489 = vector.shape_cast %broadcast_in_dim3A_2488 : vector<16x1xi32> to vector<16xi32>
    %gather3A_2490 = tpu.dynamic_gather %get3A_2318[%gather3A_2489] in [0] : vector<16xi32>, vector<16xi32> -> vector<16xi32>
    %eq3A_2491 = arith.cmpi eq, %get3A_2318, %gather3A_2490 : vector<16xi32>
    %convert_element_type3A_2492 = arith.extui %eq3A_2491 : vector<16xi1> to vector<16xi32>
    %gt3A_2493 = arith.constant 8 : i32
    %gt3A_2494 = vector.broadcast %gt3A_2493 : i32 to vector<16xi32>
    %gt3A_2495 = arith.cmpi sgt, %iota3A, %gt3A_2494 : vector<16xi32>
    %select_n3A_2496 = arith.select %gt3A_2495, %convert_element_type3A_2492, %broadcast_in_dim3A_0 : vector<16xi1>, vector<16xi32>
    %add3A_2497 = arith.addi %add3A_2477, %select_n3A_2496 : vector<16xi32>
    %add3A_2498 = arith.addi %add3A_2478, %convert_element_type3A_2492 : vector<16xi32>
    %broadcast_in_dim3A_2499 = arith.constant 9 : i32
    %broadcast_in_dim3A_2500 = vector.broadcast %broadcast_in_dim3A_2499 : i32 to vector<16xi32>
    %lt3A_2501 = arith.constant 0 : i32
    %lt3A_2502 = vector.broadcast %lt3A_2501 : i32 to vector<16xi32>
    %lt3A_2503 = arith.cmpi slt, %broadcast_in_dim3A_2500, %lt3A_2502 : vector<16xi32>
    %add3A_2504 = arith.constant 16 : i32
    %add3A_2505 = vector.broadcast %add3A_2504 : i32 to vector<16xi32>
    %add3A_2506 = arith.addi %broadcast_in_dim3A_2500, %add3A_2505 : vector<16xi32>
    %select_n3A_2507 = arith.select %lt3A_2503, %add3A_2506, %broadcast_in_dim3A_2500 : vector<16xi1>, vector<16xi32>
    %broadcast_in_dim3A_2508 = vector.shape_cast %select_n3A_2507 : vector<16xi32> to vector<16x1xi32>
    %gather3A_2509 = vector.shape_cast %broadcast_in_dim3A_2508 : vector<16x1xi32> to vector<16xi32>
    %gather3A_2510 = tpu.dynamic_gather %get3A_2318[%gather3A_2509] in [0] : vector<16xi32>, vector<16xi32> -> vector<16xi32>
    %eq3A_2511 = arith.cmpi eq, %get3A_2318, %gather3A_2510 : vector<16xi32>
    %convert_element_type3A_2512 = arith.extui %eq3A_2511 : vector<16xi1> to vector<16xi32>
    %gt3A_2513 = arith.constant 9 : i32
    %gt3A_2514 = vector.broadcast %gt3A_2513 : i32 to vector<16xi32>
    %gt3A_2515 = arith.cmpi sgt, %iota3A, %gt3A_2514 : vector<16xi32>
    %select_n3A_2516 = arith.select %gt3A_2515, %convert_element_type3A_2512, %broadcast_in_dim3A_0 : vector<16xi1>, vector<16xi32>
    %add3A_2517 = arith.addi %add3A_2497, %select_n3A_2516 : vector<16xi32>
    %add3A_2518 = arith.addi %add3A_2498, %convert_element_type3A_2512 : vector<16xi32>
    %broadcast_in_dim3A_2519 = arith.constant 10 : i32
    %broadcast_in_dim3A_2520 = vector.broadcast %broadcast_in_dim3A_2519 : i32 to vector<16xi32>
    %lt3A_2521 = arith.constant 0 : i32
    %lt3A_2522 = vector.broadcast %lt3A_2521 : i32 to vector<16xi32>
    %lt3A_2523 = arith.cmpi slt, %broadcast_in_dim3A_2520, %lt3A_2522 : vector<16xi32>
    %add3A_2524 = arith.constant 16 : i32
    %add3A_2525 = vector.broadcast %add3A_2524 : i32 to vector<16xi32>
    %add3A_2526 = arith.addi %broadcast_in_dim3A_2520, %add3A_2525 : vector<16xi32>
    %select_n3A_2527 = arith.select %lt3A_2523, %add3A_2526, %broadcast_in_dim3A_2520 : vector<16xi1>, vector<16xi32>
    %broadcast_in_dim3A_2528 = vector.shape_cast %select_n3A_2527 : vector<16xi32> to vector<16x1xi32>
    %gather3A_2529 = vector.shape_cast %broadcast_in_dim3A_2528 : vector<16x1xi32> to vector<16xi32>
    %gather3A_2530 = tpu.dynamic_gather %get3A_2318[%gather3A_2529] in [0] : vector<16xi32>, vector<16xi32> -> vector<16xi32>
    %eq3A_2531 = arith.cmpi eq, %get3A_2318, %gather3A_2530 : vector<16xi32>
    %convert_element_type3A_2532 = arith.extui %eq3A_2531 : vector<16xi1> to vector<16xi32>
    %gt3A_2533 = arith.constant 10 : i32
    %gt3A_2534 = vector.broadcast %gt3A_2533 : i32 to vector<16xi32>
    %gt3A_2535 = arith.cmpi sgt, %iota3A, %gt3A_2534 : vector<16xi32>
    %select_n3A_2536 = arith.select %gt3A_2535, %convert_element_type3A_2532, %broadcast_in_dim3A_0 : vector<16xi1>, vector<16xi32>
    %add3A_2537 = arith.addi %add3A_2517, %select_n3A_2536 : vector<16xi32>
    %add3A_2538 = arith.addi %add3A_2518, %convert_element_type3A_2532 : vector<16xi32>
    %broadcast_in_dim3A_2539 = arith.constant 11 : i32
    %broadcast_in_dim3A_2540 = vector.broadcast %broadcast_in_dim3A_2539 : i32 to vector<16xi32>
    %lt3A_2541 = arith.constant 0 : i32
    %lt3A_2542 = vector.broadcast %lt3A_2541 : i32 to vector<16xi32>
    %lt3A_2543 = arith.cmpi slt, %broadcast_in_dim3A_2540, %lt3A_2542 : vector<16xi32>
    %add3A_2544 = arith.constant 16 : i32
    %add3A_2545 = vector.broadcast %add3A_2544 : i32 to vector<16xi32>
    %add3A_2546 = arith.addi %broadcast_in_dim3A_2540, %add3A_2545 : vector<16xi32>
    %select_n3A_2547 = arith.select %lt3A_2543, %add3A_2546, %broadcast_in_dim3A_2540 : vector<16xi1>, vector<16xi32>
    %broadcast_in_dim3A_2548 = vector.shape_cast %select_n3A_2547 : vector<16xi32> to vector<16x1xi32>
    %gather3A_2549 = vector.shape_cast %broadcast_in_dim3A_2548 : vector<16x1xi32> to vector<16xi32>
    %gather3A_2550 = tpu.dynamic_gather %get3A_2318[%gather3A_2549] in [0] : vector<16xi32>, vector<16xi32> -> vector<16xi32>
    %eq3A_2551 = arith.cmpi eq, %get3A_2318, %gather3A_2550 : vector<16xi32>
    %convert_element_type3A_2552 = arith.extui %eq3A_2551 : vector<16xi1> to vector<16xi32>
    %gt3A_2553 = arith.constant 11 : i32
    %gt3A_2554 = vector.broadcast %gt3A_2553 : i32 to vector<16xi32>
    %gt3A_2555 = arith.cmpi sgt, %iota3A, %gt3A_2554 : vector<16xi32>
    %select_n3A_2556 = arith.select %gt3A_2555, %convert_element_type3A_2552, %broadcast_in_dim3A_0 : vector<16xi1>, vector<16xi32>
    %add3A_2557 = arith.addi %add3A_2537, %select_n3A_2556 : vector<16xi32>
    %add3A_2558 = arith.addi %add3A_2538, %convert_element_type3A_2552 : vector<16xi32>
    %broadcast_in_dim3A_2559 = arith.constant 12 : i32
    %broadcast_in_dim3A_2560 = vector.broadcast %broadcast_in_dim3A_2559 : i32 to vector<16xi32>
    %lt3A_2561 = arith.constant 0 : i32
    %lt3A_2562 = vector.broadcast %lt3A_2561 : i32 to vector<16xi32>
    %lt3A_2563 = arith.cmpi slt, %broadcast_in_dim3A_2560, %lt3A_2562 : vector<16xi32>
    %add3A_2564 = arith.constant 16 : i32
    %add3A_2565 = vector.broadcast %add3A_2564 : i32 to vector<16xi32>
    %add3A_2566 = arith.addi %broadcast_in_dim3A_2560, %add3A_2565 : vector<16xi32>
    %select_n3A_2567 = arith.select %lt3A_2563, %add3A_2566, %broadcast_in_dim3A_2560 : vector<16xi1>, vector<16xi32>
    %broadcast_in_dim3A_2568 = vector.shape_cast %select_n3A_2567 : vector<16xi32> to vector<16x1xi32>
    %gather3A_2569 = vector.shape_cast %broadcast_in_dim3A_2568 : vector<16x1xi32> to vector<16xi32>
    %gather3A_2570 = tpu.dynamic_gather %get3A_2318[%gather3A_2569] in [0] : vector<16xi32>, vector<16xi32> -> vector<16xi32>
    %eq3A_2571 = arith.cmpi eq, %get3A_2318, %gather3A_2570 : vector<16xi32>
    %convert_element_type3A_2572 = arith.extui %eq3A_2571 : vector<16xi1> to vector<16xi32>
    %gt3A_2573 = arith.constant 12 : i32
    %gt3A_2574 = vector.broadcast %gt3A_2573 : i32 to vector<16xi32>
    %gt3A_2575 = arith.cmpi sgt, %iota3A, %gt3A_2574 : vector<16xi32>
    %select_n3A_2576 = arith.select %gt3A_2575, %convert_element_type3A_2572, %broadcast_in_dim3A_0 : vector<16xi1>, vector<16xi32>
    %add3A_2577 = arith.addi %add3A_2557, %select_n3A_2576 : vector<16xi32>
    %add3A_2578 = arith.addi %add3A_2558, %convert_element_type3A_2572 : vector<16xi32>
    %broadcast_in_dim3A_2579 = arith.constant 13 : i32
    %broadcast_in_dim3A_2580 = vector.broadcast %broadcast_in_dim3A_2579 : i32 to vector<16xi32>
    %lt3A_2581 = arith.constant 0 : i32
    %lt3A_2582 = vector.broadcast %lt3A_2581 : i32 to vector<16xi32>
    %lt3A_2583 = arith.cmpi slt, %broadcast_in_dim3A_2580, %lt3A_2582 : vector<16xi32>
    %add3A_2584 = arith.constant 16 : i32
    %add3A_2585 = vector.broadcast %add3A_2584 : i32 to vector<16xi32>
    %add3A_2586 = arith.addi %broadcast_in_dim3A_2580, %add3A_2585 : vector<16xi32>
    %select_n3A_2587 = arith.select %lt3A_2583, %add3A_2586, %broadcast_in_dim3A_2580 : vector<16xi1>, vector<16xi32>
    %broadcast_in_dim3A_2588 = vector.shape_cast %select_n3A_2587 : vector<16xi32> to vector<16x1xi32>
    %gather3A_2589 = vector.shape_cast %broadcast_in_dim3A_2588 : vector<16x1xi32> to vector<16xi32>
    %gather3A_2590 = tpu.dynamic_gather %get3A_2318[%gather3A_2589] in [0] : vector<16xi32>, vector<16xi32> -> vector<16xi32>
    %eq3A_2591 = arith.cmpi eq, %get3A_2318, %gather3A_2590 : vector<16xi32>
    %convert_element_type3A_2592 = arith.extui %eq3A_2591 : vector<16xi1> to vector<16xi32>
    %gt3A_2593 = arith.constant 13 : i32
    %gt3A_2594 = vector.broadcast %gt3A_2593 : i32 to vector<16xi32>
    %gt3A_2595 = arith.cmpi sgt, %iota3A, %gt3A_2594 : vector<16xi32>
    %select_n3A_2596 = arith.select %gt3A_2595, %convert_element_type3A_2592, %broadcast_in_dim3A_0 : vector<16xi1>, vector<16xi32>
    %add3A_2597 = arith.addi %add3A_2577, %select_n3A_2596 : vector<16xi32>
    %add3A_2598 = arith.addi %add3A_2578, %convert_element_type3A_2592 : vector<16xi32>
    %broadcast_in_dim3A_2599 = arith.constant 14 : i32
    %broadcast_in_dim3A_2600 = vector.broadcast %broadcast_in_dim3A_2599 : i32 to vector<16xi32>
    %lt3A_2601 = arith.constant 0 : i32
    %lt3A_2602 = vector.broadcast %lt3A_2601 : i32 to vector<16xi32>
    %lt3A_2603 = arith.cmpi slt, %broadcast_in_dim3A_2600, %lt3A_2602 : vector<16xi32>
    %add3A_2604 = arith.constant 16 : i32
    %add3A_2605 = vector.broadcast %add3A_2604 : i32 to vector<16xi32>
    %add3A_2606 = arith.addi %broadcast_in_dim3A_2600, %add3A_2605 : vector<16xi32>
    %select_n3A_2607 = arith.select %lt3A_2603, %add3A_2606, %broadcast_in_dim3A_2600 : vector<16xi1>, vector<16xi32>
    %broadcast_in_dim3A_2608 = vector.shape_cast %select_n3A_2607 : vector<16xi32> to vector<16x1xi32>
    %gather3A_2609 = vector.shape_cast %broadcast_in_dim3A_2608 : vector<16x1xi32> to vector<16xi32>
    %gather3A_2610 = tpu.dynamic_gather %get3A_2318[%gather3A_2609] in [0] : vector<16xi32>, vector<16xi32> -> vector<16xi32>
    %eq3A_2611 = arith.cmpi eq, %get3A_2318, %gather3A_2610 : vector<16xi32>
    %convert_element_type3A_2612 = arith.extui %eq3A_2611 : vector<16xi1> to vector<16xi32>
    %gt3A_2613 = arith.constant 14 : i32
    %gt3A_2614 = vector.broadcast %gt3A_2613 : i32 to vector<16xi32>
    %gt3A_2615 = arith.cmpi sgt, %iota3A, %gt3A_2614 : vector<16xi32>
    %select_n3A_2616 = arith.select %gt3A_2615, %convert_element_type3A_2612, %broadcast_in_dim3A_0 : vector<16xi1>, vector<16xi32>
    %add3A_2617 = arith.addi %add3A_2597, %select_n3A_2616 : vector<16xi32>
    %add3A_2618 = arith.addi %add3A_2598, %convert_element_type3A_2612 : vector<16xi32>
    %broadcast_in_dim3A_2619 = arith.constant 15 : i32
    %broadcast_in_dim3A_2620 = vector.broadcast %broadcast_in_dim3A_2619 : i32 to vector<16xi32>
    %lt3A_2621 = arith.constant 0 : i32
    %lt3A_2622 = vector.broadcast %lt3A_2621 : i32 to vector<16xi32>
    %lt3A_2623 = arith.cmpi slt, %broadcast_in_dim3A_2620, %lt3A_2622 : vector<16xi32>
    %add3A_2624 = arith.constant 16 : i32
    %add3A_2625 = vector.broadcast %add3A_2624 : i32 to vector<16xi32>
    %add3A_2626 = arith.addi %broadcast_in_dim3A_2620, %add3A_2625 : vector<16xi32>
    %select_n3A_2627 = arith.select %lt3A_2623, %add3A_2626, %broadcast_in_dim3A_2620 : vector<16xi1>, vector<16xi32>
    %broadcast_in_dim3A_2628 = vector.shape_cast %select_n3A_2627 : vector<16xi32> to vector<16x1xi32>
    %gather3A_2629 = vector.shape_cast %broadcast_in_dim3A_2628 : vector<16x1xi32> to vector<16xi32>
    %gather3A_2630 = tpu.dynamic_gather %get3A_2318[%gather3A_2629] in [0] : vector<16xi32>, vector<16xi32> -> vector<16xi32>
    %eq3A_2631 = arith.cmpi eq, %get3A_2318, %gather3A_2630 : vector<16xi32>
    %convert_element_type3A_2632 = arith.extui %eq3A_2631 : vector<16xi1> to vector<16xi32>
    %gt3A_2633 = arith.constant 15 : i32
    %gt3A_2634 = vector.broadcast %gt3A_2633 : i32 to vector<16xi32>
    %gt3A_2635 = arith.cmpi sgt, %iota3A, %gt3A_2634 : vector<16xi32>
    %select_n3A_2636 = arith.select %gt3A_2635, %convert_element_type3A_2632, %broadcast_in_dim3A_0 : vector<16xi1>, vector<16xi32>
    %add3A_2637 = arith.addi %add3A_2617, %select_n3A_2636 : vector<16xi32>
    %add3A_2638 = arith.addi %add3A_2618, %convert_element_type3A_2632 : vector<16xi32>
    %gather3A_2639 = tpu.vector_load_idx %arg10[%get3A_2318] : memref<64xi32, #tpu.memory_space<vmem>>[vector<16xi32>], vector<16xi32>,
    %add3A_2640 = arith.addi %gather3A_2639, %add3A_2637 : vector<16xi32>
    %swap3A_2641 = arith.constant 112 : index
    %swap3A_2642 = tpu.vector_load %arg9[%swap3A_2641] {strides = array<i32>} : memref<128xi32, #tpu.memory_space<vmem>>, vector<16xi32>,
    tpu.vector_store %arg9[%swap3A_2641], %add3A_2640 {strides = array<i32>} : memref<128xi32, #tpu.memory_space<vmem>>, vector<16xi32>,
    %add3A_2643 = arith.addi %gather3A_2639, %add3A_2638 : vector<16xi32>
    %sub3A_2644 = arith.constant 1 : i32
    %sub3A_2645 = vector.broadcast %sub3A_2644 : i32 to vector<16xi32>
    %sub3A_2646 = arith.subi %add3A_2638, %sub3A_2645 : vector<16xi32>
    %eq3A_2647 = arith.cmpi eq, %add3A_2637, %sub3A_2646 : vector<16xi32>
    tpu.vector_store_idx %arg10[%get3A_2318], %add3A_2643 masked %eq3A_2647 : memref<64xi32, #tpu.memory_space<vmem>>[vector<16xi32>], vector<16xi32>, vector<16xi1>
    %get3A_2648 = arith.constant 0 : i32
    %get3A_2649 = arith.index_cast %get3A_2648 : i32 to index
    %get3A_2650 = arith.constant 0 : index
    %get3A_2651 = tpu.vector_load %arg11[%get3A_2649, %get3A_2650] {strides = array<i32>} : memref<16x64xi32, #tpu.memory_space<vmem>>, vector<16xi32>,
    %add3A_2652 = arith.addi %broadcast_in_dim3A_0, %get3A_2651 : vector<16xi32>
    %broadcast_in_dim3A_2653 = arith.constant 0 : i32
    %broadcast_in_dim3A_2654 = vector.broadcast %broadcast_in_dim3A_2653 : i32 to vector<16xi32>
    %lt3A_2655 = vector.broadcast %arg1 : i32 to vector<16xi32>
    %lt3A_2656 = arith.cmpi slt, %broadcast_in_dim3A_2654, %lt3A_2655 : vector<16xi32>
    %select_n3A_2657 = arith.select %lt3A_2656, %get3A_2651, %broadcast_in_dim3A_0 : vector<16xi1>, vector<16xi32>
    %add3A_2658 = arith.addi %broadcast_in_dim3A_0, %select_n3A_2657 : vector<16xi32>
    %get3A_2659 = arith.constant 1 : i32
    %get3A_2660 = arith.index_cast %get3A_2659 : i32 to index
    %get3A_2661 = arith.constant 0 : index
    %get3A_2662 = tpu.vector_load %arg11[%get3A_2660, %get3A_2661] {strides = array<i32>} : memref<16x64xi32, #tpu.memory_space<vmem>>, vector<16xi32>,
    %add3A_2663 = arith.addi %add3A_2652, %get3A_2662 : vector<16xi32>
    %broadcast_in_dim3A_2664 = arith.constant 1 : i32
    %broadcast_in_dim3A_2665 = vector.broadcast %broadcast_in_dim3A_2664 : i32 to vector<16xi32>
    %lt3A_2666 = vector.broadcast %arg1 : i32 to vector<16xi32>
    %lt3A_2667 = arith.cmpi slt, %broadcast_in_dim3A_2665, %lt3A_2666 : vector<16xi32>
    %select_n3A_2668 = arith.select %lt3A_2667, %get3A_2662, %broadcast_in_dim3A_0 : vector<16xi1>, vector<16xi32>
    %add3A_2669 = arith.addi %add3A_2658, %select_n3A_2668 : vector<16xi32>
    %get3A_2670 = arith.constant 2 : i32
    %get3A_2671 = arith.index_cast %get3A_2670 : i32 to index
    %get3A_2672 = arith.constant 0 : index
    %get3A_2673 = tpu.vector_load %arg11[%get3A_2671, %get3A_2672] {strides = array<i32>} : memref<16x64xi32, #tpu.memory_space<vmem>>, vector<16xi32>,
    %add3A_2674 = arith.addi %add3A_2663, %get3A_2673 : vector<16xi32>
    %broadcast_in_dim3A_2675 = arith.constant 2 : i32
    %broadcast_in_dim3A_2676 = vector.broadcast %broadcast_in_dim3A_2675 : i32 to vector<16xi32>
    %lt3A_2677 = vector.broadcast %arg1 : i32 to vector<16xi32>
    %lt3A_2678 = arith.cmpi slt, %broadcast_in_dim3A_2676, %lt3A_2677 : vector<16xi32>
    %select_n3A_2679 = arith.select %lt3A_2678, %get3A_2673, %broadcast_in_dim3A_0 : vector<16xi1>, vector<16xi32>
    %add3A_2680 = arith.addi %add3A_2669, %select_n3A_2679 : vector<16xi32>
    %get3A_2681 = arith.constant 3 : i32
    %get3A_2682 = arith.index_cast %get3A_2681 : i32 to index
    %get3A_2683 = arith.constant 0 : index
    %get3A_2684 = tpu.vector_load %arg11[%get3A_2682, %get3A_2683] {strides = array<i32>} : memref<16x64xi32, #tpu.memory_space<vmem>>, vector<16xi32>,
    %add3A_2685 = arith.addi %add3A_2674, %get3A_2684 : vector<16xi32>
    %broadcast_in_dim3A_2686 = arith.constant 3 : i32
    %broadcast_in_dim3A_2687 = vector.broadcast %broadcast_in_dim3A_2686 : i32 to vector<16xi32>
    %lt3A_2688 = vector.broadcast %arg1 : i32 to vector<16xi32>
    %lt3A_2689 = arith.cmpi slt, %broadcast_in_dim3A_2687, %lt3A_2688 : vector<16xi32>
    %select_n3A_2690 = arith.select %lt3A_2689, %get3A_2684, %broadcast_in_dim3A_0 : vector<16xi1>, vector<16xi32>
    %add3A_2691 = arith.addi %add3A_2680, %select_n3A_2690 : vector<16xi32>
    %get3A_2692 = arith.constant 4 : i32
    %get3A_2693 = arith.index_cast %get3A_2692 : i32 to index
    %get3A_2694 = arith.constant 0 : index
    %get3A_2695 = tpu.vector_load %arg11[%get3A_2693, %get3A_2694] {strides = array<i32>} : memref<16x64xi32, #tpu.memory_space<vmem>>, vector<16xi32>,
    %add3A_2696 = arith.addi %add3A_2685, %get3A_2695 : vector<16xi32>
    %broadcast_in_dim3A_2697 = arith.constant 4 : i32
    %broadcast_in_dim3A_2698 = vector.broadcast %broadcast_in_dim3A_2697 : i32 to vector<16xi32>
    %lt3A_2699 = vector.broadcast %arg1 : i32 to vector<16xi32>
    %lt3A_2700 = arith.cmpi slt, %broadcast_in_dim3A_2698, %lt3A_2699 : vector<16xi32>
    %select_n3A_2701 = arith.select %lt3A_2700, %get3A_2695, %broadcast_in_dim3A_0 : vector<16xi1>, vector<16xi32>
    %add3A_2702 = arith.addi %add3A_2691, %select_n3A_2701 : vector<16xi32>
    %get3A_2703 = arith.constant 5 : i32
    %get3A_2704 = arith.index_cast %get3A_2703 : i32 to index
    %get3A_2705 = arith.constant 0 : index
    %get3A_2706 = tpu.vector_load %arg11[%get3A_2704, %get3A_2705] {strides = array<i32>} : memref<16x64xi32, #tpu.memory_space<vmem>>, vector<16xi32>,
    %add3A_2707 = arith.addi %add3A_2696, %get3A_2706 : vector<16xi32>
    %broadcast_in_dim3A_2708 = arith.constant 5 : i32
    %broadcast_in_dim3A_2709 = vector.broadcast %broadcast_in_dim3A_2708 : i32 to vector<16xi32>
    %lt3A_2710 = vector.broadcast %arg1 : i32 to vector<16xi32>
    %lt3A_2711 = arith.cmpi slt, %broadcast_in_dim3A_2709, %lt3A_2710 : vector<16xi32>
    %select_n3A_2712 = arith.select %lt3A_2711, %get3A_2706, %broadcast_in_dim3A_0 : vector<16xi1>, vector<16xi32>
    %add3A_2713 = arith.addi %add3A_2702, %select_n3A_2712 : vector<16xi32>
    %get3A_2714 = arith.constant 6 : i32
    %get3A_2715 = arith.index_cast %get3A_2714 : i32 to index
    %get3A_2716 = arith.constant 0 : index
    %get3A_2717 = tpu.vector_load %arg11[%get3A_2715, %get3A_2716] {strides = array<i32>} : memref<16x64xi32, #tpu.memory_space<vmem>>, vector<16xi32>,
    %add3A_2718 = arith.addi %add3A_2707, %get3A_2717 : vector<16xi32>
    %broadcast_in_dim3A_2719 = arith.constant 6 : i32
    %broadcast_in_dim3A_2720 = vector.broadcast %broadcast_in_dim3A_2719 : i32 to vector<16xi32>
    %lt3A_2721 = vector.broadcast %arg1 : i32 to vector<16xi32>
    %lt3A_2722 = arith.cmpi slt, %broadcast_in_dim3A_2720, %lt3A_2721 : vector<16xi32>
    %select_n3A_2723 = arith.select %lt3A_2722, %get3A_2717, %broadcast_in_dim3A_0 : vector<16xi1>, vector<16xi32>
    %add3A_2724 = arith.addi %add3A_2713, %select_n3A_2723 : vector<16xi32>
    %get3A_2725 = arith.constant 7 : i32
    %get3A_2726 = arith.index_cast %get3A_2725 : i32 to index
    %get3A_2727 = arith.constant 0 : index
    %get3A_2728 = tpu.vector_load %arg11[%get3A_2726, %get3A_2727] {strides = array<i32>} : memref<16x64xi32, #tpu.memory_space<vmem>>, vector<16xi32>,
    %add3A_2729 = arith.addi %add3A_2718, %get3A_2728 : vector<16xi32>
    %broadcast_in_dim3A_2730 = arith.constant 7 : i32
    %broadcast_in_dim3A_2731 = vector.broadcast %broadcast_in_dim3A_2730 : i32 to vector<16xi32>
    %lt3A_2732 = vector.broadcast %arg1 : i32 to vector<16xi32>
    %lt3A_2733 = arith.cmpi slt, %broadcast_in_dim3A_2731, %lt3A_2732 : vector<16xi32>
    %select_n3A_2734 = arith.select %lt3A_2733, %get3A_2728, %broadcast_in_dim3A_0 : vector<16xi1>, vector<16xi32>
    %add3A_2735 = arith.addi %add3A_2724, %select_n3A_2734 : vector<16xi32>
    %get3A_2736 = arith.constant 8 : i32
    %get3A_2737 = arith.index_cast %get3A_2736 : i32 to index
    %get3A_2738 = arith.constant 0 : index
    %get3A_2739 = tpu.vector_load %arg11[%get3A_2737, %get3A_2738] {strides = array<i32>} : memref<16x64xi32, #tpu.memory_space<vmem>>, vector<16xi32>,
    %add3A_2740 = arith.addi %add3A_2729, %get3A_2739 : vector<16xi32>
    %broadcast_in_dim3A_2741 = arith.constant 8 : i32
    %broadcast_in_dim3A_2742 = vector.broadcast %broadcast_in_dim3A_2741 : i32 to vector<16xi32>
    %lt3A_2743 = vector.broadcast %arg1 : i32 to vector<16xi32>
    %lt3A_2744 = arith.cmpi slt, %broadcast_in_dim3A_2742, %lt3A_2743 : vector<16xi32>
    %select_n3A_2745 = arith.select %lt3A_2744, %get3A_2739, %broadcast_in_dim3A_0 : vector<16xi1>, vector<16xi32>
    %add3A_2746 = arith.addi %add3A_2735, %select_n3A_2745 : vector<16xi32>
    %get3A_2747 = arith.constant 9 : i32
    %get3A_2748 = arith.index_cast %get3A_2747 : i32 to index
    %get3A_2749 = arith.constant 0 : index
    %get3A_2750 = tpu.vector_load %arg11[%get3A_2748, %get3A_2749] {strides = array<i32>} : memref<16x64xi32, #tpu.memory_space<vmem>>, vector<16xi32>,
    %add3A_2751 = arith.addi %add3A_2740, %get3A_2750 : vector<16xi32>
    %broadcast_in_dim3A_2752 = arith.constant 9 : i32
    %broadcast_in_dim3A_2753 = vector.broadcast %broadcast_in_dim3A_2752 : i32 to vector<16xi32>
    %lt3A_2754 = vector.broadcast %arg1 : i32 to vector<16xi32>
    %lt3A_2755 = arith.cmpi slt, %broadcast_in_dim3A_2753, %lt3A_2754 : vector<16xi32>
    %select_n3A_2756 = arith.select %lt3A_2755, %get3A_2750, %broadcast_in_dim3A_0 : vector<16xi1>, vector<16xi32>
    %add3A_2757 = arith.addi %add3A_2746, %select_n3A_2756 : vector<16xi32>
    %get3A_2758 = arith.constant 10 : i32
    %get3A_2759 = arith.index_cast %get3A_2758 : i32 to index
    %get3A_2760 = arith.constant 0 : index
    %get3A_2761 = tpu.vector_load %arg11[%get3A_2759, %get3A_2760] {strides = array<i32>} : memref<16x64xi32, #tpu.memory_space<vmem>>, vector<16xi32>,
    %add3A_2762 = arith.addi %add3A_2751, %get3A_2761 : vector<16xi32>
    %broadcast_in_dim3A_2763 = arith.constant 10 : i32
    %broadcast_in_dim3A_2764 = vector.broadcast %broadcast_in_dim3A_2763 : i32 to vector<16xi32>
    %lt3A_2765 = vector.broadcast %arg1 : i32 to vector<16xi32>
    %lt3A_2766 = arith.cmpi slt, %broadcast_in_dim3A_2764, %lt3A_2765 : vector<16xi32>
    %select_n3A_2767 = arith.select %lt3A_2766, %get3A_2761, %broadcast_in_dim3A_0 : vector<16xi1>, vector<16xi32>
    %add3A_2768 = arith.addi %add3A_2757, %select_n3A_2767 : vector<16xi32>
    %get3A_2769 = arith.constant 11 : i32
    %get3A_2770 = arith.index_cast %get3A_2769 : i32 to index
    %get3A_2771 = arith.constant 0 : index
    %get3A_2772 = tpu.vector_load %arg11[%get3A_2770, %get3A_2771] {strides = array<i32>} : memref<16x64xi32, #tpu.memory_space<vmem>>, vector<16xi32>,
    %add3A_2773 = arith.addi %add3A_2762, %get3A_2772 : vector<16xi32>
    %broadcast_in_dim3A_2774 = arith.constant 11 : i32
    %broadcast_in_dim3A_2775 = vector.broadcast %broadcast_in_dim3A_2774 : i32 to vector<16xi32>
    %lt3A_2776 = vector.broadcast %arg1 : i32 to vector<16xi32>
    %lt3A_2777 = arith.cmpi slt, %broadcast_in_dim3A_2775, %lt3A_2776 : vector<16xi32>
    %select_n3A_2778 = arith.select %lt3A_2777, %get3A_2772, %broadcast_in_dim3A_0 : vector<16xi1>, vector<16xi32>
    %add3A_2779 = arith.addi %add3A_2768, %select_n3A_2778 : vector<16xi32>
    %get3A_2780 = arith.constant 12 : i32
    %get3A_2781 = arith.index_cast %get3A_2780 : i32 to index
    %get3A_2782 = arith.constant 0 : index
    %get3A_2783 = tpu.vector_load %arg11[%get3A_2781, %get3A_2782] {strides = array<i32>} : memref<16x64xi32, #tpu.memory_space<vmem>>, vector<16xi32>,
    %add3A_2784 = arith.addi %add3A_2773, %get3A_2783 : vector<16xi32>
    %broadcast_in_dim3A_2785 = arith.constant 12 : i32
    %broadcast_in_dim3A_2786 = vector.broadcast %broadcast_in_dim3A_2785 : i32 to vector<16xi32>
    %lt3A_2787 = vector.broadcast %arg1 : i32 to vector<16xi32>
    %lt3A_2788 = arith.cmpi slt, %broadcast_in_dim3A_2786, %lt3A_2787 : vector<16xi32>
    %select_n3A_2789 = arith.select %lt3A_2788, %get3A_2783, %broadcast_in_dim3A_0 : vector<16xi1>, vector<16xi32>
    %add3A_2790 = arith.addi %add3A_2779, %select_n3A_2789 : vector<16xi32>
    %get3A_2791 = arith.constant 13 : i32
    %get3A_2792 = arith.index_cast %get3A_2791 : i32 to index
    %get3A_2793 = arith.constant 0 : index
    %get3A_2794 = tpu.vector_load %arg11[%get3A_2792, %get3A_2793] {strides = array<i32>} : memref<16x64xi32, #tpu.memory_space<vmem>>, vector<16xi32>,
    %add3A_2795 = arith.addi %add3A_2784, %get3A_2794 : vector<16xi32>
    %broadcast_in_dim3A_2796 = arith.constant 13 : i32
    %broadcast_in_dim3A_2797 = vector.broadcast %broadcast_in_dim3A_2796 : i32 to vector<16xi32>
    %lt3A_2798 = vector.broadcast %arg1 : i32 to vector<16xi32>
    %lt3A_2799 = arith.cmpi slt, %broadcast_in_dim3A_2797, %lt3A_2798 : vector<16xi32>
    %select_n3A_2800 = arith.select %lt3A_2799, %get3A_2794, %broadcast_in_dim3A_0 : vector<16xi1>, vector<16xi32>
    %add3A_2801 = arith.addi %add3A_2790, %select_n3A_2800 : vector<16xi32>
    %get3A_2802 = arith.constant 14 : i32
    %get3A_2803 = arith.index_cast %get3A_2802 : i32 to index
    %get3A_2804 = arith.constant 0 : index
    %get3A_2805 = tpu.vector_load %arg11[%get3A_2803, %get3A_2804] {strides = array<i32>} : memref<16x64xi32, #tpu.memory_space<vmem>>, vector<16xi32>,
    %add3A_2806 = arith.addi %add3A_2795, %get3A_2805 : vector<16xi32>
    %broadcast_in_dim3A_2807 = arith.constant 14 : i32
    %broadcast_in_dim3A_2808 = vector.broadcast %broadcast_in_dim3A_2807 : i32 to vector<16xi32>
    %lt3A_2809 = vector.broadcast %arg1 : i32 to vector<16xi32>
    %lt3A_2810 = arith.cmpi slt, %broadcast_in_dim3A_2808, %lt3A_2809 : vector<16xi32>
    %select_n3A_2811 = arith.select %lt3A_2810, %get3A_2805, %broadcast_in_dim3A_0 : vector<16xi1>, vector<16xi32>
    %add3A_2812 = arith.addi %add3A_2801, %select_n3A_2811 : vector<16xi32>
    %get3A_2813 = arith.constant 15 : i32
    %get3A_2814 = arith.index_cast %get3A_2813 : i32 to index
    %get3A_2815 = arith.constant 0 : index
    %get3A_2816 = tpu.vector_load %arg11[%get3A_2814, %get3A_2815] {strides = array<i32>} : memref<16x64xi32, #tpu.memory_space<vmem>>, vector<16xi32>,
    %add3A_2817 = arith.addi %add3A_2806, %get3A_2816 : vector<16xi32>
    %broadcast_in_dim3A_2818 = arith.constant 15 : i32
    %broadcast_in_dim3A_2819 = vector.broadcast %broadcast_in_dim3A_2818 : i32 to vector<16xi32>
    %lt3A_2820 = vector.broadcast %arg1 : i32 to vector<16xi32>
    %lt3A_2821 = arith.cmpi slt, %broadcast_in_dim3A_2819, %lt3A_2820 : vector<16xi32>
    %select_n3A_2822 = arith.select %lt3A_2821, %get3A_2816, %broadcast_in_dim3A_0 : vector<16xi1>, vector<16xi32>
    %add3A_2823 = arith.addi %add3A_2812, %select_n3A_2822 : vector<16xi32>
    %add3A_2824 = arith.constant 7 : i32
    %add3A_2825 = vector.broadcast %add3A_2824 : i32 to vector<16xi32>
    %add3A_2826 = arith.addi %add3A_2817, %add3A_2825 : vector<16xi32>
    %and3A = arith.constant -8 : i32
    %and3A_2827 = vector.broadcast %and3A : i32 to vector<16xi32>
    %and3A_2828 = arith.andi %add3A_2826, %and3A_2827 : vector<16xi32>
    %broadcast_in_dim3A_2829 = arith.constant true
    %broadcast_in_dim3A_2830 = vector.broadcast %broadcast_in_dim3A_2829 : i1 to vector<16xi1>
    %masked_cumsum3A = tpu.scan <sum>, %and3A_2828 masked %broadcast_in_dim3A_2830 : vector<16xi32>, vector<16xi1> -> vector<16xi32>
    %sub3A_2831 = arith.subi %masked_cumsum3A, %and3A_2828 : vector<16xi32>
    %add3A_2832 = arith.constant 0 : i32
    %add3A_2833 = vector.broadcast %add3A_2832 : i32 to vector<16xi32>
    %add3A_2834 = arith.addi %sub3A_2831, %add3A_2833 : vector<16xi32>
    %swap3A_2835 = arith.constant 0 : index
    %swap3A_2836 = tpu.vector_load %arg14[%swap3A_2835] {strides = array<i32>} : memref<80xi32, #tpu.memory_space<vmem>>, vector<16xi32>,
    tpu.vector_store %arg14[%swap3A_2835], %add3A_2834 {strides = array<i32>} : memref<80xi32, #tpu.memory_space<vmem>>, vector<16xi32>,
    %add3A_2837 = arith.addi %add3A_2834, %add3A_2823 : vector<16xi32>
    %swap3A_2838 = arith.constant 0 : index
    %swap3A_2839 = tpu.vector_load %arg12[%swap3A_2838] {strides = array<i32>} : memref<64xi32, #tpu.memory_space<vmem>>, vector<16xi32>,
    tpu.vector_store %arg12[%swap3A_2838], %add3A_2837 {strides = array<i32>} : memref<64xi32, #tpu.memory_space<vmem>>, vector<16xi32>,
    %reduce_sum3A = arith.constant true
    %reduce_sum3A_2840 = vector.broadcast %reduce_sum3A : i1 to vector<16xi1>
    %reduce_sum3A_2841 = tpu.scan <sum>, %and3A_2828 masked %reduce_sum3A_2840 : vector<16xi32>, vector<16xi1> -> vector<16xi32>
    %reduce_sum3A_2842 = vector.extract %reduce_sum3A_2841[15] : i32 from vector<16xi32>
    %add3A_2843 = arith.constant 0 : i32
    %add3A_2844 = arith.addi %add3A_2843, %reduce_sum3A_2842 : i32
    %get3A_2845 = arith.constant 0 : i32
    %get3A_2846 = arith.index_cast %get3A_2845 : i32 to index
    %get3A_2847 = arith.constant 16 : index
    %get3A_2848 = tpu.vector_load %arg11[%get3A_2846, %get3A_2847] {strides = array<i32>} : memref<16x64xi32, #tpu.memory_space<vmem>>, vector<16xi32>,
    %add3A_2849 = arith.addi %broadcast_in_dim3A_0, %get3A_2848 : vector<16xi32>
    %broadcast_in_dim3A_2850 = arith.constant 0 : i32
    %broadcast_in_dim3A_2851 = vector.broadcast %broadcast_in_dim3A_2850 : i32 to vector<16xi32>
    %lt3A_2852 = vector.broadcast %arg1 : i32 to vector<16xi32>
    %lt3A_2853 = arith.cmpi slt, %broadcast_in_dim3A_2851, %lt3A_2852 : vector<16xi32>
    %select_n3A_2854 = arith.select %lt3A_2853, %get3A_2848, %broadcast_in_dim3A_0 : vector<16xi1>, vector<16xi32>
    %add3A_2855 = arith.addi %broadcast_in_dim3A_0, %select_n3A_2854 : vector<16xi32>
    %get3A_2856 = arith.constant 1 : i32
    %get3A_2857 = arith.index_cast %get3A_2856 : i32 to index
    %get3A_2858 = arith.constant 16 : index
    %get3A_2859 = tpu.vector_load %arg11[%get3A_2857, %get3A_2858] {strides = array<i32>} : memref<16x64xi32, #tpu.memory_space<vmem>>, vector<16xi32>,
    %add3A_2860 = arith.addi %add3A_2849, %get3A_2859 : vector<16xi32>
    %broadcast_in_dim3A_2861 = arith.constant 1 : i32
    %broadcast_in_dim3A_2862 = vector.broadcast %broadcast_in_dim3A_2861 : i32 to vector<16xi32>
    %lt3A_2863 = vector.broadcast %arg1 : i32 to vector<16xi32>
    %lt3A_2864 = arith.cmpi slt, %broadcast_in_dim3A_2862, %lt3A_2863 : vector<16xi32>
    %select_n3A_2865 = arith.select %lt3A_2864, %get3A_2859, %broadcast_in_dim3A_0 : vector<16xi1>, vector<16xi32>
    %add3A_2866 = arith.addi %add3A_2855, %select_n3A_2865 : vector<16xi32>
    %get3A_2867 = arith.constant 2 : i32
    %get3A_2868 = arith.index_cast %get3A_2867 : i32 to index
    %get3A_2869 = arith.constant 16 : index
    %get3A_2870 = tpu.vector_load %arg11[%get3A_2868, %get3A_2869] {strides = array<i32>} : memref<16x64xi32, #tpu.memory_space<vmem>>, vector<16xi32>,
    %add3A_2871 = arith.addi %add3A_2860, %get3A_2870 : vector<16xi32>
    %broadcast_in_dim3A_2872 = arith.constant 2 : i32
    %broadcast_in_dim3A_2873 = vector.broadcast %broadcast_in_dim3A_2872 : i32 to vector<16xi32>
    %lt3A_2874 = vector.broadcast %arg1 : i32 to vector<16xi32>
    %lt3A_2875 = arith.cmpi slt, %broadcast_in_dim3A_2873, %lt3A_2874 : vector<16xi32>
    %select_n3A_2876 = arith.select %lt3A_2875, %get3A_2870, %broadcast_in_dim3A_0 : vector<16xi1>, vector<16xi32>
    %add3A_2877 = arith.addi %add3A_2866, %select_n3A_2876 : vector<16xi32>
    %get3A_2878 = arith.constant 3 : i32
    %get3A_2879 = arith.index_cast %get3A_2878 : i32 to index
    %get3A_2880 = arith.constant 16 : index
    %get3A_2881 = tpu.vector_load %arg11[%get3A_2879, %get3A_2880] {strides = array<i32>} : memref<16x64xi32, #tpu.memory_space<vmem>>, vector<16xi32>,
    %add3A_2882 = arith.addi %add3A_2871, %get3A_2881 : vector<16xi32>
    %broadcast_in_dim3A_2883 = arith.constant 3 : i32
    %broadcast_in_dim3A_2884 = vector.broadcast %broadcast_in_dim3A_2883 : i32 to vector<16xi32>
    %lt3A_2885 = vector.broadcast %arg1 : i32 to vector<16xi32>
    %lt3A_2886 = arith.cmpi slt, %broadcast_in_dim3A_2884, %lt3A_2885 : vector<16xi32>
    %select_n3A_2887 = arith.select %lt3A_2886, %get3A_2881, %broadcast_in_dim3A_0 : vector<16xi1>, vector<16xi32>
    %add3A_2888 = arith.addi %add3A_2877, %select_n3A_2887 : vector<16xi32>
    %get3A_2889 = arith.constant 4 : i32
    %get3A_2890 = arith.index_cast %get3A_2889 : i32 to index
    %get3A_2891 = arith.constant 16 : index
    %get3A_2892 = tpu.vector_load %arg11[%get3A_2890, %get3A_2891] {strides = array<i32>} : memref<16x64xi32, #tpu.memory_space<vmem>>, vector<16xi32>,
    %add3A_2893 = arith.addi %add3A_2882, %get3A_2892 : vector<16xi32>
    %broadcast_in_dim3A_2894 = arith.constant 4 : i32
    %broadcast_in_dim3A_2895 = vector.broadcast %broadcast_in_dim3A_2894 : i32 to vector<16xi32>
    %lt3A_2896 = vector.broadcast %arg1 : i32 to vector<16xi32>
    %lt3A_2897 = arith.cmpi slt, %broadcast_in_dim3A_2895, %lt3A_2896 : vector<16xi32>
    %select_n3A_2898 = arith.select %lt3A_2897, %get3A_2892, %broadcast_in_dim3A_0 : vector<16xi1>, vector<16xi32>
    %add3A_2899 = arith.addi %add3A_2888, %select_n3A_2898 : vector<16xi32>
    %get3A_2900 = arith.constant 5 : i32
    %get3A_2901 = arith.index_cast %get3A_2900 : i32 to index
    %get3A_2902 = arith.constant 16 : index
    %get3A_2903 = tpu.vector_load %arg11[%get3A_2901, %get3A_2902] {strides = array<i32>} : memref<16x64xi32, #tpu.memory_space<vmem>>, vector<16xi32>,
    %add3A_2904 = arith.addi %add3A_2893, %get3A_2903 : vector<16xi32>
    %broadcast_in_dim3A_2905 = arith.constant 5 : i32
    %broadcast_in_dim3A_2906 = vector.broadcast %broadcast_in_dim3A_2905 : i32 to vector<16xi32>
    %lt3A_2907 = vector.broadcast %arg1 : i32 to vector<16xi32>
    %lt3A_2908 = arith.cmpi slt, %broadcast_in_dim3A_2906, %lt3A_2907 : vector<16xi32>
    %select_n3A_2909 = arith.select %lt3A_2908, %get3A_2903, %broadcast_in_dim3A_0 : vector<16xi1>, vector<16xi32>
    %add3A_2910 = arith.addi %add3A_2899, %select_n3A_2909 : vector<16xi32>
    %get3A_2911 = arith.constant 6 : i32
    %get3A_2912 = arith.index_cast %get3A_2911 : i32 to index
    %get3A_2913 = arith.constant 16 : index
    %get3A_2914 = tpu.vector_load %arg11[%get3A_2912, %get3A_2913] {strides = array<i32>} : memref<16x64xi32, #tpu.memory_space<vmem>>, vector<16xi32>,
    %add3A_2915 = arith.addi %add3A_2904, %get3A_2914 : vector<16xi32>
    %broadcast_in_dim3A_2916 = arith.constant 6 : i32
    %broadcast_in_dim3A_2917 = vector.broadcast %broadcast_in_dim3A_2916 : i32 to vector<16xi32>
    %lt3A_2918 = vector.broadcast %arg1 : i32 to vector<16xi32>
    %lt3A_2919 = arith.cmpi slt, %broadcast_in_dim3A_2917, %lt3A_2918 : vector<16xi32>
    %select_n3A_2920 = arith.select %lt3A_2919, %get3A_2914, %broadcast_in_dim3A_0 : vector<16xi1>, vector<16xi32>
    %add3A_2921 = arith.addi %add3A_2910, %select_n3A_2920 : vector<16xi32>
    %get3A_2922 = arith.constant 7 : i32
    %get3A_2923 = arith.index_cast %get3A_2922 : i32 to index
    %get3A_2924 = arith.constant 16 : index
    %get3A_2925 = tpu.vector_load %arg11[%get3A_2923, %get3A_2924] {strides = array<i32>} : memref<16x64xi32, #tpu.memory_space<vmem>>, vector<16xi32>,
    %add3A_2926 = arith.addi %add3A_2915, %get3A_2925 : vector<16xi32>
    %broadcast_in_dim3A_2927 = arith.constant 7 : i32
    %broadcast_in_dim3A_2928 = vector.broadcast %broadcast_in_dim3A_2927 : i32 to vector<16xi32>
    %lt3A_2929 = vector.broadcast %arg1 : i32 to vector<16xi32>
    %lt3A_2930 = arith.cmpi slt, %broadcast_in_dim3A_2928, %lt3A_2929 : vector<16xi32>
    %select_n3A_2931 = arith.select %lt3A_2930, %get3A_2925, %broadcast_in_dim3A_0 : vector<16xi1>, vector<16xi32>
    %add3A_2932 = arith.addi %add3A_2921, %select_n3A_2931 : vector<16xi32>
    %get3A_2933 = arith.constant 8 : i32
    %get3A_2934 = arith.index_cast %get3A_2933 : i32 to index
    %get3A_2935 = arith.constant 16 : index
    %get3A_2936 = tpu.vector_load %arg11[%get3A_2934, %get3A_2935] {strides = array<i32>} : memref<16x64xi32, #tpu.memory_space<vmem>>, vector<16xi32>,
    %add3A_2937 = arith.addi %add3A_2926, %get3A_2936 : vector<16xi32>
    %broadcast_in_dim3A_2938 = arith.constant 8 : i32
    %broadcast_in_dim3A_2939 = vector.broadcast %broadcast_in_dim3A_2938 : i32 to vector<16xi32>
    %lt3A_2940 = vector.broadcast %arg1 : i32 to vector<16xi32>
    %lt3A_2941 = arith.cmpi slt, %broadcast_in_dim3A_2939, %lt3A_2940 : vector<16xi32>
    %select_n3A_2942 = arith.select %lt3A_2941, %get3A_2936, %broadcast_in_dim3A_0 : vector<16xi1>, vector<16xi32>
    %add3A_2943 = arith.addi %add3A_2932, %select_n3A_2942 : vector<16xi32>
    %get3A_2944 = arith.constant 9 : i32
    %get3A_2945 = arith.index_cast %get3A_2944 : i32 to index
    %get3A_2946 = arith.constant 16 : index
    %get3A_2947 = tpu.vector_load %arg11[%get3A_2945, %get3A_2946] {strides = array<i32>} : memref<16x64xi32, #tpu.memory_space<vmem>>, vector<16xi32>,
    %add3A_2948 = arith.addi %add3A_2937, %get3A_2947 : vector<16xi32>
    %broadcast_in_dim3A_2949 = arith.constant 9 : i32
    %broadcast_in_dim3A_2950 = vector.broadcast %broadcast_in_dim3A_2949 : i32 to vector<16xi32>
    %lt3A_2951 = vector.broadcast %arg1 : i32 to vector<16xi32>
    %lt3A_2952 = arith.cmpi slt, %broadcast_in_dim3A_2950, %lt3A_2951 : vector<16xi32>
    %select_n3A_2953 = arith.select %lt3A_2952, %get3A_2947, %broadcast_in_dim3A_0 : vector<16xi1>, vector<16xi32>
    %add3A_2954 = arith.addi %add3A_2943, %select_n3A_2953 : vector<16xi32>
    %get3A_2955 = arith.constant 10 : i32
    %get3A_2956 = arith.index_cast %get3A_2955 : i32 to index
    %get3A_2957 = arith.constant 16 : index
    %get3A_2958 = tpu.vector_load %arg11[%get3A_2956, %get3A_2957] {strides = array<i32>} : memref<16x64xi32, #tpu.memory_space<vmem>>, vector<16xi32>,
    %add3A_2959 = arith.addi %add3A_2948, %get3A_2958 : vector<16xi32>
    %broadcast_in_dim3A_2960 = arith.constant 10 : i32
    %broadcast_in_dim3A_2961 = vector.broadcast %broadcast_in_dim3A_2960 : i32 to vector<16xi32>
    %lt3A_2962 = vector.broadcast %arg1 : i32 to vector<16xi32>
    %lt3A_2963 = arith.cmpi slt, %broadcast_in_dim3A_2961, %lt3A_2962 : vector<16xi32>
    %select_n3A_2964 = arith.select %lt3A_2963, %get3A_2958, %broadcast_in_dim3A_0 : vector<16xi1>, vector<16xi32>
    %add3A_2965 = arith.addi %add3A_2954, %select_n3A_2964 : vector<16xi32>
    %get3A_2966 = arith.constant 11 : i32
    %get3A_2967 = arith.index_cast %get3A_2966 : i32 to index
    %get3A_2968 = arith.constant 16 : index
    %get3A_2969 = tpu.vector_load %arg11[%get3A_2967, %get3A_2968] {strides = array<i32>} : memref<16x64xi32, #tpu.memory_space<vmem>>, vector<16xi32>,
    %add3A_2970 = arith.addi %add3A_2959, %get3A_2969 : vector<16xi32>
    %broadcast_in_dim3A_2971 = arith.constant 11 : i32
    %broadcast_in_dim3A_2972 = vector.broadcast %broadcast_in_dim3A_2971 : i32 to vector<16xi32>
    %lt3A_2973 = vector.broadcast %arg1 : i32 to vector<16xi32>
    %lt3A_2974 = arith.cmpi slt, %broadcast_in_dim3A_2972, %lt3A_2973 : vector<16xi32>
    %select_n3A_2975 = arith.select %lt3A_2974, %get3A_2969, %broadcast_in_dim3A_0 : vector<16xi1>, vector<16xi32>
    %add3A_2976 = arith.addi %add3A_2965, %select_n3A_2975 : vector<16xi32>
    %get3A_2977 = arith.constant 12 : i32
    %get3A_2978 = arith.index_cast %get3A_2977 : i32 to index
    %get3A_2979 = arith.constant 16 : index
    %get3A_2980 = tpu.vector_load %arg11[%get3A_2978, %get3A_2979] {strides = array<i32>} : memref<16x64xi32, #tpu.memory_space<vmem>>, vector<16xi32>,
    %add3A_2981 = arith.addi %add3A_2970, %get3A_2980 : vector<16xi32>
    %broadcast_in_dim3A_2982 = arith.constant 12 : i32
    %broadcast_in_dim3A_2983 = vector.broadcast %broadcast_in_dim3A_2982 : i32 to vector<16xi32>
    %lt3A_2984 = vector.broadcast %arg1 : i32 to vector<16xi32>
    %lt3A_2985 = arith.cmpi slt, %broadcast_in_dim3A_2983, %lt3A_2984 : vector<16xi32>
    %select_n3A_2986 = arith.select %lt3A_2985, %get3A_2980, %broadcast_in_dim3A_0 : vector<16xi1>, vector<16xi32>
    %add3A_2987 = arith.addi %add3A_2976, %select_n3A_2986 : vector<16xi32>
    %get3A_2988 = arith.constant 13 : i32
    %get3A_2989 = arith.index_cast %get3A_2988 : i32 to index
    %get3A_2990 = arith.constant 16 : index
    %get3A_2991 = tpu.vector_load %arg11[%get3A_2989, %get3A_2990] {strides = array<i32>} : memref<16x64xi32, #tpu.memory_space<vmem>>, vector<16xi32>,
    %add3A_2992 = arith.addi %add3A_2981, %get3A_2991 : vector<16xi32>
    %broadcast_in_dim3A_2993 = arith.constant 13 : i32
    %broadcast_in_dim3A_2994 = vector.broadcast %broadcast_in_dim3A_2993 : i32 to vector<16xi32>
    %lt3A_2995 = vector.broadcast %arg1 : i32 to vector<16xi32>
    %lt3A_2996 = arith.cmpi slt, %broadcast_in_dim3A_2994, %lt3A_2995 : vector<16xi32>
    %select_n3A_2997 = arith.select %lt3A_2996, %get3A_2991, %broadcast_in_dim3A_0 : vector<16xi1>, vector<16xi32>
    %add3A_2998 = arith.addi %add3A_2987, %select_n3A_2997 : vector<16xi32>
    %get3A_2999 = arith.constant 14 : i32
    %get3A_3000 = arith.index_cast %get3A_2999 : i32 to index
    %get3A_3001 = arith.constant 16 : index
    %get3A_3002 = tpu.vector_load %arg11[%get3A_3000, %get3A_3001] {strides = array<i32>} : memref<16x64xi32, #tpu.memory_space<vmem>>, vector<16xi32>,
    %add3A_3003 = arith.addi %add3A_2992, %get3A_3002 : vector<16xi32>
    %broadcast_in_dim3A_3004 = arith.constant 14 : i32
    %broadcast_in_dim3A_3005 = vector.broadcast %broadcast_in_dim3A_3004 : i32 to vector<16xi32>
    %lt3A_3006 = vector.broadcast %arg1 : i32 to vector<16xi32>
    %lt3A_3007 = arith.cmpi slt, %broadcast_in_dim3A_3005, %lt3A_3006 : vector<16xi32>
    %select_n3A_3008 = arith.select %lt3A_3007, %get3A_3002, %broadcast_in_dim3A_0 : vector<16xi1>, vector<16xi32>
    %add3A_3009 = arith.addi %add3A_2998, %select_n3A_3008 : vector<16xi32>
    %get3A_3010 = arith.constant 15 : i32
    %get3A_3011 = arith.index_cast %get3A_3010 : i32 to index
    %get3A_3012 = arith.constant 16 : index
    %get3A_3013 = tpu.vector_load %arg11[%get3A_3011, %get3A_3012] {strides = array<i32>} : memref<16x64xi32, #tpu.memory_space<vmem>>, vector<16xi32>,
    %add3A_3014 = arith.addi %add3A_3003, %get3A_3013 : vector<16xi32>
    %broadcast_in_dim3A_3015 = arith.constant 15 : i32
    %broadcast_in_dim3A_3016 = vector.broadcast %broadcast_in_dim3A_3015 : i32 to vector<16xi32>
    %lt3A_3017 = vector.broadcast %arg1 : i32 to vector<16xi32>
    %lt3A_3018 = arith.cmpi slt, %broadcast_in_dim3A_3016, %lt3A_3017 : vector<16xi32>
    %select_n3A_3019 = arith.select %lt3A_3018, %get3A_3013, %broadcast_in_dim3A_0 : vector<16xi1>, vector<16xi32>
    %add3A_3020 = arith.addi %add3A_3009, %select_n3A_3019 : vector<16xi32>
    %add3A_3021 = arith.constant 7 : i32
    %add3A_3022 = vector.broadcast %add3A_3021 : i32 to vector<16xi32>
    %add3A_3023 = arith.addi %add3A_3014, %add3A_3022 : vector<16xi32>
    %and3A_3024 = arith.constant -8 : i32
    %and3A_3025 = vector.broadcast %and3A_3024 : i32 to vector<16xi32>
    %and3A_3026 = arith.andi %add3A_3023, %and3A_3025 : vector<16xi32>
    %broadcast_in_dim3A_3027 = arith.constant true
    %broadcast_in_dim3A_3028 = vector.broadcast %broadcast_in_dim3A_3027 : i1 to vector<16xi1>
    %masked_cumsum3A_3029 = tpu.scan <sum>, %and3A_3026 masked %broadcast_in_dim3A_3028 : vector<16xi32>, vector<16xi1> -> vector<16xi32>
    %sub3A_3030 = arith.subi %masked_cumsum3A_3029, %and3A_3026 : vector<16xi32>
    %add3A_3031 = vector.broadcast %add3A_2844 : i32 to vector<16xi32>
    %add3A_3032 = arith.addi %sub3A_3030, %add3A_3031 : vector<16xi32>
    %swap3A_3033 = arith.constant 16 : index
    %swap3A_3034 = tpu.vector_load %arg14[%swap3A_3033] {strides = array<i32>} : memref<80xi32, #tpu.memory_space<vmem>>, vector<16xi32>,
    tpu.vector_store %arg14[%swap3A_3033], %add3A_3032 {strides = array<i32>} : memref<80xi32, #tpu.memory_space<vmem>>, vector<16xi32>,
    %add3A_3035 = arith.addi %add3A_3032, %add3A_3020 : vector<16xi32>
    %swap3A_3036 = arith.constant 16 : index
    %swap3A_3037 = tpu.vector_load %arg12[%swap3A_3036] {strides = array<i32>} : memref<64xi32, #tpu.memory_space<vmem>>, vector<16xi32>,
    tpu.vector_store %arg12[%swap3A_3036], %add3A_3035 {strides = array<i32>} : memref<64xi32, #tpu.memory_space<vmem>>, vector<16xi32>,
    %reduce_sum3A_3038 = arith.constant true
    %reduce_sum3A_3039 = vector.broadcast %reduce_sum3A_3038 : i1 to vector<16xi1>
    %reduce_sum3A_3040 = tpu.scan <sum>, %and3A_3026 masked %reduce_sum3A_3039 : vector<16xi32>, vector<16xi1> -> vector<16xi32>
    %reduce_sum3A_3041 = vector.extract %reduce_sum3A_3040[15] : i32 from vector<16xi32>
    %add3A_3042 = arith.addi %add3A_2844, %reduce_sum3A_3041 : i32
    %get3A_3043 = arith.constant 0 : i32
    %get3A_3044 = arith.index_cast %get3A_3043 : i32 to index
    %get3A_3045 = arith.constant 32 : index
    %get3A_3046 = tpu.vector_load %arg11[%get3A_3044, %get3A_3045] {strides = array<i32>} : memref<16x64xi32, #tpu.memory_space<vmem>>, vector<16xi32>,
    %add3A_3047 = arith.addi %broadcast_in_dim3A_0, %get3A_3046 : vector<16xi32>
    %broadcast_in_dim3A_3048 = arith.constant 0 : i32
    %broadcast_in_dim3A_3049 = vector.broadcast %broadcast_in_dim3A_3048 : i32 to vector<16xi32>
    %lt3A_3050 = vector.broadcast %arg1 : i32 to vector<16xi32>
    %lt3A_3051 = arith.cmpi slt, %broadcast_in_dim3A_3049, %lt3A_3050 : vector<16xi32>
    %select_n3A_3052 = arith.select %lt3A_3051, %get3A_3046, %broadcast_in_dim3A_0 : vector<16xi1>, vector<16xi32>
    %add3A_3053 = arith.addi %broadcast_in_dim3A_0, %select_n3A_3052 : vector<16xi32>
    %get3A_3054 = arith.constant 1 : i32
    %get3A_3055 = arith.index_cast %get3A_3054 : i32 to index
    %get3A_3056 = arith.constant 32 : index
    %get3A_3057 = tpu.vector_load %arg11[%get3A_3055, %get3A_3056] {strides = array<i32>} : memref<16x64xi32, #tpu.memory_space<vmem>>, vector<16xi32>,
    %add3A_3058 = arith.addi %add3A_3047, %get3A_3057 : vector<16xi32>
    %broadcast_in_dim3A_3059 = arith.constant 1 : i32
    %broadcast_in_dim3A_3060 = vector.broadcast %broadcast_in_dim3A_3059 : i32 to vector<16xi32>
    %lt3A_3061 = vector.broadcast %arg1 : i32 to vector<16xi32>
    %lt3A_3062 = arith.cmpi slt, %broadcast_in_dim3A_3060, %lt3A_3061 : vector<16xi32>
    %select_n3A_3063 = arith.select %lt3A_3062, %get3A_3057, %broadcast_in_dim3A_0 : vector<16xi1>, vector<16xi32>
    %add3A_3064 = arith.addi %add3A_3053, %select_n3A_3063 : vector<16xi32>
    %get3A_3065 = arith.constant 2 : i32
    %get3A_3066 = arith.index_cast %get3A_3065 : i32 to index
    %get3A_3067 = arith.constant 32 : index
    %get3A_3068 = tpu.vector_load %arg11[%get3A_3066, %get3A_3067] {strides = array<i32>} : memref<16x64xi32, #tpu.memory_space<vmem>>, vector<16xi32>,
    %add3A_3069 = arith.addi %add3A_3058, %get3A_3068 : vector<16xi32>
    %broadcast_in_dim3A_3070 = arith.constant 2 : i32
    %broadcast_in_dim3A_3071 = vector.broadcast %broadcast_in_dim3A_3070 : i32 to vector<16xi32>
    %lt3A_3072 = vector.broadcast %arg1 : i32 to vector<16xi32>
    %lt3A_3073 = arith.cmpi slt, %broadcast_in_dim3A_3071, %lt3A_3072 : vector<16xi32>
    %select_n3A_3074 = arith.select %lt3A_3073, %get3A_3068, %broadcast_in_dim3A_0 : vector<16xi1>, vector<16xi32>
    %add3A_3075 = arith.addi %add3A_3064, %select_n3A_3074 : vector<16xi32>
    %get3A_3076 = arith.constant 3 : i32
    %get3A_3077 = arith.index_cast %get3A_3076 : i32 to index
    %get3A_3078 = arith.constant 32 : index
    %get3A_3079 = tpu.vector_load %arg11[%get3A_3077, %get3A_3078] {strides = array<i32>} : memref<16x64xi32, #tpu.memory_space<vmem>>, vector<16xi32>,
    %add3A_3080 = arith.addi %add3A_3069, %get3A_3079 : vector<16xi32>
    %broadcast_in_dim3A_3081 = arith.constant 3 : i32
    %broadcast_in_dim3A_3082 = vector.broadcast %broadcast_in_dim3A_3081 : i32 to vector<16xi32>
    %lt3A_3083 = vector.broadcast %arg1 : i32 to vector<16xi32>
    %lt3A_3084 = arith.cmpi slt, %broadcast_in_dim3A_3082, %lt3A_3083 : vector<16xi32>
    %select_n3A_3085 = arith.select %lt3A_3084, %get3A_3079, %broadcast_in_dim3A_0 : vector<16xi1>, vector<16xi32>
    %add3A_3086 = arith.addi %add3A_3075, %select_n3A_3085 : vector<16xi32>
    %get3A_3087 = arith.constant 4 : i32
    %get3A_3088 = arith.index_cast %get3A_3087 : i32 to index
    %get3A_3089 = arith.constant 32 : index
    %get3A_3090 = tpu.vector_load %arg11[%get3A_3088, %get3A_3089] {strides = array<i32>} : memref<16x64xi32, #tpu.memory_space<vmem>>, vector<16xi32>,
    %add3A_3091 = arith.addi %add3A_3080, %get3A_3090 : vector<16xi32>
    %broadcast_in_dim3A_3092 = arith.constant 4 : i32
    %broadcast_in_dim3A_3093 = vector.broadcast %broadcast_in_dim3A_3092 : i32 to vector<16xi32>
    %lt3A_3094 = vector.broadcast %arg1 : i32 to vector<16xi32>
    %lt3A_3095 = arith.cmpi slt, %broadcast_in_dim3A_3093, %lt3A_3094 : vector<16xi32>
    %select_n3A_3096 = arith.select %lt3A_3095, %get3A_3090, %broadcast_in_dim3A_0 : vector<16xi1>, vector<16xi32>
    %add3A_3097 = arith.addi %add3A_3086, %select_n3A_3096 : vector<16xi32>
    %get3A_3098 = arith.constant 5 : i32
    %get3A_3099 = arith.index_cast %get3A_3098 : i32 to index
    %get3A_3100 = arith.constant 32 : index
    %get3A_3101 = tpu.vector_load %arg11[%get3A_3099, %get3A_3100] {strides = array<i32>} : memref<16x64xi32, #tpu.memory_space<vmem>>, vector<16xi32>,
    %add3A_3102 = arith.addi %add3A_3091, %get3A_3101 : vector<16xi32>
    %broadcast_in_dim3A_3103 = arith.constant 5 : i32
    %broadcast_in_dim3A_3104 = vector.broadcast %broadcast_in_dim3A_3103 : i32 to vector<16xi32>
    %lt3A_3105 = vector.broadcast %arg1 : i32 to vector<16xi32>
    %lt3A_3106 = arith.cmpi slt, %broadcast_in_dim3A_3104, %lt3A_3105 : vector<16xi32>
    %select_n3A_3107 = arith.select %lt3A_3106, %get3A_3101, %broadcast_in_dim3A_0 : vector<16xi1>, vector<16xi32>
    %add3A_3108 = arith.addi %add3A_3097, %select_n3A_3107 : vector<16xi32>
    %get3A_3109 = arith.constant 6 : i32
    %get3A_3110 = arith.index_cast %get3A_3109 : i32 to index
    %get3A_3111 = arith.constant 32 : index
    %get3A_3112 = tpu.vector_load %arg11[%get3A_3110, %get3A_3111] {strides = array<i32>} : memref<16x64xi32, #tpu.memory_space<vmem>>, vector<16xi32>,
    %add3A_3113 = arith.addi %add3A_3102, %get3A_3112 : vector<16xi32>
    %broadcast_in_dim3A_3114 = arith.constant 6 : i32
    %broadcast_in_dim3A_3115 = vector.broadcast %broadcast_in_dim3A_3114 : i32 to vector<16xi32>
    %lt3A_3116 = vector.broadcast %arg1 : i32 to vector<16xi32>
    %lt3A_3117 = arith.cmpi slt, %broadcast_in_dim3A_3115, %lt3A_3116 : vector<16xi32>
    %select_n3A_3118 = arith.select %lt3A_3117, %get3A_3112, %broadcast_in_dim3A_0 : vector<16xi1>, vector<16xi32>
    %add3A_3119 = arith.addi %add3A_3108, %select_n3A_3118 : vector<16xi32>
    %get3A_3120 = arith.constant 7 : i32
    %get3A_3121 = arith.index_cast %get3A_3120 : i32 to index
    %get3A_3122 = arith.constant 32 : index
    %get3A_3123 = tpu.vector_load %arg11[%get3A_3121, %get3A_3122] {strides = array<i32>} : memref<16x64xi32, #tpu.memory_space<vmem>>, vector<16xi32>,
    %add3A_3124 = arith.addi %add3A_3113, %get3A_3123 : vector<16xi32>
    %broadcast_in_dim3A_3125 = arith.constant 7 : i32
    %broadcast_in_dim3A_3126 = vector.broadcast %broadcast_in_dim3A_3125 : i32 to vector<16xi32>
    %lt3A_3127 = vector.broadcast %arg1 : i32 to vector<16xi32>
    %lt3A_3128 = arith.cmpi slt, %broadcast_in_dim3A_3126, %lt3A_3127 : vector<16xi32>
    %select_n3A_3129 = arith.select %lt3A_3128, %get3A_3123, %broadcast_in_dim3A_0 : vector<16xi1>, vector<16xi32>
    %add3A_3130 = arith.addi %add3A_3119, %select_n3A_3129 : vector<16xi32>
    %get3A_3131 = arith.constant 8 : i32
    %get3A_3132 = arith.index_cast %get3A_3131 : i32 to index
    %get3A_3133 = arith.constant 32 : index
    %get3A_3134 = tpu.vector_load %arg11[%get3A_3132, %get3A_3133] {strides = array<i32>} : memref<16x64xi32, #tpu.memory_space<vmem>>, vector<16xi32>,
    %add3A_3135 = arith.addi %add3A_3124, %get3A_3134 : vector<16xi32>
    %broadcast_in_dim3A_3136 = arith.constant 8 : i32
    %broadcast_in_dim3A_3137 = vector.broadcast %broadcast_in_dim3A_3136 : i32 to vector<16xi32>
    %lt3A_3138 = vector.broadcast %arg1 : i32 to vector<16xi32>
    %lt3A_3139 = arith.cmpi slt, %broadcast_in_dim3A_3137, %lt3A_3138 : vector<16xi32>
    %select_n3A_3140 = arith.select %lt3A_3139, %get3A_3134, %broadcast_in_dim3A_0 : vector<16xi1>, vector<16xi32>
    %add3A_3141 = arith.addi %add3A_3130, %select_n3A_3140 : vector<16xi32>
    %get3A_3142 = arith.constant 9 : i32
    %get3A_3143 = arith.index_cast %get3A_3142 : i32 to index
    %get3A_3144 = arith.constant 32 : index
    %get3A_3145 = tpu.vector_load %arg11[%get3A_3143, %get3A_3144] {strides = array<i32>} : memref<16x64xi32, #tpu.memory_space<vmem>>, vector<16xi32>,
    %add3A_3146 = arith.addi %add3A_3135, %get3A_3145 : vector<16xi32>
    %broadcast_in_dim3A_3147 = arith.constant 9 : i32
    %broadcast_in_dim3A_3148 = vector.broadcast %broadcast_in_dim3A_3147 : i32 to vector<16xi32>
    %lt3A_3149 = vector.broadcast %arg1 : i32 to vector<16xi32>
    %lt3A_3150 = arith.cmpi slt, %broadcast_in_dim3A_3148, %lt3A_3149 : vector<16xi32>
    %select_n3A_3151 = arith.select %lt3A_3150, %get3A_3145, %broadcast_in_dim3A_0 : vector<16xi1>, vector<16xi32>
    %add3A_3152 = arith.addi %add3A_3141, %select_n3A_3151 : vector<16xi32>
    %get3A_3153 = arith.constant 10 : i32
    %get3A_3154 = arith.index_cast %get3A_3153 : i32 to index
    %get3A_3155 = arith.constant 32 : index
    %get3A_3156 = tpu.vector_load %arg11[%get3A_3154, %get3A_3155] {strides = array<i32>} : memref<16x64xi32, #tpu.memory_space<vmem>>, vector<16xi32>,
    %add3A_3157 = arith.addi %add3A_3146, %get3A_3156 : vector<16xi32>
    %broadcast_in_dim3A_3158 = arith.constant 10 : i32
    %broadcast_in_dim3A_3159 = vector.broadcast %broadcast_in_dim3A_3158 : i32 to vector<16xi32>
    %lt3A_3160 = vector.broadcast %arg1 : i32 to vector<16xi32>
    %lt3A_3161 = arith.cmpi slt, %broadcast_in_dim3A_3159, %lt3A_3160 : vector<16xi32>
    %select_n3A_3162 = arith.select %lt3A_3161, %get3A_3156, %broadcast_in_dim3A_0 : vector<16xi1>, vector<16xi32>
    %add3A_3163 = arith.addi %add3A_3152, %select_n3A_3162 : vector<16xi32>
    %get3A_3164 = arith.constant 11 : i32
    %get3A_3165 = arith.index_cast %get3A_3164 : i32 to index
    %get3A_3166 = arith.constant 32 : index
    %get3A_3167 = tpu.vector_load %arg11[%get3A_3165, %get3A_3166] {strides = array<i32>} : memref<16x64xi32, #tpu.memory_space<vmem>>, vector<16xi32>,
    %add3A_3168 = arith.addi %add3A_3157, %get3A_3167 : vector<16xi32>
    %broadcast_in_dim3A_3169 = arith.constant 11 : i32
    %broadcast_in_dim3A_3170 = vector.broadcast %broadcast_in_dim3A_3169 : i32 to vector<16xi32>
    %lt3A_3171 = vector.broadcast %arg1 : i32 to vector<16xi32>
    %lt3A_3172 = arith.cmpi slt, %broadcast_in_dim3A_3170, %lt3A_3171 : vector<16xi32>
    %select_n3A_3173 = arith.select %lt3A_3172, %get3A_3167, %broadcast_in_dim3A_0 : vector<16xi1>, vector<16xi32>
    %add3A_3174 = arith.addi %add3A_3163, %select_n3A_3173 : vector<16xi32>
    %get3A_3175 = arith.constant 12 : i32
    %get3A_3176 = arith.index_cast %get3A_3175 : i32 to index
    %get3A_3177 = arith.constant 32 : index
    %get3A_3178 = tpu.vector_load %arg11[%get3A_3176, %get3A_3177] {strides = array<i32>} : memref<16x64xi32, #tpu.memory_space<vmem>>, vector<16xi32>,
    %add3A_3179 = arith.addi %add3A_3168, %get3A_3178 : vector<16xi32>
    %broadcast_in_dim3A_3180 = arith.constant 12 : i32
    %broadcast_in_dim3A_3181 = vector.broadcast %broadcast_in_dim3A_3180 : i32 to vector<16xi32>
    %lt3A_3182 = vector.broadcast %arg1 : i32 to vector<16xi32>
    %lt3A_3183 = arith.cmpi slt, %broadcast_in_dim3A_3181, %lt3A_3182 : vector<16xi32>
    %select_n3A_3184 = arith.select %lt3A_3183, %get3A_3178, %broadcast_in_dim3A_0 : vector<16xi1>, vector<16xi32>
    %add3A_3185 = arith.addi %add3A_3174, %select_n3A_3184 : vector<16xi32>
    %get3A_3186 = arith.constant 13 : i32
    %get3A_3187 = arith.index_cast %get3A_3186 : i32 to index
    %get3A_3188 = arith.constant 32 : index
    %get3A_3189 = tpu.vector_load %arg11[%get3A_3187, %get3A_3188] {strides = array<i32>} : memref<16x64xi32, #tpu.memory_space<vmem>>, vector<16xi32>,
    %add3A_3190 = arith.addi %add3A_3179, %get3A_3189 : vector<16xi32>
    %broadcast_in_dim3A_3191 = arith.constant 13 : i32
    %broadcast_in_dim3A_3192 = vector.broadcast %broadcast_in_dim3A_3191 : i32 to vector<16xi32>
    %lt3A_3193 = vector.broadcast %arg1 : i32 to vector<16xi32>
    %lt3A_3194 = arith.cmpi slt, %broadcast_in_dim3A_3192, %lt3A_3193 : vector<16xi32>
    %select_n3A_3195 = arith.select %lt3A_3194, %get3A_3189, %broadcast_in_dim3A_0 : vector<16xi1>, vector<16xi32>
    %add3A_3196 = arith.addi %add3A_3185, %select_n3A_3195 : vector<16xi32>
    %get3A_3197 = arith.constant 14 : i32
    %get3A_3198 = arith.index_cast %get3A_3197 : i32 to index
    %get3A_3199 = arith.constant 32 : index
    %get3A_3200 = tpu.vector_load %arg11[%get3A_3198, %get3A_3199] {strides = array<i32>} : memref<16x64xi32, #tpu.memory_space<vmem>>, vector<16xi32>,
    %add3A_3201 = arith.addi %add3A_3190, %get3A_3200 : vector<16xi32>
    %broadcast_in_dim3A_3202 = arith.constant 14 : i32
    %broadcast_in_dim3A_3203 = vector.broadcast %broadcast_in_dim3A_3202 : i32 to vector<16xi32>
    %lt3A_3204 = vector.broadcast %arg1 : i32 to vector<16xi32>
    %lt3A_3205 = arith.cmpi slt, %broadcast_in_dim3A_3203, %lt3A_3204 : vector<16xi32>
    %select_n3A_3206 = arith.select %lt3A_3205, %get3A_3200, %broadcast_in_dim3A_0 : vector<16xi1>, vector<16xi32>
    %add3A_3207 = arith.addi %add3A_3196, %select_n3A_3206 : vector<16xi32>
    %get3A_3208 = arith.constant 15 : i32
    %get3A_3209 = arith.index_cast %get3A_3208 : i32 to index
    %get3A_3210 = arith.constant 32 : index
    %get3A_3211 = tpu.vector_load %arg11[%get3A_3209, %get3A_3210] {strides = array<i32>} : memref<16x64xi32, #tpu.memory_space<vmem>>, vector<16xi32>,
    %add3A_3212 = arith.addi %add3A_3201, %get3A_3211 : vector<16xi32>
    %broadcast_in_dim3A_3213 = arith.constant 15 : i32
    %broadcast_in_dim3A_3214 = vector.broadcast %broadcast_in_dim3A_3213 : i32 to vector<16xi32>
    %lt3A_3215 = vector.broadcast %arg1 : i32 to vector<16xi32>
    %lt3A_3216 = arith.cmpi slt, %broadcast_in_dim3A_3214, %lt3A_3215 : vector<16xi32>
    %select_n3A_3217 = arith.select %lt3A_3216, %get3A_3211, %broadcast_in_dim3A_0 : vector<16xi1>, vector<16xi32>
    %add3A_3218 = arith.addi %add3A_3207, %select_n3A_3217 : vector<16xi32>
    %add3A_3219 = arith.constant 7 : i32
    %add3A_3220 = vector.broadcast %add3A_3219 : i32 to vector<16xi32>
    %add3A_3221 = arith.addi %add3A_3212, %add3A_3220 : vector<16xi32>
    %and3A_3222 = arith.constant -8 : i32
    %and3A_3223 = vector.broadcast %and3A_3222 : i32 to vector<16xi32>
    %and3A_3224 = arith.andi %add3A_3221, %and3A_3223 : vector<16xi32>
    %broadcast_in_dim3A_3225 = arith.constant true
    %broadcast_in_dim3A_3226 = vector.broadcast %broadcast_in_dim3A_3225 : i1 to vector<16xi1>
    %masked_cumsum3A_3227 = tpu.scan <sum>, %and3A_3224 masked %broadcast_in_dim3A_3226 : vector<16xi32>, vector<16xi1> -> vector<16xi32>
    %sub3A_3228 = arith.subi %masked_cumsum3A_3227, %and3A_3224 : vector<16xi32>
    %add3A_3229 = vector.broadcast %add3A_3042 : i32 to vector<16xi32>
    %add3A_3230 = arith.addi %sub3A_3228, %add3A_3229 : vector<16xi32>
    %swap3A_3231 = arith.constant 32 : index
    %swap3A_3232 = tpu.vector_load %arg14[%swap3A_3231] {strides = array<i32>} : memref<80xi32, #tpu.memory_space<vmem>>, vector<16xi32>,
    tpu.vector_store %arg14[%swap3A_3231], %add3A_3230 {strides = array<i32>} : memref<80xi32, #tpu.memory_space<vmem>>, vector<16xi32>,
    %add3A_3233 = arith.addi %add3A_3230, %add3A_3218 : vector<16xi32>
    %swap3A_3234 = arith.constant 32 : index
    %swap3A_3235 = tpu.vector_load %arg12[%swap3A_3234] {strides = array<i32>} : memref<64xi32, #tpu.memory_space<vmem>>, vector<16xi32>,
    tpu.vector_store %arg12[%swap3A_3234], %add3A_3233 {strides = array<i32>} : memref<64xi32, #tpu.memory_space<vmem>>, vector<16xi32>,
    %reduce_sum3A_3236 = arith.constant true
    %reduce_sum3A_3237 = vector.broadcast %reduce_sum3A_3236 : i1 to vector<16xi1>
    %reduce_sum3A_3238 = tpu.scan <sum>, %and3A_3224 masked %reduce_sum3A_3237 : vector<16xi32>, vector<16xi1> -> vector<16xi32>
    %reduce_sum3A_3239 = vector.extract %reduce_sum3A_3238[15] : i32 from vector<16xi32>
    %add3A_3240 = arith.addi %add3A_3042, %reduce_sum3A_3239 : i32
    %get3A_3241 = arith.constant 0 : i32
    %get3A_3242 = arith.index_cast %get3A_3241 : i32 to index
    %get3A_3243 = arith.constant 48 : index
    %get3A_3244 = tpu.vector_load %arg11[%get3A_3242, %get3A_3243] {strides = array<i32>} : memref<16x64xi32, #tpu.memory_space<vmem>>, vector<16xi32>,
    %add3A_3245 = arith.addi %broadcast_in_dim3A_0, %get3A_3244 : vector<16xi32>
    %broadcast_in_dim3A_3246 = arith.constant 0 : i32
    %broadcast_in_dim3A_3247 = vector.broadcast %broadcast_in_dim3A_3246 : i32 to vector<16xi32>
    %lt3A_3248 = vector.broadcast %arg1 : i32 to vector<16xi32>
    %lt3A_3249 = arith.cmpi slt, %broadcast_in_dim3A_3247, %lt3A_3248 : vector<16xi32>
    %select_n3A_3250 = arith.select %lt3A_3249, %get3A_3244, %broadcast_in_dim3A_0 : vector<16xi1>, vector<16xi32>
    %add3A_3251 = arith.addi %broadcast_in_dim3A_0, %select_n3A_3250 : vector<16xi32>
    %get3A_3252 = arith.constant 1 : i32
    %get3A_3253 = arith.index_cast %get3A_3252 : i32 to index
    %get3A_3254 = arith.constant 48 : index
    %get3A_3255 = tpu.vector_load %arg11[%get3A_3253, %get3A_3254] {strides = array<i32>} : memref<16x64xi32, #tpu.memory_space<vmem>>, vector<16xi32>,
    %add3A_3256 = arith.addi %add3A_3245, %get3A_3255 : vector<16xi32>
    %broadcast_in_dim3A_3257 = arith.constant 1 : i32
    %broadcast_in_dim3A_3258 = vector.broadcast %broadcast_in_dim3A_3257 : i32 to vector<16xi32>
    %lt3A_3259 = vector.broadcast %arg1 : i32 to vector<16xi32>
    %lt3A_3260 = arith.cmpi slt, %broadcast_in_dim3A_3258, %lt3A_3259 : vector<16xi32>
    %select_n3A_3261 = arith.select %lt3A_3260, %get3A_3255, %broadcast_in_dim3A_0 : vector<16xi1>, vector<16xi32>
    %add3A_3262 = arith.addi %add3A_3251, %select_n3A_3261 : vector<16xi32>
    %get3A_3263 = arith.constant 2 : i32
    %get3A_3264 = arith.index_cast %get3A_3263 : i32 to index
    %get3A_3265 = arith.constant 48 : index
    %get3A_3266 = tpu.vector_load %arg11[%get3A_3264, %get3A_3265] {strides = array<i32>} : memref<16x64xi32, #tpu.memory_space<vmem>>, vector<16xi32>,
    %add3A_3267 = arith.addi %add3A_3256, %get3A_3266 : vector<16xi32>
    %broadcast_in_dim3A_3268 = arith.constant 2 : i32
    %broadcast_in_dim3A_3269 = vector.broadcast %broadcast_in_dim3A_3268 : i32 to vector<16xi32>
    %lt3A_3270 = vector.broadcast %arg1 : i32 to vector<16xi32>
    %lt3A_3271 = arith.cmpi slt, %broadcast_in_dim3A_3269, %lt3A_3270 : vector<16xi32>
    %select_n3A_3272 = arith.select %lt3A_3271, %get3A_3266, %broadcast_in_dim3A_0 : vector<16xi1>, vector<16xi32>
    %add3A_3273 = arith.addi %add3A_3262, %select_n3A_3272 : vector<16xi32>
    %get3A_3274 = arith.constant 3 : i32
    %get3A_3275 = arith.index_cast %get3A_3274 : i32 to index
    %get3A_3276 = arith.constant 48 : index
    %get3A_3277 = tpu.vector_load %arg11[%get3A_3275, %get3A_3276] {strides = array<i32>} : memref<16x64xi32, #tpu.memory_space<vmem>>, vector<16xi32>,
    %add3A_3278 = arith.addi %add3A_3267, %get3A_3277 : vector<16xi32>
    %broadcast_in_dim3A_3279 = arith.constant 3 : i32
    %broadcast_in_dim3A_3280 = vector.broadcast %broadcast_in_dim3A_3279 : i32 to vector<16xi32>
    %lt3A_3281 = vector.broadcast %arg1 : i32 to vector<16xi32>
    %lt3A_3282 = arith.cmpi slt, %broadcast_in_dim3A_3280, %lt3A_3281 : vector<16xi32>
    %select_n3A_3283 = arith.select %lt3A_3282, %get3A_3277, %broadcast_in_dim3A_0 : vector<16xi1>, vector<16xi32>
    %add3A_3284 = arith.addi %add3A_3273, %select_n3A_3283 : vector<16xi32>
    %get3A_3285 = arith.constant 4 : i32
    %get3A_3286 = arith.index_cast %get3A_3285 : i32 to index
    %get3A_3287 = arith.constant 48 : index
    %get3A_3288 = tpu.vector_load %arg11[%get3A_3286, %get3A_3287] {strides = array<i32>} : memref<16x64xi32, #tpu.memory_space<vmem>>, vector<16xi32>,
    %add3A_3289 = arith.addi %add3A_3278, %get3A_3288 : vector<16xi32>
    %broadcast_in_dim3A_3290 = arith.constant 4 : i32
    %broadcast_in_dim3A_3291 = vector.broadcast %broadcast_in_dim3A_3290 : i32 to vector<16xi32>
    %lt3A_3292 = vector.broadcast %arg1 : i32 to vector<16xi32>
    %lt3A_3293 = arith.cmpi slt, %broadcast_in_dim3A_3291, %lt3A_3292 : vector<16xi32>
    %select_n3A_3294 = arith.select %lt3A_3293, %get3A_3288, %broadcast_in_dim3A_0 : vector<16xi1>, vector<16xi32>
    %add3A_3295 = arith.addi %add3A_3284, %select_n3A_3294 : vector<16xi32>
    %get3A_3296 = arith.constant 5 : i32
    %get3A_3297 = arith.index_cast %get3A_3296 : i32 to index
    %get3A_3298 = arith.constant 48 : index
    %get3A_3299 = tpu.vector_load %arg11[%get3A_3297, %get3A_3298] {strides = array<i32>} : memref<16x64xi32, #tpu.memory_space<vmem>>, vector<16xi32>,
    %add3A_3300 = arith.addi %add3A_3289, %get3A_3299 : vector<16xi32>
    %broadcast_in_dim3A_3301 = arith.constant 5 : i32
    %broadcast_in_dim3A_3302 = vector.broadcast %broadcast_in_dim3A_3301 : i32 to vector<16xi32>
    %lt3A_3303 = vector.broadcast %arg1 : i32 to vector<16xi32>
    %lt3A_3304 = arith.cmpi slt, %broadcast_in_dim3A_3302, %lt3A_3303 : vector<16xi32>
    %select_n3A_3305 = arith.select %lt3A_3304, %get3A_3299, %broadcast_in_dim3A_0 : vector<16xi1>, vector<16xi32>
    %add3A_3306 = arith.addi %add3A_3295, %select_n3A_3305 : vector<16xi32>
    %get3A_3307 = arith.constant 6 : i32
    %get3A_3308 = arith.index_cast %get3A_3307 : i32 to index
    %get3A_3309 = arith.constant 48 : index
    %get3A_3310 = tpu.vector_load %arg11[%get3A_3308, %get3A_3309] {strides = array<i32>} : memref<16x64xi32, #tpu.memory_space<vmem>>, vector<16xi32>,
    %add3A_3311 = arith.addi %add3A_3300, %get3A_3310 : vector<16xi32>
    %broadcast_in_dim3A_3312 = arith.constant 6 : i32
    %broadcast_in_dim3A_3313 = vector.broadcast %broadcast_in_dim3A_3312 : i32 to vector<16xi32>
    %lt3A_3314 = vector.broadcast %arg1 : i32 to vector<16xi32>
    %lt3A_3315 = arith.cmpi slt, %broadcast_in_dim3A_3313, %lt3A_3314 : vector<16xi32>
    %select_n3A_3316 = arith.select %lt3A_3315, %get3A_3310, %broadcast_in_dim3A_0 : vector<16xi1>, vector<16xi32>
    %add3A_3317 = arith.addi %add3A_3306, %select_n3A_3316 : vector<16xi32>
    %get3A_3318 = arith.constant 7 : i32
    %get3A_3319 = arith.index_cast %get3A_3318 : i32 to index
    %get3A_3320 = arith.constant 48 : index
    %get3A_3321 = tpu.vector_load %arg11[%get3A_3319, %get3A_3320] {strides = array<i32>} : memref<16x64xi32, #tpu.memory_space<vmem>>, vector<16xi32>,
    %add3A_3322 = arith.addi %add3A_3311, %get3A_3321 : vector<16xi32>
    %broadcast_in_dim3A_3323 = arith.constant 7 : i32
    %broadcast_in_dim3A_3324 = vector.broadcast %broadcast_in_dim3A_3323 : i32 to vector<16xi32>
    %lt3A_3325 = vector.broadcast %arg1 : i32 to vector<16xi32>
    %lt3A_3326 = arith.cmpi slt, %broadcast_in_dim3A_3324, %lt3A_3325 : vector<16xi32>
    %select_n3A_3327 = arith.select %lt3A_3326, %get3A_3321, %broadcast_in_dim3A_0 : vector<16xi1>, vector<16xi32>
    %add3A_3328 = arith.addi %add3A_3317, %select_n3A_3327 : vector<16xi32>
    %get3A_3329 = arith.constant 8 : i32
    %get3A_3330 = arith.index_cast %get3A_3329 : i32 to index
    %get3A_3331 = arith.constant 48 : index
    %get3A_3332 = tpu.vector_load %arg11[%get3A_3330, %get3A_3331] {strides = array<i32>} : memref<16x64xi32, #tpu.memory_space<vmem>>, vector<16xi32>,
    %add3A_3333 = arith.addi %add3A_3322, %get3A_3332 : vector<16xi32>
    %broadcast_in_dim3A_3334 = arith.constant 8 : i32
    %broadcast_in_dim3A_3335 = vector.broadcast %broadcast_in_dim3A_3334 : i32 to vector<16xi32>
    %lt3A_3336 = vector.broadcast %arg1 : i32 to vector<16xi32>
    %lt3A_3337 = arith.cmpi slt, %broadcast_in_dim3A_3335, %lt3A_3336 : vector<16xi32>
    %select_n3A_3338 = arith.select %lt3A_3337, %get3A_3332, %broadcast_in_dim3A_0 : vector<16xi1>, vector<16xi32>
    %add3A_3339 = arith.addi %add3A_3328, %select_n3A_3338 : vector<16xi32>
    %get3A_3340 = arith.constant 9 : i32
    %get3A_3341 = arith.index_cast %get3A_3340 : i32 to index
    %get3A_3342 = arith.constant 48 : index
    %get3A_3343 = tpu.vector_load %arg11[%get3A_3341, %get3A_3342] {strides = array<i32>} : memref<16x64xi32, #tpu.memory_space<vmem>>, vector<16xi32>,
    %add3A_3344 = arith.addi %add3A_3333, %get3A_3343 : vector<16xi32>
    %broadcast_in_dim3A_3345 = arith.constant 9 : i32
    %broadcast_in_dim3A_3346 = vector.broadcast %broadcast_in_dim3A_3345 : i32 to vector<16xi32>
    %lt3A_3347 = vector.broadcast %arg1 : i32 to vector<16xi32>
    %lt3A_3348 = arith.cmpi slt, %broadcast_in_dim3A_3346, %lt3A_3347 : vector<16xi32>
    %select_n3A_3349 = arith.select %lt3A_3348, %get3A_3343, %broadcast_in_dim3A_0 : vector<16xi1>, vector<16xi32>
    %add3A_3350 = arith.addi %add3A_3339, %select_n3A_3349 : vector<16xi32>
    %get3A_3351 = arith.constant 10 : i32
    %get3A_3352 = arith.index_cast %get3A_3351 : i32 to index
    %get3A_3353 = arith.constant 48 : index
    %get3A_3354 = tpu.vector_load %arg11[%get3A_3352, %get3A_3353] {strides = array<i32>} : memref<16x64xi32, #tpu.memory_space<vmem>>, vector<16xi32>,
    %add3A_3355 = arith.addi %add3A_3344, %get3A_3354 : vector<16xi32>
    %broadcast_in_dim3A_3356 = arith.constant 10 : i32
    %broadcast_in_dim3A_3357 = vector.broadcast %broadcast_in_dim3A_3356 : i32 to vector<16xi32>
    %lt3A_3358 = vector.broadcast %arg1 : i32 to vector<16xi32>
    %lt3A_3359 = arith.cmpi slt, %broadcast_in_dim3A_3357, %lt3A_3358 : vector<16xi32>
    %select_n3A_3360 = arith.select %lt3A_3359, %get3A_3354, %broadcast_in_dim3A_0 : vector<16xi1>, vector<16xi32>
    %add3A_3361 = arith.addi %add3A_3350, %select_n3A_3360 : vector<16xi32>
    %get3A_3362 = arith.constant 11 : i32
    %get3A_3363 = arith.index_cast %get3A_3362 : i32 to index
    %get3A_3364 = arith.constant 48 : index
    %get3A_3365 = tpu.vector_load %arg11[%get3A_3363, %get3A_3364] {strides = array<i32>} : memref<16x64xi32, #tpu.memory_space<vmem>>, vector<16xi32>,
    %add3A_3366 = arith.addi %add3A_3355, %get3A_3365 : vector<16xi32>
    %broadcast_in_dim3A_3367 = arith.constant 11 : i32
    %broadcast_in_dim3A_3368 = vector.broadcast %broadcast_in_dim3A_3367 : i32 to vector<16xi32>
    %lt3A_3369 = vector.broadcast %arg1 : i32 to vector<16xi32>
    %lt3A_3370 = arith.cmpi slt, %broadcast_in_dim3A_3368, %lt3A_3369 : vector<16xi32>
    %select_n3A_3371 = arith.select %lt3A_3370, %get3A_3365, %broadcast_in_dim3A_0 : vector<16xi1>, vector<16xi32>
    %add3A_3372 = arith.addi %add3A_3361, %select_n3A_3371 : vector<16xi32>
    %get3A_3373 = arith.constant 12 : i32
    %get3A_3374 = arith.index_cast %get3A_3373 : i32 to index
    %get3A_3375 = arith.constant 48 : index
    %get3A_3376 = tpu.vector_load %arg11[%get3A_3374, %get3A_3375] {strides = array<i32>} : memref<16x64xi32, #tpu.memory_space<vmem>>, vector<16xi32>,
    %add3A_3377 = arith.addi %add3A_3366, %get3A_3376 : vector<16xi32>
    %broadcast_in_dim3A_3378 = arith.constant 12 : i32
    %broadcast_in_dim3A_3379 = vector.broadcast %broadcast_in_dim3A_3378 : i32 to vector<16xi32>
    %lt3A_3380 = vector.broadcast %arg1 : i32 to vector<16xi32>
    %lt3A_3381 = arith.cmpi slt, %broadcast_in_dim3A_3379, %lt3A_3380 : vector<16xi32>
    %select_n3A_3382 = arith.select %lt3A_3381, %get3A_3376, %broadcast_in_dim3A_0 : vector<16xi1>, vector<16xi32>
    %add3A_3383 = arith.addi %add3A_3372, %select_n3A_3382 : vector<16xi32>
    %get3A_3384 = arith.constant 13 : i32
    %get3A_3385 = arith.index_cast %get3A_3384 : i32 to index
    %get3A_3386 = arith.constant 48 : index
    %get3A_3387 = tpu.vector_load %arg11[%get3A_3385, %get3A_3386] {strides = array<i32>} : memref<16x64xi32, #tpu.memory_space<vmem>>, vector<16xi32>,
    %add3A_3388 = arith.addi %add3A_3377, %get3A_3387 : vector<16xi32>
    %broadcast_in_dim3A_3389 = arith.constant 13 : i32
    %broadcast_in_dim3A_3390 = vector.broadcast %broadcast_in_dim3A_3389 : i32 to vector<16xi32>
    %lt3A_3391 = vector.broadcast %arg1 : i32 to vector<16xi32>
    %lt3A_3392 = arith.cmpi slt, %broadcast_in_dim3A_3390, %lt3A_3391 : vector<16xi32>
    %select_n3A_3393 = arith.select %lt3A_3392, %get3A_3387, %broadcast_in_dim3A_0 : vector<16xi1>, vector<16xi32>
    %add3A_3394 = arith.addi %add3A_3383, %select_n3A_3393 : vector<16xi32>
    %get3A_3395 = arith.constant 14 : i32
    %get3A_3396 = arith.index_cast %get3A_3395 : i32 to index
    %get3A_3397 = arith.constant 48 : index
    %get3A_3398 = tpu.vector_load %arg11[%get3A_3396, %get3A_3397] {strides = array<i32>} : memref<16x64xi32, #tpu.memory_space<vmem>>, vector<16xi32>,
    %add3A_3399 = arith.addi %add3A_3388, %get3A_3398 : vector<16xi32>
    %broadcast_in_dim3A_3400 = arith.constant 14 : i32
    %broadcast_in_dim3A_3401 = vector.broadcast %broadcast_in_dim3A_3400 : i32 to vector<16xi32>
    %lt3A_3402 = vector.broadcast %arg1 : i32 to vector<16xi32>
    %lt3A_3403 = arith.cmpi slt, %broadcast_in_dim3A_3401, %lt3A_3402 : vector<16xi32>
    %select_n3A_3404 = arith.select %lt3A_3403, %get3A_3398, %broadcast_in_dim3A_0 : vector<16xi1>, vector<16xi32>
    %add3A_3405 = arith.addi %add3A_3394, %select_n3A_3404 : vector<16xi32>
    %get3A_3406 = arith.constant 15 : i32
    %get3A_3407 = arith.index_cast %get3A_3406 : i32 to index
    %get3A_3408 = arith.constant 48 : index
    %get3A_3409 = tpu.vector_load %arg11[%get3A_3407, %get3A_3408] {strides = array<i32>} : memref<16x64xi32, #tpu.memory_space<vmem>>, vector<16xi32>,
    %add3A_3410 = arith.addi %add3A_3399, %get3A_3409 : vector<16xi32>
    %broadcast_in_dim3A_3411 = arith.constant 15 : i32
    %broadcast_in_dim3A_3412 = vector.broadcast %broadcast_in_dim3A_3411 : i32 to vector<16xi32>
    %lt3A_3413 = vector.broadcast %arg1 : i32 to vector<16xi32>
    %lt3A_3414 = arith.cmpi slt, %broadcast_in_dim3A_3412, %lt3A_3413 : vector<16xi32>
    %select_n3A_3415 = arith.select %lt3A_3414, %get3A_3409, %broadcast_in_dim3A_0 : vector<16xi1>, vector<16xi32>
    %add3A_3416 = arith.addi %add3A_3405, %select_n3A_3415 : vector<16xi32>
    %add3A_3417 = arith.constant 7 : i32
    %add3A_3418 = vector.broadcast %add3A_3417 : i32 to vector<16xi32>
    %add3A_3419 = arith.addi %add3A_3410, %add3A_3418 : vector<16xi32>
    %and3A_3420 = arith.constant -8 : i32
    %and3A_3421 = vector.broadcast %and3A_3420 : i32 to vector<16xi32>
    %and3A_3422 = arith.andi %add3A_3419, %and3A_3421 : vector<16xi32>
    %broadcast_in_dim3A_3423 = arith.constant true
    %broadcast_in_dim3A_3424 = vector.broadcast %broadcast_in_dim3A_3423 : i1 to vector<16xi1>
    %masked_cumsum3A_3425 = tpu.scan <sum>, %and3A_3422 masked %broadcast_in_dim3A_3424 : vector<16xi32>, vector<16xi1> -> vector<16xi32>
    %sub3A_3426 = arith.subi %masked_cumsum3A_3425, %and3A_3422 : vector<16xi32>
    %add3A_3427 = vector.broadcast %add3A_3240 : i32 to vector<16xi32>
    %add3A_3428 = arith.addi %sub3A_3426, %add3A_3427 : vector<16xi32>
    %swap3A_3429 = arith.constant 48 : index
    %swap3A_3430 = tpu.vector_load %arg14[%swap3A_3429] {strides = array<i32>} : memref<80xi32, #tpu.memory_space<vmem>>, vector<16xi32>,
    tpu.vector_store %arg14[%swap3A_3429], %add3A_3428 {strides = array<i32>} : memref<80xi32, #tpu.memory_space<vmem>>, vector<16xi32>,
    %add3A_3431 = arith.addi %add3A_3428, %add3A_3416 : vector<16xi32>
    %swap3A_3432 = arith.constant 48 : index
    %swap3A_3433 = tpu.vector_load %arg12[%swap3A_3432] {strides = array<i32>} : memref<64xi32, #tpu.memory_space<vmem>>, vector<16xi32>,
    tpu.vector_store %arg12[%swap3A_3432], %add3A_3431 {strides = array<i32>} : memref<64xi32, #tpu.memory_space<vmem>>, vector<16xi32>,
    %reduce_sum3A_3434 = arith.constant true
    %reduce_sum3A_3435 = vector.broadcast %reduce_sum3A_3434 : i1 to vector<16xi1>
    %reduce_sum3A_3436 = tpu.scan <sum>, %and3A_3422 masked %reduce_sum3A_3435 : vector<16xi32>, vector<16xi1> -> vector<16xi32>
    %reduce_sum3A_3437 = vector.extract %reduce_sum3A_3436[15] : i32 from vector<16xi32>
    %add3A_3438 = arith.addi %add3A_3240, %reduce_sum3A_3437 : i32
    %eq3A_3439 = arith.constant 0 : i32
    %eq3A_3440 = vector.broadcast %eq3A_3439 : i32 to vector<16xi32>
    %eq3A_3441 = arith.cmpi eq, %iota3A, %eq3A_3440 : vector<16xi32>
    %jit3A = arith.constant 0 : i32
    %broadcast_in_dim3A_3442 = vector.broadcast %add3A_3438 : i32 to vector<16xi32>
    %broadcast_in_dim3A_3443 = vector.broadcast %jit3A : i32 to vector<16xi32>
    %select_n3A_3444 = arith.select %eq3A_3441, %broadcast_in_dim3A_3442, %broadcast_in_dim3A_3443 : vector<16xi1>, vector<16xi32>
    %swap3A_3445 = arith.constant 64 : index
    %swap3A_3446 = tpu.vector_load %arg14[%swap3A_3445] {strides = array<i32>} : memref<80xi32, #tpu.memory_space<vmem>>, vector<16xi32>,
    tpu.vector_store %arg14[%swap3A_3445], %select_n3A_3444 {strides = array<i32>} : memref<80xi32, #tpu.memory_space<vmem>>, vector<16xi32>,
    %get3A_3447 = arith.constant 0 : index
    %get3A_3448 = tpu.vector_load %arg8[%get3A_3447] {strides = array<i32>} : memref<128xi32, #tpu.memory_space<vmem>>, vector<16xi32>,
    %gather3A_3449 = tpu.vector_load_idx %arg12[%get3A_3448] : memref<64xi32, #tpu.memory_space<vmem>>[vector<16xi32>], vector<16xi32>,
    %get3A_3450 = arith.constant 0 : index
    %get3A_3451 = tpu.vector_load %arg9[%get3A_3450] {strides = array<i32>} : memref<128xi32, #tpu.memory_space<vmem>>, vector<16xi32>,
    %add3A_3452 = arith.addi %gather3A_3449, %get3A_3451 : vector<16xi32>
    %swap3A_3453 = arith.constant 0 : index
    %swap3A_3454 = tpu.vector_load %arg9[%swap3A_3453] {strides = array<i32>} : memref<128xi32, #tpu.memory_space<vmem>>, vector<16xi32>,
    tpu.vector_store %arg9[%swap3A_3453], %add3A_3452 {strides = array<i32>} : memref<128xi32, #tpu.memory_space<vmem>>, vector<16xi32>,
    %get3A_3455 = arith.constant 16 : index
    %get3A_3456 = tpu.vector_load %arg8[%get3A_3455] {strides = array<i32>} : memref<128xi32, #tpu.memory_space<vmem>>, vector<16xi32>,
    %gather3A_3457 = tpu.vector_load_idx %arg12[%get3A_3456] : memref<64xi32, #tpu.memory_space<vmem>>[vector<16xi32>], vector<16xi32>,
    %get3A_3458 = arith.constant 16 : index
    %get3A_3459 = tpu.vector_load %arg9[%get3A_3458] {strides = array<i32>} : memref<128xi32, #tpu.memory_space<vmem>>, vector<16xi32>,
    %add3A_3460 = arith.addi %gather3A_3457, %get3A_3459 : vector<16xi32>
    %swap3A_3461 = arith.constant 16 : index
    %swap3A_3462 = tpu.vector_load %arg9[%swap3A_3461] {strides = array<i32>} : memref<128xi32, #tpu.memory_space<vmem>>, vector<16xi32>,
    tpu.vector_store %arg9[%swap3A_3461], %add3A_3460 {strides = array<i32>} : memref<128xi32, #tpu.memory_space<vmem>>, vector<16xi32>,
    %get3A_3463 = arith.constant 32 : index
    %get3A_3464 = tpu.vector_load %arg8[%get3A_3463] {strides = array<i32>} : memref<128xi32, #tpu.memory_space<vmem>>, vector<16xi32>,
    %gather3A_3465 = tpu.vector_load_idx %arg12[%get3A_3464] : memref<64xi32, #tpu.memory_space<vmem>>[vector<16xi32>], vector<16xi32>,
    %get3A_3466 = arith.constant 32 : index
    %get3A_3467 = tpu.vector_load %arg9[%get3A_3466] {strides = array<i32>} : memref<128xi32, #tpu.memory_space<vmem>>, vector<16xi32>,
    %add3A_3468 = arith.addi %gather3A_3465, %get3A_3467 : vector<16xi32>
    %swap3A_3469 = arith.constant 32 : index
    %swap3A_3470 = tpu.vector_load %arg9[%swap3A_3469] {strides = array<i32>} : memref<128xi32, #tpu.memory_space<vmem>>, vector<16xi32>,
    tpu.vector_store %arg9[%swap3A_3469], %add3A_3468 {strides = array<i32>} : memref<128xi32, #tpu.memory_space<vmem>>, vector<16xi32>,
    %get3A_3471 = arith.constant 48 : index
    %get3A_3472 = tpu.vector_load %arg8[%get3A_3471] {strides = array<i32>} : memref<128xi32, #tpu.memory_space<vmem>>, vector<16xi32>,
    %gather3A_3473 = tpu.vector_load_idx %arg12[%get3A_3472] : memref<64xi32, #tpu.memory_space<vmem>>[vector<16xi32>], vector<16xi32>,
    %get3A_3474 = arith.constant 48 : index
    %get3A_3475 = tpu.vector_load %arg9[%get3A_3474] {strides = array<i32>} : memref<128xi32, #tpu.memory_space<vmem>>, vector<16xi32>,
    %add3A_3476 = arith.addi %gather3A_3473, %get3A_3475 : vector<16xi32>
    %swap3A_3477 = arith.constant 48 : index
    %swap3A_3478 = tpu.vector_load %arg9[%swap3A_3477] {strides = array<i32>} : memref<128xi32, #tpu.memory_space<vmem>>, vector<16xi32>,
    tpu.vector_store %arg9[%swap3A_3477], %add3A_3476 {strides = array<i32>} : memref<128xi32, #tpu.memory_space<vmem>>, vector<16xi32>,
    %get3A_3479 = arith.constant 64 : index
    %get3A_3480 = tpu.vector_load %arg8[%get3A_3479] {strides = array<i32>} : memref<128xi32, #tpu.memory_space<vmem>>, vector<16xi32>,
    %gather3A_3481 = tpu.vector_load_idx %arg12[%get3A_3480] : memref<64xi32, #tpu.memory_space<vmem>>[vector<16xi32>], vector<16xi32>,
    %get3A_3482 = arith.constant 64 : index
    %get3A_3483 = tpu.vector_load %arg9[%get3A_3482] {strides = array<i32>} : memref<128xi32, #tpu.memory_space<vmem>>, vector<16xi32>,
    %add3A_3484 = arith.addi %gather3A_3481, %get3A_3483 : vector<16xi32>
    %swap3A_3485 = arith.constant 64 : index
    %swap3A_3486 = tpu.vector_load %arg9[%swap3A_3485] {strides = array<i32>} : memref<128xi32, #tpu.memory_space<vmem>>, vector<16xi32>,
    tpu.vector_store %arg9[%swap3A_3485], %add3A_3484 {strides = array<i32>} : memref<128xi32, #tpu.memory_space<vmem>>, vector<16xi32>,
    %get3A_3487 = arith.constant 80 : index
    %get3A_3488 = tpu.vector_load %arg8[%get3A_3487] {strides = array<i32>} : memref<128xi32, #tpu.memory_space<vmem>>, vector<16xi32>,
    %gather3A_3489 = tpu.vector_load_idx %arg12[%get3A_3488] : memref<64xi32, #tpu.memory_space<vmem>>[vector<16xi32>], vector<16xi32>,
    %get3A_3490 = arith.constant 80 : index
    %get3A_3491 = tpu.vector_load %arg9[%get3A_3490] {strides = array<i32>} : memref<128xi32, #tpu.memory_space<vmem>>, vector<16xi32>,
    %add3A_3492 = arith.addi %gather3A_3489, %get3A_3491 : vector<16xi32>
    %swap3A_3493 = arith.constant 80 : index
    %swap3A_3494 = tpu.vector_load %arg9[%swap3A_3493] {strides = array<i32>} : memref<128xi32, #tpu.memory_space<vmem>>, vector<16xi32>,
    tpu.vector_store %arg9[%swap3A_3493], %add3A_3492 {strides = array<i32>} : memref<128xi32, #tpu.memory_space<vmem>>, vector<16xi32>,
    %get3A_3495 = arith.constant 96 : index
    %get3A_3496 = tpu.vector_load %arg8[%get3A_3495] {strides = array<i32>} : memref<128xi32, #tpu.memory_space<vmem>>, vector<16xi32>,
    %gather3A_3497 = tpu.vector_load_idx %arg12[%get3A_3496] : memref<64xi32, #tpu.memory_space<vmem>>[vector<16xi32>], vector<16xi32>,
    %get3A_3498 = arith.constant 96 : index
    %get3A_3499 = tpu.vector_load %arg9[%get3A_3498] {strides = array<i32>} : memref<128xi32, #tpu.memory_space<vmem>>, vector<16xi32>,
    %add3A_3500 = arith.addi %gather3A_3497, %get3A_3499 : vector<16xi32>
    %swap3A_3501 = arith.constant 96 : index
    %swap3A_3502 = tpu.vector_load %arg9[%swap3A_3501] {strides = array<i32>} : memref<128xi32, #tpu.memory_space<vmem>>, vector<16xi32>,
    tpu.vector_store %arg9[%swap3A_3501], %add3A_3500 {strides = array<i32>} : memref<128xi32, #tpu.memory_space<vmem>>, vector<16xi32>,
    %get3A_3503 = arith.constant 112 : index
    %get3A_3504 = tpu.vector_load %arg8[%get3A_3503] {strides = array<i32>} : memref<128xi32, #tpu.memory_space<vmem>>, vector<16xi32>,
    %gather3A_3505 = tpu.vector_load_idx %arg12[%get3A_3504] : memref<64xi32, #tpu.memory_space<vmem>>[vector<16xi32>], vector<16xi32>,
    %get3A_3506 = arith.constant 112 : index
    %get3A_3507 = tpu.vector_load %arg9[%get3A_3506] {strides = array<i32>} : memref<128xi32, #tpu.memory_space<vmem>>, vector<16xi32>,
    %add3A_3508 = arith.addi %gather3A_3505, %get3A_3507 : vector<16xi32>
    %swap3A_3509 = arith.constant 112 : index
    %swap3A_3510 = tpu.vector_load %arg9[%swap3A_3509] {strides = array<i32>} : memref<128xi32, #tpu.memory_space<vmem>>, vector<16xi32>,
    tpu.vector_store %arg9[%swap3A_3509], %add3A_3508 {strides = array<i32>} : memref<128xi32, #tpu.memory_space<vmem>>, vector<16xi32>,
    %mul3A_3511 = arith.constant 64 : i32
    %mul3A_3512 = arith.muli %arg0, %mul3A_3511 : i32
    %add3A_3513 = arith.constant 0 : i32
    %add3A_3514 = arith.addi %mul3A_3512, %add3A_3513 : i32
    %get3A_3515 = arith.index_cast %add3A_3514 : i32 to index
    %get3A_3516 = tpu.vector_load %arg9[%get3A_3515] {strides = array<i32>} : memref<128xi32, #tpu.memory_space<vmem>>, vector<16xi32>,
    %swap3A_3517 = arith.constant 0 : index
    %swap3A_3518 = tpu.vector_load %arg13[%swap3A_3517] {strides = array<i32>} : memref<64xi32, #tpu.memory_space<vmem>>, vector<16xi32>,
    tpu.vector_store %arg13[%swap3A_3517], %get3A_3516 {strides = array<i32>} : memref<64xi32, #tpu.memory_space<vmem>>, vector<16xi32>,
    %mul3A_3519 = arith.constant 64 : i32
    %mul3A_3520 = arith.muli %arg0, %mul3A_3519 : i32
    %add3A_3521 = arith.constant 16 : i32
    %add3A_3522 = arith.addi %mul3A_3520, %add3A_3521 : i32
    %get3A_3523 = arith.index_cast %add3A_3522 : i32 to index
    %get3A_3524 = tpu.vector_load %arg9[%get3A_3523] {strides = array<i32>} : memref<128xi32, #tpu.memory_space<vmem>>, vector<16xi32>,
    %swap3A_3525 = arith.constant 16 : index
    %swap3A_3526 = tpu.vector_load %arg13[%swap3A_3525] {strides = array<i32>} : memref<64xi32, #tpu.memory_space<vmem>>, vector<16xi32>,
    tpu.vector_store %arg13[%swap3A_3525], %get3A_3524 {strides = array<i32>} : memref<64xi32, #tpu.memory_space<vmem>>, vector<16xi32>,
    %mul3A_3527 = arith.constant 64 : i32
    %mul3A_3528 = arith.muli %arg0, %mul3A_3527 : i32
    %add3A_3529 = arith.constant 32 : i32
    %add3A_3530 = arith.addi %mul3A_3528, %add3A_3529 : i32
    %get3A_3531 = arith.index_cast %add3A_3530 : i32 to index
    %get3A_3532 = tpu.vector_load %arg9[%get3A_3531] {strides = array<i32>} : memref<128xi32, #tpu.memory_space<vmem>>, vector<16xi32>,
    %swap3A_3533 = arith.constant 32 : index
    %swap3A_3534 = tpu.vector_load %arg13[%swap3A_3533] {strides = array<i32>} : memref<64xi32, #tpu.memory_space<vmem>>, vector<16xi32>,
    tpu.vector_store %arg13[%swap3A_3533], %get3A_3532 {strides = array<i32>} : memref<64xi32, #tpu.memory_space<vmem>>, vector<16xi32>,
    %mul3A_3535 = arith.constant 64 : i32
    %mul3A_3536 = arith.muli %arg0, %mul3A_3535 : i32
    %add3A_3537 = arith.constant 48 : i32
    %add3A_3538 = arith.addi %mul3A_3536, %add3A_3537 : i32
    %get3A_3539 = arith.index_cast %add3A_3538 : i32 to index
    %get3A_3540 = tpu.vector_load %arg9[%get3A_3539] {strides = array<i32>} : memref<128xi32, #tpu.memory_space<vmem>>, vector<16xi32>,
    %swap3A_3541 = arith.constant 48 : index
    %swap3A_3542 = tpu.vector_load %arg13[%swap3A_3541] {strides = array<i32>} : memref<64xi32, #tpu.memory_space<vmem>>, vector<16xi32>,
    tpu.vector_store %arg13[%swap3A_3541], %get3A_3540 {strides = array<i32>} : memref<64xi32, #tpu.memory_space<vmem>>, vector<16xi32>,
    %mul3A_3543 = arith.constant 128 : i32
    %mul3A_3544 = arith.muli %arg1, %mul3A_3543 : i32
    %mul3A_3545 = arith.constant 64 : i32
    %mul3A_3546 = arith.muli %arg0, %mul3A_3545 : i32
    %add3A_3547 = arith.addi %mul3A_3544, %mul3A_3546 : i32
    "tpu.region"() ({
      %run_scoped3A = tpu.sem_alloc : memref<!tpu.dma_semaphore, #tpu.memory_space<semaphore_mem>>
      %dma_start3A_3564 = tpu.memref_slice %arg7[%add3A_3547] : memref<2048xi32, #tpu.memory_space<hbm>> -> memref<64xi32, #tpu.memory_space<hbm>>
      %dma_start3A_3565 = tpu.memref_slice %arg7[%add3A_3547] : memref<2048xi32, #tpu.memory_space<hbm>> -> memref<64xi32, #tpu.memory_space<hbm>>
      tpu.enqueue_dma source(%arg13 : memref<64xi32, #tpu.memory_space<vmem>>) target(%dma_start3A_3565 : memref<64xi32, #tpu.memory_space<hbm>>) target_semaphore(%run_scoped3A : memref<!tpu.dma_semaphore, #tpu.memory_space<semaphore_mem>>)
      %dma_wait3A_3566 = tpu.memref_slice %arg7[%add3A_3547] : memref<2048xi32, #tpu.memory_space<hbm>> -> memref<64xi32, #tpu.memory_space<hbm>>
      %dma_wait3A_3567 = tpu.memref_slice %arg7[%add3A_3547] : memref<2048xi32, #tpu.memory_space<hbm>> -> memref<64xi32, #tpu.memory_space<hbm>>
      tpu.wait_dma2 semaphore(%run_scoped3A : memref<!tpu.dma_semaphore, #tpu.memory_space<semaphore_mem>>) src(%arg13 : memref<64xi32, #tpu.memory_space<vmem>>) dst(%dma_wait3A_3567 : memref<64xi32, #tpu.memory_space<hbm>>)
      tpu.yield
    }) : () -> ()
    %mul3A_3548 = arith.constant 128 : i32
    %mul3A_3549 = arith.muli %arg1, %mul3A_3548 : i32
    %mul3A_3550 = arith.constant 64 : i32
    %mul3A_3551 = arith.muli %arg0, %mul3A_3550 : i32
    %add3A_3552 = arith.addi %mul3A_3549, %mul3A_3551 : i32
    "tpu.region"() ({
      %run_scoped3A = tpu.sem_alloc : memref<!tpu.dma_semaphore, #tpu.memory_space<semaphore_mem>>
      %dma_start3A_3564 = arith.constant 0 : i32
      %dma_start3A_3565 = tpu.memref_slice %arg4[%add3A_3552, %dma_start3A_3564] : memref<2048x768xf32, #tpu.memory_space<hbm>> -> memref<64x768xf32, #tpu.memory_space<hbm>>
      %dma_start3A_3566 = arith.constant 0 : i32
      %dma_start3A_3567 = tpu.memref_slice %arg4[%add3A_3552, %dma_start3A_3566] : memref<2048x768xf32, #tpu.memory_space<hbm>> -> memref<64x768xf32, #tpu.memory_space<hbm>>
      tpu.enqueue_dma source(%dma_start3A_3567 : memref<64x768xf32, #tpu.memory_space<hbm>>) target(%arg15 : memref<64x768xf32, #tpu.memory_space<vmem>>) target_semaphore(%run_scoped3A : memref<!tpu.dma_semaphore, #tpu.memory_space<semaphore_mem>>)
      %dma_wait3A_3568 = arith.constant 0 : i32
      %dma_wait3A_3569 = tpu.memref_slice %arg4[%add3A_3552, %dma_wait3A_3568] : memref<2048x768xf32, #tpu.memory_space<hbm>> -> memref<64x768xf32, #tpu.memory_space<hbm>>
      %dma_wait3A_3570 = arith.constant 0 : i32
      %dma_wait3A_3571 = tpu.memref_slice %arg4[%add3A_3552, %dma_wait3A_3570] : memref<2048x768xf32, #tpu.memory_space<hbm>> -> memref<64x768xf32, #tpu.memory_space<hbm>>
      tpu.wait_dma2 semaphore(%run_scoped3A : memref<!tpu.dma_semaphore, #tpu.memory_space<semaphore_mem>>) src(%dma_wait3A_3571 : memref<64x768xf32, #tpu.memory_space<hbm>>) dst(%arg15 : memref<64x768xf32, #tpu.memory_space<vmem>>)
      tpu.yield
    }) : () -> ()
    %dma_start3A = arith.constant 0 : i32
    %dma_start3A_3553 = arith.constant 0 : i32
    %dma_start3A_3554 = tpu.memref_slice %arg5[%dma_start3A, %dma_start3A_3553] : memref<2560x768xf32, #tpu.memory_space<hbm>> -> memref<2560x768xf32, #tpu.memory_space<hbm>>
    tpu.enqueue_indirect_dma source(%arg15 : memref<64x768xf32, #tpu.memory_space<vmem>>) target(%dma_start3A_3554 : memref<2560x768xf32, #tpu.memory_space<hbm>>) offsets(%arg13 : memref<64xi32, #tpu.memory_space<vmem>>) semaphore(%arg16 : memref<!tpu.dma_semaphore, #tpu.memory_space<semaphore_mem>>)
    %dma_wait3A = arith.constant 0 : i32
    %dma_wait3A_3555 = arith.constant 0 : i32
    %dma_wait3A_3556 = tpu.memref_slice %arg5[%dma_wait3A, %dma_wait3A_3555] : memref<2560x768xf32, #tpu.memory_space<hbm>> -> memref<2560x768xf32, #tpu.memory_space<hbm>>
    tpu.wait_indirect_dma semaphore(%arg16 : memref<!tpu.dma_semaphore, #tpu.memory_space<semaphore_mem>>) src(%arg15 : memref<64x768xf32, #tpu.memory_space<vmem>>) dst(%dma_wait3A_3556 : memref<2560x768xf32, #tpu.memory_space<hbm>>)
    %eq3A_3557 = arith.constant 0 : i32
    %eq3A_3558 = arith.cmpi eq, %arg0, %eq3A_3557 : i32
    %eq3A_3559 = arith.constant 0 : i32
    %eq3A_3560 = arith.cmpi eq, %arg1, %eq3A_3559 : i32
    %and3A_3561 = arith.andi %eq3A_3558, %eq3A_3560 : i1
    %convert_element_type3A_3562 = arith.extui %and3A_3561 : i1 to i32
    %cond3A = arith.constant 0 : i32
    %cond3A_3563 = arith.cmpi ne, %convert_element_type3A_3562, %cond3A : i32
    scf.if %cond3A_3563 {
      "tpu.region"() ({
        %run_scoped3A = tpu.sem_alloc : memref<!tpu.dma_semaphore, #tpu.memory_space<semaphore_mem>>
        tpu.enqueue_dma source(%arg14 : memref<80xi32, #tpu.memory_space<vmem>>) target(%arg6 : memref<80xi32, #tpu.memory_space<hbm>>) target_semaphore(%run_scoped3A : memref<!tpu.dma_semaphore, #tpu.memory_space<semaphore_mem>>)
        tpu.wait_dma2 semaphore(%run_scoped3A : memref<!tpu.dma_semaphore, #tpu.memory_space<semaphore_mem>>) src(%arg14 : memref<80xi32, #tpu.memory_space<vmem>>) dst(%arg6 : memref<80xi32, #tpu.memory_space<hbm>>)
        tpu.yield
      }) : () -> ()
    } else {
    }
    return
  }
}

#map = affine_map<(d0, d1) -> (0, 0)>
#map1 = affine_map<(d0, d1) -> (0)>
module attributes {stable_mosaic.version = 14 : i64} {
  func.func @_unsort_body(%arg0: i32, %arg1: i32, %arg2: memref<2560x768xf32, #tpu.memory_space<hbm>>, %arg3: memref<2048xi32, #tpu.memory_space<hbm>>, %arg4: memref<2048x768xf32, #tpu.memory_space<hbm>>, %arg5: memref<64xi32, #tpu.memory_space<vmem>>, %arg6: memref<64x768xf32, #tpu.memory_space<vmem>>, %arg7: memref<!tpu.dma_semaphore, #tpu.memory_space<semaphore_mem>>) attributes {dimension_semantics = [#tpu.dimension_semantics<core_parallel>, #tpu.dimension_semantics<subcore_parallel>], iteration_bounds = array<i64: 2, 16>, scalar_prefetch = 0 : i64, scratch_operands = 3 : i64, tpu.core_type = #tpu.core_type<sc_vector_subcore>, window_params = [{transform_indices = #map}, {transform_indices = #map1}, {transform_indices = #map}]} {
    %mul3A = arith.constant 2 : i32
    %mul3A_0 = arith.muli %arg1, %mul3A : i32
    %add3A = arith.addi %mul3A_0, %arg0 : i32
    %mul3A_1 = arith.constant 64 : i32
    %mul3A_2 = arith.muli %add3A, %mul3A_1 : i32
    "tpu.region"() ({
      %run_scoped3A = tpu.sem_alloc : memref<!tpu.dma_semaphore, #tpu.memory_space<semaphore_mem>>
      %dma_start3A_9 = tpu.memref_slice %arg3[%mul3A_2] : memref<2048xi32, #tpu.memory_space<hbm>> -> memref<64xi32, #tpu.memory_space<hbm>>
      %dma_start3A_10 = tpu.memref_slice %arg3[%mul3A_2] : memref<2048xi32, #tpu.memory_space<hbm>> -> memref<64xi32, #tpu.memory_space<hbm>>
      tpu.enqueue_dma source(%dma_start3A_10 : memref<64xi32, #tpu.memory_space<hbm>>) target(%arg5 : memref<64xi32, #tpu.memory_space<vmem>>) target_semaphore(%run_scoped3A : memref<!tpu.dma_semaphore, #tpu.memory_space<semaphore_mem>>)
      %dma_wait3A_11 = tpu.memref_slice %arg3[%mul3A_2] : memref<2048xi32, #tpu.memory_space<hbm>> -> memref<64xi32, #tpu.memory_space<hbm>>
      %dma_wait3A_12 = tpu.memref_slice %arg3[%mul3A_2] : memref<2048xi32, #tpu.memory_space<hbm>> -> memref<64xi32, #tpu.memory_space<hbm>>
      tpu.wait_dma2 semaphore(%run_scoped3A : memref<!tpu.dma_semaphore, #tpu.memory_space<semaphore_mem>>) src(%dma_wait3A_12 : memref<64xi32, #tpu.memory_space<hbm>>) dst(%arg5 : memref<64xi32, #tpu.memory_space<vmem>>)
      tpu.yield
    }) : () -> ()
    %dma_start3A = arith.constant 0 : i32
    %dma_start3A_3 = arith.constant 0 : i32
    %dma_start3A_4 = tpu.memref_slice %arg2[%dma_start3A, %dma_start3A_3] : memref<2560x768xf32, #tpu.memory_space<hbm>> -> memref<2560x768xf32, #tpu.memory_space<hbm>>
    tpu.enqueue_indirect_dma source(%dma_start3A_4 : memref<2560x768xf32, #tpu.memory_space<hbm>>) target(%arg6 : memref<64x768xf32, #tpu.memory_space<vmem>>) offsets(%arg5 : memref<64xi32, #tpu.memory_space<vmem>>) semaphore(%arg7 : memref<!tpu.dma_semaphore, #tpu.memory_space<semaphore_mem>>)
    %dma_wait3A = arith.constant 0 : i32
    %dma_wait3A_5 = arith.constant 0 : i32
    %dma_wait3A_6 = tpu.memref_slice %arg2[%dma_wait3A, %dma_wait3A_5] : memref<2560x768xf32, #tpu.memory_space<hbm>> -> memref<2560x768xf32, #tpu.memory_space<hbm>>
    tpu.wait_indirect_dma semaphore(%arg7 : memref<!tpu.dma_semaphore, #tpu.memory_space<semaphore_mem>>) src(%dma_wait3A_6 : memref<2560x768xf32, #tpu.memory_space<hbm>>) dst(%arg6 : memref<64x768xf32, #tpu.memory_space<vmem>>)
    %mul3A_7 = arith.constant 64 : i32
    %mul3A_8 = arith.muli %add3A, %mul3A_7 : i32
    "tpu.region"() ({
      %run_scoped3A = tpu.sem_alloc : memref<!tpu.dma_semaphore, #tpu.memory_space<semaphore_mem>>
      %dma_start3A_9 = arith.constant 0 : i32
      %dma_start3A_10 = tpu.memref_slice %arg4[%mul3A_8, %dma_start3A_9] : memref<2048x768xf32, #tpu.memory_space<hbm>> -> memref<64x768xf32, #tpu.memory_space<hbm>>
      %dma_start3A_11 = arith.constant 0 : i32
      %dma_start3A_12 = tpu.memref_slice %arg4[%mul3A_8, %dma_start3A_11] : memref<2048x768xf32, #tpu.memory_space<hbm>> -> memref<64x768xf32, #tpu.memory_space<hbm>>
      tpu.enqueue_dma source(%arg6 : memref<64x768xf32, #tpu.memory_space<vmem>>) target(%dma_start3A_12 : memref<64x768xf32, #tpu.memory_space<hbm>>) target_semaphore(%run_scoped3A : memref<!tpu.dma_semaphore, #tpu.memory_space<semaphore_mem>>)
      %dma_wait3A_13 = arith.constant 0 : i32
      %dma_wait3A_14 = tpu.memref_slice %arg4[%mul3A_8, %dma_wait3A_13] : memref<2048x768xf32, #tpu.memory_space<hbm>> -> memref<64x768xf32, #tpu.memory_space<hbm>>
      %dma_wait3A_15 = arith.constant 0 : i32
      %dma_wait3A_16 = tpu.memref_slice %arg4[%mul3A_8, %dma_wait3A_15] : memref<2048x768xf32, #tpu.memory_space<hbm>> -> memref<64x768xf32, #tpu.memory_space<hbm>>
      tpu.wait_dma2 semaphore(%run_scoped3A : memref<!tpu.dma_semaphore, #tpu.memory_space<semaphore_mem>>) src(%arg6 : memref<64x768xf32, #tpu.memory_space<vmem>>) dst(%dma_wait3A_16 : memref<64x768xf32, #tpu.memory_space<hbm>>)
      tpu.yield
    }) : () -> ()
    return
  }
}

module attributes {stable_mosaic.version = 14 : i64} {
  func.func @_ffn_body(%arg0: i32, %arg1: memref<80xi32, #tpu.memory_space<smem>>, %arg2: memref<2560x768xf32, #tpu.memory_space<vmem>>, %arg3: memref<2x1536x768xf32, #tpu.memory_space<vmem>>, %arg4: memref<2x768x1536xf32, #tpu.memory_space<vmem>>, %arg5: memref<2560x768xf32, #tpu.memory_space<vmem>>) attributes {dimension_semantics = [#tpu.dimension_semantics<arbitrary>], iteration_bounds = array<i64: 32>, scalar_prefetch = 1 : i64, scratch_operands = 0 : i64, tpu.core_type = #tpu.core_type<tc>, window_params = [{pipeline_mode = #tpu.pipeline_mode<synchronous>, transform_indices = @transform_0, window_bounds = array<i64: 2560, 768>}, {transform_indices = @transform_1, window_bounds = array<i64: 2, 1536, 768>}, {transform_indices = @transform_2, window_bounds = array<i64: 2, 768, 1536>}, {pipeline_mode = #tpu.pipeline_mode<synchronous>, transform_indices = @transform_3, window_bounds = array<i64: 2560, 768>}]} {
    %mul3A = arith.constant 2 : i32
    %mul3A_0 = arith.muli %arg0, %mul3A : i32
    %add3A = arith.constant 0 : i32
    %add3A_1 = arith.addi %mul3A_0, %add3A : i32
    %get3A = arith.index_cast %add3A_1 : i32 to index
    %get3A_2 = memref.load %arg1[%get3A] : memref<80xi32, #tpu.memory_space<smem>>
    %multiple_of3A = tpu.assume_multiple %get3A_2, 8 : i32
    %add3A_3 = arith.constant 1 : i32
    %add3A_4 = arith.addi %add3A_1, %add3A_3 : i32
    %get3A_5 = arith.index_cast %add3A_4 : i32 to index
    %get3A_6 = memref.load %arg1[%get3A_5] : memref<80xi32, #tpu.memory_space<smem>>
    %sub3A = arith.subi %get3A_6, %multiple_of3A : i32
    %add3A_7 = arith.constant 64 : i32
    %add3A_8 = arith.addi %sub3A, %add3A_7 : i32
    %sub3A_9 = arith.constant 1 : i32
    %sub3A_10 = arith.subi %add3A_8, %sub3A_9 : i32
    %jit3A = arith.constant 64 : i32
    %div3A = arith.divsi %sub3A_10, %jit3A : i32
    %sign3A = arith.constant 0 : i32
    %sign3A_11 = arith.cmpi sgt, %sub3A_10, %sign3A : i32
    %sign3A_12 = arith.extui %sign3A_11 : i1 to i32
    %sign3A_13 = arith.constant 0 : i32
    %sign3A_14 = arith.cmpi slt, %sub3A_10, %sign3A_13 : i32
    %sign3A_15 = arith.extui %sign3A_14 : i1 to i32
    %sign3A_16 = arith.subi %sign3A_12, %sign3A_15 : i32
    %sign3A_17 = arith.constant 0 : i32
    %sign3A_18 = arith.cmpi sgt, %jit3A, %sign3A_17 : i32
    %sign3A_19 = arith.extui %sign3A_18 : i1 to i32
    %sign3A_20 = arith.constant 0 : i32
    %sign3A_21 = arith.cmpi slt, %jit3A, %sign3A_20 : i32
    %sign3A_22 = arith.extui %sign3A_21 : i1 to i32
    %sign3A_23 = arith.subi %sign3A_19, %sign3A_22 : i32
    %ne3A = arith.cmpi ne, %sign3A_16, %sign3A_23 : i32
    %rem3A = arith.remsi %sub3A_10, %jit3A : i32
    %ne3A_24 = arith.constant 0 : i32
    %ne3A_25 = arith.cmpi ne, %rem3A, %ne3A_24 : i32
    %and3A = arith.andi %ne3A, %ne3A_25 : i1
    %sub3A_26 = arith.constant 1 : i32
    %sub3A_27 = arith.subi %div3A, %sub3A_26 : i32
    %select_n3A = arith.select %and3A, %sub3A_27, %div3A : i32
    %get3A_28 = arith.constant 0 : index
    %get3A_29 = arith.constant 0 : index
    %get3A_30 = arith.constant 0 : index
    %get3A_31 = vector.load %arg3[%get3A_28, %get3A_29, %get3A_30] : memref<2x1536x768xf32, #tpu.memory_space<vmem>>, vector<1x1536x768xf32>
    %get3A_32 = vector.shape_cast %get3A_31 : vector<1x1536x768xf32> to vector<1536x768xf32>
    %get3A_33 = arith.constant 0 : index
    %get3A_34 = arith.constant 0 : index
    %get3A_35 = arith.constant 0 : index
    %get3A_36 = vector.load %arg4[%get3A_33, %get3A_34, %get3A_35] : memref<2x768x1536xf32, #tpu.memory_space<vmem>>, vector<1x768x1536xf32>
    %get3A_37 = vector.shape_cast %get3A_36 : vector<1x768x1536xf32> to vector<768x1536xf32>
    %while3A = arith.constant 0 : i32
    %while3A_38 = arith.constant 0 : i32
    %while3A_39 = arith.subi %select_n3A, %while3A_38 : i32
    %while3A_40 = arith.addi %while3A_38, %while3A_39 : i32
    %while3A_41 = arith.constant 1 : i32
    %while3A_42 = arith.divsi %while3A_39, %while3A_41 : i32
    %while3A_43 = arith.muli %while3A_42, %while3A_41 : i32
    %while3A_44 = arith.addi %while3A_38, %while3A_43 : i32
    %while3A_45 = arith.constant 1 : i32
    scf.for %while3A_107 = %while3A_38 to %while3A_44 step %while3A_45  : i32 {
      %mul3A_108 = arith.constant 64 : i32
      %mul3A_109 = arith.muli %while3A_107, %mul3A_108 : i32
      %add3A_110 = arith.addi %multiple_of3A, %mul3A_109 : i32
      %multiple_of3A_111 = tpu.assume_multiple %add3A_110, 8 : i32
      %get3A_112 = arith.index_cast %multiple_of3A_111 : i32 to index
      %get3A_113 = arith.constant 0 : index
      %get3A_114 = vector.load %arg2[%get3A_112, %get3A_113] : memref<2560x768xf32, #tpu.memory_space<vmem>>, vector<64x768xf32>
      %dot_general3A = arith.constant dense<0.000000e+00> : vector<64x1536xf32>
      %dot_general3A_115 = tpu.matmul %get3A_114, %get3A_32, %dot_general3A {dimension_numbers = #tpu.dot_dimension_numbers<[1], [1], [0], [0], [0, 0, 1, 0], [], []>, transpose_lhs_hint = false} : vector<64x768xf32>, vector<1536x768xf32>, vector<64x1536xf32> -> vector<64x1536xf32>
      %logistic3A = arith.negf %dot_general3A_115 : vector<64x1536xf32>
      %logistic3A_116 = math.exp %logistic3A : vector<64x1536xf32>
      %logistic3A_117 = arith.constant 1.000000e+00 : f32
      %logistic3A_118 = vector.broadcast %logistic3A_117 : f32 to vector<64x1536xf32>
      %logistic3A_119 = arith.addf %logistic3A_118, %logistic3A_116 : vector<64x1536xf32>
      %logistic3A_120 = arith.divf %logistic3A_118, %logistic3A_119 : vector<64x1536xf32>
      %mul3A_121 = arith.mulf %dot_general3A_115, %logistic3A_120 : vector<64x1536xf32>
      %dot_general3A_122 = arith.constant dense<0.000000e+00> : vector<64x768xf32>
      %dot_general3A_123 = tpu.matmul %mul3A_121, %get3A_37, %dot_general3A_122 {dimension_numbers = #tpu.dot_dimension_numbers<[1], [1], [0], [0], [0, 0, 1, 0], [], []>, transpose_lhs_hint = false} : vector<64x1536xf32>, vector<768x1536xf32>, vector<64x768xf32> -> vector<64x768xf32>
      %swap3A = arith.index_cast %multiple_of3A_111 : i32 to index
      %swap3A_124 = arith.constant 0 : index
      %swap3A_125 = vector.load %arg5[%swap3A, %swap3A_124] : memref<2560x768xf32, #tpu.memory_space<vmem>>, vector<64x768xf32>
      tpu.vector_store %arg5[%swap3A, %swap3A_124], %dot_general3A_123 {strides = array<i32>} : memref<2560x768xf32, #tpu.memory_space<vmem>>, vector<64x768xf32>,
    }
    %while3A_46 = arith.constant 1 : i32
    scf.for %while3A_107 = %while3A_44 to %while3A_40 step %while3A_46  : i32 {
      %mul3A_108 = arith.constant 64 : i32
      %mul3A_109 = arith.muli %while3A_107, %mul3A_108 : i32
      %add3A_110 = arith.addi %multiple_of3A, %mul3A_109 : i32
      %multiple_of3A_111 = tpu.assume_multiple %add3A_110, 8 : i32
      %get3A_112 = arith.index_cast %multiple_of3A_111 : i32 to index
      %get3A_113 = arith.constant 0 : index
      %get3A_114 = vector.load %arg2[%get3A_112, %get3A_113] : memref<2560x768xf32, #tpu.memory_space<vmem>>, vector<64x768xf32>
      %dot_general3A = arith.constant dense<0.000000e+00> : vector<64x1536xf32>
      %dot_general3A_115 = tpu.matmul %get3A_114, %get3A_32, %dot_general3A {dimension_numbers = #tpu.dot_dimension_numbers<[1], [1], [0], [0], [0, 0, 1, 0], [], []>, transpose_lhs_hint = false} : vector<64x768xf32>, vector<1536x768xf32>, vector<64x1536xf32> -> vector<64x1536xf32>
      %logistic3A = arith.negf %dot_general3A_115 : vector<64x1536xf32>
      %logistic3A_116 = math.exp %logistic3A : vector<64x1536xf32>
      %logistic3A_117 = arith.constant 1.000000e+00 : f32
      %logistic3A_118 = vector.broadcast %logistic3A_117 : f32 to vector<64x1536xf32>
      %logistic3A_119 = arith.addf %logistic3A_118, %logistic3A_116 : vector<64x1536xf32>
      %logistic3A_120 = arith.divf %logistic3A_118, %logistic3A_119 : vector<64x1536xf32>
      %mul3A_121 = arith.mulf %dot_general3A_115, %logistic3A_120 : vector<64x1536xf32>
      %dot_general3A_122 = arith.constant dense<0.000000e+00> : vector<64x768xf32>
      %dot_general3A_123 = tpu.matmul %mul3A_121, %get3A_37, %dot_general3A_122 {dimension_numbers = #tpu.dot_dimension_numbers<[1], [1], [0], [0], [0, 0, 1, 0], [], []>, transpose_lhs_hint = false} : vector<64x1536xf32>, vector<768x1536xf32>, vector<64x768xf32> -> vector<64x768xf32>
      %swap3A = arith.index_cast %multiple_of3A_111 : i32 to index
      %swap3A_124 = arith.constant 0 : index
      %swap3A_125 = vector.load %arg5[%swap3A, %swap3A_124] : memref<2560x768xf32, #tpu.memory_space<vmem>>, vector<64x768xf32>
      tpu.vector_store %arg5[%swap3A, %swap3A_124], %dot_general3A_123 {strides = array<i32>} : memref<2560x768xf32, #tpu.memory_space<vmem>>, vector<64x768xf32>,
    }
    %mul3A_47 = arith.constant 2 : i32
    %mul3A_48 = arith.muli %arg0, %mul3A_47 : i32
    %add3A_49 = arith.constant 1 : i32
    %add3A_50 = arith.addi %mul3A_48, %add3A_49 : i32
    %get3A_51 = arith.index_cast %add3A_50 : i32 to index
    %get3A_52 = memref.load %arg1[%get3A_51] : memref<80xi32, #tpu.memory_space<smem>>
    %multiple_of3A_53 = tpu.assume_multiple %get3A_52, 8 : i32
    %add3A_54 = arith.constant 1 : i32
    %add3A_55 = arith.addi %add3A_50, %add3A_54 : i32
    %get3A_56 = arith.index_cast %add3A_55 : i32 to index
    %get3A_57 = memref.load %arg1[%get3A_56] : memref<80xi32, #tpu.memory_space<smem>>
    %sub3A_58 = arith.subi %get3A_57, %multiple_of3A_53 : i32
    %add3A_59 = arith.constant 64 : i32
    %add3A_60 = arith.addi %sub3A_58, %add3A_59 : i32
    %sub3A_61 = arith.constant 1 : i32
    %sub3A_62 = arith.subi %add3A_60, %sub3A_61 : i32
    %jit3A_63 = arith.constant 64 : i32
    %div3A_64 = arith.divsi %sub3A_62, %jit3A_63 : i32
    %sign3A_65 = arith.constant 0 : i32
    %sign3A_66 = arith.cmpi sgt, %sub3A_62, %sign3A_65 : i32
    %sign3A_67 = arith.extui %sign3A_66 : i1 to i32
    %sign3A_68 = arith.constant 0 : i32
    %sign3A_69 = arith.cmpi slt, %sub3A_62, %sign3A_68 : i32
    %sign3A_70 = arith.extui %sign3A_69 : i1 to i32
    %sign3A_71 = arith.subi %sign3A_67, %sign3A_70 : i32
    %sign3A_72 = arith.constant 0 : i32
    %sign3A_73 = arith.cmpi sgt, %jit3A_63, %sign3A_72 : i32
    %sign3A_74 = arith.extui %sign3A_73 : i1 to i32
    %sign3A_75 = arith.constant 0 : i32
    %sign3A_76 = arith.cmpi slt, %jit3A_63, %sign3A_75 : i32
    %sign3A_77 = arith.extui %sign3A_76 : i1 to i32
    %sign3A_78 = arith.subi %sign3A_74, %sign3A_77 : i32
    %ne3A_79 = arith.cmpi ne, %sign3A_71, %sign3A_78 : i32
    %rem3A_80 = arith.remsi %sub3A_62, %jit3A_63 : i32
    %ne3A_81 = arith.constant 0 : i32
    %ne3A_82 = arith.cmpi ne, %rem3A_80, %ne3A_81 : i32
    %and3A_83 = arith.andi %ne3A_79, %ne3A_82 : i1
    %sub3A_84 = arith.constant 1 : i32
    %sub3A_85 = arith.subi %div3A_64, %sub3A_84 : i32
    %select_n3A_86 = arith.select %and3A_83, %sub3A_85, %div3A_64 : i32
    %get3A_87 = arith.constant 1 : index
    %get3A_88 = arith.constant 0 : index
    %get3A_89 = arith.constant 0 : index
    %get3A_90 = vector.load %arg3[%get3A_87, %get3A_88, %get3A_89] : memref<2x1536x768xf32, #tpu.memory_space<vmem>>, vector<1x1536x768xf32>
    %get3A_91 = vector.shape_cast %get3A_90 : vector<1x1536x768xf32> to vector<1536x768xf32>
    %get3A_92 = arith.constant 1 : index
    %get3A_93 = arith.constant 0 : index
    %get3A_94 = arith.constant 0 : index
    %get3A_95 = vector.load %arg4[%get3A_92, %get3A_93, %get3A_94] : memref<2x768x1536xf32, #tpu.memory_space<vmem>>, vector<1x768x1536xf32>
    %get3A_96 = vector.shape_cast %get3A_95 : vector<1x768x1536xf32> to vector<768x1536xf32>
    %while3A_97 = arith.constant 0 : i32
    %while3A_98 = arith.constant 0 : i32
    %while3A_99 = arith.subi %select_n3A_86, %while3A_98 : i32
    %while3A_100 = arith.addi %while3A_98, %while3A_99 : i32
    %while3A_101 = arith.constant 1 : i32
    %while3A_102 = arith.divsi %while3A_99, %while3A_101 : i32
    %while3A_103 = arith.muli %while3A_102, %while3A_101 : i32
    %while3A_104 = arith.addi %while3A_98, %while3A_103 : i32
    %while3A_105 = arith.constant 1 : i32
    scf.for %while3A_107 = %while3A_98 to %while3A_104 step %while3A_105  : i32 {
      %mul3A_108 = arith.constant 64 : i32
      %mul3A_109 = arith.muli %while3A_107, %mul3A_108 : i32
      %add3A_110 = arith.addi %multiple_of3A_53, %mul3A_109 : i32
      %multiple_of3A_111 = tpu.assume_multiple %add3A_110, 8 : i32
      %get3A_112 = arith.index_cast %multiple_of3A_111 : i32 to index
      %get3A_113 = arith.constant 0 : index
      %get3A_114 = vector.load %arg2[%get3A_112, %get3A_113] : memref<2560x768xf32, #tpu.memory_space<vmem>>, vector<64x768xf32>
      %dot_general3A = arith.constant dense<0.000000e+00> : vector<64x1536xf32>
      %dot_general3A_115 = tpu.matmul %get3A_114, %get3A_91, %dot_general3A {dimension_numbers = #tpu.dot_dimension_numbers<[1], [1], [0], [0], [0, 0, 1, 0], [], []>, transpose_lhs_hint = false} : vector<64x768xf32>, vector<1536x768xf32>, vector<64x1536xf32> -> vector<64x1536xf32>
      %logistic3A = arith.negf %dot_general3A_115 : vector<64x1536xf32>
      %logistic3A_116 = math.exp %logistic3A : vector<64x1536xf32>
      %logistic3A_117 = arith.constant 1.000000e+00 : f32
      %logistic3A_118 = vector.broadcast %logistic3A_117 : f32 to vector<64x1536xf32>
      %logistic3A_119 = arith.addf %logistic3A_118, %logistic3A_116 : vector<64x1536xf32>
      %logistic3A_120 = arith.divf %logistic3A_118, %logistic3A_119 : vector<64x1536xf32>
      %mul3A_121 = arith.mulf %dot_general3A_115, %logistic3A_120 : vector<64x1536xf32>
      %dot_general3A_122 = arith.constant dense<0.000000e+00> : vector<64x768xf32>
      %dot_general3A_123 = tpu.matmul %mul3A_121, %get3A_96, %dot_general3A_122 {dimension_numbers = #tpu.dot_dimension_numbers<[1], [1], [0], [0], [0, 0, 1, 0], [], []>, transpose_lhs_hint = false} : vector<64x1536xf32>, vector<768x1536xf32>, vector<64x768xf32> -> vector<64x768xf32>
      %swap3A = arith.index_cast %multiple_of3A_111 : i32 to index
      %swap3A_124 = arith.constant 0 : index
      %swap3A_125 = vector.load %arg5[%swap3A, %swap3A_124] : memref<2560x768xf32, #tpu.memory_space<vmem>>, vector<64x768xf32>
      tpu.vector_store %arg5[%swap3A, %swap3A_124], %dot_general3A_123 {strides = array<i32>} : memref<2560x768xf32, #tpu.memory_space<vmem>>, vector<64x768xf32>,
    }
    %while3A_106 = arith.constant 1 : i32
    scf.for %while3A_107 = %while3A_104 to %while3A_100 step %while3A_106  : i32 {
      %mul3A_108 = arith.constant 64 : i32
      %mul3A_109 = arith.muli %while3A_107, %mul3A_108 : i32
      %add3A_110 = arith.addi %multiple_of3A_53, %mul3A_109 : i32
      %multiple_of3A_111 = tpu.assume_multiple %add3A_110, 8 : i32
      %get3A_112 = arith.index_cast %multiple_of3A_111 : i32 to index
      %get3A_113 = arith.constant 0 : index
      %get3A_114 = vector.load %arg2[%get3A_112, %get3A_113] : memref<2560x768xf32, #tpu.memory_space<vmem>>, vector<64x768xf32>
      %dot_general3A = arith.constant dense<0.000000e+00> : vector<64x1536xf32>
      %dot_general3A_115 = tpu.matmul %get3A_114, %get3A_91, %dot_general3A {dimension_numbers = #tpu.dot_dimension_numbers<[1], [1], [0], [0], [0, 0, 1, 0], [], []>, transpose_lhs_hint = false} : vector<64x768xf32>, vector<1536x768xf32>, vector<64x1536xf32> -> vector<64x1536xf32>
      %logistic3A = arith.negf %dot_general3A_115 : vector<64x1536xf32>
      %logistic3A_116 = math.exp %logistic3A : vector<64x1536xf32>
      %logistic3A_117 = arith.constant 1.000000e+00 : f32
      %logistic3A_118 = vector.broadcast %logistic3A_117 : f32 to vector<64x1536xf32>
      %logistic3A_119 = arith.addf %logistic3A_118, %logistic3A_116 : vector<64x1536xf32>
      %logistic3A_120 = arith.divf %logistic3A_118, %logistic3A_119 : vector<64x1536xf32>
      %mul3A_121 = arith.mulf %dot_general3A_115, %logistic3A_120 : vector<64x1536xf32>
      %dot_general3A_122 = arith.constant dense<0.000000e+00> : vector<64x768xf32>
      %dot_general3A_123 = tpu.matmul %mul3A_121, %get3A_96, %dot_general3A_122 {dimension_numbers = #tpu.dot_dimension_numbers<[1], [1], [0], [0], [0, 0, 1, 0], [], []>, transpose_lhs_hint = false} : vector<64x1536xf32>, vector<768x1536xf32>, vector<64x768xf32> -> vector<64x768xf32>
      %swap3A = arith.index_cast %multiple_of3A_111 : i32 to index
      %swap3A_124 = arith.constant 0 : index
      %swap3A_125 = vector.load %arg5[%swap3A, %swap3A_124] : memref<2560x768xf32, #tpu.memory_space<vmem>>, vector<64x768xf32>
      tpu.vector_store %arg5[%swap3A, %swap3A_124], %dot_general3A_123 {strides = array<i32>} : memref<2560x768xf32, #tpu.memory_space<vmem>>, vector<64x768xf32>,
    }
    return
  }
  func.func @transform_0(%arg0: i32, %arg1: memref<80xi32, #tpu.memory_space<smem>>) -> (i32, i32) {
    %c0_i32 = arith.constant 0 : i32
    %c0_i32_0 = arith.constant 0 : i32
    %c0_i32_1 = arith.constant 0 : i32
    return %c0_i32, %c0_i32_0 : i32, i32
  }
  func.func @transform_1(%arg0: i32, %arg1: memref<80xi32, #tpu.memory_space<smem>>) -> (i32, i32, i32) {
    %c0_i32 = arith.constant 0 : i32
    %c0_i32_0 = arith.constant 0 : i32
    %c0_i32_1 = arith.constant 0 : i32
    return %arg0, %c0_i32, %c0_i32_0 : i32, i32, i32
  }
  func.func @transform_2(%arg0: i32, %arg1: memref<80xi32, #tpu.memory_space<smem>>) -> (i32, i32, i32) {
    %c0_i32 = arith.constant 0 : i32
    %c0_i32_0 = arith.constant 0 : i32
    %c0_i32_1 = arith.constant 0 : i32
    return %arg0, %c0_i32, %c0_i32_0 : i32, i32, i32
  }
  func.func @transform_3(%arg0: i32, %arg1: memref<80xi32, #tpu.memory_space<smem>>) -> (i32, i32) {
    %c0_i32 = arith.constant 0 : i32
    %c0_i32_0 = arith.constant 0 : i32
    %c0_i32_1 = arith.constant 0 : i32
    return %c0_i32, %c0_i32_0 : i32, i32
  }
}

module attributes {stable_mosaic.version = 14 : i64} {
  func.func @_router_body(%arg0: i32, %arg1: memref<256x768xf32, #tpu.memory_space<vmem>>, %arg2: memref<64x768xf32, #tpu.memory_space<vmem>>, %arg3: memref<2048xi32, #tpu.memory_space<vmem>>, %arg4: memref<1x1xf32, #tpu.memory_space<smem>>, %arg5: memref<1x2x64xi32, #tpu.memory_space<vmem>>, %arg6: memref<1x64xf32, #tpu.memory_space<vmem>>, %arg7: memref<1x64xf32, #tpu.memory_space<vmem>>) attributes {dimension_semantics = [#tpu.dimension_semantics<arbitrary>], iteration_bounds = array<i64: 8>, scalar_prefetch = 0 : i64, scratch_operands = 2 : i64, tpu.core_type = #tpu.core_type<tc>, window_params = [{transform_indices = @transform_0, window_bounds = array<i64: 256, 768>}, {pipeline_mode = #tpu.pipeline_mode<synchronous>, transform_indices = @transform_1, window_bounds = array<i64: 64, 768>}, {pipeline_mode = #tpu.pipeline_mode<synchronous>, transform_indices = @transform_2, window_bounds = array<i64: 2048>}, {transform_indices = @transform_3, window_bounds = array<i64: 1, 1>}, {transform_indices = @transform_4, window_bounds = array<i64: 1, 2, 64>}]} {
    %get3A = arith.constant 0 : index
    %get3A_0 = arith.constant 0 : index
    %get3A_1 = vector.load %arg1[%get3A, %get3A_0] : memref<256x768xf32, #tpu.memory_space<vmem>>, vector<256x768xf32>
    %get3A_2 = arith.constant 0 : index
    %get3A_3 = arith.constant 0 : index
    %get3A_4 = vector.load %arg2[%get3A_2, %get3A_3] : memref<64x768xf32, #tpu.memory_space<vmem>>, vector<64x768xf32>
    %dot_general3A = arith.constant dense<0.000000e+00> : vector<256x64xf32>
    %dot_general3A_5 = tpu.matmul %get3A_1, %get3A_4, %dot_general3A {dimension_numbers = #tpu.dot_dimension_numbers<[1], [1], [0], [0], [0, 0, 1, 0], [], []>, transpose_lhs_hint = false} : vector<256x768xf32>, vector<64x768xf32>, vector<256x64xf32> -> vector<256x64xf32>
    %reduce_max3A = arith.constant dense<0xFF800000> : vector<256xf32>
    %reduce_max3A_6 = vector.multi_reduction <maximumf>, %dot_general3A_5, %reduce_max3A [1] : vector<256x64xf32> to vector<256xf32>
    %broadcast_in_dim3A = vector.shape_cast %reduce_max3A_6 : vector<256xf32> to vector<256x1xf32>
    %iota3A = tpu.iota {dimensions = array<i32: 1>} : vector<256x64xi32>
    %eq3A = vector.broadcast %broadcast_in_dim3A : vector<256x1xf32> to vector<256x64xf32>
    %eq3A_7 = arith.cmpf oeq, %dot_general3A_5, %eq3A : vector<256x64xf32>
    %jit3A = arith.constant 64 : i32
    %broadcast_in_dim3A_8 = vector.broadcast %jit3A : i32 to vector<256x64xi32>
    %select_n3A = arith.select %eq3A_7, %iota3A, %broadcast_in_dim3A_8 : vector<256x64xi1>, vector<256x64xi32>
    %reduce_min3A = arith.constant dense<2147483647> : vector<256xi32>
    %reduce_min3A_9 = vector.multi_reduction <minsi>, %select_n3A, %reduce_min3A [1] : vector<256x64xi32> to vector<256xi32>
    %sub3A = vector.broadcast %broadcast_in_dim3A : vector<256x1xf32> to vector<256x64xf32>
    %sub3A_10 = arith.subf %dot_general3A_5, %sub3A : vector<256x64xf32>
    %exp3A = math.exp %sub3A_10 : vector<256x64xf32>
    %reduce_sum3A = arith.constant dense<0.000000e+00> : vector<256xf32>
    %reduce_sum3A_11 = vector.multi_reduction <add>, %exp3A, %reduce_sum3A [1] : vector<256x64xf32> to vector<256xf32>
    %broadcast_in_dim3A_12 = vector.shape_cast %reduce_sum3A_11 : vector<256xf32> to vector<256x1xf32>
    %div3A = vector.broadcast %broadcast_in_dim3A_12 : vector<256x1xf32> to vector<256x64xf32>
    %div3A_13 = arith.divf %exp3A, %div3A : vector<256x64xf32>
    %broadcast_in_dim3A_14 = vector.shape_cast %reduce_min3A_9 : vector<256xi32> to vector<256x1xi32>
    %eq3A_15 = vector.broadcast %broadcast_in_dim3A_14 : vector<256x1xi32> to vector<256x64xi32>
    %eq3A_16 = arith.cmpi eq, %iota3A, %eq3A_15 : vector<256x64xi32>
    %convert_element_type3A = arith.extui %eq3A_16 : vector<256x64xi1> to vector<256x64xi32>
    %convert_element_type3A_17 = arith.sitofp %convert_element_type3A : vector<256x64xi32> to vector<256x64xf32>
    %mul3A = arith.constant 256 : i32
    %mul3A_18 = arith.muli %arg0, %mul3A : i32
    %swap3A = arith.index_cast %mul3A_18 : i32 to index
    %swap3A_19 = vector.load %arg3[%swap3A] : memref<2048xi32, #tpu.memory_space<vmem>>, vector<256xi32>
    tpu.vector_store %arg3[%swap3A], %reduce_min3A_9 {strides = array<i32>} : memref<2048xi32, #tpu.memory_space<vmem>>, vector<256xi32>,
    %slice3A = vector.extract_strided_slice %convert_element_type3A_17 {offsets = [0, 0], sizes = [128, 64], strides = [1, 1]} : vector<256x64xf32> to vector<128x64xf32>
    %reduce_sum3A_20 = arith.constant dense<0.000000e+00> : vector<64xf32>
    %reduce_sum3A_21 = vector.multi_reduction <add>, %slice3A, %reduce_sum3A_20 [0] : vector<128x64xf32> to vector<64xf32>
    %slice3A_22 = vector.extract_strided_slice %convert_element_type3A_17 {offsets = [128, 0], sizes = [128, 64], strides = [1, 1]} : vector<256x64xf32> to vector<128x64xf32>
    %reduce_sum3A_23 = arith.constant dense<0.000000e+00> : vector<64xf32>
    %reduce_sum3A_24 = vector.multi_reduction <add>, %slice3A_22, %reduce_sum3A_23 [0] : vector<128x64xf32> to vector<64xf32>
    %stack3A = vector.shape_cast %reduce_sum3A_21 : vector<64xf32> to vector<1x64xf32>
    %stack3A_25 = vector.shape_cast %reduce_sum3A_24 : vector<64xf32> to vector<1x64xf32>
    %stack3A_26 = tpu.concatenate %stack3A, %stack3A_25 in 0 : vector<1x64xf32>, vector<1x64xf32> -> vector<2x64xf32>
    %convert_element_type3A_27 = arith.fptosi %stack3A_26 : vector<2x64xf32> to vector<2x64xi32>
    %reshape3A = vector.shape_cast %convert_element_type3A_27 : vector<2x64xi32> to vector<1x2x64xi32>
    %swap3A_28 = arith.constant 0 : index
    %swap3A_29 = arith.constant 0 : index
    %swap3A_30 = arith.constant 0 : index
    %swap3A_31 = vector.load %arg5[%swap3A_28, %swap3A_29, %swap3A_30] : memref<1x2x64xi32, #tpu.memory_space<vmem>>, vector<1x2x64xi32>
    tpu.vector_store %arg5[%swap3A_28, %swap3A_29, %swap3A_30], %reshape3A {strides = array<i32>} : memref<1x2x64xi32, #tpu.memory_space<vmem>>, vector<1x2x64xi32>,
    %eq3A_32 = arith.constant 0 : i32
    %eq3A_33 = arith.cmpi eq, %arg0, %eq3A_32 : i32
    %convert_element_type3A_34 = arith.extui %eq3A_33 : i1 to i32
    %cond3A = arith.constant 0 : i32
    %cond3A_35 = arith.cmpi ne, %convert_element_type3A_34, %cond3A : i32
    scf.if %cond3A_35 {
      %broadcast_in_dim3A_60 = arith.constant 0.000000e+00 : f32
      %broadcast_in_dim3A_61 = vector.broadcast %broadcast_in_dim3A_60 : f32 to vector<1x64xf32>
      %swap3A_62 = arith.constant 0 : index
      %swap3A_63 = arith.constant 0 : index
      %swap3A_64 = vector.load %arg6[%swap3A_62, %swap3A_63] : memref<1x64xf32, #tpu.memory_space<vmem>>, vector<1x64xf32>
      tpu.vector_store %arg6[%swap3A_62, %swap3A_63], %broadcast_in_dim3A_61 {strides = array<i32>} : memref<1x64xf32, #tpu.memory_space<vmem>>, vector<1x64xf32>,
      %broadcast_in_dim3A_65 = arith.constant 0.000000e+00 : f32
      %broadcast_in_dim3A_66 = vector.broadcast %broadcast_in_dim3A_65 : f32 to vector<1x64xf32>
      %swap3A_67 = arith.constant 0 : index
      %swap3A_68 = arith.constant 0 : index
      %swap3A_69 = vector.load %arg7[%swap3A_67, %swap3A_68] : memref<1x64xf32, #tpu.memory_space<vmem>>, vector<1x64xf32>
      tpu.vector_store %arg7[%swap3A_67, %swap3A_68], %broadcast_in_dim3A_66 {strides = array<i32>} : memref<1x64xf32, #tpu.memory_space<vmem>>, vector<1x64xf32>,
    } else {
    }
    %get3A_36 = arith.constant 0 : index
    %get3A_37 = arith.constant 0 : index
    %get3A_38 = vector.load %arg6[%get3A_36, %get3A_37] : memref<1x64xf32, #tpu.memory_space<vmem>>, vector<1x64xf32>
    %reduce_sum3A_39 = arith.constant dense<0.000000e+00> : vector<64xf32>
    %reduce_sum3A_40 = vector.multi_reduction <add>, %convert_element_type3A_17, %reduce_sum3A_39 [0] : vector<256x64xf32> to vector<64xf32>
    %reshape3A_41 = vector.shape_cast %reduce_sum3A_40 : vector<64xf32> to vector<1x64xf32>
    %add3A = arith.addf %get3A_38, %reshape3A_41 : vector<1x64xf32>
    %swap3A_42 = arith.constant 0 : index
    %swap3A_43 = arith.constant 0 : index
    %swap3A_44 = vector.load %arg6[%swap3A_42, %swap3A_43] : memref<1x64xf32, #tpu.memory_space<vmem>>, vector<1x64xf32>
    tpu.vector_store %arg6[%swap3A_42, %swap3A_43], %add3A {strides = array<i32>} : memref<1x64xf32, #tpu.memory_space<vmem>>, vector<1x64xf32>,
    %get3A_45 = arith.constant 0 : index
    %get3A_46 = arith.constant 0 : index
    %get3A_47 = vector.load %arg7[%get3A_45, %get3A_46] : memref<1x64xf32, #tpu.memory_space<vmem>>, vector<1x64xf32>
    %reduce_sum3A_48 = arith.constant dense<0.000000e+00> : vector<64xf32>
    %reduce_sum3A_49 = vector.multi_reduction <add>, %div3A_13, %reduce_sum3A_48 [0] : vector<256x64xf32> to vector<64xf32>
    %reshape3A_50 = vector.shape_cast %reduce_sum3A_49 : vector<64xf32> to vector<1x64xf32>
    %add3A_51 = arith.addf %get3A_47, %reshape3A_50 : vector<1x64xf32>
    %swap3A_52 = arith.constant 0 : index
    %swap3A_53 = arith.constant 0 : index
    %swap3A_54 = vector.load %arg7[%swap3A_52, %swap3A_53] : memref<1x64xf32, #tpu.memory_space<vmem>>, vector<1x64xf32>
    tpu.vector_store %arg7[%swap3A_52, %swap3A_53], %add3A_51 {strides = array<i32>} : memref<1x64xf32, #tpu.memory_space<vmem>>, vector<1x64xf32>,
    %eq3A_55 = arith.constant 7 : i32
    %eq3A_56 = arith.cmpi eq, %arg0, %eq3A_55 : i32
    %convert_element_type3A_57 = arith.extui %eq3A_56 : i1 to i32
    %cond3A_58 = arith.constant 0 : i32
    %cond3A_59 = arith.cmpi ne, %convert_element_type3A_57, %cond3A_58 : i32
    scf.if %cond3A_59 {
      %get3A_60 = arith.constant 0 : index
      %get3A_61 = arith.constant 0 : index
      %get3A_62 = vector.load %arg6[%get3A_60, %get3A_61] : memref<1x64xf32, #tpu.memory_space<vmem>>, vector<1x64xf32>
      %get3A_63 = arith.constant 0 : index
      %get3A_64 = arith.constant 0 : index
      %get3A_65 = vector.load %arg7[%get3A_63, %get3A_64] : memref<1x64xf32, #tpu.memory_space<vmem>>, vector<1x64xf32>
      %mul3A_66 = arith.mulf %get3A_62, %get3A_65 : vector<1x64xf32>
      %reduce_sum3A_67 = vector.shape_cast %mul3A_66 : vector<1x64xf32> to vector<1x1x64xf32>
      %reduce_sum3A_68 = arith.constant dense<0.000000e+00> : vector<1xf32>
      %reduce_sum3A_69 = vector.multi_reduction <add>, %reduce_sum3A_67, %reduce_sum3A_68 [1, 2] : vector<1x1x64xf32> to vector<1xf32>
      %reduce_sum3A_70 = vector.shape_cast %reduce_sum3A_69 : vector<1xf32> to vector<1x1x1xf32>
      %reduce_sum3A_71 = vector.extract %reduce_sum3A_70[0, 0, 0] : f32 from vector<1x1x1xf32>
      %mul3A_72 = arith.constant 1.52587891E-5 : f32
      %mul3A_73 = arith.mulf %reduce_sum3A_71, %mul3A_72 : f32
      %swap3A_74 = arith.constant 0 : index
      %swap3A_75 = arith.constant 0 : index
      %swap3A_76 = memref.load %arg4[%swap3A_74, %swap3A_75] : memref<1x1xf32, #tpu.memory_space<smem>>
      memref.store %mul3A_73, %arg4[%swap3A_74, %swap3A_75] : memref<1x1xf32, #tpu.memory_space<smem>>
    } else {
    }
    return
  }
  func.func @transform_0(%arg0: i32) -> (i32, i32) {
    %c0_i32 = arith.constant 0 : i32
    %c0_i32_0 = arith.constant 0 : i32
    return %arg0, %c0_i32 : i32, i32
  }
  func.func @transform_1(%arg0: i32) -> (i32, i32) {
    %c0_i32 = arith.constant 0 : i32
    %c0_i32_0 = arith.constant 0 : i32
    %c0_i32_1 = arith.constant 0 : i32
    return %c0_i32, %c0_i32_0 : i32, i32
  }
  func.func @transform_2(%arg0: i32) -> i32 {
    %c0_i32 = arith.constant 0 : i32
    %c0_i32_0 = arith.constant 0 : i32
    return %c0_i32 : i32
  }
  func.func @transform_3(%arg0: i32) -> (i32, i32) {
    %c0_i32 = arith.constant 0 : i32
    %c0_i32_0 = arith.constant 0 : i32
    %c0_i32_1 = arith.constant 0 : i32
    return %c0_i32, %c0_i32_0 : i32, i32
  }
  func.func @transform_4(%arg0: i32) -> (i32, i32, i32) {
    %c0_i32 = arith.constant 0 : i32
    %c0_i32_0 = arith.constant 0 : i32
    %c0_i32_1 = arith.constant 0 : i32
    return %arg0, %c0_i32, %c0_i32_0 : i32, i32, i32
  }
}

</mosaic_0001>

<sc_bundles>
// kernel: kernel.6.cloned.1.call-start
scs
__scs_entry_jumppad:
0x0: {  	(pc) =	sbr.rel $0x88, $3  }
0x1: {  	(tag) =	ssettag $0x0;
	lr =	simm.s32 $0x1  }
0x2: {  	[smem:$0x3F9D] =	sst lr;
	_ =	strace $0xD0000000  }
0x3: {  	_ = 	snop  }
0x4: {  	_ = 	snop  }
0x5: {  	_ = 	snop  }
0x6: {  	_ = 	snop  }
0x7: {  	_ = 	snop  }
__scs_overlays_trampoline_lowered:
0x8: {  	[smem:$0x3FAC] =	sst s0  }
0x9: {  	[smem:$0x3FAD] =	sst s1  }
0xa: {  	[smem:$0x3FAE] =	sst s2  }
0xb: {  	[smem:$0x3FAF] =	sst s3  }
0xc: {  	[smem:$0x3FB0] =	sst s4  }
0xd: {  	[smem:$0x3FB1] =	sst s5  }
0xe: {  	[smem:$0x3FB2] =	sst s6  }
0xf: {  	[smem:$0x3FB3] =	sst s7  }
0x10: {  	[smem:$0x3FB4] =	sst s8  }
0x11: {  	[smem:$0x3FB5] =	sst s9;
	s0 =	simm.s32 @!p0 $0x0  }
0x12: {  	s1 =	sld [smem:$0x3F9B];
	s0 =	simm.s32 @p0 $0x1  }
0x13: {  	[smem:$0x3FB6] =	sst s0;
	s0 =	simm.s32 @!p1 $0x0  }
0x14: {  	s2 =	sld [smem:$0x3F9A];
	s0 =	simm.s32 @p1 $0x1  }
0x15: {  	[smem:$0x3FB7] =	sst s0;
	s0 =	simm.s32 @!p2 $0x0  }
0x16: {  	s3 =	sld [smem:$0x3FDB];
	s0 =	simm.s32 @p2 $0x1  }
0x17: {  	s4 =	simm.s32 $0x1BF5;
	[smem:$0x3FB9] =	sst s0  }
0x18: {  	s0 =	sld [smem:$0x3F9C];
	_ =	swait.ge [sflag:s4], $0x0  }
0x19: {  	s7 =	sld [smem:$0x3F9D]  }
0x1a: {  	s8 =	sadd.s32 $0xFFFFE003, lr  }
0x1b: {  	s9 =	sadd.s32 $0xFFFFFEF7, lr;
	s5 =	simm.s32 $0xFFFFFFFF;
	p2 =	slt.u32 s8, $0xFFFFF086  }
0x1c: {  	p1 =	slt.u32 s9, $0xF7A;
	s5 =	simm.s32 @!p2 $0x0  }
0x1d: {  	s5 =	simm.s32 @p1 $0x1;
	p0 =	seq.s32 s7, s2  }
0x1e: {  	s7 =	smul.u32 @!p0 $0xF7A, s2;
	p2 =	seq.s32 @!p0 s5, $0x0  }
0x1f: {  	s9 =	smul.u32 $0xF7A, s1;
	s8 =	simm.s32 @!p0 $0x1BF5;
	p2 =	por !p2, p0  }
0x20: {  	[sflag:s8] =	ssyncset.s32 @!p0 $0xFFFFF086;
	s6 =	sadd.s32 @!p0 s3, s7;
	s7 =	simm.s32 @!p0 $0x108  }
0x21: {  	s3 =	sadd.s32 s3, s9;
	s6 =	sadd.s32 @!p0 $0x88, s6;
	s7 =	simm.s32 @p2 $0x1082  }
0x22: {  	[simem:s7], [sflag:s8] =	dma.local @!p0 [hbm:s6], $0xF7A  }
0x23: {  	s9 =	sor.u32 $0xD0000000, s2;
	s6 =	simm.s32 $0x108;
	_ =	swait.ge @!p0 [sflag:s8], $0x0  }
0x24: {  	s3 =	sadd.s32 $0x88, s3;
	s6 =	simm.s32 @!p1 $0x1082;
	[sflag:s4] =	ssyncset.s32 $0xFFFFF086  }
0x25: {  	[simem:s6], [sflag:s4] =	dma.local [hbm:s3], $0xF7A  }
0x26: {  	[smem:$0x3F9D] =	sst s1;
	(tag) =	ssettag s2;
	_ =	strace s9  }
0x27: {  	s1 =	sld [smem:$0x3FAD]  }
0x28: {  	s2 =	sld [smem:$0x3FAE]  }
0x29: {  	s4 =	sld [smem:$0x3FB0]  }
0x2a: {  	p0 =	seq.s32 s5, $0x0;
	s5 =	sld [smem:$0x3FB1]  }
0x2b: {  	s6 =	sld [smem:$0x3FB2]  }
0x2c: {  	s7 =	sld [smem:$0x3FB3]  }
0x2d: {  	s3 =	simm.s32 $0x108;
	s8 =	sld [smem:$0x3FB4]  }
0x2e: {  	s3 =	simm.s32 @!p0 $0x1082;
	s9 =	sld [smem:$0x3FB5]  }
0x2f: {  	lr =	sadd.s32 s0, s3;
	s0 =	sld [smem:$0x3FAC]  }
0x30: {  	s3 =	sld [smem:$0x3FAF]  }
0x31: {  	[smem:$0x3FB8] =	sst s10  }
0x32: {  	s10 =	sld [smem:$0x3FB6];
	_ =	sdelay $0x3  }
0x33: {  	p0 =	seq.s32 s10, $0x1;
	s10 =	sld [smem:$0x3FB8];
	_ =	sdelay $0x3  }
0x34: {  	[smem:$0x3FB8] =	sst s10  }
0x35: {  	s10 =	sld [smem:$0x3FB7];
	_ =	sdelay $0x3  }
0x36: {  	p1 =	seq.s32 s10, $0x1;
	s10 =	sld [smem:$0x3FB8];
	_ =	sdelay $0x3  }
0x37: {  	[smem:$0x3FB8] =	sst s10  }
0x38: {  	s10 =	sld [smem:$0x3FB9]  }
0x39: {  	_ = 	snop;
	(pc) =	sbr.ind lr, $3  }
0x3a: {  	_ = 	snop  }
0x3b: {  	_ = 	snop  }
0x3c: {  	p2 =	seq.s32 s10, $0x1;
	s10 =	sld [smem:$0x3FB8]  }
0x3d: {  	_ =	shalt  }
0x3e: {  	_ =	shalt  }
0x3f: {  	_ =	shalt  }
0x40: {  	_ =	shalt  }
0x41: {  	_ =	shalt  }
0x42: {  	_ =	shalt  }
0x43: {  	_ =	shalt  }
0x44: {  	_ =	shalt  }
0x45: {  	_ =	shalt  }
0x46: {  	_ =	shalt  }
0x47: {  	_ =	shalt  }
0x48: {  	_ =	shalt  }
0x49: {  	_ =	shalt  }
0x4a: {  	_ =	shalt  }
0x4b: {  	_ =	shalt  }
0x4c: {  	_ =	shalt  }
0x4d: {  	_ =	shalt  }
0x4e: {  	_ =	shalt  }
0x4f: {  	_ =	shalt  }
0x50: {  	_ =	shalt  }
0x51: {  	_ =	shalt  }
0x52: {  	_ =	shalt  }
0x53: {  	_ =	shalt  }
0x54: {  	_ =	shalt  }
0x55: {  	_ =	shalt  }
0x56: {  	_ =	shalt  }
0x57: {  	_ =	shalt  }
0x58: {  	_ =	shalt  }
0x59: {  	_ =	shalt  }
0x5a: {  	_ =	shalt  }
0x5b: {  	_ =	shalt  }
0x5c: {  	_ =	shalt  }
0x5d: {  	_ =	shalt  }
0x5e: {  	_ =	shalt  }
0x5f: {  	_ =	shalt  }
0x60: {  	_ =	shalt  }
0x61: {  	_ =	shalt  }
0x62: {  	_ =	shalt  }
0x63: {  	_ =	shalt  }
0x64: {  	_ =	shalt  }
0x65: {  	_ =	shalt  }
0x66: {  	_ =	shalt  }
0x67: {  	_ =	shalt  }
0x68: {  	_ =	shalt  }
0x69: {  	_ =	shalt  }
0x6a: {  	_ =	shalt  }
0x6b: {  	_ =	shalt  }
0x6c: {  	_ =	shalt  }
0x6d: {  	_ =	shalt  }
0x6e: {  	_ =	shalt  }
0x6f: {  	_ =	shalt  }
0x70: {  	_ =	shalt  }
0x71: {  	_ =	shalt  }
0x72: {  	_ =	shalt  }
0x73: {  	_ =	shalt  }
0x74: {  	_ =	shalt  }
0x75: {  	_ =	shalt  }
0x76: {  	_ =	shalt  }
0x77: {  	_ =	shalt  }
0x78: {  	_ =	shalt  }
0x79: {  	_ =	shalt  }
0x7a: {  	_ =	shalt  }
0x7b: {  	_ =	shalt  }
0x7c: {  	_ =	shalt  }
0x7d: {  	_ =	shalt  }
0x7e: {  	_ =	shalt  }
0x7f: {  	_ =	shalt  }
0x80: {  	_ =	shalt  }
0x81: {  	_ =	shalt  }
0x82: {  	_ =	shalt  }
0x83: {  	_ =	shalt  }
0x84: {  	_ =	shalt  }
0x85: {  	_ =	shalt  }
0x86: {  	_ =	shalt  }
0x87: {  	_ =	shalt  }
.Lfunc_end0:
.L_simem_size_0:
called_computation_lowered:
.L_overlay_start_0:
0x88: {  	s2 =	sld [smem:$0x3FD9]  }
0x89: {  	s3 =	sld [smem:$0x3FFE];
	_ =	sdelay $0x1  }
0x8a: {  	s1 =	srdreg.scid  }
0x8b: {  	s0 =	sand.u32 $0x1, s1  }
0x8c: {  	s14 =	sshll.u32 s0, $0xA;
	s2 =	sadd.s32 s3, s2  }
0x8d: {  	s2 =	sadd.s32 s2, s14  }
0x8e: {  	[smem:$0x3FC4] =	sst s2  }
0x8f: {  	_ = 	snop  }
0x90: {  	s2 =	sld [smem:$0x3FD0];
	_ =	sdelay $0x2  }
0x91: {  	s4 =	simm.s32 $0xA;
	s5 =	simm.s32 $0x10;
	s15 =	sld [smem:$0x3FC9]  }
0x92: {  	[smem:s5], [sflag:s4] =	dma.local [hbm:s2], $0x1  }
0x93: {  	_ =	swait.eq [sflag:s4], $0x1  }
0x94: {  	[sflag:s4] =	ssyncset.done $0x0  }
0x95: {  	[sflag:s4] =	ssyncadd.s32 $0xFFFFFFFF  }
0x96: {  	s16 =	sld [smem:$0x10];
	(tm) =	ssettm $0x1  }
0x97: {  	s17 =	sld [smem:$0x3FFB];
	_ =	sdelay $0x3  }
0x98: {  	_ =	strace s17  }
0x99: {  	s4 =	sld [smem:$0x3FFC];
	_ =	sdelay $0x3  }
0x9a: {  	_ =	strace s4  }
0x9b: {  	s4 =	sld [smem:$0x3FFD];
	_ =	sdelay $0x3  }
0x9c: {  	_ =	strace s4  }
0x9d: {  	_ =	strace $0x8FFFFFFF  }
0x9e: {  	s18 =	sld [smem:$0x3FDB];
	_ =	sdelay $0x1  }
0x9f: {  	s19 =	simm.s32 $_scs_section_size  }
0xa0: {  	s6 =	simm.s32 $_size__tile_overlayer_lowered;
	s7 =	simm.s32 $_tile_overlayer_lowered  }
0xa1: {  	s22 =	simm.s32 $0x1BFF;
	s21 =	sshll.u32 s7, $0x1;
	s4 =	sadd.s32 s19, s18  }
0xa2: {  	s8 =	simm.s32 $0x0;
	s20 =	sshll.u32 s6, $0x1;
	s6 =	sadd.s32 s21, s4  }
0xa3: {  	[timem:s8], [sflag:s22] =	dma.local [hbm:s6], s20  }
0xa4: {  	_ =	swait.ge [sflag:s22], s20  }
0xa5: {  	s5 =	ssub.s32 $0x0, s20;
	[sflag:s22] =	ssyncset.done $0x0  }
0xa6: {  	[sflag:s22] =	ssyncadd.s32 s5;
	_ =	sdelay $0x1  }
0xa7: {  	s23 =	simm.s32 $0x1B8B  }
0xa8: {  	_ =	swait.ge [sflag:s23], $0x1  }
0xa9: {  	[sflag:s23] =	ssyncset.done $0x0  }
0xaa: {  	s25 =	simm.s32 $0x1B8E;
	s24 =	sld [smem:$0x3FFE];
	[sflag:s23] =	ssyncadd.s32 $0xFFFFFFFF  }
0xab: {  	s26 =	simm.s32 $execute0_lowered;
	[smem:$0x3FD2] =	sst s25  }
0xac: {  	s6 =	sshll.u32 s26, $0x1;
	_ =	strace $0x80000046;
	[dreg:$0x1] =	wrdreg $0xFFFFFFFF  }
0xad: {  	s28 =	simm.s32 $_size_execute0_lowered;
	s4 =	sadd.s32 s4, s6;
	[dreg:$0x0] =	wrdreg $0x0  }
0xae: {  	s6 =	sshll.u32 s28, $0x1;
	[dreg:$0x2] =	wrdreg s4  }
0xaf: {  	[dreg:$0x3] =	wrdreg s6  }
0xb0: {  	[dreg:$0x4] =	wrdreg $0xC0  }
0xb1: {  	_ =	task [dreg:s8], $0x5FFFF  }
0xb2: {  	[dreg:$0x1] =	wrdreg $0xFFFFFFFF  }
0xb3: {  	[dreg:$0x0] =	wrdreg $0x60  }
0xb4: {  	[dreg:$0x2] =	wrdreg s16  }
0xb5: {  	[dreg:$0x3] =	wrdreg s24  }
0xb6: {  	[dreg:$0x4] =	wrdreg s15  }
0xb7: {  	[dreg:$0x5] =	wrdreg $0x9  }
0xb8: {  	_ =	task.clear_ibuf [dreg:s8], $0x6FFFF;
	_ =	strace $0x90000046  }
0xb9: {  	s29 =	simm.s32 $0x9;
	_ =	strace $0x80000048  }
0xba: {  	_ =	swait.ge [sflag:s29], $0x1  }
0xbb: {  	[sflag:s29] =	ssyncadd.s32 $0xFFFFFFFF  }
0xbc: {  	_ =	strace $0x90000048  }
0xbd: {  	_ =	sfence  }
0xbe: {  	s30 =	sld [smem:$0x0];
	_ =	sdelay $0x2  }
0xbf: {  	s31 =	sshll.u32 s1, $0xD;
	s1 =	sshrl.u32 s1, $0x2  }
0xc0: {  	s3 =	sand.u32 $0x4000, s31;
	s1 =	sadd.s32 s1, s30  }
0xc1: {  	s0 =	sor.u32 s3, s0;
	s1 =	sshll.u32 s1, $0x11  }
0xc2: {  	s0 =	sor.u32 s1, s0  }
0xc3: {  	s0 =	sadd.s32 $0x8F2B, s0  }
0xc4: {  	[sflag:s0] =	ssyncadd.remote.s32 $0x1  }
0xc5: {  	_ =	sfence.sel $0xFFFF  }
0xc6: {  	[dreg:$0x0] =	wrdreg $0xFFFFFFFF;
	(pc) =	sbr.abs _section_cstart, $3  }
0xc7: {  	[dreg:$0x1] =	wrdreg $0xFFFFFFFF  }
0xc8: {  	_ =	task.clear_ibuf [dreg:s8], $0x2FFFF;
	_ =	strace $0x9FFFFFFF  }
0xc9: {  	(tm) =	ssettm $0x7FFFFFFF  }
tec
execute0_lowered:
.L_overlay_start_1:
0x0: {  	(tag) =	ssettag $0x1  }
0x1: {  	v0 =	vimm.s32 $0x0  }
0x2: {  	v1 =	vimm.s32 $0x0;
	v2 =	vimm.s32 $0x0;
	v3 =	vimm.s32 $0x0  }
0x3: {  	v4 =	vimm.s32 $0x0;
	v5 =	vimm.s32 $0x0;
	v6 =	vimm.s32 $0x0  }
0x4: {  	v7 =	vimm.s32 $0x0;
	v8 =	vimm.s32 $0x0;
	v9 =	vimm.s32 $0x0  }
0x5: {  	s4 =	rddreg [dreg:$0x0];
	s1 =	stileid.u32;
	v10 =	vimm.s32 $0x0;
	v12 =	vlaneseq.u32;
	v13 =	vimm.s32 $0x0  }
0x6: {  	s6 =	rddreg [dreg:$0x1];
	v14 =	vimm.s32 $0x7;
	v15 =	vimm.s32 $0x8;
	v11 =	vmov s1  }
0x7: {  	s5 =	rddreg [dreg:$0x2];
	s2 =	simm.s32 $0x0;
	v16 =	vimm.s32 $0xE;
	v20 =	vimm.s32 $0x0;
	vm0 =	veq.s32 v11, $0xF  }
0x8: {  	[smem:$0x7FF] =	sst s2;
	vm11 =	vgt.u32 v11, $0xD;
	vm12 =	vgt.u32 v11, $0xC;
	v0 =	vsel vm0, $0xFFFFFFFF, v0  }
0x9: {  	s0 =	rddreg [dreg:$0x3];
	_ =	strace $0x80000047;
	vm13 =	vgt.u32 v11, $0xB;
	vm14 =	vgt.u32 v11, $0xA;
	v1 =	vsel vm11, $0xFFFFFFFF, v1;
	[tilespmem:$0x1FE20] =	vst v0  }
0xa: {  	v2 =	vsel vm12, $0xFFFFFFFF, v2;
	v4 =	vsel vm14, $0xFFFFFFFF, v4;
	vm14 =	vmmov $0x7;
	[tilespmem:$0x1FE30] =	vst v1  }
0xb: {  	vm15 =	vgt.u32 v11, $0x9;
	v3 =	vsel vm13, $0xFFFFFFFF, v3;
	[tilespmem:$0x1FE40] =	vst v2;
	v20 =	vsel vm14, $0xFFFFFFFF, v20  }
0xc: {  	s8 =	sadd.s32 $0x1600, s6;
	v5 =	vsel vm15, $0xFFFFFFFF, v5;
	vm15 =	vmmov $0xf;
	[tilespmem:$0x1FF20] =	vst v20;
	v20 =	vimm.s32 $0x0  }
0xd: {  	s10 =	sadd.s32 $0x3D800, s6;
	v18 =	vshrl.u32 v12, $0x3;
	[dreg:$0x4] =	wrdreg s8;
	vm4 =	vgt.u32 v11, $0x8;
	[tilespmem:$0x1FE50] =	vst v3;
	v20 =	vsel vm15, $0xFFFFFFFF, v20  }
0xe: {  	s15 =	simm.s32 $0x180;
	[dreg:$0x5] =	wrdreg s10;
	v6 =	vsel vm4, $0xFFFFFFFF, v6;
	vm4 =	vmmov $0x1f;
	[tilespmem:$0x1FF30] =	vst v20;
	v20 =	vimm.s32 $0x0  }
0xf: {  	s16 =	simm.s32 $0xA00;
	[dreg:$0x9] =	wrdreg s15;
	vm5 =	vgt.u32 v11, $0x7;
	[tilespmem:$0x1FE80] =	vst v6;
	v6 =	vimm.s32 $0x0;
	v20 =	vsel vm4, $0xFFFFFFFF, v20  }
0x10: {  	s17 =	simm.s32 $0x1300;
	[dreg:$0xa] =	wrdreg s16;
	v6 =	vsel vm5, $0xFFFFFFFF, v6;
	vm5 =	vmmov $0x3f;
	[tilespmem:$0x1FF40] =	vst v20;
	v20 =	vimm.s32 $0x0  }
0x11: {  	s18 =	simm.s32 $0x1B00;
	[dreg:$0xb] =	wrdreg s17;
	vm6 =	vgt.u32 v11, $0x6;
	[tilespmem:$0x1FE90] =	vst v6;
	v6 =	vimm.s32 $0x0;
	v20 =	vsel vm5, $0xFFFFFFFF, v20  }
0x12: {  	s20 =	simm.s32 $0x2300;
	[dreg:$0xc] =	wrdreg s18;
	v6 =	vsel vm6, $0xFFFFFFFF, v6;
	vm6 =	vmmov $0x7f;
	[tilespmem:$0x1FF50] =	vst v20;
	v20 =	vimm.s32 $0x0  }
0x13: {  	s22 =	simm.s32 $0x2B00;
	v17 =	vand.u32 $0x7, v12;
	[dreg:$0xd] =	wrdreg s20;
	vm7 =	vgt.u32 v11, $0x5;
	[tilespmem:$0x1FE60] =	vst v4;
	v20 =	vsel vm6, $0xFFFFFFFF, v20  }
0x14: {  	s3 =	srdreg.scid;
	s23 =	simm.s32 $0x3300;
	[dreg:$0xe] =	wrdreg s22;
	v7 =	vsel vm7, $0xFFFFFFFF, v7;
	vm7 =	vmmov $0xff;
	[tilespmem:$0x1FF60] =	vst v20;
	v20 =	vimm.s32 $0x0  }
0x15: {  	s24 =	simm.s32 $0x3B00;
	s25 =	simm.s32 $0x4300;
	v19 =	vor.u32 $0x8, v12;
	vm8 =	vgt.u32 v11, $0x4;
	[dreg:$0xf] =	wrdreg s23;
	[tilespmem:$0x1FE70] =	vst v5;
	v20 =	vsel vm7, $0xFFFFFFFF, v20  }
0x16: {  	s28 =	simm.s32 $0x4B00;
	s29 =	simm.s32 $0x5300;
	[dreg:$0x10] =	wrdreg s24;
	v8 =	vsel vm8, $0xFFFFFFFF, v8;
	vm8 =	vmmov $0x1ff;
	[tilespmem:$0x1FF70] =	vst v20;
	v20 =	vimm.s32 $0x0  }
0x17: {  	s30 =	simm.s32 $0x5B00;
	s31 =	simm.s32 $0x6300;
	vm9 =	vgt.u32 v11, $0x3;
	vm10 =	vgt.u32 v11, $0x2;
	[dreg:$0x11] =	wrdreg s25;
	[tilespmem:$0x1FEB0] =	vst v7;
	v20 =	vsel vm8, $0xFFFFFFFF, v20  }
0x18: {  	s7 =	sand.u32 $0x1, s3;
	s9 =	sshll.u32 s1, $0x7;
	[dreg:$0x12] =	wrdreg s28;
	v9 =	vsel vm9, $0xFFFFFFFF, v9;
	vm9 =	vmmov $0x3ff;
	[tilespmem:$0x1FF80] =	vst v20;
	v20 =	vimm.s32 $0x0  }
0x19: {  	s12 =	sshll.u32 s1, $0x4;
	s3 =	sshll.u32 s7, $0x6;
	[dreg:$0x13] =	wrdreg s29;
	v18 =	vmul.u32 $0x8, v18;
	[tilespmem:$0x1FED0] =	vst v9;
	v9 =	vimm.s32 $0x0;
	v20 =	vsel vm9, $0xFFFFFFFF, v20  }
0x1a: {  	s4 =	sadd.s32 s4, s12;
	s19 =	ssub.s32 $0x2, s7;
	[dreg:$0x14] =	wrdreg s30;
	v9 =	vsel vm10, $0xFFFFFFFF, v9;
	vm10 =	vmmov $0x7ff;
	[tilespmem:$0x1FF90] =	vst v20;
	v20 =	vimm.s32 $0x0  }
0x1b: {  	s26 =	sor.u32 s1, s7;
	[dreg:$0x15] =	wrdreg s31;
	s12 =	simm.s32 $0x6B00;
	vm11 =	vgt.u32 v11, $0x1;
	vm12 =	veq.s32 v11, $0x0;
	[tilespmem:$0x1FEC0] =	vst v8;
	v20 =	vsel vm10, $0xFFFFFFFF, v20  }
0x1c: {  	s15 =	simm.s32 $0x8B00;
	s16 =	simm.s32 $0x9300;
	s17 =	simm.s32 $0x9B00;
	v10 =	vsel vm11, $0xFFFFFFFF, v10;
	vm11 =	vmmov $0xfff;
	[tilespmem:$0x1FFA0] =	vst v20;
	v20 =	vimm.s32 $0x0  }
0x1d: {  	s18 =	simm.s32 $0xA300;
	s20 =	simm.s32 $0xB300;
	s22 =	simm.s32 $0xC300;
	v11 =	vimm.s32 $0x0;
	vm13 =	vmmov $0x3;
	[tilespmem:$0x1FEF0] =	vst v10;
	v20 =	vsel vm11, $0xFFFFFFFF, v20  }
0x1e: {  	s23 =	simm.s32 $0x1;
	s9 =	sor.u32 s3, s9;
	[dreg:$0x6] =	wrdreg s4;
	v11 =	vsel vm12, $0xFFFFFFFF, v11;
	vm12 =	vmmov $0x1fff;
	[tilespmem:$0x1FFB0] =	vst v20;
	v20 =	vimm.s32 $0x0  }
0x1f: {  	s4 =	sadd.s32 $0x1800, s6;
	s21 =	sshrl.u32 s19, $0x1;
	p0 =	sne.s32 s26, $0x0;
	v0 =	vimm.s32 $0xF;
	v1 =	vimm.s32 $0xD;
	[tilespmem:$0x1FF00] =	vst v11;
	v20 =	vsel vm12, $0xFFFFFFFF, v20  }
0x20: {  	[dreg:$0x16] =	wrdreg s12;
	s12 =	simm.s32 $0x7300;
	s11 =	sshrl.u32 s9, $0x3;
	v13 =	vsel vm13, $0xFFFFFFFF, v13;
	vm13 =	vmmov $0x3fff;
	[tilespmem:$0x1FFC0] =	vst v20;
	v20 =	vimm.s32 $0x0  }
0x21: {  	v2 =	vimm.s32 $0xC;
	v3 =	vimm.s32 $0xB;
	s9 =	simm.s32 $0x100;
	s10 =	sadd.s32 s11, s6;
	s8 =	smul.u32 $0x300, s11;
	[tilespmem:$0x1FF10] =	vst v13;
	v20 =	vsel vm13, $0xFFFFFFFF, v20  }
0x22: {  	v4 =	vimm.s32 $0xA;
	vm14 =	vmmov $0x7fff;
	s11 =	simm.s32 $0xB00;
	s13 =	sadd.s32 $0x3DA00, s10;
	s10 =	simm.s32 $0x980;
	[tilespmem:$0x1FFD0] =	vst v20;
	v20 =	vimm.s32 $0x0  }
0x23: {  	v5 =	vimm.s32 $0x9;
	v7 =	vimm.s32 $0x5;
	[tilespmem:$0x1FEE0] =	vst v9;
	[dreg:$0x7] =	wrdreg s13;
	s14 =	sadd.s32 s5, s8;
	s8 =	ssub.s32 s19, s21;
	v20 =	vsel vm14, $0xFFFFFFFF, v20  }
0x24: {  	v8 =	vimm.s32 $0x4;
	vm15 =	vmmov $0xffff;
	s5 =	sadd.s32 $0x1900, s6;
	s6 =	sadd.s32 $0x1A00, s6;
	s13 =	simm.s32 $0x7B00;
	[tilespmem:$0x1FFE0] =	vst v20;
	v20 =	vimm.s32 $0x0  }
0x25: {  	v10 =	vimm.s32 $0x1;
	v11 =	vimm.s32 $0x0;
	s19 =	simm.s32 $0xAB00;
	s21 =	simm.s32 $0xBB00;
	[dreg:$0x8] =	wrdreg s14;
	[tilespmem:$0x1FEA0] =	vst v6;
	v20 =	vsel vm15, $0xFFFFFFFF, v20  }
0x26: {  	v13 =	vimm.s32 $0x3;
	v9 =	vimm.s32 $0x2;
	v6 =	vimm.s32 $0x6;
	s7 =	smax.u32 s8, $0x1;
	s8 =	simm.s32 $0x2;
	s14 =	simm.s32 $0x8300;
	[tilespmem:$0x1FFF0] =	vst v20  }
.LBB2_1:
0x27: {  	s24 =	rddreg [dreg:$0x6]  }
0x28: {  	[tilespmem:s2], [sflag:$0x2] =	stream.linear.gather [hbm4b:s24+s2], $0x80, $0x38;
	[tilespmem:$0xCB00] =	vst v63  }
0x29: {  	_ =	swait.ge [sflag:s8], $0x80  }
0x2a: {  	s26 =	rddreg [dreg:$0x4];
	[sflag:s8] =	ssyncset.done $0x0  }
0x2b: {  	s25 =	rddreg [dreg:$0x9];
	[sflag:s8] =	ssyncadd.s32 $0xFFFFFF80  }
0x2c: {  	[tilespmem:s25], [sflag:$0x2] =	stream.linear.gather [hbm4b:s26+s2], $0x800, $0x38;
	[tilespmem:$0xCB00] =	vst v63  }
0x2d: {  	_ =	swait.ge [sflag:s8], $0x800  }
0x2e: {  	[sflag:s8] =	ssyncset.done $0x0  }
0x2f: {  	[sflag:s8] =	ssyncadd.s32 $0xFFFFF800  }
0x30: {  	v20 =	vld [tilespmem:$0x0];
	_ =	sdelay $0x4  }
0x31: {  	v21 =	vperm.xlane v20, v11;
	v22 =	vperm.xlane v20, v10  }
0x32: {  	v26 =	vld [tilespmem:$0x1FF20];
	v58 =	vperm.xlane v20, v9;
	v59 =	vperm.xlane v20, v13  }
0x33: {  	v42 =	vld [tilespmem:$0x1FF80];
	v61 =	vperm.xlane v20, v8;
	v28 =	vperm.xlane v20, v7  }
0x34: {  	v31 =	vperm.xlane v20, v6;
	v34 =	vperm.xlane v20, v14  }
0x35: {  	v37 =	vperm.xlane v20, v15;
	v40 =	vperm.xlane v20, v5  }
0x36: {  	vm0 =	veq.s32 v12, $0x0;
	v43 =	vperm.xlane v20, v4;
	v46 =	vperm.xlane v20, v3  }
0x37: {  	v25 =	vld [tilespmem:$0x1FF10];
	vm1 =	vnez.u8 v26;
	v49 =	vperm.xlane v20, v2;
	v54 =	vperm.xlane v20, v1  }
0x38: {  	v30 =	vld [tilespmem:$0x1FF40];
	vm2 =	vnez.u8 v42;
	v56 =	vperm.xlane v20, v16;
	v57 =	vperm.xlane v20, v0  }
0x39: {  	v33 =	vld [tilespmem:$0x1FF50];
	vm14 =	veq.s32 v20, v21;
	vm15 =	veq.s32 v20, v22;
	vm3 =	veq.s32 v20, v58  }
0x3a: {  	v36 =	vld [tilespmem:$0x1FF60];
	vm4 =	veq.s32 v20, v59;
	vm5 =	veq.s32 v20, v61;
	vm6 =	veq.s32 v20, v28  }
0x3b: {  	v39 =	vld [tilespmem:$0x1FF70];
	vm7 =	veq.s32 v20, v31;
	vm8 =	veq.s32 v20, v34;
	vm9 =	veq.s32 v20, v37  }
0x3c: {  	v45 =	vld [tilespmem:$0x1FF90];
	vm10 =	veq.s32 v20, v40;
	vm11 =	veq.s32 v20, v43;
	v21 =	vsel vm14, $0x1, v11  }
0x3d: {  	v48 =	vld [tilespmem:$0x1FFA0];
	v24 =	vsel vm15, $0x1, v11;
	vm14 =	vnez.u8 v25;
	v60 =	vsel vm3, $0x1, v11  }
0x3e: {  	v62 =	vsel vm4, $0x1, v11;
	v29 =	vsel vm5, $0x1, v11;
	vm3 =	vnez.u8 v30  }
0x3f: {  	v63 =	vld [tilespmem:$0x1FF30];
	v32 =	vsel vm6, $0x1, v11;
	vm5 =	vnez.u8 v33;
	v35 =	vsel vm7, $0x1, v11  }
0x40: {  	v51 =	vld [tilespmem:$0x1FFB0];
	vm4 =	vnez.u8 v36;
	v38 =	vsel vm8, $0x1, v11;
	vm6 =	vnez.u8 v39  }
0x41: {  	v55 =	vld [tilespmem:$0x1FFC0];
	v41 =	vsel vm9, $0x1, v11;
	v44 =	vsel vm10, $0x1, v11;
	vm8 =	vnez.u8 v45  }
0x42: {  	v47 =	vsel vm11, $0x1, v11;
	vm9 =	vnez.u8 v48;
	vm7 =	veq.s32 v20, v46  }
0x43: {  	vm10 =	veq.s32 v20, v49;
	vm11 =	veq.s32 v20, v54;
	vm15 =	veq.s32 v20, v57  }
0x44: {  	v23 =	vsel vm0, $0x0, v21;
	v25 =	vsel vm14, $0x0, v24;
	v26 =	vsel vm1, $0x0, v60  }
0x45: {  	v21 =	vadd.s32 v21, v24;
	vm0 =	vnez.u8 v63;
	v50 =	vsel vm7, $0x1, v11  }
0x46: {  	vm7 =	vnez.u8 v51;
	v53 =	vsel vm10, $0x1, v11;
	vm10 =	vnez.u8 v55  }
0x47: {  	v58 =	vsel vm11, $0x1, v11;
	vm11 =	veq.s32 v20, v56;
	v61 =	vsel vm15, $0x1, v11  }
0x48: {  	v23 =	vadd.s32 v23, v25;
	v21 =	vadd.s32 v60, v21;
	v25 =	vsel vm7, $0x0, v50  }
0x49: {  	v24 =	vsel vm10, $0x0, v53;
	v59 =	vsel vm11, $0x1, v11;
	v21 =	vadd.s32 v62, v21  }
0x4a: {  	v23 =	vadd.s32 v26, v23;
	v26 =	vsel vm0, $0x0, v62;
	v21 =	vadd.s32 v29, v21  }
0x4b: {  	v23 =	vadd.s32 v26, v23;
	v26 =	vsel vm3, $0x0, v29;
	v21 =	vadd.s32 v32, v21  }
0x4c: {  	v23 =	vadd.s32 v26, v23;
	v26 =	vsel vm5, $0x0, v32;
	v21 =	vadd.s32 v35, v21  }
0x4d: {  	v60 =	vld [tilespmem:$0x1FFD0];
	v23 =	vadd.s32 v26, v23;
	v26 =	vsel vm4, $0x0, v35;
	v21 =	vadd.s32 v38, v21  }
0x4e: {  	v62 =	vld [tilespmem:$0x1FFE0];
	v23 =	vadd.s32 v26, v23;
	v26 =	vsel vm6, $0x0, v38;
	v21 =	vadd.s32 v41, v21  }
0x4f: {  	v23 =	vadd.s32 v26, v23;
	v26 =	vsel vm2, $0x0, v41;
	v21 =	vadd.s32 v44, v21  }
0x50: {  	v23 =	vadd.s32 v26, v23;
	v26 =	vsel vm8, $0x0, v44;
	v21 =	vadd.s32 v47, v21  }
0x51: {  	v23 =	vadd.s32 v26, v23;
	v26 =	vsel vm9, $0x0, v47;
	v21 =	vadd.s32 v50, v21  }
0x52: {  	[tilespmem:$0x100] =	vst v11;
	vm11 =	vnez.u8 v60;
	v23 =	vadd.s32 v26, v23;
	v21 =	vadd.s32 v53, v21  }
0x53: {  	[tilespmem:$0x110] =	vst v11;
	vm13 =	vnez.u8 v62;
	v52 =	vadd.s32 v25, v23;
	v21 =	vadd.s32 v58, v21  }
0x54: {  	[tilespmem:$0x120] =	vst v11;
	v23 =	vsel vm11, $0x0, v58;
	v22 =	vadd.s32 v24, v52;
	v21 =	vadd.s32 v59, v21  }
0x55: {  	[tilespmem:$0x130] =	vst v11;
	v22 =	vadd.s32 v23, v22;
	v23 =	vsel vm13, $0x0, v59;
	v21 =	vadd.s32 v61, v21  }
0x56: {  	v63 =	vld.idx.msk [tilespmem:v20+s9+$0x0], $0xffff;
	v22 =	vadd.s32 v23, v22;
	v24 =	vadd.s32 $0xFFFFFFFF, v21  }
0x57: {  	vm15 =	veq.s32 v22, v24;
	_ =	sdelay $0x3  }
0x58: {  	v22 =	vadd.s32 v63, v22  }
0x59: {  	v21 =	vadd.s32 v63, v21;
	[tilespmem:$0x80] =	vst v22  }
0x5a: {  	[tilespmem:v20+s9+$0x0] =	vst.idx.msk vm15, v21  }
0x5b: {  	v20 =	vld [tilespmem:$0x10];
	_ =	sdelay $0x4  }
0x5c: {  	v26 =	vperm.xlane v20, v11;
	v27 =	vperm.xlane v20, v10  }
0x5d: {  	v28 =	vperm.xlane v20, v9;
	v32 =	vperm.xlane v20, v13  }
0x5e: {  	v35 =	vperm.xlane v20, v8;
	v38 =	vperm.xlane v20, v7  }
0x5f: {  	v41 =	vperm.xlane v20, v6;
	v44 =	vperm.xlane v20, v14  }
0x60: {  	vm12 =	veq.s32 v12, $0x0;
	v47 =	vperm.xlane v20, v15;
	v50 =	vperm.xlane v20, v5  }
0x61: {  	v53 =	vperm.xlane v20, v4;
	v56 =	vperm.xlane v20, v3;
	vm15 =	veq.s32 v20, v26  }
0x62: {  	v59 =	vperm.xlane v20, v2;
	v21 =	vsel vm15, $0x1, v11;
	vm15 =	veq.s32 v20, v27  }
0x63: {  	v29 =	vsel vm12, $0x0, v21;
	v30 =	vsel vm15, $0x1, v11;
	vm15 =	veq.s32 v20, v28  }
0x64: {  	vm12 =	vmmov vm9;
	v28 =	vperm.xlane v20, v1;
	v31 =	vsel vm14, $0x0, v30  }
0x65: {  	v33 =	vsel vm15, $0x1, v11;
	vm15 =	veq.s32 v20, v32;
	v21 =	vadd.s32 v21, v30  }
0x66: {  	vm14 =	vmmov vm5;
	v30 =	vperm.xlane v20, v16;
	v23 =	vadd.s32 v29, v31  }
0x67: {  	v34 =	vsel vm1, $0x0, v33;
	v36 =	vsel vm15, $0x1, v11;
	v21 =	vadd.s32 v33, v21  }
0x68: {  	v31 =	vperm.xlane v20, v0;
	v37 =	vsel vm0, $0x0, v36;
	vm0 =	veq.s32 v20, v35  }
0x69: {  	v23 =	vadd.s32 v34, v23;
	v21 =	vadd.s32 v36, v21;
	v39 =	vsel vm0, $0x1, v11  }
0x6a: {  	v23 =	vadd.s32 v37, v23;
	vm0 =	veq.s32 v20, v38;
	v40 =	vsel vm3, $0x0, v39  }
0x6b: {  	v42 =	vsel vm0, $0x1, v11;
	vm0 =	veq.s32 v20, v41;
	v21 =	vadd.s32 v39, v21  }
0x6c: {  	v23 =	vadd.s32 v40, v23;
	v43 =	vsel vm5, $0x0, v42;
	v45 =	vsel vm0, $0x1, v11  }
0x6d: {  	vm5 =	veq.s32 v20, v44;
	v21 =	vadd.s32 v42, v21;
	vm0 =	veq.s32 v20, v47  }
0x6e: {  	v23 =	vadd.s32 v43, v23;
	v46 =	vsel vm4, $0x0, v45;
	v48 =	vsel vm5, $0x1, v11  }
0x6f: {  	v21 =	vadd.s32 v45, v21;
	v51 =	vsel vm0, $0x1, v11;
	vm5 =	vmmov vm2  }
0x70: {  	vm0 =	veq.s32 v20, v53;
	v23 =	vadd.s32 v46, v23;
	v49 =	vsel vm6, $0x0, v48  }
0x71: {  	v52 =	vsel vm2, $0x0, v51;
	vm2 =	veq.s32 v20, v50;
	v21 =	vadd.s32 v48, v21  }
0x72: {  	v57 =	vsel vm0, $0x1, v11;
	vm0 =	veq.s32 v20, v28;
	v23 =	vadd.s32 v49, v23  }
0x73: {  	v54 =	vsel vm2, $0x1, v11;
	v21 =	vadd.s32 v51, v21;
	v58 =	vsel vm9, $0x0, v57  }
0x74: {  	vm2 =	veq.s32 v20, v56;
	vm9 =	veq.s32 v20, v59;
	v32 =	vsel vm0, $0x1, v11  }
0x75: {  	v23 =	vadd.s32 v52, v23;
	v55 =	vsel vm8, $0x0, v54;
	v21 =	vadd.s32 v54, v21  }
0x76: {  	v60 =	vsel vm2, $0x1, v11;
	v63 =	vsel vm9, $0x1, v11;
	vm2 =	veq.s32 v20, v30  }
0x77: {  	vm9 =	veq.s32 v20, v31;
	v23 =	vadd.s32 v55, v23;
	v21 =	vadd.s32 v57, v21  }
0x78: {  	v61 =	vsel vm7, $0x0, v60;
	v29 =	vsel vm10, $0x0, v63;
	v21 =	vadd.s32 v60, v21  }
0x79: {  	v33 =	vsel vm2, $0x1, v11;
	v23 =	vadd.s32 v58, v23;
	v21 =	vadd.s32 v63, v21  }
0x7a: {  	v24 =	vsel vm9, $0x1, v11;
	v62 =	vadd.s32 v61, v23;
	v21 =	vadd.s32 v32, v21  }
0x7b: {  	v23 =	vsel vm11, $0x0, v32;
	v22 =	vadd.s32 v29, v62;
	v21 =	vadd.s32 v33, v21  }
0x7c: {  	v34 =	vsel vm13, $0x0, v33;
	v22 =	vadd.s32 v23, v22;
	v21 =	vadd.s32 v24, v21  }
0x7d: {  	v35 =	vld.idx.msk [tilespmem:v20+s9+$0x0], $0xffff;
	v22 =	vadd.s32 v34, v22;
	v24 =	vadd.s32 $0xFFFFFFFF, v21  }
0x7e: {  	vm0 =	veq.s32 v22, v24;
	_ =	sdelay $0x3  }
0x7f: {  	v22 =	vadd.s32 v35, v22  }
0x80: {  	v21 =	vadd.s32 v35, v21;
	[tilespmem:$0x90] =	vst v22  }
0x81: {  	[tilespmem:v20+s9+$0x0] =	vst.idx.msk vm0, v21  }
0x82: {  	v20 =	vld [tilespmem:$0x20];
	_ =	sdelay $0x4  }
0x83: {  	v36 =	vperm.xlane v20, v11  }
0x84: {  	v41 =	vld [tilespmem:$0x1FF10];
	v37 =	vperm.xlane v20, v10;
	v38 =	vperm.xlane v20, v9  }
0x85: {  	v42 =	vperm.xlane v20, v13;
	v45 =	vperm.xlane v20, v8  }
0x86: {  	v48 =	vperm.xlane v20, v7;
	v51 =	vperm.xlane v20, v6  }
0x87: {  	v54 =	vperm.xlane v20, v14;
	v57 =	vperm.xlane v20, v15  }
0x88: {  	vm9 =	veq.s32 v12, $0x0;
	v60 =	vperm.xlane v20, v5;
	v63 =	vperm.xlane v20, v4  }
0x89: {  	v47 =	vld [tilespmem:$0x1FF30];
	vm0 =	vnez.u8 v41;
	v30 =	vperm.xlane v20, v3;
	v33 =	vperm.xlane v20, v2  }
0x8a: {  	v41 =	vperm.xlane v20, v0;
	vm2 =	veq.s32 v20, v36;
	vm15 =	veq.s32 v20, v37  }
0x8b: {  	v21 =	vsel vm2, $0x1, v11;
	v40 =	vsel vm15, $0x1, v11;
	vm2 =	veq.s32 v20, v42  }
0x8c: {  	vm15 =	veq.s32 v20, v51;
	v39 =	vsel vm9, $0x0, v21;
	v25 =	vsel vm0, $0x0, v40  }
0x8d: {  	vm9 =	veq.s32 v20, v38;
	v21 =	vadd.s32 v21, v40;
	v46 =	vsel vm2, $0x1, v11  }
0x8e: {  	vm2 =	vnez.u8 v47;
	v55 =	vsel vm15, $0x1, v11;
	vm15 =	veq.s32 v20, v54  }
0x8f: {  	v38 =	vperm.xlane v20, v1;
	v40 =	vperm.xlane v20, v16;
	v23 =	vadd.s32 v39, v25  }
0x90: {  	v43 =	vsel vm9, $0x1, v11;
	v26 =	vsel vm2, $0x0, v46;
	vm9 =	veq.s32 v20, v45  }
0x91: {  	v56 =	vsel vm4, $0x0, v55;
	v58 =	vsel vm15, $0x1, v11;
	vm15 =	veq.s32 v20, v57  }
0x92: {  	v44 =	vsel vm1, $0x0, v43;
	v21 =	vadd.s32 v43, v21;
	v49 =	vsel vm9, $0x1, v11  }
0x93: {  	vm9 =	veq.s32 v20, v48;
	v59 =	vsel vm6, $0x0, v58;
	v61 =	vsel vm15, $0x1, v11  }
0x94: {  	vm15 =	veq.s32 v20, v60;
	v23 =	vadd.s32 v44, v23;
	v50 =	vsel vm3, $0x0, v49  }
0x95: {  	v21 =	vadd.s32 v46, v21;
	v52 =	vsel vm9, $0x1, v11;
	vm9 =	vmmov vm14  }
0x96: {  	v62 =	vsel vm5, $0x0, v61;
	v28 =	vsel vm15, $0x1, v11;
	vm15 =	veq.s32 v20, v63  }
0x97: {  	v23 =	vadd.s32 v26, v23;
	v53 =	vsel vm14, $0x0, v52;
	v21 =	vadd.s32 v49, v21  }
0x98: {  	v29 =	vsel vm8, $0x0, v28;
	v31 =	vsel vm15, $0x1, v11;
	vm15 =	veq.s32 v20, v30  }
0x99: {  	vm14 =	vmmov vm7;
	v23 =	vadd.s32 v50, v23;
	v21 =	vadd.s32 v52, v21  }
0x9a: {  	v32 =	vsel vm12, $0x0, v31;
	v34 =	vsel vm15, $0x1, v11;
	vm15 =	veq.s32 v20, v41  }
0x9b: {  	v23 =	vadd.s32 v53, v23;
	v21 =	vadd.s32 v55, v21;
	v35 =	vsel vm7, $0x0, v34  }
0x9c: {  	vm7 =	veq.s32 v20, v33;
	v24 =	vsel vm15, $0x1, v11;
	v21 =	vadd.s32 v58, v21  }
0x9d: {  	v23 =	vadd.s32 v56, v23;
	v37 =	vsel vm7, $0x1, v11;
	v21 =	vadd.s32 v61, v21  }
0x9e: {  	vm7 =	veq.s32 v20, v38;
	v23 =	vadd.s32 v59, v23;
	v21 =	vadd.s32 v28, v21  }
0x9f: {  	v39 =	vsel vm10, $0x0, v37;
	v23 =	vadd.s32 v62, v23;
	v21 =	vadd.s32 v31, v21  }
0xa0: {  	v42 =	vsel vm7, $0x1, v11;
	v23 =	vadd.s32 v29, v23;
	v21 =	vadd.s32 v34, v21  }
0xa1: {  	vm7 =	veq.s32 v20, v40;
	v23 =	vadd.s32 v32, v23;
	v21 =	vadd.s32 v37, v21  }
0xa2: {  	v43 =	vsel vm7, $0x1, v11;
	v36 =	vadd.s32 v35, v23;
	v21 =	vadd.s32 v42, v21  }
0xa3: {  	v23 =	vsel vm11, $0x0, v42;
	v22 =	vadd.s32 v39, v36;
	v21 =	vadd.s32 v43, v21  }
0xa4: {  	v44 =	vsel vm13, $0x0, v43;
	v22 =	vadd.s32 v23, v22;
	v21 =	vadd.s32 v24, v21  }
0xa5: {  	v45 =	vld.idx.msk [tilespmem:v20+s9+$0x0], $0xffff;
	v22 =	vadd.s32 v44, v22;
	v24 =	vadd.s32 $0xFFFFFFFF, v21  }
0xa6: {  	vm15 =	veq.s32 v22, v24;
	_ =	sdelay $0x3  }
0xa7: {  	v22 =	vadd.s32 v45, v22  }
0xa8: {  	v21 =	vadd.s32 v45, v21;
	[tilespmem:$0xA0] =	vst v22  }
0xa9: {  	[tilespmem:v20+s9+$0x0] =	vst.idx.msk vm15, v21  }
0xaa: {  	v20 =	vld [tilespmem:$0x30];
	_ =	sdelay $0x4  }
0xab: {  	vm12 =	vmmov vm1;
	v46 =	vperm.xlane v20, v11;
	v47 =	vperm.xlane v20, v10  }
0xac: {  	vm7 =	vmmov vm11;
	v48 =	vperm.xlane v20, v9;
	v52 =	vperm.xlane v20, v13  }
0xad: {  	vm11 =	vmmov vm13;
	v55 =	vperm.xlane v20, v8;
	v58 =	vperm.xlane v20, v7  }
0xae: {  	vm13 =	veq.s32 v12, $0x0;
	v61 =	vperm.xlane v20, v6;
	v28 =	vperm.xlane v20, v14  }
0xaf: {  	v31 =	vperm.xlane v20, v15;
	v34 =	vperm.xlane v20, v5;
	vm15 =	veq.s32 v20, v46  }
0xb0: {  	v37 =	vperm.xlane v20, v4;
	v40 =	vperm.xlane v20, v3;
	v21 =	vsel vm15, $0x1, v11  }
0xb1: {  	v43 =	vperm.xlane v20, v2;
	vm15 =	veq.s32 v20, v47;
	v49 =	vsel vm13, $0x0, v21  }
0xb2: {  	v50 =	vsel vm15, $0x1, v11;
	vm15 =	veq.s32 v20, v48;
	v48 =	vperm.xlane v20, v1  }
0xb3: {  	v51 =	vsel vm0, $0x0, v50;
	v53 =	vsel vm15, $0x1, v11;
	v21 =	vadd.s32 v21, v50  }
0xb4: {  	vm15 =	veq.s32 v20, v43;
	v50 =	vperm.xlane v20, v16;
	v23 =	vadd.s32 v49, v51  }
0xb5: {  	v54 =	vsel vm1, $0x0, v53;
	vm1 =	veq.s32 v20, v52;
	v21 =	vadd.s32 v53, v21  }
0xb6: {  	v47 =	vsel vm15, $0x1, v11;
	vm15 =	veq.s32 v20, v48;
	v51 =	vperm.xlane v20, v0  }
0xb7: {  	v23 =	vadd.s32 v54, v23;
	v56 =	vsel vm1, $0x1, v11;
	vm1 =	vmmov vm2  }
0xb8: {  	v49 =	vsel vm10, $0x0, v47;
	v52 =	vsel vm15, $0x1, v11;
	vm15 =	veq.s32 v20, v50  }
0xb9: {  	v57 =	vsel vm2, $0x0, v56;
	vm2 =	veq.s32 v20, v55;
	v21 =	vadd.s32 v56, v21  }
0xba: {  	v53 =	vsel vm15, $0x1, v11;
	vm15 =	veq.s32 v20, v51;
	v59 =	vsel vm2, $0x1, v11  }
0xbb: {  	v23 =	vadd.s32 v57, v23;
	vm2 =	veq.s32 v20, v58;
	v60 =	vsel vm3, $0x0, v59  }
0xbc: {  	v62 =	vsel vm2, $0x1, v11;
	vm2 =	veq.s32 v20, v61;
	v21 =	vadd.s32 v59, v21  }
0xbd: {  	v23 =	vadd.s32 v60, v23;
	v63 =	vsel vm9, $0x0, v62;
	v29 =	vsel vm2, $0x1, v11  }
0xbe: {  	vm2 =	veq.s32 v20, v28;
	v21 =	vadd.s32 v62, v21;
	v23 =	vadd.s32 v63, v23  }
0xbf: {  	v30 =	vsel vm4, $0x0, v29;
	v32 =	vsel vm2, $0x1, v11;
	vm2 =	veq.s32 v20, v31  }
0xc0: {  	v21 =	vadd.s32 v29, v21;
	v23 =	vadd.s32 v30, v23;
	v33 =	vsel vm6, $0x0, v32  }
0xc1: {  	v42 =	vld [tilespmem:$0x1FFA0];
	v35 =	vsel vm2, $0x1, v11;
	vm6 =	vmmov vm5;
	v21 =	vadd.s32 v32, v21  }
0xc2: {  	vm2 =	vmmov vm8;
	v36 =	vsel vm5, $0x0, v35;
	vm5 =	veq.s32 v20, v34  }
0xc3: {  	v23 =	vadd.s32 v33, v23;
	v21 =	vadd.s32 v35, v21;
	v38 =	vsel vm5, $0x1, v11  }
0xc4: {  	v23 =	vadd.s32 v36, v23;
	v39 =	vsel vm8, $0x0, v38;
	vm8 =	veq.s32 v20, v37  }
0xc5: {  	vm5 =	veq.s32 v20, v40;
	v21 =	vadd.s32 v38, v21;
	v41 =	vsel vm8, $0x1, v11  }
0xc6: {  	v44 =	vsel vm5, $0x1, v11;
	vm8 =	vnez.u8 v42;
	v21 =	vadd.s32 v41, v21  }
0xc7: {  	v23 =	vadd.s32 v39, v23;
	v26 =	vsel vm8, $0x0, v41;
	v21 =	vadd.s32 v44, v21  }
0xc8: {  	v45 =	vsel vm14, $0x0, v44;
	v23 =	vadd.s32 v26, v23;
	v21 =	vadd.s32 v47, v21  }
0xc9: {  	v24 =	vsel vm15, $0x1, v11;
	v46 =	vadd.s32 v45, v23;
	v21 =	vadd.s32 v52, v21  }
0xca: {  	v23 =	vsel vm7, $0x0, v52;
	v22 =	vadd.s32 v49, v46;
	v21 =	vadd.s32 v53, v21  }
0xcb: {  	v54 =	vsel vm11, $0x0, v53;
	v22 =	vadd.s32 v23, v22;
	v21 =	vadd.s32 v24, v21  }
0xcc: {  	v55 =	vld.idx.msk [tilespmem:v20+s9+$0x0], $0xffff;
	v22 =	vadd.s32 v54, v22;
	v24 =	vadd.s32 $0xFFFFFFFF, v21  }
0xcd: {  	vm15 =	veq.s32 v22, v24;
	_ =	sdelay $0x3  }
0xce: {  	v22 =	vadd.s32 v55, v22  }
0xcf: {  	v21 =	vadd.s32 v55, v21;
	[tilespmem:$0xB0] =	vst v22  }
0xd0: {  	[tilespmem:v20+s9+$0x0] =	vst.idx.msk vm15, v21  }
0xd1: {  	v20 =	vld [tilespmem:$0x40];
	_ =	sdelay $0x4  }
0xd2: {  	v56 =	vperm.xlane v20, v11  }
0xd3: {  	v57 =	vperm.xlane v20, v10;
	v58 =	vperm.xlane v20, v9  }
0xd4: {  	v62 =	vperm.xlane v20, v13;
	v29 =	vperm.xlane v20, v8  }
0xd5: {  	vm5 =	vmmov vm14;
	v32 =	vperm.xlane v20, v7;
	v35 =	vperm.xlane v20, v6  }
0xd6: {  	vm14 =	vmmov vm0;
	v38 =	vperm.xlane v20, v14;
	v41 =	vperm.xlane v20, v15  }
0xd7: {  	v44 =	vperm.xlane v20, v5;
	v47 =	vperm.xlane v20, v4;
	vm15 =	veq.s32 v20, v56  }
0xd8: {  	v50 =	vperm.xlane v20, v3;
	v21 =	vsel vm15, $0x1, v11;
	vm15 =	veq.s32 v20, v57  }
0xd9: {  	v53 =	vperm.xlane v20, v2;
	v59 =	vsel vm13, $0x0, v21;
	v60 =	vsel vm15, $0x1, v11  }
0xda: {  	vm13 =	vmmov vm2;
	v61 =	vsel vm0, $0x0, v60;
	vm0 =	veq.s32 v20, v58  }
0xdb: {  	v43 =	vld [tilespmem:$0x1FF70];
	v21 =	vadd.s32 v21, v60;
	v58 =	vperm.xlane v20, v1;
	v60 =	vperm.xlane v20, v16  }
0xdc: {  	v23 =	vadd.s32 v59, v61;
	v63 =	vsel vm0, $0x1, v11;
	vm0 =	veq.s32 v20, v62  }
0xdd: {  	v61 =	vperm.xlane v20, v0;
	v28 =	vsel vm12, $0x0, v63;
	v30 =	vsel vm0, $0x1, v11  }
0xde: {  	vm12 =	vmmov vm1;
	v21 =	vadd.s32 v63, v21;
	vm0 =	veq.s32 v20, v32  }
0xdf: {  	v23 =	vadd.s32 v28, v23;
	v31 =	vsel vm1, $0x0, v30;
	vm1 =	veq.s32 v20, v29  }
0xe0: {  	v21 =	vadd.s32 v30, v21;
	v36 =	vsel vm0, $0x1, v11;
	vm0 =	vnez.u8 v43  }
0xe1: {  	v23 =	vadd.s32 v31, v23;
	v33 =	vsel vm1, $0x1, v11;
	v37 =	vsel vm9, $0x0, v36  }
0xe2: {  	vm1 =	veq.s32 v20, v35;
	v34 =	vsel vm3, $0x0, v33;
	vm3 =	vmmov vm9  }
0xe3: {  	v21 =	vadd.s32 v33, v21;
	v39 =	vsel vm1, $0x1, v11;
	vm9 =	veq.s32 v20, v41  }
0xe4: {  	vm1 =	veq.s32 v20, v44;
	v23 =	vadd.s32 v34, v23;
	v40 =	vsel vm4, $0x0, v39  }
0xe5: {  	vm4 =	veq.s32 v20, v38;
	v21 =	vadd.s32 v36, v21;
	v45 =	vsel vm9, $0x1, v11  }
0xe6: {  	vm9 =	vmmov vm6;
	v48 =	vsel vm1, $0x1, v11;
	vm1 =	veq.s32 v20, v53  }
0xe7: {  	v23 =	vadd.s32 v37, v23;
	v42 =	vsel vm4, $0x1, v11;
	v21 =	vadd.s32 v39, v21  }
0xe8: {  	v46 =	vsel vm6, $0x0, v45;
	v49 =	vsel vm2, $0x0, v48;
	vm4 =	veq.s32 v20, v47  }
0xe9: {  	vm6 =	veq.s32 v20, v50;
	v57 =	vsel vm1, $0x1, v11;
	vm2 =	veq.s32 v20, v58  }
0xea: {  	v23 =	vadd.s32 v40, v23;
	v26 =	vsel vm0, $0x0, v42;
	v21 =	vadd.s32 v42, v21  }
0xeb: {  	v51 =	vsel vm4, $0x1, v11;
	v54 =	vsel vm6, $0x1, v11;
	v59 =	vsel vm10, $0x0, v57  }
0xec: {  	v62 =	vsel vm2, $0x1, v11;
	vm4 =	veq.s32 v20, v60;
	v21 =	vadd.s32 v45, v21  }
0xed: {  	vm6 =	veq.s32 v20, v61;
	v23 =	vadd.s32 v26, v23;
	v21 =	vadd.s32 v48, v21  }
0xee: {  	v52 =	vsel vm8, $0x0, v51;
	v23 =	vadd.s32 v46, v23;
	v21 =	vadd.s32 v51, v21  }
0xef: {  	v55 =	vsel vm5, $0x0, v54;
	v23 =	vadd.s32 v49, v23;
	v21 =	vadd.s32 v54, v21  }
0xf0: {  	v63 =	vsel vm4, $0x1, v11;
	v23 =	vadd.s32 v52, v23;
	v21 =	vadd.s32 v57, v21  }
0xf1: {  	v24 =	vsel vm6, $0x1, v11;
	v56 =	vadd.s32 v55, v23;
	v21 =	vadd.s32 v62, v21  }
0xf2: {  	v23 =	vsel vm7, $0x0, v62;
	v22 =	vadd.s32 v59, v56;
	v21 =	vadd.s32 v63, v21  }
0xf3: {  	v28 =	vsel vm11, $0x0, v63;
	v22 =	vadd.s32 v23, v22;
	v21 =	vadd.s32 v24, v21  }
0xf4: {  	v29 =	vld.idx.msk [tilespmem:v20+s9+$0x0], $0xffff;
	v22 =	vadd.s32 v28, v22;
	v24 =	vadd.s32 $0xFFFFFFFF, v21  }
0xf5: {  	vm1 =	veq.s32 v22, v24;
	_ =	sdelay $0x3  }
0xf6: {  	v22 =	vadd.s32 v29, v22  }
0xf7: {  	v21 =	vadd.s32 v29, v21;
	[tilespmem:$0xC0] =	vst v22  }
0xf8: {  	[tilespmem:v20+s9+$0x0] =	vst.idx.msk vm1, v21  }
0xf9: {  	v20 =	vld [tilespmem:$0x50];
	_ =	sdelay $0x4  }
0xfa: {  	v30 =	vperm.xlane v20, v11;
	v31 =	vperm.xlane v20, v10  }
0xfb: {  	v32 =	vperm.xlane v20, v9;
	v36 =	vperm.xlane v20, v13  }
0xfc: {  	v39 =	vperm.xlane v20, v8;
	v42 =	vperm.xlane v20, v7  }
0xfd: {  	v38 =	vld [tilespmem:$0x1FF20];
	v45 =	vperm.xlane v20, v6;
	v48 =	vperm.xlane v20, v14  }
0xfe: {  	v51 =	vperm.xlane v20, v15;
	v54 =	vperm.xlane v20, v5  }
0xff: {  	vm6 =	veq.s32 v12, $0x0;
	v57 =	vperm.xlane v20, v4;
	v60 =	vperm.xlane v20, v3  }
0x100: {  	v63 =	vperm.xlane v20, v2;
	vm2 =	veq.s32 v20, v30;
	vm4 =	veq.s32 v20, v31  }
0x101: {  	vm1 =	veq.s32 v20, v32;
	v32 =	vperm.xlane v20, v1;
	v21 =	vsel vm2, $0x1, v11  }
0x102: {  	v34 =	vsel vm4, $0x1, v11;
	v37 =	vsel vm1, $0x1, v11;
	vm4 =	vnez.u8 v38  }
0x103: {  	v44 =	vld [tilespmem:$0x1FF40];
	vm2 =	veq.s32 v20, v36;
	vm1 =	veq.s32 v20, v42;
	v33 =	vsel vm6, $0x0, v21  }
0x104: {  	v35 =	vsel vm14, $0x0, v34;
	v26 =	vsel vm4, $0x0, v37;
	v21 =	vadd.s32 v21, v34  }
0x105: {  	v40 =	vsel vm2, $0x1, v11;
	vm2 =	vmmov vm12;
	vm6 =	veq.s32 v20, v39  }
0x106: {  	v46 =	vsel vm1, $0x1, v11;
	vm1 =	veq.s32 v20, v48;
	v34 =	vperm.xlane v20, v16  }
0x107: {  	v50 =	vld [tilespmem:$0x1FF60];
	v23 =	vadd.s32 v33, v35;
	v41 =	vsel vm12, $0x0, v40;
	v21 =	vadd.s32 v37, v21  }
0x108: {  	v43 =	vsel vm6, $0x1, v11;
	vm12 =	vnez.u8 v44;
	v47 =	vsel vm3, $0x0, v46  }
0x109: {  	vm6 =	veq.s32 v20, v45;
	v52 =	vsel vm1, $0x1, v11;
	vm3 =	veq.s32 v20, v51  }
0x10a: {  	vm1 =	veq.s32 v20, v54;
	v35 =	vperm.xlane v20, v0;
	v23 =	vadd.s32 v26, v23  }
0x10b: {  	v26 =	vsel vm12, $0x0, v43;
	v21 =	vadd.s32 v40, v21;
	v49 =	vsel vm6, $0x1, v11  }
0x10c: {  	vm6 =	vnez.u8 v50;
	v53 =	vsel vm0, $0x0, v52;
	v55 =	vsel vm3, $0x1, v11  }
0x10d: {  	v58 =	vsel vm1, $0x1, v11;
	vm3 =	veq.s32 v20, v57;
	vm1 =	veq.s32 v20, v60  }
0x10e: {  	v23 =	vadd.s32 v41, v23;
	v21 =	vadd.s32 v43, v21;
	v56 =	vsel vm9, $0x0, v55  }
0x10f: {  	v59 =	vsel vm13, $0x0, v58;
	v61 =	vsel vm3, $0x1, v11;
	v28 =	vsel vm1, $0x1, v11  }
0x110: {  	vm3 =	veq.s32 v20, v63;
	vm1 =	veq.s32 v20, v32;
	v23 =	vadd.s32 v26, v23  }
0x111: {  	v26 =	vsel vm6, $0x0, v49;
	v21 =	vadd.s32 v46, v21;
	v62 =	vsel vm8, $0x0, v61  }
0x112: {  	v29 =	vsel vm5, $0x0, v28;
	v31 =	vsel vm3, $0x1, v11;
	v21 =	vadd.s32 v49, v21  }
0x113: {  	vm3 =	vmmov vm10;
	v23 =	vadd.s32 v47, v23;
	v21 =	vadd.s32 v52, v21  }
0x114: {  	v36 =	vsel vm1, $0x1, v11;
	v23 =	vadd.s32 v26, v23;
	v21 =	vadd.s32 v55, v21  }
0x115: {  	vm1 =	veq.s32 v20, v35;
	v23 =	vadd.s32 v53, v23;
	v21 =	vadd.s32 v58, v21  }
0x116: {  	v33 =	vsel vm10, $0x0, v31;
	v23 =	vadd.s32 v56, v23;
	v21 =	vadd.s32 v61, v21  }
0x117: {  	vm10 =	veq.s32 v20, v34;
	v23 =	vadd.s32 v59, v23;
	v21 =	vadd.s32 v28, v21  }
0x118: {  	v24 =	vsel vm1, $0x1, v11;
	v23 =	vadd.s32 v62, v23;
	v21 =	vadd.s32 v31, v21  }
0x119: {  	v37 =	vsel vm10, $0x1, v11;
	v30 =	vadd.s32 v29, v23;
	v21 =	vadd.s32 v36, v21  }
0x11a: {  	v23 =	vsel vm7, $0x0, v36;
	v22 =	vadd.s32 v33, v30;
	v21 =	vadd.s32 v37, v21  }
0x11b: {  	v38 =	vsel vm11, $0x0, v37;
	v22 =	vadd.s32 v23, v22;
	v21 =	vadd.s32 v24, v21  }
0x11c: {  	v39 =	vld.idx.msk [tilespmem:v20+s9+$0x0], $0xffff;
	v22 =	vadd.s32 v38, v22;
	v24 =	vadd.s32 $0xFFFFFFFF, v21  }
0x11d: {  	vm10 =	vmmov vm7;
	vm7 =	veq.s32 v22, v24;
	_ =	sdelay $0x3  }
0x11e: {  	v22 =	vadd.s32 v39, v22  }
0x11f: {  	v21 =	vadd.s32 v39, v21;
	[tilespmem:$0xD0] =	vst v22  }
0x120: {  	[tilespmem:v20+s9+$0x0] =	vst.idx.msk vm7, v21  }
0x121: {  	v20 =	vld [tilespmem:$0x60];
	_ =	sdelay $0x4  }
0x122: {  	v40 =	vperm.xlane v20, v11;
	v41 =	vperm.xlane v20, v10  }
0x123: {  	v42 =	vperm.xlane v20, v9;
	v46 =	vperm.xlane v20, v13  }
0x124: {  	v49 =	vperm.xlane v20, v8;
	v52 =	vperm.xlane v20, v7  }
0x125: {  	v55 =	vperm.xlane v20, v6;
	v58 =	vperm.xlane v20, v14  }
0x126: {  	v61 =	vperm.xlane v20, v15;
	v28 =	vperm.xlane v20, v5  }
0x127: {  	vm7 =	veq.s32 v12, $0x0;
	v31 =	vperm.xlane v20, v4;
	v34 =	vperm.xlane v20, v3  }
0x128: {  	v37 =	vperm.xlane v20, v2;
	vm1 =	veq.s32 v20, v40;
	vm15 =	veq.s32 v20, v41  }
0x129: {  	v21 =	vsel vm1, $0x1, v11;
	v44 =	vsel vm15, $0x1, v11;
	vm1 =	veq.s32 v20, v42  }
0x12a: {  	vm15 =	veq.s32 v20, v55;
	v42 =	vperm.xlane v20, v1;
	v43 =	vsel vm7, $0x0, v21  }
0x12b: {  	v45 =	vsel vm14, $0x0, v44;
	v47 =	vsel vm1, $0x1, v11;
	vm1 =	vmmov vm4  }
0x12c: {  	v21 =	vadd.s32 v21, v44;
	vm7 =	veq.s32 v20, v49;
	v59 =	vsel vm15, $0x1, v11  }
0x12d: {  	vm15 =	veq.s32 v20, v58;
	v44 =	vperm.xlane v20, v16;
	v23 =	vadd.s32 v43, v45  }
0x12e: {  	v48 =	vsel vm4, $0x0, v47;
	vm4 =	veq.s32 v20, v46;
	v21 =	vadd.s32 v47, v21  }
0x12f: {  	v57 =	vld [tilespmem:$0x1FF50];
	v53 =	vsel vm7, $0x1, v11;
	v60 =	vsel vm6, $0x0, v59;
	v62 =	vsel vm15, $0x1, v11  }
0x130: {  	vm15 =	veq.s32 v20, v61;
	v45 =	vperm.xlane v20, v0;
	v23 =	vadd.s32 v48, v23  }
0x131: {  	v50 =	vsel vm4, $0x1, v11;
	v54 =	vsel vm12, $0x0, v53;
	vm4 =	veq.s32 v20, v52  }
0x132: {  	v63 =	vsel vm0, $0x0, v62;
	v29 =	vsel vm15, $0x1, v11;
	vm15 =	veq.s32 v20, v28  }
0x133: {  	v51 =	vsel vm2, $0x0, v50;
	v21 =	vadd.s32 v50, v21;
	v56 =	vsel vm4, $0x1, v11  }
0x134: {  	vm4 =	vnez.u8 v57;
	v30 =	vsel vm9, $0x0, v29;
	v32 =	vsel vm15, $0x1, v11  }
0x135: {  	vm15 =	veq.s32 v20, v31;
	v23 =	vadd.s32 v51, v23;
	v26 =	vsel vm4, $0x0, v56  }
0x136: {  	v21 =	vadd.s32 v53, v21;
	v33 =	vsel vm13, $0x0, v32;
	v35 =	vsel vm15, $0x1, v11  }
0x137: {  	vm15 =	veq.s32 v20, v34;
	v23 =	vadd.s32 v54, v23;
	v21 =	vadd.s32 v56, v21  }
0x138: {  	v36 =	vsel vm8, $0x0, v35;
	v38 =	vsel vm15, $0x1, v11;
	vm15 =	veq.s32 v20, v37  }
0x139: {  	v23 =	vadd.s32 v26, v23;
	v21 =	vadd.s32 v59, v21;
	v39 =	vsel vm5, $0x0, v38  }
0x13a: {  	v41 =	vsel vm15, $0x1, v11;
	vm15 =	veq.s32 v20, v42;
	v21 =	vadd.s32 v62, v21  }
0x13b: {  	v23 =	vadd.s32 v60, v23;
	v43 =	vsel vm3, $0x0, v41;
	v21 =	vadd.s32 v29, v21  }
0x13c: {  	v46 =	vsel vm15, $0x1, v11;
	v23 =	vadd.s32 v63, v23;
	v21 =	vadd.s32 v32, v21  }
0x13d: {  	vm15 =	veq.s32 v20, v44;
	v23 =	vadd.s32 v30, v23;
	v21 =	vadd.s32 v35, v21  }
0x13e: {  	v47 =	vsel vm15, $0x1, v11;
	v23 =	vadd.s32 v33, v23;
	v21 =	vadd.s32 v38, v21  }
0x13f: {  	vm15 =	veq.s32 v20, v45;
	v23 =	vadd.s32 v36, v23;
	v21 =	vadd.s32 v41, v21  }
0x140: {  	v24 =	vsel vm15, $0x1, v11;
	v40 =	vadd.s32 v39, v23;
	v21 =	vadd.s32 v46, v21  }
0x141: {  	v23 =	vsel vm10, $0x0, v46;
	v22 =	vadd.s32 v43, v40;
	v21 =	vadd.s32 v47, v21  }
0x142: {  	v48 =	vsel vm11, $0x0, v47;
	v22 =	vadd.s32 v23, v22;
	v21 =	vadd.s32 v24, v21  }
0x143: {  	v49 =	vld.idx.msk [tilespmem:v20+s9+$0x0], $0xffff;
	v22 =	vadd.s32 v48, v22;
	v24 =	vadd.s32 $0xFFFFFFFF, v21  }
0x144: {  	vm15 =	veq.s32 v22, v24;
	_ =	sdelay $0x3  }
0x145: {  	v22 =	vadd.s32 v49, v22  }
0x146: {  	v21 =	vadd.s32 v49, v21;
	[tilespmem:$0xE0] =	vst v22  }
0x147: {  	[tilespmem:v20+s9+$0x0] =	vst.idx.msk vm15, v21  }
0x148: {  	v20 =	vld [tilespmem:$0x70];
	_ =	sdelay $0x4  }
0x149: {  	v50 =	vperm.xlane v20, v11  }
0x14a: {  	vm7 =	vmmov vm12;
	v51 =	vperm.xlane v20, v10;
	v52 =	vperm.xlane v20, v9  }
0x14b: {  	vm12 =	vmmov vm13;
	v56 =	vperm.xlane v20, v13;
	v59 =	vperm.xlane v20, v8  }
0x14c: {  	vm13 =	veq.s32 v12, $0x0;
	v62 =	vperm.xlane v20, v7;
	v29 =	vperm.xlane v20, v6  }
0x14d: {  	v32 =	vperm.xlane v20, v14;
	v35 =	vperm.xlane v20, v15;
	vm15 =	veq.s32 v20, v50  }
0x14e: {  	v38 =	vperm.xlane v20, v5;
	v21 =	vsel vm15, $0x1, v11;
	vm15 =	veq.s32 v20, v51  }
0x14f: {  	v41 =	vperm.xlane v20, v4;
	v44 =	vperm.xlane v20, v3;
	v54 =	vsel vm15, $0x1, v11  }
0x150: {  	v47 =	vperm.xlane v20, v2;
	v53 =	vsel vm13, $0x0, v21;
	v55 =	vsel vm14, $0x0, v54  }
0x151: {  	vm14 =	veq.s32 v20, v52;
	v21 =	vadd.s32 v21, v54;
	v52 =	vperm.xlane v20, v1  }
0x152: {  	v54 =	vperm.xlane v20, v16;
	v23 =	vadd.s32 v53, v55;
	v57 =	vsel vm14, $0x1, v11  }
0x153: {  	v55 =	vperm.xlane v20, v0;
	v58 =	vsel vm1, $0x0, v57;
	vm1 =	veq.s32 v20, v56  }
0x154: {  	v21 =	vadd.s32 v57, v21;
	v60 =	vsel vm1, $0x1, v11;
	vm1 =	veq.s32 v20, v59  }
0x155: {  	v23 =	vadd.s32 v58, v23;
	v61 =	vsel vm2, $0x0, v60;
	v63 =	vsel vm1, $0x1, v11  }
0x156: {  	vm2 =	veq.s32 v20, v62;
	v21 =	vadd.s32 v60, v21;
	vm1 =	veq.s32 v20, v38  }
0x157: {  	v23 =	vadd.s32 v61, v23;
	v28 =	vsel vm7, $0x0, v63;
	v30 =	vsel vm2, $0x1, v11  }
0x158: {  	v21 =	vadd.s32 v63, v21;
	vm7 =	veq.s32 v20, v32;
	v42 =	vsel vm1, $0x1, v11  }
0x159: {  	vm2 =	veq.s32 v20, v41;
	v23 =	vadd.s32 v28, v23;
	v31 =	vsel vm4, $0x0, v30  }
0x15a: {  	vm4 =	veq.s32 v20, v29;
	v21 =	vadd.s32 v30, v21;
	v36 =	vsel vm7, $0x1, v11  }
0x15b: {  	v43 =	vsel vm12, $0x0, v42;
	v45 =	vsel vm2, $0x1, v11;
	vm7 =	veq.s32 v20, v52  }
0x15c: {  	v23 =	vadd.s32 v31, v23;
	v33 =	vsel vm4, $0x1, v11;
	v37 =	vsel vm0, $0x0, v36  }
0x15d: {  	vm0 =	veq.s32 v20, v35;
	v46 =	vsel vm8, $0x0, v45;
	vm4 =	veq.s32 v20, v44  }
0x15e: {  	v56 =	vsel vm7, $0x1, v11;
	vm8 =	veq.s32 v20, v54;
	v34 =	vsel vm6, $0x0, v33  }
0x15f: {  	v21 =	vadd.s32 v33, v21;
	v39 =	vsel vm0, $0x1, v11;
	v48 =	vsel vm4, $0x1, v11  }
0x160: {  	vm6 =	veq.s32 v20, v47;
	v57 =	vsel vm8, $0x1, v11;
	v21 =	vadd.s32 v36, v21  }
0x161: {  	v27 =	vld [tilespmem:$0x1FED0];
	v23 =	vadd.s32 v34, v23;
	v40 =	vsel vm9, $0x0, v39;
	v21 =	vadd.s32 v39, v21  }
0x162: {  	v59 =	vld.idx.msk [tilespmem:v20+s9+$0x0], $0xffff;
	v49 =	vsel vm5, $0x0, v48;
	v23 =	vadd.s32 v37, v23;
	v21 =	vadd.s32 v42, v21  }
0x163: {  	v62 =	vld [tilespmem:$0x1FEF0];
	v51 =	vsel vm6, $0x1, v11;
	v23 =	vadd.s32 v40, v23;
	v21 =	vadd.s32 v45, v21  }
0x164: {  	v61 =	vld [tilespmem:$0x1FF00];
	vm9 =	veq.s32 v20, v55;
	v23 =	vadd.s32 v43, v23;
	v21 =	vadd.s32 v48, v21  }
0x165: {  	v63 =	vld [tilespmem:$0x1FEE0];
	v53 =	vsel vm3, $0x0, v51;
	v23 =	vadd.s32 v46, v23;
	v21 =	vadd.s32 v51, v21  }
0x166: {  	v30 =	vld [tilespmem:$0x1FEC0];
	v24 =	vsel vm9, $0x1, v11;
	v50 =	vadd.s32 v49, v23;
	v21 =	vadd.s32 v56, v21  }
0x167: {  	v31 =	vld [tilespmem:$0x1FEB0];
	v23 =	vsel vm10, $0x0, v56;
	v22 =	vadd.s32 v53, v50;
	v21 =	vadd.s32 v57, v21  }
0x168: {  	v35 =	vld [tilespmem:$0x1FE90];
	v58 =	vsel vm11, $0x0, v57;
	v22 =	vadd.s32 v23, v22;
	v21 =	vadd.s32 v24, v21  }
0x169: {  	v34 =	vld [tilespmem:$0x1FEA0];
	v22 =	vadd.s32 v58, v22;
	v24 =	vadd.s32 $0xFFFFFFFF, v21  }
0x16a: {  	v58 =	vld [tilespmem:$0x1FE70];
	vm11 =	veq.s32 v22, v24  }
0x16b: {  	v36 =	vld [tilespmem:$0x1FE80]  }
0x16c: {  	vm12 =	vnez.u8 v61;
	v61 =	vld [tilespmem:$0x1FE50]  }
0x16d: {  	vm10 =	vnez.u8 v63;
	v63 =	vld [tilespmem:$0x1FE30]  }
0x16e: {  	v21 =	vadd.s32 v59, v21;
	v22 =	vadd.s32 v59, v22;
	v59 =	vld [tilespmem:$0x1FE60]  }
0x16f: {  	[tilespmem:$0xF0] =	vst v22;
	vm3 =	vnez.u8 v58;
	v58 =	vld [tilespmem:$0x1FE20]  }
0x170: {  	[tilespmem:v20+s9+$0x0] =	vst.idx.msk vm11, v21;
	vm11 =	vnez.u8 v62;
	v62 =	vld [tilespmem:$0x1FE40]  }
0x171: {  	v20 =	vld [tilespmem:$0x180]  }
0x172: {  	v60 =	vld [tilespmem:$0x200]  }
0x173: {  	v24 =	vld [tilespmem:$0x280]  }
0x174: {  	v25 =	vld [tilespmem:$0x300]  }
0x175: {  	v26 =	vld [tilespmem:$0x380]  }
0x176: {  	v28 =	vld [tilespmem:$0x400]  }
0x177: {  	v29 =	vld [tilespmem:$0x480]  }
0x178: {  	v32 =	vld [tilespmem:$0x500]  }
0x179: {  	v33 =	vld [tilespmem:$0x580]  }
0x17a: {  	v37 =	vld [tilespmem:$0x600]  }
0x17b: {  	v38 =	vld [tilespmem:$0x680]  }
0x17c: {  	v39 =	vld [tilespmem:$0x700]  }
0x17d: {  	v40 =	vld [tilespmem:$0x780]  }
0x17e: {  	v41 =	vld [tilespmem:$0x800]  }
0x17f: {  	v42 =	vld [tilespmem:$0x880]  }
0x180: {  	v43 =	vld [tilespmem:$0x900]  }
0x181: {  	v44 =	vld [tilespmem:$0x190]  }
0x182: {  	v45 =	vld [tilespmem:$0x210]  }
0x183: {  	v46 =	vld [tilespmem:$0x290]  }
0x184: {  	v47 =	vld [tilespmem:$0x310]  }
0x185: {  	v48 =	vld [tilespmem:$0x390]  }
0x186: {  	v49 =	vld [tilespmem:$0x410]  }
0x187: {  	v50 =	vld [tilespmem:$0x490]  }
0x188: {  	v51 =	vld [tilespmem:$0x510]  }
0x189: {  	vm9 =	vnez.u8 v27;
	v52 =	vld [tilespmem:$0x590]  }
0x18a: {  	vm8 =	vnez.u8 v30;
	vm7 =	vnez.u8 v31;
	vm5 =	vnez.u8 v35;
	v53 =	vld [tilespmem:$0x610]  }
0x18b: {  	vm6 =	vnez.u8 v34;
	vm4 =	vnez.u8 v36;
	vm1 =	vnez.u8 v61;
	v54 =	vld [tilespmem:$0x690]  }
0x18c: {  	vm15 =	vnez.u8 v63;
	v55 =	vld [tilespmem:$0x710];
	v21 =	vsel vm12, $0x0, v20;
	v22 =	vnsel vm11, $0x0, v60  }
0x18d: {  	vm2 =	vnez.u8 v59;
	v56 =	vld [tilespmem:$0x790];
	v21 =	vadd.s32 v21, v22;
	v22 =	vnsel vm10, $0x0, v24  }
0x18e: {  	v57 =	vld [tilespmem:$0x910];
	vm14 =	vnez.u8 v58;
	v21 =	vadd.s32 v22, v21;
	v22 =	vnsel vm9, $0x0, v25  }
0x18f: {  	v36 =	vld [tilespmem:$0x220];
	vm0 =	vnez.u8 v62;
	v21 =	vadd.s32 v22, v21;
	v22 =	vnsel vm8, $0x0, v26  }
0x190: {  	v34 =	vld [tilespmem:$0x2A0];
	v27 =	vnsel vm7, $0x0, v28;
	v20 =	vadd.s32 v60, v20;
	v21 =	vadd.s32 v22, v21  }
0x191: {  	v35 =	vld [tilespmem:$0x320];
	v30 =	vnsel vm6, $0x0, v29;
	v20 =	vadd.s32 v24, v20;
	v27 =	vadd.s32 v27, v21  }
0x192: {  	v20 =	vadd.s32 v25, v20;
	v25 =	vld [tilespmem:$0x7A0];
	v27 =	vadd.s32 v30, v27;
	v30 =	vnsel vm5, $0x0, v32  }
0x193: {  	v31 =	vnsel vm4, $0x0, v33;
	v20 =	vadd.s32 v26, v20;
	v26 =	vld [tilespmem:$0x720];
	v27 =	vadd.s32 v30, v27  }
0x194: {  	v61 =	vsel vm12, $0x0, v44;
	v22 =	vld [tilespmem:$0x810];
	v27 =	vadd.s32 v31, v27;
	v31 =	vnsel vm3, $0x0, v37  }
0x195: {  	v59 =	vadd.s32 v28, v20;
	v28 =	vld [tilespmem:$0x4A0];
	v27 =	vadd.s32 v31, v27;
	v31 =	vnsel vm2, $0x0, v38  }
0x196: {  	v62 =	vnsel vm11, $0x0, v45;
	v21 =	vld [tilespmem:$0x890];
	v60 =	vadd.s32 v31, v27;
	v27 =	vnsel vm1, $0x0, v39  }
0x197: {  	v63 =	vnsel vm10, $0x0, v46;
	v24 =	vnsel vm0, $0x0, v40;
	v30 =	vld [tilespmem:$0x1A0];
	v23 =	vadd.s32 v27, v60  }
0x198: {  	v58 =	vnsel vm9, $0x0, v47;
	v31 =	vld [tilespmem:$0x3A0];
	v23 =	vadd.s32 v24, v23;
	v24 =	vnsel vm15, $0x0, v41  }
0x199: {  	v27 =	vld [tilespmem:$0x420];
	v60 =	vadd.s32 v29, v59;
	v23 =	vadd.s32 v24, v23;
	v24 =	vnsel vm14, $0x0, v42  }
0x19a: {  	v29 =	vld [tilespmem:$0x520];
	v59 =	vnsel vm8, $0x0, v48;
	v20 =	vadd.s32 v24, v23;
	v24 =	vadd.s32 v61, v62  }
0x19b: {  	v23 =	vadd.s32 v32, v60;
	v32 =	vld [tilespmem:$0x5A0];
	v60 =	vnsel vm7, $0x0, v49;
	v24 =	vadd.s32 v63, v24  }
0x19c: {  	v61 =	vnsel vm6, $0x0, v50;
	v23 =	vadd.s32 v33, v23;
	v33 =	vld [tilespmem:$0x620];
	v24 =	vadd.s32 v58, v24  }
0x19d: {  	v62 =	vnsel vm5, $0x0, v51;
	v23 =	vadd.s32 v37, v23;
	v37 =	vld [tilespmem:$0x6A0];
	v24 =	vadd.s32 v59, v24  }
0x19e: {  	v63 =	vnsel vm4, $0x0, v52;
	v23 =	vadd.s32 v38, v23;
	v38 =	vadd.s32 v60, v24;
	v24 =	vld [tilespmem:$0x820]  }
0x19f: {  	v58 =	vnsel vm3, $0x0, v53;
	v23 =	vadd.s32 v39, v23;
	v60 =	vadd.s32 v45, v44;
	v44 =	vld [tilespmem:$0x230]  }
0x1a0: {  	v59 =	vnsel vm2, $0x0, v54;
	v45 =	vld [tilespmem:$0x2B0];
	v23 =	vadd.s32 v40, v23;
	v38 =	vadd.s32 v61, v38  }
0x1a1: {  	v61 =	vnsel vm1, $0x0, v55;
	v40 =	vadd.s32 v41, v23;
	v23 =	vld [tilespmem:$0x8A0];
	v38 =	vadd.s32 v62, v38  }
0x1a2: {  	v40 =	vadd.s32 v42, v40;
	v38 =	vadd.s32 v63, v38;
	v42 =	vld [tilespmem:$0x1B0];
	v63 =	vnsel vm0, $0x0, v56  }
0x1a3: {  	v41 =	vld [tilespmem:$0x920];
	v40 =	vadd.s32 v43, v40;
	v38 =	vadd.s32 v58, v38;
	v43 =	vadd.s32 v46, v60  }
0x1a4: {  	v58 =	vadd.s32 v36, v30;
	v30 =	vsel vm12, $0x0, v30;
	v62 =	vadd.s32 v47, v43;
	v43 =	vld [tilespmem:$0x330]  }
0x1a5: {  	v36 =	vnsel vm11, $0x0, v36;
	v38 =	vadd.s32 v59, v38;
	v39 =	vadd.s32 v48, v62;
	v48 =	vld [tilespmem:$0x3B0]  }
0x1a6: {  	v40 =	vadd.s32 $0x7, v40;
	v59 =	vadd.s32 v34, v58;
	v47 =	vld [tilespmem:$0x430];
	v39 =	vadd.s32 v49, v39  }
0x1a7: {  	v34 =	vnsel vm10, $0x0, v34;
	v49 =	vld [tilespmem:$0x4B0];
	v39 =	vadd.s32 v50, v39;
	v60 =	vadd.s32 v44, v42  }
0x1a8: {  	v46 =	vadd.s32 v35, v59;
	v39 =	vadd.s32 v51, v39;
	v51 =	vld [tilespmem:$0x530];
	v50 =	vadd.s32 v45, v60  }
0x1a9: {  	v46 =	vadd.s32 v31, v46;
	v39 =	vadd.s32 v52, v39;
	v52 =	vld [tilespmem:$0x5B0];
	v50 =	vadd.s32 v43, v50  }
0x1aa: {  	v46 =	vadd.s32 v27, v46;
	v39 =	vadd.s32 v53, v39;
	v53 =	vld [tilespmem:$0x630];
	v50 =	vadd.s32 v48, v50  }
0x1ab: {  	v46 =	vadd.s32 v28, v46;
	v39 =	vadd.s32 v54, v39;
	v54 =	vld [tilespmem:$0x6B0];
	v50 =	vadd.s32 v47, v50  }
0x1ac: {  	v46 =	vadd.s32 v29, v46;
	v39 =	vadd.s32 v55, v39;
	v55 =	vld [tilespmem:$0x730];
	v50 =	vadd.s32 v49, v50  }
0x1ad: {  	v46 =	vadd.s32 v32, v46;
	v39 =	vadd.s32 v56, v39;
	v56 =	vld [tilespmem:$0x7B0];
	v50 =	vadd.s32 v51, v50  }
0x1ae: {  	v58 =	vld [tilespmem:$0x830];
	v38 =	vadd.s32 v61, v38;
	v46 =	vadd.s32 v33, v46;
	v50 =	vadd.s32 v52, v50  }
0x1af: {  	v59 =	vld [tilespmem:$0x8B0];
	v40 =	vand.u32 $0xFFFFFFF8, v40;
	v46 =	vadd.s32 v37, v46;
	v50 =	vadd.s32 v53, v50  }
0x1b0: {  	v61 =	vld [tilespmem:$0x930];
	v46 =	vadd.s32 v26, v46;
	v39 =	vadd.s32 v22, v39;
	v50 =	vadd.s32 v54, v50  }
0x1b1: {  	v46 =	vadd.s32 v25, v46;
	v39 =	vadd.s32 v21, v39;
	v50 =	vadd.s32 v55, v50  }
0x1b2: {  	(xrf0) =	vadd.scan.msk.s32 $0xffff, v40;
	v46 =	vadd.s32 v24, v46;
	v39 =	vadd.s32 v57, v39;
	v50 =	vadd.s32 v56, v50  }
0x1b3: {  	v46 =	vadd.s32 v23, v46;
	v39 =	vadd.s32 $0x7, v39;
	v62 =	vadd.s32 v58, v50  }
0x1b4: {  	v41 =	vadd.s32 v41, v46;
	v39 =	vand.u32 $0xFFFFFFF8, v39;
	v46 =	vadd.s32 v59, v62  }
0x1b5: {  	v38 =	vadd.s32 v63, v38;
	v41 =	vadd.s32 $0x7, v41;
	(xrf0) =	vadd.scan.msk.s32 $0xffff, v39;
	v63 =	vadd.s32 v61, v46  }
0x1b6: {  	v30 =	vadd.s32 v30, v36;
	v41 =	vand.u32 $0xFFFFFFF8, v41;
	v36 =	vadd.s32 $0x7, v63  }
0x1b7: {  	v30 =	vadd.s32 v34, v30;
	(xrf0) =	vadd.scan.msk.s32 $0xffff, v41;
	v46 =	vnsel vm9, $0x0, v35;
	v35 =	vand.u32 $0xFFFFFFF8, v36  }
0x1b8: {  	v31 =	vnsel vm8, $0x0, v31;
	v27 =	vnsel vm7, $0x0, v27;
	v28 =	vnsel vm6, $0x0, v28;
	v34, _, _ =	vpop (xrf0);
	(xrf0) =	vadd.scan.msk.s32 $0xffff, v35  }
0x1b9: {  	v60 =	vnsel vm4, $0x0, v32;
	v43 =	vnsel vm9, $0x0, v43;
	(v2sf) =	vpush v34, $0xF  }
0x1ba: {  	v26 =	vnsel vm1, $0x0, v26;
	v22 =	vnsel vm15, $0x0, v22;
	v25 =	vnsel vm0, $0x0, v25  }
0x1bb: {  	v22 =	vadd.s32 v22, v38;
	v21 =	vnsel vm14, $0x0, v21;
	v30 =	vadd.s32 v46, v30;
	v50, _, _ =	vpop (xrf0)  }
0x1bc: {  	v24 =	vnsel vm15, $0x0, v24;
	v30 =	vadd.s32 v31, v30;
	(v2sf) =	vpush v50, $0xF  }
0x1bd: {  	v57 =	vnsel vm5, $0x0, v29;
	v21 =	vadd.s32 v21, v22;
	v27 =	vadd.s32 v27, v30;
	v29, _, _ =	vpop (xrf0)  }
0x1be: {  	v23 =	vnsel vm14, $0x0, v23;
	v27 =	vadd.s32 v28, v27;
	(v2sf) =	vpush v29, $0xF;
	v28, _, _ =	vpop (xrf0)  }
0x1bf: {  	v32 =	vnsel vm2, $0x0, v54;
	v62 =	vnsel vm3, $0x0, v33;
	(v2sf) =	vpush v28, $0xF  }
0x1c0: {  	v33 =	vnsel vm1, $0x0, v55;
	v63 =	vnsel vm2, $0x0, v37;
	v37 =	vnsel vm11, $0x0, v44  }
0x1c1: {  	v46 =	vnsel vm7, $0x0, v47;
	v36 =	vsel vm12, $0x0, v42;
	v27 =	vadd.s32 v57, v27  }
0x1c2: {  	v42 =	vnsel vm10, $0x0, v45;
	v38 =	vadd.s32 v36, v37;
	v61 =	vadd.s32 v60, v27  }
0x1c3: {  	v45 =	vnsel vm8, $0x0, v48;
	v27 =	vadd.s32 v42, v38;
	v22 =	vadd.s32 v62, v61  }
0x1c4: {  	v30 =	vnsel vm3, $0x0, v53;
	v44 =	vadd.s32 v43, v27;
	v22 =	vadd.s32 v63, v22  }
0x1c5: {  	v36 =	vnsel vm0, $0x0, v56;
	v22 =	vadd.s32 v26, v22;
	v26 =	vadd.s32 v45, v44  }
0x1c6: {  	v47 =	vsub.s32 v50, v39;
	v60 =	vnsel vm6, $0x0, v49;
	v48 =	vadd.s32 v46, v26  }
0x1c7: {  	v61 =	vnsel vm5, $0x0, v51;
	v22 =	vadd.s32 v25, v22;
	v25 =	vadd.s32 v60, v48  }
0x1c8: {  	v50 =	vsub.s32 v34, v40;
	v63 =	vnsel vm4, $0x0, v52;
	v62 =	vadd.s32 v61, v25  }
0x1c9: {  	v57 =	vbroadcast v34, $0xF;
	v22 =	vadd.s32 v24, v22;
	v24 =	vadd.s32 v63, v62  }
0x1ca: {  	v39 =	vnsel vm15, $0x0, v58;
	v20 =	vadd.s32 v50, v20;
	[tilespmem:$0xA80] =	vst v50;
	s28 =	spop (v2sf);
	v31 =	vadd.s32 v30, v24  }
0x1cb: {  	v34 =	vld [tilespmem:$0x0];
	v27 =	vadd.s32 v57, v47;
	[tilespmem:$0x980] =	vst v20;
	v22 =	vadd.s32 v23, v22;
	v23 =	vadd.s32 v32, v31;
	s29 =	spop (v2sf)  }
0x1cc: {  	v20 =	vsub.s32 v29, v41;
	v21 =	vadd.s32 v27, v21;
	[tilespmem:$0xA90] =	vst v27;
	v23 =	vadd.s32 v33, v23;
	s24 =	sadd.s32 s28, s29  }
0x1cd: {  	v40 =	vnsel vm14, $0x0, v59;
	[tilespmem:$0x990] =	vst v21;
	v38 =	vadd.s32 v36, v23;
	s30 =	spop (v2sf);
	v20 =	vadd.s32 s24, v20  }
0x1ce: {  	v41 =	vsub.s32 v28, v35;
	s24 =	sadd.s32 s24, s30;
	v37 =	vadd.s32 v20, v22;
	[tilespmem:$0xAA0] =	vst v20;
	v20 =	vadd.s32 v39, v38;
	s31 =	spop (v2sf)  }
0x1cf: {  	v42 =	vadd.s32 s24, v41;
	[tilespmem:$0x9A0] =	vst v37;
	v20 =	vadd.s32 v40, v20;
	s24 =	sadd.s32 s24, s31  }
0x1d0: {  	vm14 =	vcmask $0x300;
	[tilespmem:$0xAB0] =	vst v42;
	v20 =	vadd.s32 v42, v20;
	v43 =	vmov s24  }
0x1d1: {  	v44 =	vld [tilespmem:$0x10];
	[tilespmem:$0x9B0] =	vst v20;
	v20 =	vnsel vm14, $0x0, v43  }
0x1d2: {  	v45 =	vld [tilespmem:$0x80];
	[tilespmem:$0xAC0] =	vst v20  }
0x1d3: {  	v20 =	vld.idx.msk [tilespmem:v34+s10+$0x0], $0xffff;
	_ =	sdelay $0x4  }
0x1d4: {  	v47 =	vld [tilespmem:$0x90];
	v20 =	vadd.s32 v20, v45  }
0x1d5: {  	v46 =	vld [tilespmem:$0x20];
	[tilespmem:$0x80] =	vst v20  }
0x1d6: {  	v20 =	vld.idx.msk [tilespmem:v44+s10+$0x0], $0xffff;
	_ =	sdelay $0x4  }
0x1d7: {  	v49 =	vld [tilespmem:$0xA0];
	v20 =	vadd.s32 v20, v47  }
0x1d8: {  	v48 =	vld [tilespmem:$0x30];
	[tilespmem:$0x90] =	vst v20  }
0x1d9: {  	v20 =	vld.idx.msk [tilespmem:v46+s10+$0x0], $0xffff;
	_ =	sdelay $0x4  }
0x1da: {  	v50 =	vld [tilespmem:$0x40];
	v20 =	vadd.s32 v20, v49  }
0x1db: {  	v51 =	vld [tilespmem:$0xB0];
	[tilespmem:$0xA0] =	vst v20  }
0x1dc: {  	v20 =	vld.idx.msk [tilespmem:v48+s10+$0x0], $0xffff;
	_ =	sdelay $0x4  }
0x1dd: {  	v53 =	vld [tilespmem:$0xC0];
	v20 =	vadd.s32 v20, v51  }
0x1de: {  	v52 =	vld [tilespmem:$0x50];
	[tilespmem:$0xB0] =	vst v20  }
0x1df: {  	v20 =	vld.idx.msk [tilespmem:v50+s10+$0x0], $0xffff;
	_ =	sdelay $0x4  }
0x1e0: {  	v54 =	vld [tilespmem:$0x60];
	v20 =	vadd.s32 v20, v53  }
0x1e1: {  	v55 =	vld [tilespmem:$0xD0];
	[tilespmem:$0xC0] =	vst v20  }
0x1e2: {  	v20 =	vld.idx.msk [tilespmem:v52+s10+$0x0], $0xffff;
	_ =	sdelay $0x4  }
0x1e3: {  	v56 =	vld [tilespmem:$0x70];
	v20 =	vadd.s32 v20, v55  }
0x1e4: {  	v57 =	vld [tilespmem:$0xE0];
	[tilespmem:$0xD0] =	vst v20  }
0x1e5: {  	v20 =	vld.idx.msk [tilespmem:v54+s10+$0x0], $0xffff;
	_ =	sdelay $0x4  }
0x1e6: {  	v20 =	vadd.s32 v20, v57  }
0x1e7: {  	v58 =	vld [tilespmem:$0xF0];
	[tilespmem:$0xE0] =	vst v20  }
0x1e8: {  	v20 =	vld.idx.msk [tilespmem:v56+s10+$0x0], $0xffff;
	_ =	sdelay $0x4  }
0x1e9: {  	v20 =	vadd.s32 v20, v58  }
0x1ea: {  	[tilespmem:$0xF0] =	vst v20  }
0x1eb: {  	v20 =	vld [tilespmem:s3+$0x80];
	_ =	sdelay $0x4  }
0x1ec: {  	[tilespmem:$0xA00] =	vst v20  }
0x1ed: {  	v20 =	vld [tilespmem:s3+$0x90];
	_ =	sdelay $0x4  }
0x1ee: {  	[tilespmem:$0xA10] =	vst v20  }
0x1ef: {  	v20 =	vld [tilespmem:s3+$0xA0];
	_ =	sdelay $0x4  }
0x1f0: {  	[tilespmem:$0xA20] =	vst v20  }
0x1f1: {  	v20 =	vld [tilespmem:s3+$0xB0];
	_ =	sdelay $0x3  }
0x1f2: {  	s26 =	rddreg [dreg:$0x7]  }
0x1f3: {  	s28 =	rddreg [dreg:$0xa];
	[tilespmem:$0xA30] =	vst v20  }
0x1f4: {  	[hbm4b:s26+s2] =	stream.linear.scatter [tilespmem:s28], [sflag:$0x2], $0x40, $0x38;
	[tilespmem:$0xCB00] =	vst v63  }
0x1f5: {  	_ =	swait.ge [sflag:s8], $0x40  }
0x1f6: {  	[sflag:s8] =	ssyncset.done $0x0  }
0x1f7: {  	s29 =	rddreg [dreg:$0x8];
	[sflag:s8] =	ssyncadd.s32 $0xFFFFFFC0  }
0x1f8: {  	[tilespmem:s11], [sflag:$0x2] =	stream.linear.gather [hbm4b:s29+s2], $0xC000, $0x38;
	[tilespmem:$0xCB00] =	vst v63  }
0x1f9: {  	_ =	swait.ge [sflag:s8], $0xC000  }
0x1fa: {  	[sflag:s8] =	ssyncset.done $0x0  }
0x1fb: {  	[sflag:s8] =	ssyncadd.s32 $0xFFFF4000  }
0x1fc: {  	v20 =	vld [tilespmem:$0xA00];
	_ =	sdelay $0x4  }
0x1fd: {  	v59 =	vshrl.u32 v20, $0x3  }
0x1fe: {  	v21 =	vmul.u32 $0x30, v59  }
0x1ff: {  	v20 =	vand.u32 $0x7, v20  }
0x200: {  	v20 =	vor.u32 v20, v21  }
0x201: {  	v21 =	vperm.xlane v20, v17  }
0x202: {  	v60 =	vld [tilespmem:$0x1FFF0]  }
0x203: {  	v21 =	vadd.s32 v18, v21;
	_ =	sdelay $0x3  }
0x204: {  	vm15 =	vnez.u8 v60;
	v20 =	vperm.xlane v20, v19  }
0x205: {  	[hbm4b:s4+s2] =	stream.indirect_vreg.scatter [tilespmem:s11], [sflag:$0x1], $0x80, v21, vm15, $0xb8;
	[tilespmem:$0xCB00] =	vst v63  }
0x206: {  	s30 =	rddreg [dreg:$0xb];
	v20 =	vadd.s32 v18, v20  }
0x207: {  	[hbm4b:s5+s2] =	stream.indirect_vreg.scatter [tilespmem:s30], [sflag:$0x1], $0x80, v21, vm15, $0xb8;
	[tilespmem:$0xCB00] =	vst v63  }
0x208: {  	s31 =	rddreg [dreg:$0xc]  }
0x209: {  	[hbm4b:s6+s2] =	stream.indirect_vreg.scatter [tilespmem:s31], [sflag:$0x1], $0x80, v21, vm15, $0xb8;
	[tilespmem:$0xCB00] =	vst v63  }
0x20a: {  	s26 =	rddreg [dreg:$0xd]  }
0x20b: {  	[hbm4b:s4+s2] =	stream.indirect_vreg.scatter [tilespmem:s26], [sflag:$0x1], $0x80, v20, vm15, $0xb8;
	[tilespmem:$0xCB00] =	vst v63  }
0x20c: {  	s28 =	rddreg [dreg:$0xe]  }
0x20d: {  	[hbm4b:s5+s2] =	stream.indirect_vreg.scatter [tilespmem:s28], [sflag:$0x1], $0x80, v20, vm15, $0xb8;
	[tilespmem:$0xCB00] =	vst v63  }
0x20e: {  	s29 =	rddreg [dreg:$0xf]  }
0x20f: {  	[hbm4b:s6+s2] =	stream.indirect_vreg.scatter [tilespmem:s29], [sflag:$0x1], $0x80, v20, vm15, $0xb8;
	[tilespmem:$0xCB00] =	vst v63  }
0x210: {  	v20 =	vld [tilespmem:$0xA10];
	_ =	sdelay $0x4  }
0x211: {  	v61 =	vshrl.u32 v20, $0x3  }
0x212: {  	v21 =	vmul.u32 $0x30, v61  }
0x213: {  	v20 =	vand.u32 $0x7, v20  }
0x214: {  	v20 =	vor.u32 v20, v21  }
0x215: {  	v21 =	vperm.xlane v20, v17;
	_ =	sdelay $0x1  }
0x216: {  	v21 =	vadd.s32 v18, v21;
	_ =	sdelay $0x3  }
0x217: {  	s30 =	rddreg [dreg:$0x10];
	v20 =	vperm.xlane v20, v19  }
0x218: {  	[hbm4b:s4+s2] =	stream.indirect_vreg.scatter [tilespmem:s30], [sflag:$0x1], $0x80, v21, vm15, $0xb8;
	[tilespmem:$0xCB00] =	vst v63  }
0x219: {  	s31 =	rddreg [dreg:$0x11];
	v20 =	vadd.s32 v18, v20  }
0x21a: {  	[hbm4b:s5+s2] =	stream.indirect_vreg.scatter [tilespmem:s31], [sflag:$0x1], $0x80, v21, vm15, $0xb8;
	[tilespmem:$0xCB00] =	vst v63  }
0x21b: {  	s26 =	rddreg [dreg:$0x12]  }
0x21c: {  	[hbm4b:s6+s2] =	stream.indirect_vreg.scatter [tilespmem:s26], [sflag:$0x1], $0x80, v21, vm15, $0xb8;
	[tilespmem:$0xCB00] =	vst v63  }
0x21d: {  	s28 =	rddreg [dreg:$0x13]  }
0x21e: {  	[hbm4b:s4+s2] =	stream.indirect_vreg.scatter [tilespmem:s28], [sflag:$0x1], $0x80, v20, vm15, $0xb8;
	[tilespmem:$0xCB00] =	vst v63  }
0x21f: {  	s29 =	rddreg [dreg:$0x14]  }
0x220: {  	[hbm4b:s5+s2] =	stream.indirect_vreg.scatter [tilespmem:s29], [sflag:$0x1], $0x80, v20, vm15, $0xb8;
	[tilespmem:$0xCB00] =	vst v63  }
0x221: {  	s30 =	rddreg [dreg:$0x15]  }
0x222: {  	[hbm4b:s6+s2] =	stream.indirect_vreg.scatter [tilespmem:s30], [sflag:$0x1], $0x80, v20, vm15, $0xb8;
	[tilespmem:$0xCB00] =	vst v63  }
0x223: {  	v20 =	vld [tilespmem:$0xA20];
	_ =	sdelay $0x4  }
0x224: {  	v62 =	vshrl.u32 v20, $0x3  }
0x225: {  	v21 =	vmul.u32 $0x30, v62  }
0x226: {  	v20 =	vand.u32 $0x7, v20  }
0x227: {  	v20 =	vor.u32 v20, v21  }
0x228: {  	v21 =	vperm.xlane v20, v17;
	_ =	sdelay $0x1  }
0x229: {  	v21 =	vadd.s32 v18, v21;
	_ =	sdelay $0x3  }
0x22a: {  	s31 =	rddreg [dreg:$0x16];
	v20 =	vperm.xlane v20, v19  }
0x22b: {  	[hbm4b:s4+s2] =	stream.indirect_vreg.scatter [tilespmem:s31], [sflag:$0x1], $0x80, v21, vm15, $0xb8;
	[tilespmem:$0xCB00] =	vst v63  }
0x22c: {  	v20 =	vadd.s32 v18, v20  }
0x22d: {  	[hbm4b:s5+s2] =	stream.indirect_vreg.scatter [tilespmem:s12], [sflag:$0x1], $0x80, v21, vm15, $0xb8;
	[tilespmem:$0xCB00] =	vst v63  }
0x22e: {  	_ = 	snop  }
0x22f: {  	[hbm4b:s6+s2] =	stream.indirect_vreg.scatter [tilespmem:s13], [sflag:$0x1], $0x80, v21, vm15, $0xb8;
	[tilespmem:$0xCB00] =	vst v63  }
0x230: {  	_ = 	snop  }
0x231: {  	[hbm4b:s4+s2] =	stream.indirect_vreg.scatter [tilespmem:s14], [sflag:$0x1], $0x80, v20, vm15, $0xb8;
	[tilespmem:$0xCB00] =	vst v63  }
0x232: {  	_ = 	snop  }
0x233: {  	[hbm4b:s5+s2] =	stream.indirect_vreg.scatter [tilespmem:s15], [sflag:$0x1], $0x80, v20, vm15, $0xb8;
	[tilespmem:$0xCB00] =	vst v63  }
0x234: {  	_ = 	snop  }
0x235: {  	[hbm4b:s6+s2] =	stream.indirect_vreg.scatter [tilespmem:s16], [sflag:$0x1], $0x80, v20, vm15, $0xb8;
	[tilespmem:$0xCB00] =	vst v63  }
0x236: {  	v20 =	vld [tilespmem:$0xA30];
	_ =	sdelay $0x4  }
0x237: {  	v63 =	vshrl.u32 v20, $0x3  }
0x238: {  	v21 =	vmul.u32 $0x30, v63  }
0x239: {  	v20 =	vand.u32 $0x7, v20  }
0x23a: {  	v20 =	vor.u32 v20, v21  }
0x23b: {  	v21 =	vperm.xlane v20, v17;
	_ =	sdelay $0x1  }
0x23c: {  	v21 =	vadd.s32 v18, v21;
	_ =	sdelay $0x3  }
0x23d: {  	v20 =	vperm.xlane v20, v19  }
0x23e: {  	[hbm4b:s4+s2] =	stream.indirect_vreg.scatter [tilespmem:s17], [sflag:$0x1], $0x80, v21, vm15, $0xb8;
	[tilespmem:$0xCB00] =	vst v63  }
0x23f: {  	v20 =	vadd.s32 v18, v20  }
0x240: {  	[hbm4b:s5+s2] =	stream.indirect_vreg.scatter [tilespmem:s18], [sflag:$0x1], $0x80, v21, vm15, $0xb8;
	[tilespmem:$0xCB00] =	vst v63  }
0x241: {  	_ = 	snop  }
0x242: {  	[hbm4b:s6+s2] =	stream.indirect_vreg.scatter [tilespmem:s19], [sflag:$0x1], $0x80, v21, vm15, $0xb8;
	[tilespmem:$0xCB00] =	vst v63  }
0x243: {  	_ = 	snop  }
0x244: {  	[hbm4b:s4+s2] =	stream.indirect_vreg.scatter [tilespmem:s20], [sflag:$0x1], $0x80, v20, vm15, $0xb8;
	[tilespmem:$0xCB00] =	vst v63  }
0x245: {  	_ = 	snop  }
0x246: {  	[hbm4b:s5+s2] =	stream.indirect_vreg.scatter [tilespmem:s21], [sflag:$0x1], $0x80, v20, vm15, $0xb8;
	[tilespmem:$0xCB00] =	vst v63  }
0x247: {  	_ = 	snop  }
0x248: {  	[hbm4b:s6+s2] =	stream.indirect_vreg.scatter [tilespmem:s22], [sflag:$0x1], $0x80, v20, vm15, $0xb8;
	[tilespmem:$0xCB00] =	vst v63  }
0x249: {  	s7 =	sadd.s32 $0xFFFFFFFF, s7;
	_ =	swait.ge [sflag:s23], $0xC000  }
0x24a: {  	p1 =	sne.s32 s7, $0x0;
	s25 =	simm.s32 @!p0 $0x0;
	[sflag:s23] =	ssyncset.done $0x0  }
0x24b: {  	s26 =	simm.s32 @!p0 $0xA80;
	s24 =	rddreg [dreg:$0x5];
	[sflag:s23] =	ssyncadd.s32 $0xFFFF4000  }
0x24c: {  	[hbm4b:s24+s25] =	stream.linear.scatter @!p0 [tilespmem:s26], [sflag:$0x2], $0x80, $0x38;
	[tilespmem:$0xCB00] =	vst v63  }
.Ltmp0:
0x24d: {  	_ = 	snop;
	(pc) =	sbr.rel @p1 .LBB2_1-.Ltmp0, $4  }
0x24e: {  	s24 =	simm.s32 @!p0 $0x2  }
0x24f: {  	_ =	swait.ge @!p0 [sflag:s24], $0x80  }
0x250: {  	[sflag:s24] =	ssyncset.done @!p0 $0x0  }
0x251: {  	[sflag:s24] =	ssyncadd.s32 @!p0 $0xFFFFFF80  }
0x252: {  	_ =	sfence.sel $0x180000  }
0x253: {  	[bflag:$0x0] =	sbarrier.arrive $0xFFFF  }
0x254: {  	p0 =	sne.s32 s1, $0x0;
	_ =	strace $0x90000047  }
0x255: {  	s0 =	sadd.s32 @!p0 $0x100000, s0;
	[bflag:$0x2] =	sbarrier.arrive $0xFFFF  }
0x256: {  	[sflag:s0] =	ssyncadd.tile.s32 @!p0 $0x1;
	_ =	shalt  }
.Lfunc_end2:
_tile_overlayer_lowered:
.L_overlay_start_2:
0x257: {  	(tag) =	ssettag $0x2  }
0x258: {  	s0 =	rddreg [dreg:$0x0];
	s2 =	stileid.u32  }
0x259: {  	s1 =	rddreg [dreg:$0x1];
	p0 =	sne.s32 s2, $0x0  }
0x25a: {  	s3 =	rddreg [dreg:$0x2];
	[bflag:$0x3] =	sbarrier.arrive $0xFFFF;
	s2 =	simm.s32 @!p0 $0x1C02  }
0x25b: {  	[timem:s3], [sflag:s2] =	dma.local @!p0 [hbm:s0], s1  }
0x25c: {  	s0 =	simm.s32 @!p0 $0x2  }
0x25d: {  	_ =	swait.ge @!p0 [sflag:s0], s1  }
0x25e: {  	s1 =	ssub.s32 @!p0 $0x0, s1;
	[sflag:s0] =	ssyncset.done @!p0 $0x0  }
0x25f: {  	[sflag:s0] =	ssyncadd.s32 @!p0 s1  }
0x260: {  	[bflag:$0x3] =	sbarrier.arrive $0xFFFF  }
0x261: {  	_ =	shalt  }

// kernel: kernel.9.cloned.1.call-start
scs
__scs_entry_jumppad:
0x0: {  	(pc) =	sbr.rel $0x88, $3  }
0x1: {  	(tag) =	ssettag $0x0;
	lr =	simm.s32 $0x1  }
0x2: {  	[smem:$0x3F9D] =	sst lr;
	_ =	strace $0xD0000000  }
0x3: {  	_ = 	snop  }
0x4: {  	_ = 	snop  }
0x5: {  	_ = 	snop  }
0x6: {  	_ = 	snop  }
0x7: {  	_ = 	snop  }
__scs_overlays_trampoline_lowered:
0x8: {  	[smem:$0x3FAC] =	sst s0  }
0x9: {  	[smem:$0x3FAD] =	sst s1  }
0xa: {  	[smem:$0x3FAE] =	sst s2  }
0xb: {  	[smem:$0x3FAF] =	sst s3  }
0xc: {  	[smem:$0x3FB0] =	sst s4  }
0xd: {  	[smem:$0x3FB1] =	sst s5  }
0xe: {  	[smem:$0x3FB2] =	sst s6  }
0xf: {  	[smem:$0x3FB3] =	sst s7  }
0x10: {  	[smem:$0x3FB4] =	sst s8  }
0x11: {  	[smem:$0x3FB5] =	sst s9;
	s0 =	simm.s32 @!p0 $0x0  }
0x12: {  	s1 =	sld [smem:$0x3F9B];
	s0 =	simm.s32 @p0 $0x1  }
0x13: {  	[smem:$0x3FB6] =	sst s0;
	s0 =	simm.s32 @!p1 $0x0  }
0x14: {  	s2 =	sld [smem:$0x3F9A];
	s0 =	simm.s32 @p1 $0x1  }
0x15: {  	[smem:$0x3FB7] =	sst s0;
	s0 =	simm.s32 @!p2 $0x0  }
0x16: {  	s3 =	sld [smem:$0x3FDB];
	s0 =	simm.s32 @p2 $0x1  }
0x17: {  	s4 =	simm.s32 $0x1BF5;
	[smem:$0x3FB9] =	sst s0  }
0x18: {  	s0 =	sld [smem:$0x3F9C];
	_ =	swait.ge [sflag:s4], $0x0  }
0x19: {  	s7 =	sld [smem:$0x3F9D]  }
0x1a: {  	s8 =	sadd.s32 $0xFFFFE003, lr  }
0x1b: {  	s9 =	sadd.s32 $0xFFFFFEF7, lr;
	s5 =	simm.s32 $0xFFFFFFFF;
	p2 =	slt.u32 s8, $0xFFFFF086  }
0x1c: {  	p1 =	slt.u32 s9, $0xF7A;
	s5 =	simm.s32 @!p2 $0x0  }
0x1d: {  	s5 =	simm.s32 @p1 $0x1;
	p0 =	seq.s32 s7, s2  }
0x1e: {  	s7 =	smul.u32 @!p0 $0xF7A, s2;
	p2 =	seq.s32 @!p0 s5, $0x0  }
0x1f: {  	s9 =	smul.u32 $0xF7A, s1;
	s8 =	simm.s32 @!p0 $0x1BF5;
	p2 =	por !p2, p0  }
0x20: {  	[sflag:s8] =	ssyncset.s32 @!p0 $0xFFFFF086;
	s6 =	sadd.s32 @!p0 s3, s7;
	s7 =	simm.s32 @!p0 $0x108  }
0x21: {  	s3 =	sadd.s32 s3, s9;
	s6 =	sadd.s32 @!p0 $0x88, s6;
	s7 =	simm.s32 @p2 $0x1082  }
0x22: {  	[simem:s7], [sflag:s8] =	dma.local @!p0 [hbm:s6], $0xF7A  }
0x23: {  	s9 =	sor.u32 $0xD0000000, s2;
	s6 =	simm.s32 $0x108;
	_ =	swait.ge @!p0 [sflag:s8], $0x0  }
0x24: {  	s3 =	sadd.s32 $0x88, s3;
	s6 =	simm.s32 @!p1 $0x1082;
	[sflag:s4] =	ssyncset.s32 $0xFFFFF086  }
0x25: {  	[simem:s6], [sflag:s4] =	dma.local [hbm:s3], $0xF7A  }
0x26: {  	[smem:$0x3F9D] =	sst s1;
	(tag) =	ssettag s2;
	_ =	strace s9  }
0x27: {  	s1 =	sld [smem:$0x3FAD]  }
0x28: {  	s2 =	sld [smem:$0x3FAE]  }
0x29: {  	s4 =	sld [smem:$0x3FB0]  }
0x2a: {  	p0 =	seq.s32 s5, $0x0;
	s5 =	sld [smem:$0x3FB1]  }
0x2b: {  	s6 =	sld [smem:$0x3FB2]  }
0x2c: {  	s7 =	sld [smem:$0x3FB3]  }
0x2d: {  	s3 =	simm.s32 $0x108;
	s8 =	sld [smem:$0x3FB4]  }
0x2e: {  	s3 =	simm.s32 @!p0 $0x1082;
	s9 =	sld [smem:$0x3FB5]  }
0x2f: {  	lr =	sadd.s32 s0, s3;
	s0 =	sld [smem:$0x3FAC]  }
0x30: {  	s3 =	sld [smem:$0x3FAF]  }
0x31: {  	[smem:$0x3FB8] =	sst s10  }
0x32: {  	s10 =	sld [smem:$0x3FB6];
	_ =	sdelay $0x3  }
0x33: {  	p0 =	seq.s32 s10, $0x1;
	s10 =	sld [smem:$0x3FB8];
	_ =	sdelay $0x3  }
0x34: {  	[smem:$0x3FB8] =	sst s10  }
0x35: {  	s10 =	sld [smem:$0x3FB7];
	_ =	sdelay $0x3  }
0x36: {  	p1 =	seq.s32 s10, $0x1;
	s10 =	sld [smem:$0x3FB8];
	_ =	sdelay $0x3  }
0x37: {  	[smem:$0x3FB8] =	sst s10  }
0x38: {  	s10 =	sld [smem:$0x3FB9]  }
0x39: {  	_ = 	snop;
	(pc) =	sbr.ind lr, $3  }
0x3a: {  	_ = 	snop  }
0x3b: {  	_ = 	snop  }
0x3c: {  	p2 =	seq.s32 s10, $0x1;
	s10 =	sld [smem:$0x3FB8]  }
0x3d: {  	_ =	shalt  }
0x3e: {  	_ =	shalt  }
0x3f: {  	_ =	shalt  }
0x40: {  	_ =	shalt  }
0x41: {  	_ =	shalt  }
0x42: {  	_ =	shalt  }
0x43: {  	_ =	shalt  }
0x44: {  	_ =	shalt  }
0x45: {  	_ =	shalt  }
0x46: {  	_ =	shalt  }
0x47: {  	_ =	shalt  }
0x48: {  	_ =	shalt  }
0x49: {  	_ =	shalt  }
0x4a: {  	_ =	shalt  }
0x4b: {  	_ =	shalt  }
0x4c: {  	_ =	shalt  }
0x4d: {  	_ =	shalt  }
0x4e: {  	_ =	shalt  }
0x4f: {  	_ =	shalt  }
0x50: {  	_ =	shalt  }
0x51: {  	_ =	shalt  }
0x52: {  	_ =	shalt  }
0x53: {  	_ =	shalt  }
0x54: {  	_ =	shalt  }
0x55: {  	_ =	shalt  }
0x56: {  	_ =	shalt  }
0x57: {  	_ =	shalt  }
0x58: {  	_ =	shalt  }
0x59: {  	_ =	shalt  }
0x5a: {  	_ =	shalt  }
0x5b: {  	_ =	shalt  }
0x5c: {  	_ =	shalt  }
0x5d: {  	_ =	shalt  }
0x5e: {  	_ =	shalt  }
0x5f: {  	_ =	shalt  }
0x60: {  	_ =	shalt  }
0x61: {  	_ =	shalt  }
0x62: {  	_ =	shalt  }
0x63: {  	_ =	shalt  }
0x64: {  	_ =	shalt  }
0x65: {  	_ =	shalt  }
0x66: {  	_ =	shalt  }
0x67: {  	_ =	shalt  }
0x68: {  	_ =	shalt  }
0x69: {  	_ =	shalt  }
0x6a: {  	_ =	shalt  }
0x6b: {  	_ =	shalt  }
0x6c: {  	_ =	shalt  }
0x6d: {  	_ =	shalt  }
0x6e: {  	_ =	shalt  }
0x6f: {  	_ =	shalt  }
0x70: {  	_ =	shalt  }
0x71: {  	_ =	shalt  }
0x72: {  	_ =	shalt  }
0x73: {  	_ =	shalt  }
0x74: {  	_ =	shalt  }
0x75: {  	_ =	shalt  }
0x76: {  	_ =	shalt  }
0x77: {  	_ =	shalt  }
0x78: {  	_ =	shalt  }
0x79: {  	_ =	shalt  }
0x7a: {  	_ =	shalt  }
0x7b: {  	_ =	shalt  }
0x7c: {  	_ =	shalt  }
0x7d: {  	_ =	shalt  }
0x7e: {  	_ =	shalt  }
0x7f: {  	_ =	shalt  }
0x80: {  	_ =	shalt  }
0x81: {  	_ =	shalt  }
0x82: {  	_ =	shalt  }
0x83: {  	_ =	shalt  }
0x84: {  	_ =	shalt  }
0x85: {  	_ =	shalt  }
0x86: {  	_ =	shalt  }
0x87: {  	_ =	shalt  }
.Lfunc_end0:
.L_simem_size_0:
called_computation.1_lowered:
.L_overlay_start_0:
0x88: {  	s2 =	sld [smem:$0x3FD9]  }
0x89: {  	s3 =	sld [smem:$0x3FFE];
	_ =	sdelay $0x1  }
0x8a: {  	s1 =	srdreg.scid  }
0x8b: {  	s0 =	sand.u32 $0x1, s1  }
0x8c: {  	s14 =	sshll.u32 s0, $0xA;
	s2 =	sadd.s32 s3, s2  }
0x8d: {  	s2 =	sadd.s32 s2, s14  }
0x8e: {  	[smem:$0x3FC4] =	sst s2  }
0x8f: {  	_ = 	snop  }
0x90: {  	s2 =	sld [smem:$0x3FD0];
	_ =	sdelay $0x2  }
0x91: {  	s15 =	simm.s32 $0xA;
	s4 =	simm.s32 $0x10  }
0x92: {  	[smem:s4], [sflag:s15] =	dma.local [hbm:s2], $0x1  }
0x93: {  	_ =	swait.eq [sflag:s15], $0x1  }
0x94: {  	[sflag:s15] =	ssyncset.done $0x0  }
0x95: {  	[sflag:s15] =	ssyncadd.s32 $0xFFFFFFFF  }
0x96: {  	s16 =	sld [smem:$0x10];
	(tm) =	ssettm $0x1  }
0x97: {  	s17 =	sld [smem:$0x3FFB];
	_ =	sdelay $0x3  }
0x98: {  	_ =	strace s17  }
0x99: {  	s3 =	sld [smem:$0x3FFC];
	_ =	sdelay $0x3  }
0x9a: {  	_ =	strace s3  }
0x9b: {  	s3 =	sld [smem:$0x3FFD];
	_ =	sdelay $0x3  }
0x9c: {  	_ =	strace s3  }
0x9d: {  	_ =	strace $0x8FFFFFFF  }
0x9e: {  	s18 =	sld [smem:$0x3FDB];
	_ =	sdelay $0x1  }
0x9f: {  	s19 =	simm.s32 $_scs_section_size  }
0xa0: {  	s5 =	simm.s32 $_size__tile_overlayer_lowered;
	s6 =	simm.s32 $_tile_overlayer_lowered  }
0xa1: {  	s22 =	simm.s32 $0x1BFF;
	s21 =	sshll.u32 s6, $0x1;
	s3 =	sadd.s32 s19, s18  }
0xa2: {  	s7 =	simm.s32 $0x0;
	s20 =	sshll.u32 s5, $0x1;
	s5 =	sadd.s32 s21, s3  }
0xa3: {  	[timem:s7], [sflag:s22] =	dma.local [hbm:s5], s20  }
0xa4: {  	_ =	swait.ge [sflag:s22], s20  }
0xa5: {  	s4 =	ssub.s32 $0x0, s20;
	[sflag:s22] =	ssyncset.done $0x0  }
0xa6: {  	[sflag:s22] =	ssyncadd.s32 s4;
	_ =	sdelay $0x1  }
0xa7: {  	s23 =	simm.s32 $0x1B8B  }
0xa8: {  	_ =	swait.ge [sflag:s23], $0x1  }
0xa9: {  	[sflag:s23] =	ssyncset.done $0x0  }
0xaa: {  	s25 =	simm.s32 $0x1B8E;
	s24 =	sld [smem:$0x3FFE];
	[sflag:s23] =	ssyncadd.s32 $0xFFFFFFFF  }
0xab: {  	s26 =	simm.s32 $execute0_lowered;
	[smem:$0x3FD2] =	sst s25  }
0xac: {  	s5 =	sshll.u32 s26, $0x1;
	_ =	strace $0x80000049;
	[dreg:$0x1] =	wrdreg $0xFFFFFFFF  }
0xad: {  	s28 =	simm.s32 $_size_execute0_lowered;
	s3 =	sadd.s32 s3, s5;
	[dreg:$0x0] =	wrdreg $0x0  }
0xae: {  	s5 =	sshll.u32 s28, $0x1;
	[dreg:$0x2] =	wrdreg s3  }
0xaf: {  	[dreg:$0x3] =	wrdreg s5  }
0xb0: {  	[dreg:$0x4] =	wrdreg $0xC0  }
0xb1: {  	_ =	task [dreg:s7], $0x5FFFF  }
0xb2: {  	[dreg:$0x1] =	wrdreg $0xFFFFFFFF  }
0xb3: {  	[dreg:$0x0] =	wrdreg $0x60  }
0xb4: {  	[dreg:$0x2] =	wrdreg s24  }
0xb5: {  	[dreg:$0x3] =	wrdreg s16  }
0xb6: {  	[dreg:$0x4] =	wrdreg $0x9  }
0xb7: {  	_ =	task.clear_ibuf [dreg:s7], $0x5FFFF;
	_ =	strace $0x90000049  }
0xb8: {  	s29 =	simm.s32 $0x9;
	_ =	strace $0x8000004B  }
0xb9: {  	_ =	swait.ge [sflag:s29], $0x1  }
0xba: {  	[sflag:s29] =	ssyncadd.s32 $0xFFFFFFFF  }
0xbb: {  	_ =	strace $0x9000004B  }
0xbc: {  	_ =	sfence  }
0xbd: {  	s30 =	sld [smem:$0x0];
	_ =	sdelay $0x2  }
0xbe: {  	s31 =	sshll.u32 s1, $0xD;
	s1 =	sshrl.u32 s1, $0x2  }
0xbf: {  	s3 =	sand.u32 $0x4000, s31;
	s1 =	sadd.s32 s1, s30  }
0xc0: {  	s0 =	sor.u32 s3, s0;
	s1 =	sshll.u32 s1, $0x11  }
0xc1: {  	s0 =	sor.u32 s1, s0  }
0xc2: {  	s0 =	sadd.s32 $0x8F2B, s0  }
0xc3: {  	[sflag:s0] =	ssyncadd.remote.s32 $0x1  }
0xc4: {  	_ =	sfence.sel $0xFFFF  }
0xc5: {  	[dreg:$0x0] =	wrdreg $0xFFFFFFFF;
	(pc) =	sbr.abs _section_cstart, $3  }
0xc6: {  	[dreg:$0x1] =	wrdreg $0xFFFFFFFF  }
0xc7: {  	_ =	task.clear_ibuf [dreg:s7], $0x2FFFF;
	_ =	strace $0x9FFFFFFF  }
0xc8: {  	(tm) =	ssettm $0x7FFFFFFF  }
0xc9: {  	_ =	shalt  }
tec
execute0_lowered:
.L_overlay_start_1:
0x0: {  	(tag) =	ssettag $0x1  }
0x1: {  	s0 =	rddreg [dreg:$0x0]  }
0x2: {  	s5 =	rddreg [dreg:$0x1];
	s3 =	srdreg.scid  }
0x3: {  	s2 =	simm.s32 $0x0;
	s1 =	stileid.u32;
	s26 =	simm.s32 $0x880  }
0x4: {  	s10 =	simm.s32 $0x1880;
	s11 =	simm.s32 $0x2080;
	s12 =	simm.s32 $0x2880  }
0x5: {  	s13 =	simm.s32 $0x3080;
	s14 =	simm.s32 $0x3880;
	s15 =	simm.s32 $0x4080  }
0x6: {  	s16 =	simm.s32 $0x4880;
	s17 =	simm.s32 $0x5080;
	s18 =	simm.s32 $0x5880  }
0x7: {  	s19 =	simm.s32 $0x6080;
	s20 =	simm.s32 $0x6880;
	s21 =	simm.s32 $0x7080  }
0x8: {  	s22 =	simm.s32 $0x7880;
	s28 =	simm.s32 $0xA080;
	s29 =	simm.s32 $0xA880  }
0x9: {  	s30 =	simm.s32 $0xB080;
	s31 =	simm.s32 $0xB880;
	s3 =	sand.u32 $0x1, s3  }
0xa: {  	[smem:$0x7FF] =	sst s2;
	s4 =	sshll.u32 s1, $0x4;
	s6 =	sshll.u32 s3, $0x3  }
0xb: {  	_ =	strace $0x8000004A;
	s23 =	ssub.s32 $0x2, s3;
	s3 =	sadd.s32 $0x3DC00, s0  }
0xc: {  	[dreg:$0x5] =	wrdreg s26;
	s26 =	simm.s32 $0x9880;
	s4 =	sor.u32 s6, s4  }
0xd: {  	s8 =	sshrl.u32 s23, $0x1;
	s7 =	sadd.s32 s4, s0;
	s9 =	smul.u32 $0x300, s4  }
0xe: {  	s6 =	ssub.s32 s23, s8;
	s4 =	sadd.s32 $0x3DD00, s0;
	s8 =	simm.s32 $0x80  }
0xf: {  	s23 =	simm.s32 $0x8080;
	s24 =	sadd.s32 $0x3DA00, s7;
	s6 =	smax.u32 s6, $0x1  }
0x10: {  	v2 =	vlaneseq.u32;
	s7 =	simm.s32 $0x2;
	[dreg:$0x3] =	wrdreg s24;
	s25 =	sadd.s32 s5, s9  }
0x11: {  	vm0 =	vmmov $0xffff;
	v1 =	vshrl.u32 v2, $0x3;
	s5 =	sadd.s32 $0x3DE00, s0;
	s9 =	simm.s32 $0x1080;
	s24 =	simm.s32 $0x8880  }
0x12: {  	v0 =	vand.u32 $0x7, v2;
	v2 =	vor.u32 $0x8, v2;
	v1 =	vmul.u32 $0x8, v1;
	s0 =	simm.s32 $0x1;
	[dreg:$0x4] =	wrdreg s25;
	s25 =	simm.s32 $0x9080  }
.LBB2_1:
0x13: {  	s1 =	rddreg [dreg:$0x3]  }
0x14: {  	[tilespmem:s2], [sflag:$0x2] =	stream.linear.gather [hbm4b:s1+s2], $0x40, $0x38;
	[tilespmem:$0xC080] =	vst v63  }
0x15: {  	_ =	swait.ge [sflag:s7], $0x40  }
0x16: {  	[sflag:s7] =	ssyncset.done $0x0  }
0x17: {  	[sflag:s7] =	ssyncadd.s32 $0xFFFFFFC0  }
0x18: {  	v3 =	vld [tilespmem:$0x0];
	_ =	sdelay $0x4  }
0x19: {  	v4 =	vshrl.u32 v3, $0x3  }
0x1a: {  	v4 =	vmul.u32 $0x30, v4  }
0x1b: {  	v3 =	vand.u32 $0x7, v3  }
0x1c: {  	v3 =	vor.u32 v3, v4  }
0x1d: {  	v4 =	vperm.xlane v3, v0;
	_ =	sdelay $0x1  }
0x1e: {  	v4 =	vadd.s32 v1, v4;
	_ =	sdelay $0x3  }
0x1f: {  	v3 =	vperm.xlane v3, v2  }
0x20: {  	[tilespmem:s8], [sflag:$0x1] =	stream.indirect_vreg.gather [hbm4b:s3+s2], $0x80, v4, vm0, $0xb8;
	[tilespmem:$0xC080] =	vst v63  }
0x21: {  	s1 =	rddreg [dreg:$0x5];
	v3 =	vadd.s32 v1, v3  }
0x22: {  	[tilespmem:s1], [sflag:$0x1] =	stream.indirect_vreg.gather [hbm4b:s4+s2], $0x80, v4, vm0, $0xb8;
	[tilespmem:$0xC080] =	vst v63  }
0x23: {  	_ = 	snop  }
0x24: {  	[tilespmem:s9], [sflag:$0x1] =	stream.indirect_vreg.gather [hbm4b:s5+s2], $0x80, v4, vm0, $0xb8;
	[tilespmem:$0xC080] =	vst v63  }
0x25: {  	_ = 	snop  }
0x26: {  	[tilespmem:s10], [sflag:$0x1] =	stream.indirect_vreg.gather [hbm4b:s3+s2], $0x80, v3, vm0, $0xb8;
	[tilespmem:$0xC080] =	vst v63  }
0x27: {  	_ = 	snop  }
0x28: {  	[tilespmem:s11], [sflag:$0x1] =	stream.indirect_vreg.gather [hbm4b:s4+s2], $0x80, v3, vm0, $0xb8;
	[tilespmem:$0xC080] =	vst v63  }
0x29: {  	_ = 	snop  }
0x2a: {  	[tilespmem:s12], [sflag:$0x1] =	stream.indirect_vreg.gather [hbm4b:s5+s2], $0x80, v3, vm0, $0xb8;
	[tilespmem:$0xC080] =	vst v63  }
0x2b: {  	v3 =	vld [tilespmem:$0x10];
	_ =	sdelay $0x4  }
0x2c: {  	v61 =	vshrl.u32 v3, $0x3  }
0x2d: {  	v4 =	vmul.u32 $0x30, v61  }
0x2e: {  	v3 =	vand.u32 $0x7, v3  }
0x2f: {  	v3 =	vor.u32 v3, v4  }
0x30: {  	v4 =	vperm.xlane v3, v0;
	_ =	sdelay $0x1  }
0x31: {  	v4 =	vadd.s32 v1, v4;
	_ =	sdelay $0x3  }
0x32: {  	v3 =	vperm.xlane v3, v2  }
0x33: {  	[tilespmem:s13], [sflag:$0x1] =	stream.indirect_vreg.gather [hbm4b:s3+s2], $0x80, v4, vm0, $0xb8;
	[tilespmem:$0xC080] =	vst v63  }
0x34: {  	v3 =	vadd.s32 v1, v3  }
0x35: {  	[tilespmem:s14], [sflag:$0x1] =	stream.indirect_vreg.gather [hbm4b:s4+s2], $0x80, v4, vm0, $0xb8;
	[tilespmem:$0xC080] =	vst v63  }
0x36: {  	_ = 	snop  }
0x37: {  	[tilespmem:s15], [sflag:$0x1] =	stream.indirect_vreg.gather [hbm4b:s5+s2], $0x80, v4, vm0, $0xb8;
	[tilespmem:$0xC080] =	vst v63  }
0x38: {  	_ = 	snop  }
0x39: {  	[tilespmem:s16], [sflag:$0x1] =	stream.indirect_vreg.gather [hbm4b:s3+s2], $0x80, v3, vm0, $0xb8;
	[tilespmem:$0xC080] =	vst v63  }
0x3a: {  	_ = 	snop  }
0x3b: {  	[tilespmem:s17], [sflag:$0x1] =	stream.indirect_vreg.gather [hbm4b:s4+s2], $0x80, v3, vm0, $0xb8;
	[tilespmem:$0xC080] =	vst v63  }
0x3c: {  	_ = 	snop  }
0x3d: {  	[tilespmem:s18], [sflag:$0x1] =	stream.indirect_vreg.gather [hbm4b:s5+s2], $0x80, v3, vm0, $0xb8;
	[tilespmem:$0xC080] =	vst v63  }
0x3e: {  	v3 =	vld [tilespmem:$0x20];
	_ =	sdelay $0x4  }
0x3f: {  	v62 =	vshrl.u32 v3, $0x3  }
0x40: {  	v4 =	vmul.u32 $0x30, v62  }
0x41: {  	v3 =	vand.u32 $0x7, v3  }
0x42: {  	v3 =	vor.u32 v3, v4  }
0x43: {  	v4 =	vperm.xlane v3, v0;
	_ =	sdelay $0x1  }
0x44: {  	v4 =	vadd.s32 v1, v4;
	_ =	sdelay $0x3  }
0x45: {  	v3 =	vperm.xlane v3, v2  }
0x46: {  	[tilespmem:s19], [sflag:$0x1] =	stream.indirect_vreg.gather [hbm4b:s3+s2], $0x80, v4, vm0, $0xb8;
	[tilespmem:$0xC080] =	vst v63  }
0x47: {  	v3 =	vadd.s32 v1, v3  }
0x48: {  	[tilespmem:s20], [sflag:$0x1] =	stream.indirect_vreg.gather [hbm4b:s4+s2], $0x80, v4, vm0, $0xb8;
	[tilespmem:$0xC080] =	vst v63  }
0x49: {  	_ = 	snop  }
0x4a: {  	[tilespmem:s21], [sflag:$0x1] =	stream.indirect_vreg.gather [hbm4b:s5+s2], $0x80, v4, vm0, $0xb8;
	[tilespmem:$0xC080] =	vst v63  }
0x4b: {  	_ = 	snop  }
0x4c: {  	[tilespmem:s22], [sflag:$0x1] =	stream.indirect_vreg.gather [hbm4b:s3+s2], $0x80, v3, vm0, $0xb8;
	[tilespmem:$0xC080] =	vst v63  }
0x4d: {  	_ = 	snop  }
0x4e: {  	[tilespmem:s23], [sflag:$0x1] =	stream.indirect_vreg.gather [hbm4b:s4+s2], $0x80, v3, vm0, $0xb8;
	[tilespmem:$0xC080] =	vst v63  }
0x4f: {  	_ = 	snop  }
0x50: {  	[tilespmem:s24], [sflag:$0x1] =	stream.indirect_vreg.gather [hbm4b:s5+s2], $0x80, v3, vm0, $0xb8;
	[tilespmem:$0xC080] =	vst v63  }
0x51: {  	v3 =	vld [tilespmem:$0x30];
	_ =	sdelay $0x4  }
0x52: {  	v63 =	vshrl.u32 v3, $0x3  }
0x53: {  	v4 =	vmul.u32 $0x30, v63  }
0x54: {  	v3 =	vand.u32 $0x7, v3  }
0x55: {  	v3 =	vor.u32 v3, v4  }
0x56: {  	v4 =	vperm.xlane v3, v0;
	_ =	sdelay $0x1  }
0x57: {  	v4 =	vadd.s32 v1, v4;
	_ =	sdelay $0x3  }
0x58: {  	v3 =	vperm.xlane v3, v2  }
0x59: {  	[tilespmem:s25], [sflag:$0x1] =	stream.indirect_vreg.gather [hbm4b:s3+s2], $0x80, v4, vm0, $0xb8;
	[tilespmem:$0xC080] =	vst v63  }
0x5a: {  	v3 =	vadd.s32 v1, v3  }
0x5b: {  	[tilespmem:s26], [sflag:$0x1] =	stream.indirect_vreg.gather [hbm4b:s4+s2], $0x80, v4, vm0, $0xb8;
	[tilespmem:$0xC080] =	vst v63  }
0x5c: {  	_ = 	snop  }
0x5d: {  	[tilespmem:s28], [sflag:$0x1] =	stream.indirect_vreg.gather [hbm4b:s5+s2], $0x80, v4, vm0, $0xb8;
	[tilespmem:$0xC080] =	vst v63  }
0x5e: {  	_ = 	snop  }
0x5f: {  	[tilespmem:s29], [sflag:$0x1] =	stream.indirect_vreg.gather [hbm4b:s3+s2], $0x80, v3, vm0, $0xb8;
	[tilespmem:$0xC080] =	vst v63  }
0x60: {  	_ = 	snop  }
0x61: {  	[tilespmem:s30], [sflag:$0x1] =	stream.indirect_vreg.gather [hbm4b:s4+s2], $0x80, v3, vm0, $0xb8;
	[tilespmem:$0xC080] =	vst v63  }
0x62: {  	_ = 	snop  }
0x63: {  	[tilespmem:s31], [sflag:$0x1] =	stream.indirect_vreg.gather [hbm4b:s5+s2], $0x80, v3, vm0, $0xb8;
	[tilespmem:$0xC080] =	vst v63  }
0x64: {  	_ =	swait.ge [sflag:s0], $0xC000  }
0x65: {  	p0 =	sne.s32 s6, $0x1;
	[sflag:s0] =	ssyncset.done $0x0  }
.Ltmp0:
0x66: {  	s1 =	rddreg [dreg:$0x4];
	[sflag:s0] =	ssyncadd.s32 $0xFFFF4000;
	(pc) =	sbr.rel @p0 .LBB2_1-.Ltmp0, $4  }
0x67: {  	[hbm4b:s1+s2] =	stream.linear.scatter [tilespmem:s8], [sflag:$0x2], $0xC000, $0x38;
	[tilespmem:$0xC080] =	vst v63  }
0x68: {  	_ =	swait.ge [sflag:s7], $0xC000  }
0x69: {  	[sflag:s7] =	ssyncset.done $0x0  }
0x6a: {  	s6 =	sadd.s32 $0xFFFFFFFF, s6;
	[sflag:s7] =	ssyncadd.s32 $0xFFFF4000  }
0x6b: {  	_ =	sfence.sel $0x180000  }
0x6c: {  	[bflag:$0x0] =	sbarrier.arrive $0xFFFF  }
0x6d: {  	_ =	strace $0x9000004A  }
0x6e: {  	s0 =	stileid.u32;
	[bflag:$0x2] =	sbarrier.arrive $0xFFFF  }
0x6f: {  	p0 =	sne.s32 s0, $0x0;
	s0 =	rddreg [dreg:$0x2]  }
0x70: {  	s0 =	sadd.s32 @!p0 $0x100000, s0  }
0x71: {  	[sflag:s0] =	ssyncadd.tile.s32 @!p0 $0x1;
	_ =	shalt  }
.Lfunc_end2:
_tile_overlayer_lowered:
.L_overlay_start_2:
0x72: {  	(tag) =	ssettag $0x2  }
0x73: {  	s0 =	rddreg [dreg:$0x0];
	s2 =	stileid.u32  }
0x74: {  	s1 =	rddreg [dreg:$0x1];
	p0 =	sne.s32 s2, $0x0  }
0x75: {  	s3 =	rddreg [dreg:$0x2];
	[bflag:$0x3] =	sbarrier.arrive $0xFFFF;
	s2 =	simm.s32 @!p0 $0x1C02  }
0x76: {  	[timem:s3], [sflag:s2] =	dma.local @!p0 [hbm:s0], s1  }
0x77: {  	s0 =	simm.s32 @!p0 $0x2  }
0x78: {  	_ =	swait.ge @!p0 [sflag:s0], s1  }
0x79: {  	s1 =	ssub.s32 @!p0 $0x0, s1;
	[sflag:s0] =	ssyncset.done @!p0 $0x0  }
0x7a: {  	[sflag:s0] =	ssyncadd.s32 @!p0 s1  }
0x7b: {  	[bflag:$0x3] =	sbarrier.arrive $0xFFFF  }
0x7c: {  	_ =	shalt  }

</sc_bundles>
